<compile_context>
chip_gen: v7x
topology: tpu7x:2x2x1
jax: 0.10.2.dev20260603
libtpu: 0.0.44.dev20260713+nightly
codegen_flags: <defaults>
</compile_context>

<pallas_src>
import functools

import jax
import jax.numpy as jnp
from jax import lax
from jax.experimental import pallas as pl
from jax.experimental.pallas import tpu as pltpu
from jax.experimental.pallas import tpu_sc as plsc

_info = plsc.get_sparse_core_info()
_NC = _info.num_cores
_NS = _info.num_subcores
_NW = _NC * _NS
_L = _info.num_lanes

_BLK = 4
_CIDX = _BLK * 128
_P = 40


@functools.lru_cache(maxsize=None)
def _make_detranspose(V):
  mesh = plsc.VectorSubcoreMesh(core_axis_name="c", subcore_axis_name="s")
  nblk = V // 128
  rem = V - nblk * 128
  q, rr = divmod(nblk, _NW)

  @functools.partial(
      pl.kernel,
      mesh=mesh,
      out_type=jax.ShapeDtypeStruct((V * _P,), jnp.float32),
      scratch_types=[
          pltpu.VMEM((2, 4, 8, 128), jnp.float32),
          pltpu.VMEM((128 * _P,), jnp.float32),
          pltpu.VMEM((128 * _P,), jnp.float32),
          pltpu.SemaphoreType.DMA,
          pltpu.SemaphoreType.DMA,
          pltpu.SemaphoreType.DMA,
          pltpu.SemaphoreType.DMA,
      ],
      compiler_params=pltpu.CompilerParams(
          use_tc_tiling_on_sc=True, needs_layout_passes=False),
  )
  def k(tt4_hbm, out_hbm, vin, vout0, vout1, isem0, isem1, osem0,
        osem1):
    wid = lax.axis_index("s") * _NC + lax.axis_index("c")
    iota = lax.iota(jnp.int32, _L)
    isems = (isem0, isem1)
    osems = (osem0, osem1)
    vouts = (vout0, vout1)
    lo = q * wid + jnp.minimum(wid, rr)
    cnt = q + (wid < rr).astype(jnp.int32)

    def stage(t, p, width):
      j = lo + t
      pltpu.async_copy(tt4_hbm.at[:, :, pl.ds(j * 128, width)],
                       vin.at[p, :, :, pl.ds(0, width)], isems[p])

    def wait_in(p, width):
      pltpu.make_async_copy(tt4_hbm.at[:, :, pl.ds(0, width)],
                            vin.at[p, :, :, pl.ds(0, width)],
                            isems[p]).wait()

    def drain_out(p, width):
      pltpu.make_async_copy(vouts[p].at[pl.ds(0, width * _P)],
                            out_hbm.at[pl.ds(0, width * _P)],
                            osems[p]).wait()

    def process(t, p, width):
      wait_in(p, width)

      @pl.when(t + 1 < cnt)
      def _():
        stage(t + 1, 1 - p, 128)

      @pl.when(t >= 2)
      def _():
        drain_out(p, 128)

      @plsc.parallel_loop(0, 4 * 8 * (128 // _L), unroll=16)
      def _(n):
        g = n >> 6
        r = (n >> 3) & 7
        c0 = (n & 7) * _L
        v = vin[p, g, r, pl.ds(c0, _L)]
        addr = iota * _P + (c0 * _P + (n >> 3))
        plsc.store_scatter(vouts[p], [addr], v)

      j = lo + t
      pltpu.async_copy(vouts[p].at[pl.ds(0, width * _P)],
                       out_hbm.at[pl.ds(j * 128 * _P, width * _P)],
                       osems[p])

    stage(0, 0, 128)

    def body(tt, carry):
      t = 2 * tt

      @pl.when(t < cnt)
      def _():
        process(t, 0, 128)

      @pl.when(t + 1 < cnt)
      def _():
        process(t + 1, 1, 128)

      return carry

    lax.fori_loop(0, (q + 2) // 2, body, 0)

    drain_out(0, 128)
    drain_out(1, 128)

    @pl.when((wid == _NW - 1) & (rem > 0))
    def _():
      j = nblk
      for g in range(4):
        for r in range(8):
          pltpu.async_copy(tt4_hbm.at[g, r, pl.ds(j * 128, rem)],
                           vin.at[0, g, r, pl.ds(0, rem)], isems[0])
      for g in range(4):
        for r in range(8):
          pltpu.make_async_copy(tt4_hbm.at[g, r, pl.ds(j * 128, rem)],
                                vin.at[0, g, r, pl.ds(0, rem)],
                                isems[0]).wait()

      @plsc.parallel_loop(0, 4 * 8 * (rem // _L), unroll=16)
      def _(n):
        g = n >> 5
        r = (n >> 2) & 7
        c0 = (n & 3) * _L
        v = vin[0, g, r, pl.ds(c0, _L)]
        addr = iota * _P + (c0 * _P + (n >> 2))
        plsc.store_scatter(vout0, [addr], v)

      pltpu.async_copy(vout0.at[pl.ds(0, rem * _P)],
                       out_hbm.at[pl.ds(j * 128 * _P, rem * _P)], osems[0])
      pltpu.make_async_copy(vout0.at[pl.ds(0, rem * _P)],
                            out_hbm.at[pl.ds(j * 128 * _P, rem * _P)],
                            osems[0]).wait()

  return k


@functools.lru_cache(maxsize=None)
def _make_gather(S, NB, D, blocks_per_w, n_chunks):
  mesh = plsc.VectorSubcoreMesh(core_axis_name="c", subcore_axis_name="s")
  DT = D // 8
  TSZ = _BLK * 8 * 128

  @functools.partial(
      pl.kernel,
      mesh=mesh,
      out_type=jax.ShapeDtypeStruct((S, DT, NB * 8 * 128), jnp.float32),
      scratch_types=[
          pltpu.VMEM((2, _CIDX), jnp.int32),
          pltpu.VMEM((2, _CIDX, _P), jnp.float32),
          pltpu.VMEM((2, DT * TSZ), jnp.float32),
          pltpu.SemaphoreType.DMA,
          pltpu.SemaphoreType.DMA,
          pltpu.SemaphoreType.DMA,
          pltpu.SemaphoreType.DMA,
      ],
      compiler_params=pltpu.CompilerParams(
          use_tc_tiling_on_sc=False, needs_layout_passes=False),
  )
  def k(table_hbm, idx_hbm, out_hbm, idx_v, rows_v, tile_v, gsem0, gsem1,
        osem0, osem1):
    wid = lax.axis_index("s") * _NC + lax.axis_index("c")
    blk_base = wid * blocks_per_w
    iota = lax.iota(jnp.int32, _L)
    gsems = (gsem0, gsem1)
    osems = (osem0, osem1)

    def drain_out(p):
      for ti in range(DT):
        pltpu.make_async_copy(tile_v.at[p, pl.ds(ti * TSZ, TSZ)],
                              out_hbm.at[0, ti, pl.ds(0, TSZ)],
                              osems[p]).wait()

    def stage(k_idx, p):
      off = (blk_base + _BLK * k_idx) * 128
      pltpu.sync_copy(idx_hbm.at[pl.ds(off, _CIDX)], idx_v.at[p])
      return pltpu.async_copy(table_hbm.at[idx_v.at[p]], rows_v.at[p],
                              gsems[p])

    def process(k_idx, p):
      pltpu.make_async_copy(table_hbm.at[idx_v.at[p]], rows_v.at[p],
                            gsems[p]).wait()
      nxt = k_idx + 1

      @pl.when(nxt < n_chunks)
      def _():
        stage(nxt, 1 - p)

      @pl.when(k_idx >= 2)
      def _():
        drain_out(p)

      blk0 = blk_base + _BLK * k_idx
      s_pos = blk0 // NB
      tj0 = lax.rem(blk0, NB)

      @plsc.parallel_loop(0, _BLK * 2 * 8 * _L, unroll=16)
      def _(n):
        m = n & (_L - 1)
        dh = (n >> 4) & 1
        c0 = ((n >> 5) & 7) * _L
        tjq = n >> 8
        dvec = ((iota + m) & (_L - 1)) + dh * _L
        rvec = (tjq * 128 + c0) + iota
        v = plsc.load_gather(rows_v.at[p], [rvec, dvec])
        addr = ((dvec >> 3) * TSZ + ((dvec & 7) * 128)
                + (tjq * 1024 + c0) + iota)
        plsc.store_scatter(tile_v.at[p], [addr], v)

      for ti in range(DT):
        pltpu.async_copy(tile_v.at[p, pl.ds(ti * TSZ, TSZ)],
                         out_hbm.at[s_pos, ti, pl.ds(tj0 * 1024, TSZ)],
                         osems[p])

    stage(0, 0)

    def body(kk, carry):
      process(2 * kk, 0)
      process(2 * kk + 1, 1)
      return carry

    lax.fori_loop(0, n_chunks // 2, body, 0)
    drain_out(0)
    drain_out(1)

  return k


def kernel(table, x):
  B0, S = x.shape
  V, D = table.shape
  NB = B0 // 128
  blocks_per_w = S * NB // _NW
  n_chunks = blocks_per_w // _BLK
  tt4 = jnp.swapaxes(table, 0, 1).reshape(D // 8, 8, V)
  table_p = _make_detranspose(V)(tt4).reshape(V, _P)
  xt = jnp.swapaxes(x, 0, 1).reshape(B0 * S)
  out5 = _make_gather(S, NB, D, blocks_per_w, n_chunks)(table_p, xt)
  return (out5.reshape(S, D // 8, NB, 8, 128)
          .transpose(2, 4, 0, 1, 3).reshape(B0, S, D))

# --- scband reference (transcript-rebuilt; emitter-appended) ---
"""Pipeline reference for scband-embedding-layer-48309792145559 (READ-ONLY COPY).

The authoritative reference and input builder live on the scoring server;
editing this copy changes nothing except your own understanding.
"""

import jax, jax.numpy as jnp
import numpy as np

VOCAB = 1000000
EM_DIM = 32

def setup_inputs(seed: int = 0) -> dict:
    key = jax.random.key(seed)
    k_idx, k_tab = jax.random.split(key)
    x = jax.random.randint(k_idx, (4096, 200), 0, VOCAB, dtype=jnp.int64 if jax.config.read('jax_enable_x64') else jnp.int32).astype(jnp.int32)
    table = jax.random.normal(k_tab, (VOCAB, EM_DIM), dtype=jnp.float32)
    # nn.Embedding with padding_idx=0 initializes padding row to zeros
    table = table.at[0].set(0.0)
    return {"table": table, "x": x}

def reference(table, x):
    # nn.Embedding forward: pure gather of rows of the table
    return jnp.take(table, x, axis=0)

if __name__ == "__main__":
    import jax
    _d = setup_inputs()
    print(jax.jit(kernel)(*tuple(_d.values())))

</pallas_src>

<mosaic_0001>
#map = affine_map<(d0, d1) -> (0, 0)>
#map1 = affine_map<(d0, d1) -> (0)>
#map2 = affine_map<(d0, d1) -> (0, 0, 0)>
module attributes {stable_mosaic.version = 14 : i64} {
  func.func @k(%arg0: i32, %arg1: i32, %arg2: memref<1000000x40xf32, #tpu.memory_space<hbm>>, %arg3: memref<819200xi32, #tpu.memory_space<hbm>>, %arg4: memref<200x4x32768xf32, #tpu.memory_space<hbm>>, %arg5: memref<2x512xi32, #tpu.memory_space<vmem>>, %arg6: memref<2x512x40xf32, #tpu.memory_space<vmem>>, %arg7: memref<2x16384xf32, #tpu.memory_space<vmem>>, %arg8: memref<!tpu.dma_semaphore, #tpu.memory_space<semaphore_mem>>, %arg9: memref<!tpu.dma_semaphore, #tpu.memory_space<semaphore_mem>>, %arg10: memref<!tpu.dma_semaphore, #tpu.memory_space<semaphore_mem>>, %arg11: memref<!tpu.dma_semaphore, #tpu.memory_space<semaphore_mem>>) attributes {dimension_semantics = [#tpu.dimension_semantics<core_parallel>, #tpu.dimension_semantics<subcore_parallel>], iteration_bounds = array<i64: 2, 16>, scalar_prefetch = 0 : i64, scratch_operands = 7 : i64, tpu.core_type = #tpu.core_type<sc_vector_subcore>, window_params = [{transform_indices = #map}, {transform_indices = #map1}, {transform_indices = #map2}]} {
    %mul3A = arith.constant 2 : i32
    %mul3A_0 = arith.muli %arg1, %mul3A : i32
    %add3A = arith.addi %mul3A_0, %arg0 : i32
    %mul3A_1 = arith.constant 200 : i32
    %mul3A_2 = arith.muli %add3A, %mul3A_1 : i32
    %iota3A = tpu.iota {dimensions = array<i32: 0>} : vector<16xi32>
    %add3A_3 = arith.constant 0 : i32
    %add3A_4 = arith.addi %mul3A_2, %add3A_3 : i32
    %mul3A_5 = arith.constant 128 : i32
    %mul3A_6 = arith.muli %add3A_4, %mul3A_5 : i32
    %run_scoped3A = arith.constant 0 : i32
    "tpu.region"() ({
      %run_scoped3A_142 = tpu.sem_alloc : memref<!tpu.dma_semaphore, #tpu.memory_space<semaphore_mem>>
      %dma_start3A_143 = arith.constant 0 : i32
      %dma_start3A_144 = tpu.memref_slice %arg5[%run_scoped3A, %dma_start3A_143] : memref<2x512xi32, #tpu.memory_space<vmem>> -> memref<1x512xi32, #tpu.memory_space<vmem>>
      %dma_start3A_145 = tpu.memref_squeeze %dma_start3A_144 : memref<1x512xi32, #tpu.memory_space<vmem>> -> memref<512xi32, #tpu.memory_space<vmem>>
      %dma_start3A_146 = tpu.memref_slice %arg3[%mul3A_6] : memref<819200xi32, #tpu.memory_space<hbm>> -> memref<512xi32, #tpu.memory_space<hbm>>
      %dma_start3A_147 = arith.constant 0 : i32
      %dma_start3A_148 = tpu.memref_slice %arg5[%run_scoped3A, %dma_start3A_147] : memref<2x512xi32, #tpu.memory_space<vmem>> -> memref<1x512xi32, #tpu.memory_space<vmem>>
      %dma_start3A_149 = tpu.memref_squeeze %dma_start3A_148 : memref<1x512xi32, #tpu.memory_space<vmem>> -> memref<512xi32, #tpu.memory_space<vmem>>
      %dma_start3A_150 = tpu.memref_slice %arg3[%mul3A_6] : memref<819200xi32, #tpu.memory_space<hbm>> -> memref<512xi32, #tpu.memory_space<hbm>>
      tpu.enqueue_dma source(%dma_start3A_150 : memref<512xi32, #tpu.memory_space<hbm>>) target(%dma_start3A_149 : memref<512xi32, #tpu.memory_space<vmem>>) target_semaphore(%run_scoped3A_142 : memref<!tpu.dma_semaphore, #tpu.memory_space<semaphore_mem>>)
      %dma_wait3A_151 = arith.constant 0 : i32
      %dma_wait3A_152 = tpu.memref_slice %arg5[%run_scoped3A, %dma_wait3A_151] : memref<2x512xi32, #tpu.memory_space<vmem>> -> memref<1x512xi32, #tpu.memory_space<vmem>>
      %dma_wait3A_153 = tpu.memref_squeeze %dma_wait3A_152 : memref<1x512xi32, #tpu.memory_space<vmem>> -> memref<512xi32, #tpu.memory_space<vmem>>
      %dma_wait3A_154 = tpu.memref_slice %arg3[%mul3A_6] : memref<819200xi32, #tpu.memory_space<hbm>> -> memref<512xi32, #tpu.memory_space<hbm>>
      %dma_wait3A_155 = arith.constant 0 : i32
      %dma_wait3A_156 = tpu.memref_slice %arg5[%run_scoped3A, %dma_wait3A_155] : memref<2x512xi32, #tpu.memory_space<vmem>> -> memref<1x512xi32, #tpu.memory_space<vmem>>
      %dma_wait3A_157 = tpu.memref_squeeze %dma_wait3A_156 : memref<1x512xi32, #tpu.memory_space<vmem>> -> memref<512xi32, #tpu.memory_space<vmem>>
      %dma_wait3A_158 = tpu.memref_slice %arg3[%mul3A_6] : memref<819200xi32, #tpu.memory_space<hbm>> -> memref<512xi32, #tpu.memory_space<hbm>>
      tpu.wait_dma2 semaphore(%run_scoped3A_142 : memref<!tpu.dma_semaphore, #tpu.memory_space<semaphore_mem>>) src(%dma_wait3A_158 : memref<512xi32, #tpu.memory_space<hbm>>) dst(%dma_wait3A_157 : memref<512xi32, #tpu.memory_space<vmem>>)
      tpu.yield
    }) : () -> ()
    %dma_start3A = arith.constant 0 : i32
    %dma_start3A_7 = arith.constant 0 : i32
    %dma_start3A_8 = arith.constant 0 : i32
    %dma_start3A_9 = arith.constant 0 : i32
    %dma_start3A_10 = tpu.memref_slice %arg6[%dma_start3A_7, %dma_start3A_8, %dma_start3A_9] : memref<2x512x40xf32, #tpu.memory_space<vmem>> -> memref<1x512x40xf32, #tpu.memory_space<vmem>>
    %dma_start3A_11 = tpu.memref_squeeze %dma_start3A_10 : memref<1x512x40xf32, #tpu.memory_space<vmem>> -> memref<512x40xf32, #tpu.memory_space<vmem>>
    %dma_start3A_12 = arith.constant 0 : i32
    %dma_start3A_13 = tpu.memref_slice %arg5[%dma_start3A, %dma_start3A_12] : memref<2x512xi32, #tpu.memory_space<vmem>> -> memref<1x512xi32, #tpu.memory_space<vmem>>
    %dma_start3A_14 = tpu.memref_squeeze %dma_start3A_13 : memref<1x512xi32, #tpu.memory_space<vmem>> -> memref<512xi32, #tpu.memory_space<vmem>>
    %dma_start3A_15 = arith.constant 0 : i32
    %dma_start3A_16 = arith.constant 0 : i32
    %dma_start3A_17 = tpu.memref_slice %arg2[%dma_start3A_15, %dma_start3A_16] : memref<1000000x40xf32, #tpu.memory_space<hbm>> -> memref<1000000x40xf32, #tpu.memory_space<hbm>>
    tpu.enqueue_indirect_dma source(%dma_start3A_17 : memref<1000000x40xf32, #tpu.memory_space<hbm>>) target(%dma_start3A_11 : memref<512x40xf32, #tpu.memory_space<vmem>>) offsets(%dma_start3A_14 : memref<512xi32, #tpu.memory_space<vmem>>) semaphore(%arg8 : memref<!tpu.dma_semaphore, #tpu.memory_space<semaphore_mem>>)
    %scan3A = arith.constant 0 : i32
    %scan3A_18 = arith.constant 0 : i32
    %scan3A_19 = arith.constant 25 : i32
    %scan3A_20 = arith.addi %scan3A_18, %scan3A_19 : i32
    %scan3A_21 = arith.constant 1 : i32
    scf.for %scan3A_142 = %scan3A_18 to %scan3A_20 step %scan3A_21  : i32 {
      %mul3A_143 = arith.constant 2 : i32
      %mul3A_144 = arith.muli %mul3A_143, %scan3A_142 : i32
      %dma_wait3A_145 = arith.constant 0 : i32
      %dma_wait3A_146 = arith.constant 0 : i32
      %dma_wait3A_147 = arith.constant 0 : i32
      %dma_wait3A_148 = arith.constant 0 : i32
      %dma_wait3A_149 = tpu.memref_slice %arg6[%dma_wait3A_146, %dma_wait3A_147, %dma_wait3A_148] : memref<2x512x40xf32, #tpu.memory_space<vmem>> -> memref<1x512x40xf32, #tpu.memory_space<vmem>>
      %dma_wait3A_150 = tpu.memref_squeeze %dma_wait3A_149 : memref<1x512x40xf32, #tpu.memory_space<vmem>> -> memref<512x40xf32, #tpu.memory_space<vmem>>
      %dma_wait3A_151 = arith.constant 0 : i32
      %dma_wait3A_152 = tpu.memref_slice %arg5[%dma_wait3A_145, %dma_wait3A_151] : memref<2x512xi32, #tpu.memory_space<vmem>> -> memref<1x512xi32, #tpu.memory_space<vmem>>
      %dma_wait3A_153 = tpu.memref_squeeze %dma_wait3A_152 : memref<1x512xi32, #tpu.memory_space<vmem>> -> memref<512xi32, #tpu.memory_space<vmem>>
      %dma_wait3A_154 = arith.constant 0 : i32
      %dma_wait3A_155 = arith.constant 0 : i32
      %dma_wait3A_156 = tpu.memref_slice %arg2[%dma_wait3A_154, %dma_wait3A_155] : memref<1000000x40xf32, #tpu.memory_space<hbm>> -> memref<1000000x40xf32, #tpu.memory_space<hbm>>
      tpu.wait_indirect_dma semaphore(%arg8 : memref<!tpu.dma_semaphore, #tpu.memory_space<semaphore_mem>>) src(%dma_wait3A_156 : memref<1000000x40xf32, #tpu.memory_space<hbm>>) dst(%dma_wait3A_150 : memref<512x40xf32, #tpu.memory_space<vmem>>)
      %add3A_157 = arith.constant 1 : i32
      %add3A_158 = arith.addi %mul3A_144, %add3A_157 : i32
      %lt3A = arith.constant 50 : i32
      %lt3A_159 = arith.cmpi slt, %add3A_158, %lt3A : i32
      %convert_element_type3A = arith.extui %lt3A_159 : i1 to i32
      %cond3A = arith.constant 0 : i32
      %cond3A_160 = arith.cmpi ne, %convert_element_type3A, %cond3A : i32
      scf.if %cond3A_160 {
        %mul3A_360 = arith.constant 4 : i32
        %mul3A_361 = arith.muli %mul3A_360, %add3A_158 : i32
        %add3A_362 = arith.addi %mul3A_2, %mul3A_361 : i32
        %mul3A_363 = arith.constant 128 : i32
        %mul3A_364 = arith.muli %add3A_362, %mul3A_363 : i32
        %run_scoped3A_365 = arith.constant 1 : i32
        "tpu.region"() ({
          %run_scoped3A_378 = tpu.sem_alloc : memref<!tpu.dma_semaphore, #tpu.memory_space<semaphore_mem>>
          %dma_start3A_379 = arith.constant 0 : i32
          %dma_start3A_380 = tpu.memref_slice %arg5[%run_scoped3A_365, %dma_start3A_379] : memref<2x512xi32, #tpu.memory_space<vmem>> -> memref<1x512xi32, #tpu.memory_space<vmem>>
          %dma_start3A_381 = tpu.memref_squeeze %dma_start3A_380 : memref<1x512xi32, #tpu.memory_space<vmem>> -> memref<512xi32, #tpu.memory_space<vmem>>
          %dma_start3A_382 = tpu.memref_slice %arg3[%mul3A_364] : memref<819200xi32, #tpu.memory_space<hbm>> -> memref<512xi32, #tpu.memory_space<hbm>>
          %dma_start3A_383 = arith.constant 0 : i32
          %dma_start3A_384 = tpu.memref_slice %arg5[%run_scoped3A_365, %dma_start3A_383] : memref<2x512xi32, #tpu.memory_space<vmem>> -> memref<1x512xi32, #tpu.memory_space<vmem>>
          %dma_start3A_385 = tpu.memref_squeeze %dma_start3A_384 : memref<1x512xi32, #tpu.memory_space<vmem>> -> memref<512xi32, #tpu.memory_space<vmem>>
          %dma_start3A_386 = tpu.memref_slice %arg3[%mul3A_364] : memref<819200xi32, #tpu.memory_space<hbm>> -> memref<512xi32, #tpu.memory_space<hbm>>
          tpu.enqueue_dma source(%dma_start3A_386 : memref<512xi32, #tpu.memory_space<hbm>>) target(%dma_start3A_385 : memref<512xi32, #tpu.memory_space<vmem>>) target_semaphore(%run_scoped3A_378 : memref<!tpu.dma_semaphore, #tpu.memory_space<semaphore_mem>>)
          %dma_wait3A_387 = arith.constant 0 : i32
          %dma_wait3A_388 = tpu.memref_slice %arg5[%run_scoped3A_365, %dma_wait3A_387] : memref<2x512xi32, #tpu.memory_space<vmem>> -> memref<1x512xi32, #tpu.memory_space<vmem>>
          %dma_wait3A_389 = tpu.memref_squeeze %dma_wait3A_388 : memref<1x512xi32, #tpu.memory_space<vmem>> -> memref<512xi32, #tpu.memory_space<vmem>>
          %dma_wait3A_390 = tpu.memref_slice %arg3[%mul3A_364] : memref<819200xi32, #tpu.memory_space<hbm>> -> memref<512xi32, #tpu.memory_space<hbm>>
          %dma_wait3A_391 = arith.constant 0 : i32
          %dma_wait3A_392 = tpu.memref_slice %arg5[%run_scoped3A_365, %dma_wait3A_391] : memref<2x512xi32, #tpu.memory_space<vmem>> -> memref<1x512xi32, #tpu.memory_space<vmem>>
          %dma_wait3A_393 = tpu.memref_squeeze %dma_wait3A_392 : memref<1x512xi32, #tpu.memory_space<vmem>> -> memref<512xi32, #tpu.memory_space<vmem>>
          %dma_wait3A_394 = tpu.memref_slice %arg3[%mul3A_364] : memref<819200xi32, #tpu.memory_space<hbm>> -> memref<512xi32, #tpu.memory_space<hbm>>
          tpu.wait_dma2 semaphore(%run_scoped3A_378 : memref<!tpu.dma_semaphore, #tpu.memory_space<semaphore_mem>>) src(%dma_wait3A_394 : memref<512xi32, #tpu.memory_space<hbm>>) dst(%dma_wait3A_393 : memref<512xi32, #tpu.memory_space<vmem>>)
          tpu.yield
        }) : () -> ()
        %dma_start3A_366 = arith.constant 1 : i32
        %dma_start3A_367 = arith.constant 1 : i32
        %dma_start3A_368 = arith.constant 0 : i32
        %dma_start3A_369 = arith.constant 0 : i32
        %dma_start3A_370 = tpu.memref_slice %arg6[%dma_start3A_367, %dma_start3A_368, %dma_start3A_369] : memref<2x512x40xf32, #tpu.memory_space<vmem>> -> memref<1x512x40xf32, #tpu.memory_space<vmem>>
        %dma_start3A_371 = tpu.memref_squeeze %dma_start3A_370 : memref<1x512x40xf32, #tpu.memory_space<vmem>> -> memref<512x40xf32, #tpu.memory_space<vmem>>
        %dma_start3A_372 = arith.constant 0 : i32
        %dma_start3A_373 = tpu.memref_slice %arg5[%dma_start3A_366, %dma_start3A_372] : memref<2x512xi32, #tpu.memory_space<vmem>> -> memref<1x512xi32, #tpu.memory_space<vmem>>
        %dma_start3A_374 = tpu.memref_squeeze %dma_start3A_373 : memref<1x512xi32, #tpu.memory_space<vmem>> -> memref<512xi32, #tpu.memory_space<vmem>>
        %dma_start3A_375 = arith.constant 0 : i32
        %dma_start3A_376 = arith.constant 0 : i32
        %dma_start3A_377 = tpu.memref_slice %arg2[%dma_start3A_375, %dma_start3A_376] : memref<1000000x40xf32, #tpu.memory_space<hbm>> -> memref<1000000x40xf32, #tpu.memory_space<hbm>>
        tpu.enqueue_indirect_dma source(%dma_start3A_377 : memref<1000000x40xf32, #tpu.memory_space<hbm>>) target(%dma_start3A_371 : memref<512x40xf32, #tpu.memory_space<vmem>>) offsets(%dma_start3A_374 : memref<512xi32, #tpu.memory_space<vmem>>) semaphore(%arg9 : memref<!tpu.dma_semaphore, #tpu.memory_space<semaphore_mem>>)
      } else {
      }
      %ge3A = arith.constant 2 : i32
      %ge3A_161 = arith.cmpi sge, %mul3A_144, %ge3A : i32
      %convert_element_type3A_162 = arith.extui %ge3A_161 : i1 to i32
      %cond3A_163 = arith.constant 0 : i32
      %cond3A_164 = arith.cmpi ne, %convert_element_type3A_162, %cond3A_163 : i32
      scf.if %cond3A_164 {
        %dma_wait3A_360 = arith.constant 0 : i32
        %dma_wait3A_361 = arith.constant 0 : i32
        %dma_wait3A_362 = arith.constant 0 : i32
        %dma_wait3A_363 = arith.constant 0 : i32
        %dma_wait3A_364 = tpu.memref_slice %arg7[%dma_wait3A_360, %dma_wait3A_363] : memref<2x16384xf32, #tpu.memory_space<vmem>> -> memref<1x4096xf32, #tpu.memory_space<vmem>>
        %dma_wait3A_365 = tpu.memref_squeeze %dma_wait3A_364 : memref<1x4096xf32, #tpu.memory_space<vmem>> -> memref<4096xf32, #tpu.memory_space<vmem>>
        %dma_wait3A_366 = arith.constant 0 : i32
        %dma_wait3A_367 = tpu.memref_slice %arg4[%dma_wait3A_361, %dma_wait3A_362, %dma_wait3A_366] : memref<200x4x32768xf32, #tpu.memory_space<hbm>> -> memref<1x1x4096xf32, #tpu.memory_space<hbm>>
        %dma_wait3A_368 = tpu.memref_squeeze %dma_wait3A_367 : memref<1x1x4096xf32, #tpu.memory_space<hbm>> -> memref<4096xf32, #tpu.memory_space<hbm>>
        %dma_wait3A_369 = arith.constant 0 : i32
        %dma_wait3A_370 = tpu.memref_slice %arg4[%dma_wait3A_361, %dma_wait3A_362, %dma_wait3A_369] : memref<200x4x32768xf32, #tpu.memory_space<hbm>> -> memref<1x1x4096xf32, #tpu.memory_space<hbm>>
        %dma_wait3A_371 = tpu.memref_squeeze %dma_wait3A_370 : memref<1x1x4096xf32, #tpu.memory_space<hbm>> -> memref<4096xf32, #tpu.memory_space<hbm>>
        %dma_wait3A_372 = arith.constant 0 : i32
        %dma_wait3A_373 = tpu.memref_slice %arg7[%dma_wait3A_360, %dma_wait3A_372] : memref<2x16384xf32, #tpu.memory_space<vmem>> -> memref<1x4096xf32, #tpu.memory_space<vmem>>
        %dma_wait3A_374 = tpu.memref_squeeze %dma_wait3A_373 : memref<1x4096xf32, #tpu.memory_space<vmem>> -> memref<4096xf32, #tpu.memory_space<vmem>>
        tpu.wait_dma2 semaphore(%arg10 : memref<!tpu.dma_semaphore, #tpu.memory_space<semaphore_mem>>) src(%dma_wait3A_374 : memref<4096xf32, #tpu.memory_space<vmem>>) dst(%dma_wait3A_371 : memref<4096xf32, #tpu.memory_space<hbm>>)
        %dma_wait3A_375 = arith.constant 0 : i32
        %dma_wait3A_376 = arith.constant 0 : i32
        %dma_wait3A_377 = arith.constant 1 : i32
        %dma_wait3A_378 = arith.constant 4096 : i32
        %dma_wait3A_379 = tpu.memref_slice %arg7[%dma_wait3A_375, %dma_wait3A_378] : memref<2x16384xf32, #tpu.memory_space<vmem>> -> memref<1x4096xf32, #tpu.memory_space<vmem>>
        %dma_wait3A_380 = tpu.memref_squeeze %dma_wait3A_379 : memref<1x4096xf32, #tpu.memory_space<vmem>> -> memref<4096xf32, #tpu.memory_space<vmem>>
        %dma_wait3A_381 = arith.constant 0 : i32
        %dma_wait3A_382 = tpu.memref_slice %arg4[%dma_wait3A_376, %dma_wait3A_377, %dma_wait3A_381] : memref<200x4x32768xf32, #tpu.memory_space<hbm>> -> memref<1x1x4096xf32, #tpu.memory_space<hbm>>
        %dma_wait3A_383 = tpu.memref_squeeze %dma_wait3A_382 : memref<1x1x4096xf32, #tpu.memory_space<hbm>> -> memref<4096xf32, #tpu.memory_space<hbm>>
        %dma_wait3A_384 = arith.constant 0 : i32
        %dma_wait3A_385 = tpu.memref_slice %arg4[%dma_wait3A_376, %dma_wait3A_377, %dma_wait3A_384] : memref<200x4x32768xf32, #tpu.memory_space<hbm>> -> memref<1x1x4096xf32, #tpu.memory_space<hbm>>
        %dma_wait3A_386 = tpu.memref_squeeze %dma_wait3A_385 : memref<1x1x4096xf32, #tpu.memory_space<hbm>> -> memref<4096xf32, #tpu.memory_space<hbm>>
        %dma_wait3A_387 = arith.constant 4096 : i32
        %dma_wait3A_388 = tpu.memref_slice %arg7[%dma_wait3A_375, %dma_wait3A_387] : memref<2x16384xf32, #tpu.memory_space<vmem>> -> memref<1x4096xf32, #tpu.memory_space<vmem>>
        %dma_wait3A_389 = tpu.memref_squeeze %dma_wait3A_388 : memref<1x4096xf32, #tpu.memory_space<vmem>> -> memref<4096xf32, #tpu.memory_space<vmem>>
        tpu.wait_dma2 semaphore(%arg10 : memref<!tpu.dma_semaphore, #tpu.memory_space<semaphore_mem>>) src(%dma_wait3A_389 : memref<4096xf32, #tpu.memory_space<vmem>>) dst(%dma_wait3A_386 : memref<4096xf32, #tpu.memory_space<hbm>>)
        %dma_wait3A_390 = arith.constant 0 : i32
        %dma_wait3A_391 = arith.constant 0 : i32
        %dma_wait3A_392 = arith.constant 2 : i32
        %dma_wait3A_393 = arith.constant 8192 : i32
        %dma_wait3A_394 = tpu.memref_slice %arg7[%dma_wait3A_390, %dma_wait3A_393] : memref<2x16384xf32, #tpu.memory_space<vmem>> -> memref<1x4096xf32, #tpu.memory_space<vmem>>
        %dma_wait3A_395 = tpu.memref_squeeze %dma_wait3A_394 : memref<1x4096xf32, #tpu.memory_space<vmem>> -> memref<4096xf32, #tpu.memory_space<vmem>>
        %dma_wait3A_396 = arith.constant 0 : i32
        %dma_wait3A_397 = tpu.memref_slice %arg4[%dma_wait3A_391, %dma_wait3A_392, %dma_wait3A_396] : memref<200x4x32768xf32, #tpu.memory_space<hbm>> -> memref<1x1x4096xf32, #tpu.memory_space<hbm>>
        %dma_wait3A_398 = tpu.memref_squeeze %dma_wait3A_397 : memref<1x1x4096xf32, #tpu.memory_space<hbm>> -> memref<4096xf32, #tpu.memory_space<hbm>>
        %dma_wait3A_399 = arith.constant 0 : i32
        %dma_wait3A_400 = tpu.memref_slice %arg4[%dma_wait3A_391, %dma_wait3A_392, %dma_wait3A_399] : memref<200x4x32768xf32, #tpu.memory_space<hbm>> -> memref<1x1x4096xf32, #tpu.memory_space<hbm>>
        %dma_wait3A_401 = tpu.memref_squeeze %dma_wait3A_400 : memref<1x1x4096xf32, #tpu.memory_space<hbm>> -> memref<4096xf32, #tpu.memory_space<hbm>>
        %dma_wait3A_402 = arith.constant 8192 : i32
        %dma_wait3A_403 = tpu.memref_slice %arg7[%dma_wait3A_390, %dma_wait3A_402] : memref<2x16384xf32, #tpu.memory_space<vmem>> -> memref<1x4096xf32, #tpu.memory_space<vmem>>
        %dma_wait3A_404 = tpu.memref_squeeze %dma_wait3A_403 : memref<1x4096xf32, #tpu.memory_space<vmem>> -> memref<4096xf32, #tpu.memory_space<vmem>>
        tpu.wait_dma2 semaphore(%arg10 : memref<!tpu.dma_semaphore, #tpu.memory_space<semaphore_mem>>) src(%dma_wait3A_404 : memref<4096xf32, #tpu.memory_space<vmem>>) dst(%dma_wait3A_401 : memref<4096xf32, #tpu.memory_space<hbm>>)
        %dma_wait3A_405 = arith.constant 0 : i32
        %dma_wait3A_406 = arith.constant 0 : i32
        %dma_wait3A_407 = arith.constant 3 : i32
        %dma_wait3A_408 = arith.constant 12288 : i32
        %dma_wait3A_409 = tpu.memref_slice %arg7[%dma_wait3A_405, %dma_wait3A_408] : memref<2x16384xf32, #tpu.memory_space<vmem>> -> memref<1x4096xf32, #tpu.memory_space<vmem>>
        %dma_wait3A_410 = tpu.memref_squeeze %dma_wait3A_409 : memref<1x4096xf32, #tpu.memory_space<vmem>> -> memref<4096xf32, #tpu.memory_space<vmem>>
        %dma_wait3A_411 = arith.constant 0 : i32
        %dma_wait3A_412 = tpu.memref_slice %arg4[%dma_wait3A_406, %dma_wait3A_407, %dma_wait3A_411] : memref<200x4x32768xf32, #tpu.memory_space<hbm>> -> memref<1x1x4096xf32, #tpu.memory_space<hbm>>
        %dma_wait3A_413 = tpu.memref_squeeze %dma_wait3A_412 : memref<1x1x4096xf32, #tpu.memory_space<hbm>> -> memref<4096xf32, #tpu.memory_space<hbm>>
        %dma_wait3A_414 = arith.constant 0 : i32
        %dma_wait3A_415 = tpu.memref_slice %arg4[%dma_wait3A_406, %dma_wait3A_407, %dma_wait3A_414] : memref<200x4x32768xf32, #tpu.memory_space<hbm>> -> memref<1x1x4096xf32, #tpu.memory_space<hbm>>
        %dma_wait3A_416 = tpu.memref_squeeze %dma_wait3A_415 : memref<1x1x4096xf32, #tpu.memory_space<hbm>> -> memref<4096xf32, #tpu.memory_space<hbm>>
        %dma_wait3A_417 = arith.constant 12288 : i32
        %dma_wait3A_418 = tpu.memref_slice %arg7[%dma_wait3A_405, %dma_wait3A_417] : memref<2x16384xf32, #tpu.memory_space<vmem>> -> memref<1x4096xf32, #tpu.memory_space<vmem>>
        %dma_wait3A_419 = tpu.memref_squeeze %dma_wait3A_418 : memref<1x4096xf32, #tpu.memory_space<vmem>> -> memref<4096xf32, #tpu.memory_space<vmem>>
        tpu.wait_dma2 semaphore(%arg10 : memref<!tpu.dma_semaphore, #tpu.memory_space<semaphore_mem>>) src(%dma_wait3A_419 : memref<4096xf32, #tpu.memory_space<vmem>>) dst(%dma_wait3A_416 : memref<4096xf32, #tpu.memory_space<hbm>>)
      } else {
      }
      %mul3A_165 = arith.constant 4 : i32
      %mul3A_166 = arith.muli %mul3A_165, %mul3A_144 : i32
      %add3A_167 = arith.addi %mul3A_2, %mul3A_166 : i32
      %jit3A = arith.constant 32 : i32
      %div3A = arith.divsi %add3A_167, %jit3A : i32
      %sign3A = arith.constant 0 : i32
      %sign3A_168 = arith.cmpi sgt, %add3A_167, %sign3A : i32
      %sign3A_169 = arith.extui %sign3A_168 : i1 to i32
      %sign3A_170 = arith.constant 0 : i32
      %sign3A_171 = arith.cmpi slt, %add3A_167, %sign3A_170 : i32
      %sign3A_172 = arith.extui %sign3A_171 : i1 to i32
      %sign3A_173 = arith.subi %sign3A_169, %sign3A_172 : i32
      %sign3A_174 = arith.constant 0 : i32
      %sign3A_175 = arith.cmpi sgt, %jit3A, %sign3A_174 : i32
      %sign3A_176 = arith.extui %sign3A_175 : i1 to i32
      %sign3A_177 = arith.constant 0 : i32
      %sign3A_178 = arith.cmpi slt, %jit3A, %sign3A_177 : i32
      %sign3A_179 = arith.extui %sign3A_178 : i1 to i32
      %sign3A_180 = arith.subi %sign3A_176, %sign3A_179 : i32
      %ne3A = arith.cmpi ne, %sign3A_173, %sign3A_180 : i32
      %rem3A = arith.remsi %add3A_167, %jit3A : i32
      %ne3A_181 = arith.constant 0 : i32
      %ne3A_182 = arith.cmpi ne, %rem3A, %ne3A_181 : i32
      %and3A = arith.andi %ne3A, %ne3A_182 : i1
      %sub3A = arith.constant 1 : i32
      %sub3A_183 = arith.subi %div3A, %sub3A : i32
      %select_n3A = arith.select %and3A, %sub3A_183, %div3A : i32
      %rem3A_184 = arith.constant 32 : i32
      %rem3A_185 = arith.remsi %add3A_167, %rem3A_184 : i32
      %parallel_loop3A = arith.constant 0 : i32
      %parallel_loop3A_186 = arith.constant 1024 : i32
      %parallel_loop3A_187 = arith.constant 1 : i32
      scf.for %parallel_loop3A_360 = %parallel_loop3A to %parallel_loop3A_186 step %parallel_loop3A_187  : i32 {
        %parallel_loop3A_361 = arith.constant 15 : i32
        %parallel_loop3A_362 = arith.andi %parallel_loop3A_360, %parallel_loop3A_361 : i32
        %parallel_loop3A_363 = arith.constant 4 : i32
        %parallel_loop3A_364 = arith.shrsi %parallel_loop3A_360, %parallel_loop3A_363 : i32
        %parallel_loop3A_365 = arith.constant 1 : i32
        %parallel_loop3A_366 = arith.andi %parallel_loop3A_364, %parallel_loop3A_365 : i32
        %parallel_loop3A_367 = arith.constant 5 : i32
        %parallel_loop3A_368 = arith.shrsi %parallel_loop3A_360, %parallel_loop3A_367 : i32
        %parallel_loop3A_369 = arith.constant 7 : i32
        %parallel_loop3A_370 = arith.andi %parallel_loop3A_368, %parallel_loop3A_369 : i32
        %parallel_loop3A_371 = arith.constant 16 : i32
        %parallel_loop3A_372 = arith.muli %parallel_loop3A_370, %parallel_loop3A_371 : i32
        %parallel_loop3A_373 = arith.constant 8 : i32
        %parallel_loop3A_374 = arith.shrsi %parallel_loop3A_360, %parallel_loop3A_373 : i32
        %parallel_loop3A_375 = vector.broadcast %parallel_loop3A_362 : i32 to vector<16xi32>
        %parallel_loop3A_376 = arith.addi %iota3A, %parallel_loop3A_375 : vector<16xi32>
        %parallel_loop3A_377 = arith.constant 15 : i32
        %parallel_loop3A_378 = vector.broadcast %parallel_loop3A_377 : i32 to vector<16xi32>
        %parallel_loop3A_379 = arith.andi %parallel_loop3A_376, %parallel_loop3A_378 : vector<16xi32>
        %parallel_loop3A_380 = arith.constant 16 : i32
        %parallel_loop3A_381 = arith.muli %parallel_loop3A_366, %parallel_loop3A_380 : i32
        %parallel_loop3A_382 = vector.broadcast %parallel_loop3A_381 : i32 to vector<16xi32>
        %parallel_loop3A_383 = arith.addi %parallel_loop3A_379, %parallel_loop3A_382 : vector<16xi32>
        %parallel_loop3A_384 = arith.constant 128 : i32
        %parallel_loop3A_385 = arith.muli %parallel_loop3A_374, %parallel_loop3A_384 : i32
        %parallel_loop3A_386 = arith.addi %parallel_loop3A_385, %parallel_loop3A_372 : i32
        %parallel_loop3A_387 = vector.broadcast %parallel_loop3A_386 : i32 to vector<16xi32>
        %parallel_loop3A_388 = arith.addi %parallel_loop3A_387, %iota3A : vector<16xi32>
        %parallel_loop3A_389 = arith.constant 0 : i32
        %parallel_loop3A_390 = arith.constant 0 : i32
        %parallel_loop3A_391 = arith.constant 0 : i32
        %parallel_loop3A_392 = tpu.memref_slice %arg6[%parallel_loop3A_389, %parallel_loop3A_390, %parallel_loop3A_391] : memref<2x512x40xf32, #tpu.memory_space<vmem>> -> memref<1x512x40xf32, #tpu.memory_space<vmem>>
        %parallel_loop3A_393 = tpu.memref_squeeze %parallel_loop3A_392 : memref<1x512x40xf32, #tpu.memory_space<vmem>> -> memref<512x40xf32, #tpu.memory_space<vmem>>
        %parallel_loop3A_394 = tpu.vector_load_idx %parallel_loop3A_393[%parallel_loop3A_388, %parallel_loop3A_383] : memref<512x40xf32, #tpu.memory_space<vmem>>[vector<16xi32>, vector<16xi32>], vector<16xf32>,
        %parallel_loop3A_395 = arith.constant 3 : i32
        %parallel_loop3A_396 = vector.broadcast %parallel_loop3A_395 : i32 to vector<16xi32>
        %parallel_loop3A_397 = arith.shrsi %parallel_loop3A_383, %parallel_loop3A_396 : vector<16xi32>
        %parallel_loop3A_398 = arith.constant 4096 : i32
        %parallel_loop3A_399 = vector.broadcast %parallel_loop3A_398 : i32 to vector<16xi32>
        %parallel_loop3A_400 = arith.muli %parallel_loop3A_397, %parallel_loop3A_399 : vector<16xi32>
        %parallel_loop3A_401 = arith.constant 7 : i32
        %parallel_loop3A_402 = vector.broadcast %parallel_loop3A_401 : i32 to vector<16xi32>
        %parallel_loop3A_403 = arith.andi %parallel_loop3A_383, %parallel_loop3A_402 : vector<16xi32>
        %parallel_loop3A_404 = arith.constant 128 : i32
        %parallel_loop3A_405 = vector.broadcast %parallel_loop3A_404 : i32 to vector<16xi32>
        %parallel_loop3A_406 = arith.muli %parallel_loop3A_403, %parallel_loop3A_405 : vector<16xi32>
        %parallel_loop3A_407 = arith.addi %parallel_loop3A_400, %parallel_loop3A_406 : vector<16xi32>
        %parallel_loop3A_408 = arith.constant 1024 : i32
        %parallel_loop3A_409 = arith.muli %parallel_loop3A_374, %parallel_loop3A_408 : i32
        %parallel_loop3A_410 = arith.addi %parallel_loop3A_409, %parallel_loop3A_372 : i32
        %parallel_loop3A_411 = vector.broadcast %parallel_loop3A_410 : i32 to vector<16xi32>
        %parallel_loop3A_412 = arith.addi %parallel_loop3A_407, %parallel_loop3A_411 : vector<16xi32>
        %parallel_loop3A_413 = arith.addi %parallel_loop3A_412, %iota3A : vector<16xi32>
        %parallel_loop3A_414 = arith.constant 0 : i32
        %parallel_loop3A_415 = arith.constant 0 : i32
        %parallel_loop3A_416 = tpu.memref_slice %arg7[%parallel_loop3A_414, %parallel_loop3A_415] : memref<2x16384xf32, #tpu.memory_space<vmem>> -> memref<1x16384xf32, #tpu.memory_space<vmem>>
        %parallel_loop3A_417 = tpu.memref_squeeze %parallel_loop3A_416 : memref<1x16384xf32, #tpu.memory_space<vmem>> -> memref<16384xf32, #tpu.memory_space<vmem>>
        tpu.vector_store_idx %parallel_loop3A_417[%parallel_loop3A_413], %parallel_loop3A_394 : memref<16384xf32, #tpu.memory_space<vmem>>[vector<16xi32>], vector<16xf32>,
      } {sc.loop_unroll_factor = 16 : i64, sc.parallel_access}
      %mul3A_188 = arith.constant 1024 : i32
      %mul3A_189 = arith.muli %rem3A_185, %mul3A_188 : i32
      %dma_start3A_190 = arith.constant 0 : i32
      %dma_start3A_191 = arith.constant 0 : i32
      %dma_start3A_192 = arith.constant 0 : i32
      %dma_start3A_193 = tpu.memref_slice %arg7[%dma_start3A_190, %dma_start3A_192] : memref<2x16384xf32, #tpu.memory_space<vmem>> -> memref<1x4096xf32, #tpu.memory_space<vmem>>
      %dma_start3A_194 = tpu.memref_squeeze %dma_start3A_193 : memref<1x4096xf32, #tpu.memory_space<vmem>> -> memref<4096xf32, #tpu.memory_space<vmem>>
      %dma_start3A_195 = tpu.memref_slice %arg4[%select_n3A, %dma_start3A_191, %mul3A_189] : memref<200x4x32768xf32, #tpu.memory_space<hbm>> -> memref<1x1x4096xf32, #tpu.memory_space<hbm>>
      %dma_start3A_196 = tpu.memref_squeeze %dma_start3A_195 : memref<1x1x4096xf32, #tpu.memory_space<hbm>> -> memref<4096xf32, #tpu.memory_space<hbm>>
      %dma_start3A_197 = tpu.memref_slice %arg4[%select_n3A, %dma_start3A_191, %mul3A_189] : memref<200x4x32768xf32, #tpu.memory_space<hbm>> -> memref<1x1x4096xf32, #tpu.memory_space<hbm>>
      %dma_start3A_198 = tpu.memref_squeeze %dma_start3A_197 : memref<1x1x4096xf32, #tpu.memory_space<hbm>> -> memref<4096xf32, #tpu.memory_space<hbm>>
      %dma_start3A_199 = arith.constant 0 : i32
      %dma_start3A_200 = tpu.memref_slice %arg7[%dma_start3A_190, %dma_start3A_199] : memref<2x16384xf32, #tpu.memory_space<vmem>> -> memref<1x4096xf32, #tpu.memory_space<vmem>>
      %dma_start3A_201 = tpu.memref_squeeze %dma_start3A_200 : memref<1x4096xf32, #tpu.memory_space<vmem>> -> memref<4096xf32, #tpu.memory_space<vmem>>
      tpu.enqueue_dma source(%dma_start3A_201 : memref<4096xf32, #tpu.memory_space<vmem>>) target(%dma_start3A_198 : memref<4096xf32, #tpu.memory_space<hbm>>) target_semaphore(%arg10 : memref<!tpu.dma_semaphore, #tpu.memory_space<semaphore_mem>>)
      %mul3A_202 = arith.constant 1024 : i32
      %mul3A_203 = arith.muli %rem3A_185, %mul3A_202 : i32
      %dma_start3A_204 = arith.constant 0 : i32
      %dma_start3A_205 = arith.constant 1 : i32
      %dma_start3A_206 = arith.constant 4096 : i32
      %dma_start3A_207 = tpu.memref_slice %arg7[%dma_start3A_204, %dma_start3A_206] : memref<2x16384xf32, #tpu.memory_space<vmem>> -> memref<1x4096xf32, #tpu.memory_space<vmem>>
      %dma_start3A_208 = tpu.memref_squeeze %dma_start3A_207 : memref<1x4096xf32, #tpu.memory_space<vmem>> -> memref<4096xf32, #tpu.memory_space<vmem>>
      %dma_start3A_209 = tpu.memref_slice %arg4[%select_n3A, %dma_start3A_205, %mul3A_203] : memref<200x4x32768xf32, #tpu.memory_space<hbm>> -> memref<1x1x4096xf32, #tpu.memory_space<hbm>>
      %dma_start3A_210 = tpu.memref_squeeze %dma_start3A_209 : memref<1x1x4096xf32, #tpu.memory_space<hbm>> -> memref<4096xf32, #tpu.memory_space<hbm>>
      %dma_start3A_211 = tpu.memref_slice %arg4[%select_n3A, %dma_start3A_205, %mul3A_203] : memref<200x4x32768xf32, #tpu.memory_space<hbm>> -> memref<1x1x4096xf32, #tpu.memory_space<hbm>>
      %dma_start3A_212 = tpu.memref_squeeze %dma_start3A_211 : memref<1x1x4096xf32, #tpu.memory_space<hbm>> -> memref<4096xf32, #tpu.memory_space<hbm>>
      %dma_start3A_213 = arith.constant 4096 : i32
      %dma_start3A_214 = tpu.memref_slice %arg7[%dma_start3A_204, %dma_start3A_213] : memref<2x16384xf32, #tpu.memory_space<vmem>> -> memref<1x4096xf32, #tpu.memory_space<vmem>>
      %dma_start3A_215 = tpu.memref_squeeze %dma_start3A_214 : memref<1x4096xf32, #tpu.memory_space<vmem>> -> memref<4096xf32, #tpu.memory_space<vmem>>
      tpu.enqueue_dma source(%dma_start3A_215 : memref<4096xf32, #tpu.memory_space<vmem>>) target(%dma_start3A_212 : memref<4096xf32, #tpu.memory_space<hbm>>) target_semaphore(%arg10 : memref<!tpu.dma_semaphore, #tpu.memory_space<semaphore_mem>>)
      %mul3A_216 = arith.constant 1024 : i32
      %mul3A_217 = arith.muli %rem3A_185, %mul3A_216 : i32
      %dma_start3A_218 = arith.constant 0 : i32
      %dma_start3A_219 = arith.constant 2 : i32
      %dma_start3A_220 = arith.constant 8192 : i32
      %dma_start3A_221 = tpu.memref_slice %arg7[%dma_start3A_218, %dma_start3A_220] : memref<2x16384xf32, #tpu.memory_space<vmem>> -> memref<1x4096xf32, #tpu.memory_space<vmem>>
      %dma_start3A_222 = tpu.memref_squeeze %dma_start3A_221 : memref<1x4096xf32, #tpu.memory_space<vmem>> -> memref<4096xf32, #tpu.memory_space<vmem>>
      %dma_start3A_223 = tpu.memref_slice %arg4[%select_n3A, %dma_start3A_219, %mul3A_217] : memref<200x4x32768xf32, #tpu.memory_space<hbm>> -> memref<1x1x4096xf32, #tpu.memory_space<hbm>>
      %dma_start3A_224 = tpu.memref_squeeze %dma_start3A_223 : memref<1x1x4096xf32, #tpu.memory_space<hbm>> -> memref<4096xf32, #tpu.memory_space<hbm>>
      %dma_start3A_225 = tpu.memref_slice %arg4[%select_n3A, %dma_start3A_219, %mul3A_217] : memref<200x4x32768xf32, #tpu.memory_space<hbm>> -> memref<1x1x4096xf32, #tpu.memory_space<hbm>>
      %dma_start3A_226 = tpu.memref_squeeze %dma_start3A_225 : memref<1x1x4096xf32, #tpu.memory_space<hbm>> -> memref<4096xf32, #tpu.memory_space<hbm>>
      %dma_start3A_227 = arith.constant 8192 : i32
      %dma_start3A_228 = tpu.memref_slice %arg7[%dma_start3A_218, %dma_start3A_227] : memref<2x16384xf32, #tpu.memory_space<vmem>> -> memref<1x4096xf32, #tpu.memory_space<vmem>>
      %dma_start3A_229 = tpu.memref_squeeze %dma_start3A_228 : memref<1x4096xf32, #tpu.memory_space<vmem>> -> memref<4096xf32, #tpu.memory_space<vmem>>
      tpu.enqueue_dma source(%dma_start3A_229 : memref<4096xf32, #tpu.memory_space<vmem>>) target(%dma_start3A_226 : memref<4096xf32, #tpu.memory_space<hbm>>) target_semaphore(%arg10 : memref<!tpu.dma_semaphore, #tpu.memory_space<semaphore_mem>>)
      %mul3A_230 = arith.constant 1024 : i32
      %mul3A_231 = arith.muli %rem3A_185, %mul3A_230 : i32
      %dma_start3A_232 = arith.constant 0 : i32
      %dma_start3A_233 = arith.constant 3 : i32
      %dma_start3A_234 = arith.constant 12288 : i32
      %dma_start3A_235 = tpu.memref_slice %arg7[%dma_start3A_232, %dma_start3A_234] : memref<2x16384xf32, #tpu.memory_space<vmem>> -> memref<1x4096xf32, #tpu.memory_space<vmem>>
      %dma_start3A_236 = tpu.memref_squeeze %dma_start3A_235 : memref<1x4096xf32, #tpu.memory_space<vmem>> -> memref<4096xf32, #tpu.memory_space<vmem>>
      %dma_start3A_237 = tpu.memref_slice %arg4[%select_n3A, %dma_start3A_233, %mul3A_231] : memref<200x4x32768xf32, #tpu.memory_space<hbm>> -> memref<1x1x4096xf32, #tpu.memory_space<hbm>>
      %dma_start3A_238 = tpu.memref_squeeze %dma_start3A_237 : memref<1x1x4096xf32, #tpu.memory_space<hbm>> -> memref<4096xf32, #tpu.memory_space<hbm>>
      %dma_start3A_239 = tpu.memref_slice %arg4[%select_n3A, %dma_start3A_233, %mul3A_231] : memref<200x4x32768xf32, #tpu.memory_space<hbm>> -> memref<1x1x4096xf32, #tpu.memory_space<hbm>>
      %dma_start3A_240 = tpu.memref_squeeze %dma_start3A_239 : memref<1x1x4096xf32, #tpu.memory_space<hbm>> -> memref<4096xf32, #tpu.memory_space<hbm>>
      %dma_start3A_241 = arith.constant 12288 : i32
      %dma_start3A_242 = tpu.memref_slice %arg7[%dma_start3A_232, %dma_start3A_241] : memref<2x16384xf32, #tpu.memory_space<vmem>> -> memref<1x4096xf32, #tpu.memory_space<vmem>>
      %dma_start3A_243 = tpu.memref_squeeze %dma_start3A_242 : memref<1x4096xf32, #tpu.memory_space<vmem>> -> memref<4096xf32, #tpu.memory_space<vmem>>
      tpu.enqueue_dma source(%dma_start3A_243 : memref<4096xf32, #tpu.memory_space<vmem>>) target(%dma_start3A_240 : memref<4096xf32, #tpu.memory_space<hbm>>) target_semaphore(%arg10 : memref<!tpu.dma_semaphore, #tpu.memory_space<semaphore_mem>>)
      %mul3A_244 = arith.constant 2 : i32
      %mul3A_245 = arith.muli %mul3A_244, %scan3A_142 : i32
      %add3A_246 = arith.constant 1 : i32
      %add3A_247 = arith.addi %mul3A_245, %add3A_246 : i32
      %dma_wait3A_248 = arith.constant 1 : i32
      %dma_wait3A_249 = arith.constant 1 : i32
      %dma_wait3A_250 = arith.constant 0 : i32
      %dma_wait3A_251 = arith.constant 0 : i32
      %dma_wait3A_252 = tpu.memref_slice %arg6[%dma_wait3A_249, %dma_wait3A_250, %dma_wait3A_251] : memref<2x512x40xf32, #tpu.memory_space<vmem>> -> memref<1x512x40xf32, #tpu.memory_space<vmem>>
      %dma_wait3A_253 = tpu.memref_squeeze %dma_wait3A_252 : memref<1x512x40xf32, #tpu.memory_space<vmem>> -> memref<512x40xf32, #tpu.memory_space<vmem>>
      %dma_wait3A_254 = arith.constant 0 : i32
      %dma_wait3A_255 = tpu.memref_slice %arg5[%dma_wait3A_248, %dma_wait3A_254] : memref<2x512xi32, #tpu.memory_space<vmem>> -> memref<1x512xi32, #tpu.memory_space<vmem>>
      %dma_wait3A_256 = tpu.memref_squeeze %dma_wait3A_255 : memref<1x512xi32, #tpu.memory_space<vmem>> -> memref<512xi32, #tpu.memory_space<vmem>>
      %dma_wait3A_257 = arith.constant 0 : i32
      %dma_wait3A_258 = arith.constant 0 : i32
      %dma_wait3A_259 = tpu.memref_slice %arg2[%dma_wait3A_257, %dma_wait3A_258] : memref<1000000x40xf32, #tpu.memory_space<hbm>> -> memref<1000000x40xf32, #tpu.memory_space<hbm>>
      tpu.wait_indirect_dma semaphore(%arg9 : memref<!tpu.dma_semaphore, #tpu.memory_space<semaphore_mem>>) src(%dma_wait3A_259 : memref<1000000x40xf32, #tpu.memory_space<hbm>>) dst(%dma_wait3A_253 : memref<512x40xf32, #tpu.memory_space<vmem>>)
      %add3A_260 = arith.constant 1 : i32
      %add3A_261 = arith.addi %add3A_247, %add3A_260 : i32
      %lt3A_262 = arith.constant 50 : i32
      %lt3A_263 = arith.cmpi slt, %add3A_261, %lt3A_262 : i32
      %convert_element_type3A_264 = arith.extui %lt3A_263 : i1 to i32
      %cond3A_265 = arith.constant 0 : i32
      %cond3A_266 = arith.cmpi ne, %convert_element_type3A_264, %cond3A_265 : i32
      scf.if %cond3A_266 {
        %mul3A_360 = arith.constant 4 : i32
        %mul3A_361 = arith.muli %mul3A_360, %add3A_261 : i32
        %add3A_362 = arith.addi %mul3A_2, %mul3A_361 : i32
        %mul3A_363 = arith.constant 128 : i32
        %mul3A_364 = arith.muli %add3A_362, %mul3A_363 : i32
        %run_scoped3A_365 = arith.constant 0 : i32
        "tpu.region"() ({
          %run_scoped3A_378 = tpu.sem_alloc : memref<!tpu.dma_semaphore, #tpu.memory_space<semaphore_mem>>
          %dma_start3A_379 = arith.constant 0 : i32
          %dma_start3A_380 = tpu.memref_slice %arg5[%run_scoped3A_365, %dma_start3A_379] : memref<2x512xi32, #tpu.memory_space<vmem>> -> memref<1x512xi32, #tpu.memory_space<vmem>>
          %dma_start3A_381 = tpu.memref_squeeze %dma_start3A_380 : memref<1x512xi32, #tpu.memory_space<vmem>> -> memref<512xi32, #tpu.memory_space<vmem>>
          %dma_start3A_382 = tpu.memref_slice %arg3[%mul3A_364] : memref<819200xi32, #tpu.memory_space<hbm>> -> memref<512xi32, #tpu.memory_space<hbm>>
          %dma_start3A_383 = arith.constant 0 : i32
          %dma_start3A_384 = tpu.memref_slice %arg5[%run_scoped3A_365, %dma_start3A_383] : memref<2x512xi32, #tpu.memory_space<vmem>> -> memref<1x512xi32, #tpu.memory_space<vmem>>
          %dma_start3A_385 = tpu.memref_squeeze %dma_start3A_384 : memref<1x512xi32, #tpu.memory_space<vmem>> -> memref<512xi32, #tpu.memory_space<vmem>>
          %dma_start3A_386 = tpu.memref_slice %arg3[%mul3A_364] : memref<819200xi32, #tpu.memory_space<hbm>> -> memref<512xi32, #tpu.memory_space<hbm>>
          tpu.enqueue_dma source(%dma_start3A_386 : memref<512xi32, #tpu.memory_space<hbm>>) target(%dma_start3A_385 : memref<512xi32, #tpu.memory_space<vmem>>) target_semaphore(%run_scoped3A_378 : memref<!tpu.dma_semaphore, #tpu.memory_space<semaphore_mem>>)
          %dma_wait3A_387 = arith.constant 0 : i32
          %dma_wait3A_388 = tpu.memref_slice %arg5[%run_scoped3A_365, %dma_wait3A_387] : memref<2x512xi32, #tpu.memory_space<vmem>> -> memref<1x512xi32, #tpu.memory_space<vmem>>
          %dma_wait3A_389 = tpu.memref_squeeze %dma_wait3A_388 : memref<1x512xi32, #tpu.memory_space<vmem>> -> memref<512xi32, #tpu.memory_space<vmem>>
          %dma_wait3A_390 = tpu.memref_slice %arg3[%mul3A_364] : memref<819200xi32, #tpu.memory_space<hbm>> -> memref<512xi32, #tpu.memory_space<hbm>>
          %dma_wait3A_391 = arith.constant 0 : i32
          %dma_wait3A_392 = tpu.memref_slice %arg5[%run_scoped3A_365, %dma_wait3A_391] : memref<2x512xi32, #tpu.memory_space<vmem>> -> memref<1x512xi32, #tpu.memory_space<vmem>>
          %dma_wait3A_393 = tpu.memref_squeeze %dma_wait3A_392 : memref<1x512xi32, #tpu.memory_space<vmem>> -> memref<512xi32, #tpu.memory_space<vmem>>
          %dma_wait3A_394 = tpu.memref_slice %arg3[%mul3A_364] : memref<819200xi32, #tpu.memory_space<hbm>> -> memref<512xi32, #tpu.memory_space<hbm>>
          tpu.wait_dma2 semaphore(%run_scoped3A_378 : memref<!tpu.dma_semaphore, #tpu.memory_space<semaphore_mem>>) src(%dma_wait3A_394 : memref<512xi32, #tpu.memory_space<hbm>>) dst(%dma_wait3A_393 : memref<512xi32, #tpu.memory_space<vmem>>)
          tpu.yield
        }) : () -> ()
        %dma_start3A_366 = arith.constant 0 : i32
        %dma_start3A_367 = arith.constant 0 : i32
        %dma_start3A_368 = arith.constant 0 : i32
        %dma_start3A_369 = arith.constant 0 : i32
        %dma_start3A_370 = tpu.memref_slice %arg6[%dma_start3A_367, %dma_start3A_368, %dma_start3A_369] : memref<2x512x40xf32, #tpu.memory_space<vmem>> -> memref<1x512x40xf32, #tpu.memory_space<vmem>>
        %dma_start3A_371 = tpu.memref_squeeze %dma_start3A_370 : memref<1x512x40xf32, #tpu.memory_space<vmem>> -> memref<512x40xf32, #tpu.memory_space<vmem>>
        %dma_start3A_372 = arith.constant 0 : i32
        %dma_start3A_373 = tpu.memref_slice %arg5[%dma_start3A_366, %dma_start3A_372] : memref<2x512xi32, #tpu.memory_space<vmem>> -> memref<1x512xi32, #tpu.memory_space<vmem>>
        %dma_start3A_374 = tpu.memref_squeeze %dma_start3A_373 : memref<1x512xi32, #tpu.memory_space<vmem>> -> memref<512xi32, #tpu.memory_space<vmem>>
        %dma_start3A_375 = arith.constant 0 : i32
        %dma_start3A_376 = arith.constant 0 : i32
        %dma_start3A_377 = tpu.memref_slice %arg2[%dma_start3A_375, %dma_start3A_376] : memref<1000000x40xf32, #tpu.memory_space<hbm>> -> memref<1000000x40xf32, #tpu.memory_space<hbm>>
        tpu.enqueue_indirect_dma source(%dma_start3A_377 : memref<1000000x40xf32, #tpu.memory_space<hbm>>) target(%dma_start3A_371 : memref<512x40xf32, #tpu.memory_space<vmem>>) offsets(%dma_start3A_374 : memref<512xi32, #tpu.memory_space<vmem>>) semaphore(%arg8 : memref<!tpu.dma_semaphore, #tpu.memory_space<semaphore_mem>>)
      } else {
      }
      %ge3A_267 = arith.constant 2 : i32
      %ge3A_268 = arith.cmpi sge, %add3A_247, %ge3A_267 : i32
      %convert_element_type3A_269 = arith.extui %ge3A_268 : i1 to i32
      %cond3A_270 = arith.constant 0 : i32
      %cond3A_271 = arith.cmpi ne, %convert_element_type3A_269, %cond3A_270 : i32
      scf.if %cond3A_271 {
        %dma_wait3A_360 = arith.constant 1 : i32
        %dma_wait3A_361 = arith.constant 0 : i32
        %dma_wait3A_362 = arith.constant 0 : i32
        %dma_wait3A_363 = arith.constant 0 : i32
        %dma_wait3A_364 = tpu.memref_slice %arg7[%dma_wait3A_360, %dma_wait3A_363] : memref<2x16384xf32, #tpu.memory_space<vmem>> -> memref<1x4096xf32, #tpu.memory_space<vmem>>
        %dma_wait3A_365 = tpu.memref_squeeze %dma_wait3A_364 : memref<1x4096xf32, #tpu.memory_space<vmem>> -> memref<4096xf32, #tpu.memory_space<vmem>>
        %dma_wait3A_366 = arith.constant 0 : i32
        %dma_wait3A_367 = tpu.memref_slice %arg4[%dma_wait3A_361, %dma_wait3A_362, %dma_wait3A_366] : memref<200x4x32768xf32, #tpu.memory_space<hbm>> -> memref<1x1x4096xf32, #tpu.memory_space<hbm>>
        %dma_wait3A_368 = tpu.memref_squeeze %dma_wait3A_367 : memref<1x1x4096xf32, #tpu.memory_space<hbm>> -> memref<4096xf32, #tpu.memory_space<hbm>>
        %dma_wait3A_369 = arith.constant 0 : i32
        %dma_wait3A_370 = tpu.memref_slice %arg4[%dma_wait3A_361, %dma_wait3A_362, %dma_wait3A_369] : memref<200x4x32768xf32, #tpu.memory_space<hbm>> -> memref<1x1x4096xf32, #tpu.memory_space<hbm>>
        %dma_wait3A_371 = tpu.memref_squeeze %dma_wait3A_370 : memref<1x1x4096xf32, #tpu.memory_space<hbm>> -> memref<4096xf32, #tpu.memory_space<hbm>>
        %dma_wait3A_372 = arith.constant 0 : i32
        %dma_wait3A_373 = tpu.memref_slice %arg7[%dma_wait3A_360, %dma_wait3A_372] : memref<2x16384xf32, #tpu.memory_space<vmem>> -> memref<1x4096xf32, #tpu.memory_space<vmem>>
        %dma_wait3A_374 = tpu.memref_squeeze %dma_wait3A_373 : memref<1x4096xf32, #tpu.memory_space<vmem>> -> memref<4096xf32, #tpu.memory_space<vmem>>
        tpu.wait_dma2 semaphore(%arg11 : memref<!tpu.dma_semaphore, #tpu.memory_space<semaphore_mem>>) src(%dma_wait3A_374 : memref<4096xf32, #tpu.memory_space<vmem>>) dst(%dma_wait3A_371 : memref<4096xf32, #tpu.memory_space<hbm>>)
        %dma_wait3A_375 = arith.constant 1 : i32
        %dma_wait3A_376 = arith.constant 0 : i32
        %dma_wait3A_377 = arith.constant 1 : i32
        %dma_wait3A_378 = arith.constant 4096 : i32
        %dma_wait3A_379 = tpu.memref_slice %arg7[%dma_wait3A_375, %dma_wait3A_378] : memref<2x16384xf32, #tpu.memory_space<vmem>> -> memref<1x4096xf32, #tpu.memory_space<vmem>>
        %dma_wait3A_380 = tpu.memref_squeeze %dma_wait3A_379 : memref<1x4096xf32, #tpu.memory_space<vmem>> -> memref<4096xf32, #tpu.memory_space<vmem>>
        %dma_wait3A_381 = arith.constant 0 : i32
        %dma_wait3A_382 = tpu.memref_slice %arg4[%dma_wait3A_376, %dma_wait3A_377, %dma_wait3A_381] : memref<200x4x32768xf32, #tpu.memory_space<hbm>> -> memref<1x1x4096xf32, #tpu.memory_space<hbm>>
        %dma_wait3A_383 = tpu.memref_squeeze %dma_wait3A_382 : memref<1x1x4096xf32, #tpu.memory_space<hbm>> -> memref<4096xf32, #tpu.memory_space<hbm>>
        %dma_wait3A_384 = arith.constant 0 : i32
        %dma_wait3A_385 = tpu.memref_slice %arg4[%dma_wait3A_376, %dma_wait3A_377, %dma_wait3A_384] : memref<200x4x32768xf32, #tpu.memory_space<hbm>> -> memref<1x1x4096xf32, #tpu.memory_space<hbm>>
        %dma_wait3A_386 = tpu.memref_squeeze %dma_wait3A_385 : memref<1x1x4096xf32, #tpu.memory_space<hbm>> -> memref<4096xf32, #tpu.memory_space<hbm>>
        %dma_wait3A_387 = arith.constant 4096 : i32
        %dma_wait3A_388 = tpu.memref_slice %arg7[%dma_wait3A_375, %dma_wait3A_387] : memref<2x16384xf32, #tpu.memory_space<vmem>> -> memref<1x4096xf32, #tpu.memory_space<vmem>>
        %dma_wait3A_389 = tpu.memref_squeeze %dma_wait3A_388 : memref<1x4096xf32, #tpu.memory_space<vmem>> -> memref<4096xf32, #tpu.memory_space<vmem>>
        tpu.wait_dma2 semaphore(%arg11 : memref<!tpu.dma_semaphore, #tpu.memory_space<semaphore_mem>>) src(%dma_wait3A_389 : memref<4096xf32, #tpu.memory_space<vmem>>) dst(%dma_wait3A_386 : memref<4096xf32, #tpu.memory_space<hbm>>)
        %dma_wait3A_390 = arith.constant 1 : i32
        %dma_wait3A_391 = arith.constant 0 : i32
        %dma_wait3A_392 = arith.constant 2 : i32
        %dma_wait3A_393 = arith.constant 8192 : i32
        %dma_wait3A_394 = tpu.memref_slice %arg7[%dma_wait3A_390, %dma_wait3A_393] : memref<2x16384xf32, #tpu.memory_space<vmem>> -> memref<1x4096xf32, #tpu.memory_space<vmem>>
        %dma_wait3A_395 = tpu.memref_squeeze %dma_wait3A_394 : memref<1x4096xf32, #tpu.memory_space<vmem>> -> memref<4096xf32, #tpu.memory_space<vmem>>
        %dma_wait3A_396 = arith.constant 0 : i32
        %dma_wait3A_397 = tpu.memref_slice %arg4[%dma_wait3A_391, %dma_wait3A_392, %dma_wait3A_396] : memref<200x4x32768xf32, #tpu.memory_space<hbm>> -> memref<1x1x4096xf32, #tpu.memory_space<hbm>>
        %dma_wait3A_398 = tpu.memref_squeeze %dma_wait3A_397 : memref<1x1x4096xf32, #tpu.memory_space<hbm>> -> memref<4096xf32, #tpu.memory_space<hbm>>
        %dma_wait3A_399 = arith.constant 0 : i32
        %dma_wait3A_400 = tpu.memref_slice %arg4[%dma_wait3A_391, %dma_wait3A_392, %dma_wait3A_399] : memref<200x4x32768xf32, #tpu.memory_space<hbm>> -> memref<1x1x4096xf32, #tpu.memory_space<hbm>>
        %dma_wait3A_401 = tpu.memref_squeeze %dma_wait3A_400 : memref<1x1x4096xf32, #tpu.memory_space<hbm>> -> memref<4096xf32, #tpu.memory_space<hbm>>
        %dma_wait3A_402 = arith.constant 8192 : i32
        %dma_wait3A_403 = tpu.memref_slice %arg7[%dma_wait3A_390, %dma_wait3A_402] : memref<2x16384xf32, #tpu.memory_space<vmem>> -> memref<1x4096xf32, #tpu.memory_space<vmem>>
        %dma_wait3A_404 = tpu.memref_squeeze %dma_wait3A_403 : memref<1x4096xf32, #tpu.memory_space<vmem>> -> memref<4096xf32, #tpu.memory_space<vmem>>
        tpu.wait_dma2 semaphore(%arg11 : memref<!tpu.dma_semaphore, #tpu.memory_space<semaphore_mem>>) src(%dma_wait3A_404 : memref<4096xf32, #tpu.memory_space<vmem>>) dst(%dma_wait3A_401 : memref<4096xf32, #tpu.memory_space<hbm>>)
        %dma_wait3A_405 = arith.constant 1 : i32
        %dma_wait3A_406 = arith.constant 0 : i32
        %dma_wait3A_407 = arith.constant 3 : i32
        %dma_wait3A_408 = arith.constant 12288 : i32
        %dma_wait3A_409 = tpu.memref_slice %arg7[%dma_wait3A_405, %dma_wait3A_408] : memref<2x16384xf32, #tpu.memory_space<vmem>> -> memref<1x4096xf32, #tpu.memory_space<vmem>>
        %dma_wait3A_410 = tpu.memref_squeeze %dma_wait3A_409 : memref<1x4096xf32, #tpu.memory_space<vmem>> -> memref<4096xf32, #tpu.memory_space<vmem>>
        %dma_wait3A_411 = arith.constant 0 : i32
        %dma_wait3A_412 = tpu.memref_slice %arg4[%dma_wait3A_406, %dma_wait3A_407, %dma_wait3A_411] : memref<200x4x32768xf32, #tpu.memory_space<hbm>> -> memref<1x1x4096xf32, #tpu.memory_space<hbm>>
        %dma_wait3A_413 = tpu.memref_squeeze %dma_wait3A_412 : memref<1x1x4096xf32, #tpu.memory_space<hbm>> -> memref<4096xf32, #tpu.memory_space<hbm>>
        %dma_wait3A_414 = arith.constant 0 : i32
        %dma_wait3A_415 = tpu.memref_slice %arg4[%dma_wait3A_406, %dma_wait3A_407, %dma_wait3A_414] : memref<200x4x32768xf32, #tpu.memory_space<hbm>> -> memref<1x1x4096xf32, #tpu.memory_space<hbm>>
        %dma_wait3A_416 = tpu.memref_squeeze %dma_wait3A_415 : memref<1x1x4096xf32, #tpu.memory_space<hbm>> -> memref<4096xf32, #tpu.memory_space<hbm>>
        %dma_wait3A_417 = arith.constant 12288 : i32
        %dma_wait3A_418 = tpu.memref_slice %arg7[%dma_wait3A_405, %dma_wait3A_417] : memref<2x16384xf32, #tpu.memory_space<vmem>> -> memref<1x4096xf32, #tpu.memory_space<vmem>>
        %dma_wait3A_419 = tpu.memref_squeeze %dma_wait3A_418 : memref<1x4096xf32, #tpu.memory_space<vmem>> -> memref<4096xf32, #tpu.memory_space<vmem>>
        tpu.wait_dma2 semaphore(%arg11 : memref<!tpu.dma_semaphore, #tpu.memory_space<semaphore_mem>>) src(%dma_wait3A_419 : memref<4096xf32, #tpu.memory_space<vmem>>) dst(%dma_wait3A_416 : memref<4096xf32, #tpu.memory_space<hbm>>)
      } else {
      }
      %mul3A_272 = arith.constant 4 : i32
      %mul3A_273 = arith.muli %mul3A_272, %add3A_247 : i32
      %add3A_274 = arith.addi %mul3A_2, %mul3A_273 : i32
      %jit3A_275 = arith.constant 32 : i32
      %div3A_276 = arith.divsi %add3A_274, %jit3A_275 : i32
      %sign3A_277 = arith.constant 0 : i32
      %sign3A_278 = arith.cmpi sgt, %add3A_274, %sign3A_277 : i32
      %sign3A_279 = arith.extui %sign3A_278 : i1 to i32
      %sign3A_280 = arith.constant 0 : i32
      %sign3A_281 = arith.cmpi slt, %add3A_274, %sign3A_280 : i32
      %sign3A_282 = arith.extui %sign3A_281 : i1 to i32
      %sign3A_283 = arith.subi %sign3A_279, %sign3A_282 : i32
      %sign3A_284 = arith.constant 0 : i32
      %sign3A_285 = arith.cmpi sgt, %jit3A_275, %sign3A_284 : i32
      %sign3A_286 = arith.extui %sign3A_285 : i1 to i32
      %sign3A_287 = arith.constant 0 : i32
      %sign3A_288 = arith.cmpi slt, %jit3A_275, %sign3A_287 : i32
      %sign3A_289 = arith.extui %sign3A_288 : i1 to i32
      %sign3A_290 = arith.subi %sign3A_286, %sign3A_289 : i32
      %ne3A_291 = arith.cmpi ne, %sign3A_283, %sign3A_290 : i32
      %rem3A_292 = arith.remsi %add3A_274, %jit3A_275 : i32
      %ne3A_293 = arith.constant 0 : i32
      %ne3A_294 = arith.cmpi ne, %rem3A_292, %ne3A_293 : i32
      %and3A_295 = arith.andi %ne3A_291, %ne3A_294 : i1
      %sub3A_296 = arith.constant 1 : i32
      %sub3A_297 = arith.subi %div3A_276, %sub3A_296 : i32
      %select_n3A_298 = arith.select %and3A_295, %sub3A_297, %div3A_276 : i32
      %rem3A_299 = arith.constant 32 : i32
      %rem3A_300 = arith.remsi %add3A_274, %rem3A_299 : i32
      %parallel_loop3A_301 = arith.constant 0 : i32
      %parallel_loop3A_302 = arith.constant 1024 : i32
      %parallel_loop3A_303 = arith.constant 1 : i32
      scf.for %parallel_loop3A_360 = %parallel_loop3A_301 to %parallel_loop3A_302 step %parallel_loop3A_303  : i32 {
        %parallel_loop3A_361 = arith.constant 15 : i32
        %parallel_loop3A_362 = arith.andi %parallel_loop3A_360, %parallel_loop3A_361 : i32
        %parallel_loop3A_363 = arith.constant 4 : i32
        %parallel_loop3A_364 = arith.shrsi %parallel_loop3A_360, %parallel_loop3A_363 : i32
        %parallel_loop3A_365 = arith.constant 1 : i32
        %parallel_loop3A_366 = arith.andi %parallel_loop3A_364, %parallel_loop3A_365 : i32
        %parallel_loop3A_367 = arith.constant 5 : i32
        %parallel_loop3A_368 = arith.shrsi %parallel_loop3A_360, %parallel_loop3A_367 : i32
        %parallel_loop3A_369 = arith.constant 7 : i32
        %parallel_loop3A_370 = arith.andi %parallel_loop3A_368, %parallel_loop3A_369 : i32
        %parallel_loop3A_371 = arith.constant 16 : i32
        %parallel_loop3A_372 = arith.muli %parallel_loop3A_370, %parallel_loop3A_371 : i32
        %parallel_loop3A_373 = arith.constant 8 : i32
        %parallel_loop3A_374 = arith.shrsi %parallel_loop3A_360, %parallel_loop3A_373 : i32
        %parallel_loop3A_375 = vector.broadcast %parallel_loop3A_362 : i32 to vector<16xi32>
        %parallel_loop3A_376 = arith.addi %iota3A, %parallel_loop3A_375 : vector<16xi32>
        %parallel_loop3A_377 = arith.constant 15 : i32
        %parallel_loop3A_378 = vector.broadcast %parallel_loop3A_377 : i32 to vector<16xi32>
        %parallel_loop3A_379 = arith.andi %parallel_loop3A_376, %parallel_loop3A_378 : vector<16xi32>
        %parallel_loop3A_380 = arith.constant 16 : i32
        %parallel_loop3A_381 = arith.muli %parallel_loop3A_366, %parallel_loop3A_380 : i32
        %parallel_loop3A_382 = vector.broadcast %parallel_loop3A_381 : i32 to vector<16xi32>
        %parallel_loop3A_383 = arith.addi %parallel_loop3A_379, %parallel_loop3A_382 : vector<16xi32>
        %parallel_loop3A_384 = arith.constant 128 : i32
        %parallel_loop3A_385 = arith.muli %parallel_loop3A_374, %parallel_loop3A_384 : i32
        %parallel_loop3A_386 = arith.addi %parallel_loop3A_385, %parallel_loop3A_372 : i32
        %parallel_loop3A_387 = vector.broadcast %parallel_loop3A_386 : i32 to vector<16xi32>
        %parallel_loop3A_388 = arith.addi %parallel_loop3A_387, %iota3A : vector<16xi32>
        %parallel_loop3A_389 = arith.constant 1 : i32
        %parallel_loop3A_390 = arith.constant 0 : i32
        %parallel_loop3A_391 = arith.constant 0 : i32
        %parallel_loop3A_392 = tpu.memref_slice %arg6[%parallel_loop3A_389, %parallel_loop3A_390, %parallel_loop3A_391] : memref<2x512x40xf32, #tpu.memory_space<vmem>> -> memref<1x512x40xf32, #tpu.memory_space<vmem>>
        %parallel_loop3A_393 = tpu.memref_squeeze %parallel_loop3A_392 : memref<1x512x40xf32, #tpu.memory_space<vmem>> -> memref<512x40xf32, #tpu.memory_space<vmem>>
        %parallel_loop3A_394 = tpu.vector_load_idx %parallel_loop3A_393[%parallel_loop3A_388, %parallel_loop3A_383] : memref<512x40xf32, #tpu.memory_space<vmem>>[vector<16xi32>, vector<16xi32>], vector<16xf32>,
        %parallel_loop3A_395 = arith.constant 3 : i32
        %parallel_loop3A_396 = vector.broadcast %parallel_loop3A_395 : i32 to vector<16xi32>
        %parallel_loop3A_397 = arith.shrsi %parallel_loop3A_383, %parallel_loop3A_396 : vector<16xi32>
        %parallel_loop3A_398 = arith.constant 4096 : i32
        %parallel_loop3A_399 = vector.broadcast %parallel_loop3A_398 : i32 to vector<16xi32>
        %parallel_loop3A_400 = arith.muli %parallel_loop3A_397, %parallel_loop3A_399 : vector<16xi32>
        %parallel_loop3A_401 = arith.constant 7 : i32
        %parallel_loop3A_402 = vector.broadcast %parallel_loop3A_401 : i32 to vector<16xi32>
        %parallel_loop3A_403 = arith.andi %parallel_loop3A_383, %parallel_loop3A_402 : vector<16xi32>
        %parallel_loop3A_404 = arith.constant 128 : i32
        %parallel_loop3A_405 = vector.broadcast %parallel_loop3A_404 : i32 to vector<16xi32>
        %parallel_loop3A_406 = arith.muli %parallel_loop3A_403, %parallel_loop3A_405 : vector<16xi32>
        %parallel_loop3A_407 = arith.addi %parallel_loop3A_400, %parallel_loop3A_406 : vector<16xi32>
        %parallel_loop3A_408 = arith.constant 1024 : i32
        %parallel_loop3A_409 = arith.muli %parallel_loop3A_374, %parallel_loop3A_408 : i32
        %parallel_loop3A_410 = arith.addi %parallel_loop3A_409, %parallel_loop3A_372 : i32
        %parallel_loop3A_411 = vector.broadcast %parallel_loop3A_410 : i32 to vector<16xi32>
        %parallel_loop3A_412 = arith.addi %parallel_loop3A_407, %parallel_loop3A_411 : vector<16xi32>
        %parallel_loop3A_413 = arith.addi %parallel_loop3A_412, %iota3A : vector<16xi32>
        %parallel_loop3A_414 = arith.constant 1 : i32
        %parallel_loop3A_415 = arith.constant 0 : i32
        %parallel_loop3A_416 = tpu.memref_slice %arg7[%parallel_loop3A_414, %parallel_loop3A_415] : memref<2x16384xf32, #tpu.memory_space<vmem>> -> memref<1x16384xf32, #tpu.memory_space<vmem>>
        %parallel_loop3A_417 = tpu.memref_squeeze %parallel_loop3A_416 : memref<1x16384xf32, #tpu.memory_space<vmem>> -> memref<16384xf32, #tpu.memory_space<vmem>>
        tpu.vector_store_idx %parallel_loop3A_417[%parallel_loop3A_413], %parallel_loop3A_394 : memref<16384xf32, #tpu.memory_space<vmem>>[vector<16xi32>], vector<16xf32>,
      } {sc.loop_unroll_factor = 16 : i64, sc.parallel_access}
      %mul3A_304 = arith.constant 1024 : i32
      %mul3A_305 = arith.muli %rem3A_300, %mul3A_304 : i32
      %dma_start3A_306 = arith.constant 1 : i32
      %dma_start3A_307 = arith.constant 0 : i32
      %dma_start3A_308 = arith.constant 0 : i32
      %dma_start3A_309 = tpu.memref_slice %arg7[%dma_start3A_306, %dma_start3A_308] : memref<2x16384xf32, #tpu.memory_space<vmem>> -> memref<1x4096xf32, #tpu.memory_space<vmem>>
      %dma_start3A_310 = tpu.memref_squeeze %dma_start3A_309 : memref<1x4096xf32, #tpu.memory_space<vmem>> -> memref<4096xf32, #tpu.memory_space<vmem>>
      %dma_start3A_311 = tpu.memref_slice %arg4[%select_n3A_298, %dma_start3A_307, %mul3A_305] : memref<200x4x32768xf32, #tpu.memory_space<hbm>> -> memref<1x1x4096xf32, #tpu.memory_space<hbm>>
      %dma_start3A_312 = tpu.memref_squeeze %dma_start3A_311 : memref<1x1x4096xf32, #tpu.memory_space<hbm>> -> memref<4096xf32, #tpu.memory_space<hbm>>
      %dma_start3A_313 = tpu.memref_slice %arg4[%select_n3A_298, %dma_start3A_307, %mul3A_305] : memref<200x4x32768xf32, #tpu.memory_space<hbm>> -> memref<1x1x4096xf32, #tpu.memory_space<hbm>>
      %dma_start3A_314 = tpu.memref_squeeze %dma_start3A_313 : memref<1x1x4096xf32, #tpu.memory_space<hbm>> -> memref<4096xf32, #tpu.memory_space<hbm>>
      %dma_start3A_315 = arith.constant 0 : i32
      %dma_start3A_316 = tpu.memref_slice %arg7[%dma_start3A_306, %dma_start3A_315] : memref<2x16384xf32, #tpu.memory_space<vmem>> -> memref<1x4096xf32, #tpu.memory_space<vmem>>
      %dma_start3A_317 = tpu.memref_squeeze %dma_start3A_316 : memref<1x4096xf32, #tpu.memory_space<vmem>> -> memref<4096xf32, #tpu.memory_space<vmem>>
      tpu.enqueue_dma source(%dma_start3A_317 : memref<4096xf32, #tpu.memory_space<vmem>>) target(%dma_start3A_314 : memref<4096xf32, #tpu.memory_space<hbm>>) target_semaphore(%arg11 : memref<!tpu.dma_semaphore, #tpu.memory_space<semaphore_mem>>)
      %mul3A_318 = arith.constant 1024 : i32
      %mul3A_319 = arith.muli %rem3A_300, %mul3A_318 : i32
      %dma_start3A_320 = arith.constant 1 : i32
      %dma_start3A_321 = arith.constant 1 : i32
      %dma_start3A_322 = arith.constant 4096 : i32
      %dma_start3A_323 = tpu.memref_slice %arg7[%dma_start3A_320, %dma_start3A_322] : memref<2x16384xf32, #tpu.memory_space<vmem>> -> memref<1x4096xf32, #tpu.memory_space<vmem>>
      %dma_start3A_324 = tpu.memref_squeeze %dma_start3A_323 : memref<1x4096xf32, #tpu.memory_space<vmem>> -> memref<4096xf32, #tpu.memory_space<vmem>>
      %dma_start3A_325 = tpu.memref_slice %arg4[%select_n3A_298, %dma_start3A_321, %mul3A_319] : memref<200x4x32768xf32, #tpu.memory_space<hbm>> -> memref<1x1x4096xf32, #tpu.memory_space<hbm>>
      %dma_start3A_326 = tpu.memref_squeeze %dma_start3A_325 : memref<1x1x4096xf32, #tpu.memory_space<hbm>> -> memref<4096xf32, #tpu.memory_space<hbm>>
      %dma_start3A_327 = tpu.memref_slice %arg4[%select_n3A_298, %dma_start3A_321, %mul3A_319] : memref<200x4x32768xf32, #tpu.memory_space<hbm>> -> memref<1x1x4096xf32, #tpu.memory_space<hbm>>
      %dma_start3A_328 = tpu.memref_squeeze %dma_start3A_327 : memref<1x1x4096xf32, #tpu.memory_space<hbm>> -> memref<4096xf32, #tpu.memory_space<hbm>>
      %dma_start3A_329 = arith.constant 4096 : i32
      %dma_start3A_330 = tpu.memref_slice %arg7[%dma_start3A_320, %dma_start3A_329] : memref<2x16384xf32, #tpu.memory_space<vmem>> -> memref<1x4096xf32, #tpu.memory_space<vmem>>
      %dma_start3A_331 = tpu.memref_squeeze %dma_start3A_330 : memref<1x4096xf32, #tpu.memory_space<vmem>> -> memref<4096xf32, #tpu.memory_space<vmem>>
      tpu.enqueue_dma source(%dma_start3A_331 : memref<4096xf32, #tpu.memory_space<vmem>>) target(%dma_start3A_328 : memref<4096xf32, #tpu.memory_space<hbm>>) target_semaphore(%arg11 : memref<!tpu.dma_semaphore, #tpu.memory_space<semaphore_mem>>)
      %mul3A_332 = arith.constant 1024 : i32
      %mul3A_333 = arith.muli %rem3A_300, %mul3A_332 : i32
      %dma_start3A_334 = arith.constant 1 : i32
      %dma_start3A_335 = arith.constant 2 : i32
      %dma_start3A_336 = arith.constant 8192 : i32
      %dma_start3A_337 = tpu.memref_slice %arg7[%dma_start3A_334, %dma_start3A_336] : memref<2x16384xf32, #tpu.memory_space<vmem>> -> memref<1x4096xf32, #tpu.memory_space<vmem>>
      %dma_start3A_338 = tpu.memref_squeeze %dma_start3A_337 : memref<1x4096xf32, #tpu.memory_space<vmem>> -> memref<4096xf32, #tpu.memory_space<vmem>>
      %dma_start3A_339 = tpu.memref_slice %arg4[%select_n3A_298, %dma_start3A_335, %mul3A_333] : memref<200x4x32768xf32, #tpu.memory_space<hbm>> -> memref<1x1x4096xf32, #tpu.memory_space<hbm>>
      %dma_start3A_340 = tpu.memref_squeeze %dma_start3A_339 : memref<1x1x4096xf32, #tpu.memory_space<hbm>> -> memref<4096xf32, #tpu.memory_space<hbm>>
      %dma_start3A_341 = tpu.memref_slice %arg4[%select_n3A_298, %dma_start3A_335, %mul3A_333] : memref<200x4x32768xf32, #tpu.memory_space<hbm>> -> memref<1x1x4096xf32, #tpu.memory_space<hbm>>
      %dma_start3A_342 = tpu.memref_squeeze %dma_start3A_341 : memref<1x1x4096xf32, #tpu.memory_space<hbm>> -> memref<4096xf32, #tpu.memory_space<hbm>>
      %dma_start3A_343 = arith.constant 8192 : i32
      %dma_start3A_344 = tpu.memref_slice %arg7[%dma_start3A_334, %dma_start3A_343] : memref<2x16384xf32, #tpu.memory_space<vmem>> -> memref<1x4096xf32, #tpu.memory_space<vmem>>
      %dma_start3A_345 = tpu.memref_squeeze %dma_start3A_344 : memref<1x4096xf32, #tpu.memory_space<vmem>> -> memref<4096xf32, #tpu.memory_space<vmem>>
      tpu.enqueue_dma source(%dma_start3A_345 : memref<4096xf32, #tpu.memory_space<vmem>>) target(%dma_start3A_342 : memref<4096xf32, #tpu.memory_space<hbm>>) target_semaphore(%arg11 : memref<!tpu.dma_semaphore, #tpu.memory_space<semaphore_mem>>)
      %mul3A_346 = arith.constant 1024 : i32
      %mul3A_347 = arith.muli %rem3A_300, %mul3A_346 : i32
      %dma_start3A_348 = arith.constant 1 : i32
      %dma_start3A_349 = arith.constant 3 : i32
      %dma_start3A_350 = arith.constant 12288 : i32
      %dma_start3A_351 = tpu.memref_slice %arg7[%dma_start3A_348, %dma_start3A_350] : memref<2x16384xf32, #tpu.memory_space<vmem>> -> memref<1x4096xf32, #tpu.memory_space<vmem>>
      %dma_start3A_352 = tpu.memref_squeeze %dma_start3A_351 : memref<1x4096xf32, #tpu.memory_space<vmem>> -> memref<4096xf32, #tpu.memory_space<vmem>>
      %dma_start3A_353 = tpu.memref_slice %arg4[%select_n3A_298, %dma_start3A_349, %mul3A_347] : memref<200x4x32768xf32, #tpu.memory_space<hbm>> -> memref<1x1x4096xf32, #tpu.memory_space<hbm>>
      %dma_start3A_354 = tpu.memref_squeeze %dma_start3A_353 : memref<1x1x4096xf32, #tpu.memory_space<hbm>> -> memref<4096xf32, #tpu.memory_space<hbm>>
      %dma_start3A_355 = tpu.memref_slice %arg4[%select_n3A_298, %dma_start3A_349, %mul3A_347] : memref<200x4x32768xf32, #tpu.memory_space<hbm>> -> memref<1x1x4096xf32, #tpu.memory_space<hbm>>
      %dma_start3A_356 = tpu.memref_squeeze %dma_start3A_355 : memref<1x1x4096xf32, #tpu.memory_space<hbm>> -> memref<4096xf32, #tpu.memory_space<hbm>>
      %dma_start3A_357 = arith.constant 12288 : i32
      %dma_start3A_358 = tpu.memref_slice %arg7[%dma_start3A_348, %dma_start3A_357] : memref<2x16384xf32, #tpu.memory_space<vmem>> -> memref<1x4096xf32, #tpu.memory_space<vmem>>
      %dma_start3A_359 = tpu.memref_squeeze %dma_start3A_358 : memref<1x4096xf32, #tpu.memory_space<vmem>> -> memref<4096xf32, #tpu.memory_space<vmem>>
      tpu.enqueue_dma source(%dma_start3A_359 : memref<4096xf32, #tpu.memory_space<vmem>>) target(%dma_start3A_356 : memref<4096xf32, #tpu.memory_space<hbm>>) target_semaphore(%arg11 : memref<!tpu.dma_semaphore, #tpu.memory_space<semaphore_mem>>)
    }
    %scan3A_22 = arith.constant 25 : i32
    %dma_wait3A = arith.constant 0 : i32
    %dma_wait3A_23 = arith.constant 0 : i32
    %dma_wait3A_24 = arith.constant 0 : i32
    %dma_wait3A_25 = arith.constant 0 : i32
    %dma_wait3A_26 = tpu.memref_slice %arg7[%dma_wait3A, %dma_wait3A_25] : memref<2x16384xf32, #tpu.memory_space<vmem>> -> memref<1x4096xf32, #tpu.memory_space<vmem>>
    %dma_wait3A_27 = tpu.memref_squeeze %dma_wait3A_26 : memref<1x4096xf32, #tpu.memory_space<vmem>> -> memref<4096xf32, #tpu.memory_space<vmem>>
    %dma_wait3A_28 = arith.constant 0 : i32
    %dma_wait3A_29 = tpu.memref_slice %arg4[%dma_wait3A_23, %dma_wait3A_24, %dma_wait3A_28] : memref<200x4x32768xf32, #tpu.memory_space<hbm>> -> memref<1x1x4096xf32, #tpu.memory_space<hbm>>
    %dma_wait3A_30 = tpu.memref_squeeze %dma_wait3A_29 : memref<1x1x4096xf32, #tpu.memory_space<hbm>> -> memref<4096xf32, #tpu.memory_space<hbm>>
    %dma_wait3A_31 = arith.constant 0 : i32
    %dma_wait3A_32 = tpu.memref_slice %arg4[%dma_wait3A_23, %dma_wait3A_24, %dma_wait3A_31] : memref<200x4x32768xf32, #tpu.memory_space<hbm>> -> memref<1x1x4096xf32, #tpu.memory_space<hbm>>
    %dma_wait3A_33 = tpu.memref_squeeze %dma_wait3A_32 : memref<1x1x4096xf32, #tpu.memory_space<hbm>> -> memref<4096xf32, #tpu.memory_space<hbm>>
    %dma_wait3A_34 = arith.constant 0 : i32
    %dma_wait3A_35 = tpu.memref_slice %arg7[%dma_wait3A, %dma_wait3A_34] : memref<2x16384xf32, #tpu.memory_space<vmem>> -> memref<1x4096xf32, #tpu.memory_space<vmem>>
    %dma_wait3A_36 = tpu.memref_squeeze %dma_wait3A_35 : memref<1x4096xf32, #tpu.memory_space<vmem>> -> memref<4096xf32, #tpu.memory_space<vmem>>
    tpu.wait_dma2 semaphore(%arg10 : memref<!tpu.dma_semaphore, #tpu.memory_space<semaphore_mem>>) src(%dma_wait3A_36 : memref<4096xf32, #tpu.memory_space<vmem>>) dst(%dma_wait3A_33 : memref<4096xf32, #tpu.memory_space<hbm>>)
    %dma_wait3A_37 = arith.constant 0 : i32
    %dma_wait3A_38 = arith.constant 0 : i32
    %dma_wait3A_39 = arith.constant 1 : i32
    %dma_wait3A_40 = arith.constant 4096 : i32
    %dma_wait3A_41 = tpu.memref_slice %arg7[%dma_wait3A_37, %dma_wait3A_40] : memref<2x16384xf32, #tpu.memory_space<vmem>> -> memref<1x4096xf32, #tpu.memory_space<vmem>>
    %dma_wait3A_42 = tpu.memref_squeeze %dma_wait3A_41 : memref<1x4096xf32, #tpu.memory_space<vmem>> -> memref<4096xf32, #tpu.memory_space<vmem>>
    %dma_wait3A_43 = arith.constant 0 : i32
    %dma_wait3A_44 = tpu.memref_slice %arg4[%dma_wait3A_38, %dma_wait3A_39, %dma_wait3A_43] : memref<200x4x32768xf32, #tpu.memory_space<hbm>> -> memref<1x1x4096xf32, #tpu.memory_space<hbm>>
    %dma_wait3A_45 = tpu.memref_squeeze %dma_wait3A_44 : memref<1x1x4096xf32, #tpu.memory_space<hbm>> -> memref<4096xf32, #tpu.memory_space<hbm>>
    %dma_wait3A_46 = arith.constant 0 : i32
    %dma_wait3A_47 = tpu.memref_slice %arg4[%dma_wait3A_38, %dma_wait3A_39, %dma_wait3A_46] : memref<200x4x32768xf32, #tpu.memory_space<hbm>> -> memref<1x1x4096xf32, #tpu.memory_space<hbm>>
    %dma_wait3A_48 = tpu.memref_squeeze %dma_wait3A_47 : memref<1x1x4096xf32, #tpu.memory_space<hbm>> -> memref<4096xf32, #tpu.memory_space<hbm>>
    %dma_wait3A_49 = arith.constant 4096 : i32
    %dma_wait3A_50 = tpu.memref_slice %arg7[%dma_wait3A_37, %dma_wait3A_49] : memref<2x16384xf32, #tpu.memory_space<vmem>> -> memref<1x4096xf32, #tpu.memory_space<vmem>>
    %dma_wait3A_51 = tpu.memref_squeeze %dma_wait3A_50 : memref<1x4096xf32, #tpu.memory_space<vmem>> -> memref<4096xf32, #tpu.memory_space<vmem>>
    tpu.wait_dma2 semaphore(%arg10 : memref<!tpu.dma_semaphore, #tpu.memory_space<semaphore_mem>>) src(%dma_wait3A_51 : memref<4096xf32, #tpu.memory_space<vmem>>) dst(%dma_wait3A_48 : memref<4096xf32, #tpu.memory_space<hbm>>)
    %dma_wait3A_52 = arith.constant 0 : i32
    %dma_wait3A_53 = arith.constant 0 : i32
    %dma_wait3A_54 = arith.constant 2 : i32
    %dma_wait3A_55 = arith.constant 8192 : i32
    %dma_wait3A_56 = tpu.memref_slice %arg7[%dma_wait3A_52, %dma_wait3A_55] : memref<2x16384xf32, #tpu.memory_space<vmem>> -> memref<1x4096xf32, #tpu.memory_space<vmem>>
    %dma_wait3A_57 = tpu.memref_squeeze %dma_wait3A_56 : memref<1x4096xf32, #tpu.memory_space<vmem>> -> memref<4096xf32, #tpu.memory_space<vmem>>
    %dma_wait3A_58 = arith.constant 0 : i32
    %dma_wait3A_59 = tpu.memref_slice %arg4[%dma_wait3A_53, %dma_wait3A_54, %dma_wait3A_58] : memref<200x4x32768xf32, #tpu.memory_space<hbm>> -> memref<1x1x4096xf32, #tpu.memory_space<hbm>>
    %dma_wait3A_60 = tpu.memref_squeeze %dma_wait3A_59 : memref<1x1x4096xf32, #tpu.memory_space<hbm>> -> memref<4096xf32, #tpu.memory_space<hbm>>
    %dma_wait3A_61 = arith.constant 0 : i32
    %dma_wait3A_62 = tpu.memref_slice %arg4[%dma_wait3A_53, %dma_wait3A_54, %dma_wait3A_61] : memref<200x4x32768xf32, #tpu.memory_space<hbm>> -> memref<1x1x4096xf32, #tpu.memory_space<hbm>>
    %dma_wait3A_63 = tpu.memref_squeeze %dma_wait3A_62 : memref<1x1x4096xf32, #tpu.memory_space<hbm>> -> memref<4096xf32, #tpu.memory_space<hbm>>
    %dma_wait3A_64 = arith.constant 8192 : i32
    %dma_wait3A_65 = tpu.memref_slice %arg7[%dma_wait3A_52, %dma_wait3A_64] : memref<2x16384xf32, #tpu.memory_space<vmem>> -> memref<1x4096xf32, #tpu.memory_space<vmem>>
    %dma_wait3A_66 = tpu.memref_squeeze %dma_wait3A_65 : memref<1x4096xf32, #tpu.memory_space<vmem>> -> memref<4096xf32, #tpu.memory_space<vmem>>
    tpu.wait_dma2 semaphore(%arg10 : memref<!tpu.dma_semaphore, #tpu.memory_space<semaphore_mem>>) src(%dma_wait3A_66 : memref<4096xf32, #tpu.memory_space<vmem>>) dst(%dma_wait3A_63 : memref<4096xf32, #tpu.memory_space<hbm>>)
    %dma_wait3A_67 = arith.constant 0 : i32
    %dma_wait3A_68 = arith.constant 0 : i32
    %dma_wait3A_69 = arith.constant 3 : i32
    %dma_wait3A_70 = arith.constant 12288 : i32
    %dma_wait3A_71 = tpu.memref_slice %arg7[%dma_wait3A_67, %dma_wait3A_70] : memref<2x16384xf32, #tpu.memory_space<vmem>> -> memref<1x4096xf32, #tpu.memory_space<vmem>>
    %dma_wait3A_72 = tpu.memref_squeeze %dma_wait3A_71 : memref<1x4096xf32, #tpu.memory_space<vmem>> -> memref<4096xf32, #tpu.memory_space<vmem>>
    %dma_wait3A_73 = arith.constant 0 : i32
    %dma_wait3A_74 = tpu.memref_slice %arg4[%dma_wait3A_68, %dma_wait3A_69, %dma_wait3A_73] : memref<200x4x32768xf32, #tpu.memory_space<hbm>> -> memref<1x1x4096xf32, #tpu.memory_space<hbm>>
    %dma_wait3A_75 = tpu.memref_squeeze %dma_wait3A_74 : memref<1x1x4096xf32, #tpu.memory_space<hbm>> -> memref<4096xf32, #tpu.memory_space<hbm>>
    %dma_wait3A_76 = arith.constant 0 : i32
    %dma_wait3A_77 = tpu.memref_slice %arg4[%dma_wait3A_68, %dma_wait3A_69, %dma_wait3A_76] : memref<200x4x32768xf32, #tpu.memory_space<hbm>> -> memref<1x1x4096xf32, #tpu.memory_space<hbm>>
    %dma_wait3A_78 = tpu.memref_squeeze %dma_wait3A_77 : memref<1x1x4096xf32, #tpu.memory_space<hbm>> -> memref<4096xf32, #tpu.memory_space<hbm>>
    %dma_wait3A_79 = arith.constant 12288 : i32
    %dma_wait3A_80 = tpu.memref_slice %arg7[%dma_wait3A_67, %dma_wait3A_79] : memref<2x16384xf32, #tpu.memory_space<vmem>> -> memref<1x4096xf32, #tpu.memory_space<vmem>>
    %dma_wait3A_81 = tpu.memref_squeeze %dma_wait3A_80 : memref<1x4096xf32, #tpu.memory_space<vmem>> -> memref<4096xf32, #tpu.memory_space<vmem>>
    tpu.wait_dma2 semaphore(%arg10 : memref<!tpu.dma_semaphore, #tpu.memory_space<semaphore_mem>>) src(%dma_wait3A_81 : memref<4096xf32, #tpu.memory_space<vmem>>) dst(%dma_wait3A_78 : memref<4096xf32, #tpu.memory_space<hbm>>)
    %dma_wait3A_82 = arith.constant 1 : i32
    %dma_wait3A_83 = arith.constant 0 : i32
    %dma_wait3A_84 = arith.constant 0 : i32
    %dma_wait3A_85 = arith.constant 0 : i32
    %dma_wait3A_86 = tpu.memref_slice %arg7[%dma_wait3A_82, %dma_wait3A_85] : memref<2x16384xf32, #tpu.memory_space<vmem>> -> memref<1x4096xf32, #tpu.memory_space<vmem>>
    %dma_wait3A_87 = tpu.memref_squeeze %dma_wait3A_86 : memref<1x4096xf32, #tpu.memory_space<vmem>> -> memref<4096xf32, #tpu.memory_space<vmem>>
    %dma_wait3A_88 = arith.constant 0 : i32
    %dma_wait3A_89 = tpu.memref_slice %arg4[%dma_wait3A_83, %dma_wait3A_84, %dma_wait3A_88] : memref<200x4x32768xf32, #tpu.memory_space<hbm>> -> memref<1x1x4096xf32, #tpu.memory_space<hbm>>
    %dma_wait3A_90 = tpu.memref_squeeze %dma_wait3A_89 : memref<1x1x4096xf32, #tpu.memory_space<hbm>> -> memref<4096xf32, #tpu.memory_space<hbm>>
    %dma_wait3A_91 = arith.constant 0 : i32
    %dma_wait3A_92 = tpu.memref_slice %arg4[%dma_wait3A_83, %dma_wait3A_84, %dma_wait3A_91] : memref<200x4x32768xf32, #tpu.memory_space<hbm>> -> memref<1x1x4096xf32, #tpu.memory_space<hbm>>
    %dma_wait3A_93 = tpu.memref_squeeze %dma_wait3A_92 : memref<1x1x4096xf32, #tpu.memory_space<hbm>> -> memref<4096xf32, #tpu.memory_space<hbm>>
    %dma_wait3A_94 = arith.constant 0 : i32
    %dma_wait3A_95 = tpu.memref_slice %arg7[%dma_wait3A_82, %dma_wait3A_94] : memref<2x16384xf32, #tpu.memory_space<vmem>> -> memref<1x4096xf32, #tpu.memory_space<vmem>>
    %dma_wait3A_96 = tpu.memref_squeeze %dma_wait3A_95 : memref<1x4096xf32, #tpu.memory_space<vmem>> -> memref<4096xf32, #tpu.memory_space<vmem>>
    tpu.wait_dma2 semaphore(%arg11 : memref<!tpu.dma_semaphore, #tpu.memory_space<semaphore_mem>>) src(%dma_wait3A_96 : memref<4096xf32, #tpu.memory_space<vmem>>) dst(%dma_wait3A_93 : memref<4096xf32, #tpu.memory_space<hbm>>)
    %dma_wait3A_97 = arith.constant 1 : i32
    %dma_wait3A_98 = arith.constant 0 : i32
    %dma_wait3A_99 = arith.constant 1 : i32
    %dma_wait3A_100 = arith.constant 4096 : i32
    %dma_wait3A_101 = tpu.memref_slice %arg7[%dma_wait3A_97, %dma_wait3A_100] : memref<2x16384xf32, #tpu.memory_space<vmem>> -> memref<1x4096xf32, #tpu.memory_space<vmem>>
    %dma_wait3A_102 = tpu.memref_squeeze %dma_wait3A_101 : memref<1x4096xf32, #tpu.memory_space<vmem>> -> memref<4096xf32, #tpu.memory_space<vmem>>
    %dma_wait3A_103 = arith.constant 0 : i32
    %dma_wait3A_104 = tpu.memref_slice %arg4[%dma_wait3A_98, %dma_wait3A_99, %dma_wait3A_103] : memref<200x4x32768xf32, #tpu.memory_space<hbm>> -> memref<1x1x4096xf32, #tpu.memory_space<hbm>>
    %dma_wait3A_105 = tpu.memref_squeeze %dma_wait3A_104 : memref<1x1x4096xf32, #tpu.memory_space<hbm>> -> memref<4096xf32, #tpu.memory_space<hbm>>
    %dma_wait3A_106 = arith.constant 0 : i32
    %dma_wait3A_107 = tpu.memref_slice %arg4[%dma_wait3A_98, %dma_wait3A_99, %dma_wait3A_106] : memref<200x4x32768xf32, #tpu.memory_space<hbm>> -> memref<1x1x4096xf32, #tpu.memory_space<hbm>>
    %dma_wait3A_108 = tpu.memref_squeeze %dma_wait3A_107 : memref<1x1x4096xf32, #tpu.memory_space<hbm>> -> memref<4096xf32, #tpu.memory_space<hbm>>
    %dma_wait3A_109 = arith.constant 4096 : i32
    %dma_wait3A_110 = tpu.memref_slice %arg7[%dma_wait3A_97, %dma_wait3A_109] : memref<2x16384xf32, #tpu.memory_space<vmem>> -> memref<1x4096xf32, #tpu.memory_space<vmem>>
    %dma_wait3A_111 = tpu.memref_squeeze %dma_wait3A_110 : memref<1x4096xf32, #tpu.memory_space<vmem>> -> memref<4096xf32, #tpu.memory_space<vmem>>
    tpu.wait_dma2 semaphore(%arg11 : memref<!tpu.dma_semaphore, #tpu.memory_space<semaphore_mem>>) src(%dma_wait3A_111 : memref<4096xf32, #tpu.memory_space<vmem>>) dst(%dma_wait3A_108 : memref<4096xf32, #tpu.memory_space<hbm>>)
    %dma_wait3A_112 = arith.constant 1 : i32
    %dma_wait3A_113 = arith.constant 0 : i32
    %dma_wait3A_114 = arith.constant 2 : i32
    %dma_wait3A_115 = arith.constant 8192 : i32
    %dma_wait3A_116 = tpu.memref_slice %arg7[%dma_wait3A_112, %dma_wait3A_115] : memref<2x16384xf32, #tpu.memory_space<vmem>> -> memref<1x4096xf32, #tpu.memory_space<vmem>>
    %dma_wait3A_117 = tpu.memref_squeeze %dma_wait3A_116 : memref<1x4096xf32, #tpu.memory_space<vmem>> -> memref<4096xf32, #tpu.memory_space<vmem>>
    %dma_wait3A_118 = arith.constant 0 : i32
    %dma_wait3A_119 = tpu.memref_slice %arg4[%dma_wait3A_113, %dma_wait3A_114, %dma_wait3A_118] : memref<200x4x32768xf32, #tpu.memory_space<hbm>> -> memref<1x1x4096xf32, #tpu.memory_space<hbm>>
    %dma_wait3A_120 = tpu.memref_squeeze %dma_wait3A_119 : memref<1x1x4096xf32, #tpu.memory_space<hbm>> -> memref<4096xf32, #tpu.memory_space<hbm>>
    %dma_wait3A_121 = arith.constant 0 : i32
    %dma_wait3A_122 = tpu.memref_slice %arg4[%dma_wait3A_113, %dma_wait3A_114, %dma_wait3A_121] : memref<200x4x32768xf32, #tpu.memory_space<hbm>> -> memref<1x1x4096xf32, #tpu.memory_space<hbm>>
    %dma_wait3A_123 = tpu.memref_squeeze %dma_wait3A_122 : memref<1x1x4096xf32, #tpu.memory_space<hbm>> -> memref<4096xf32, #tpu.memory_space<hbm>>
    %dma_wait3A_124 = arith.constant 8192 : i32
    %dma_wait3A_125 = tpu.memref_slice %arg7[%dma_wait3A_112, %dma_wait3A_124] : memref<2x16384xf32, #tpu.memory_space<vmem>> -> memref<1x4096xf32, #tpu.memory_space<vmem>>
    %dma_wait3A_126 = tpu.memref_squeeze %dma_wait3A_125 : memref<1x4096xf32, #tpu.memory_space<vmem>> -> memref<4096xf32, #tpu.memory_space<vmem>>
    tpu.wait_dma2 semaphore(%arg11 : memref<!tpu.dma_semaphore, #tpu.memory_space<semaphore_mem>>) src(%dma_wait3A_126 : memref<4096xf32, #tpu.memory_space<vmem>>) dst(%dma_wait3A_123 : memref<4096xf32, #tpu.memory_space<hbm>>)
    %dma_wait3A_127 = arith.constant 1 : i32
    %dma_wait3A_128 = arith.constant 0 : i32
    %dma_wait3A_129 = arith.constant 3 : i32
    %dma_wait3A_130 = arith.constant 12288 : i32
    %dma_wait3A_131 = tpu.memref_slice %arg7[%dma_wait3A_127, %dma_wait3A_130] : memref<2x16384xf32, #tpu.memory_space<vmem>> -> memref<1x4096xf32, #tpu.memory_space<vmem>>
    %dma_wait3A_132 = tpu.memref_squeeze %dma_wait3A_131 : memref<1x4096xf32, #tpu.memory_space<vmem>> -> memref<4096xf32, #tpu.memory_space<vmem>>
    %dma_wait3A_133 = arith.constant 0 : i32
    %dma_wait3A_134 = tpu.memref_slice %arg4[%dma_wait3A_128, %dma_wait3A_129, %dma_wait3A_133] : memref<200x4x32768xf32, #tpu.memory_space<hbm>> -> memref<1x1x4096xf32, #tpu.memory_space<hbm>>
    %dma_wait3A_135 = tpu.memref_squeeze %dma_wait3A_134 : memref<1x1x4096xf32, #tpu.memory_space<hbm>> -> memref<4096xf32, #tpu.memory_space<hbm>>
    %dma_wait3A_136 = arith.constant 0 : i32
    %dma_wait3A_137 = tpu.memref_slice %arg4[%dma_wait3A_128, %dma_wait3A_129, %dma_wait3A_136] : memref<200x4x32768xf32, #tpu.memory_space<hbm>> -> memref<1x1x4096xf32, #tpu.memory_space<hbm>>
    %dma_wait3A_138 = tpu.memref_squeeze %dma_wait3A_137 : memref<1x1x4096xf32, #tpu.memory_space<hbm>> -> memref<4096xf32, #tpu.memory_space<hbm>>
    %dma_wait3A_139 = arith.constant 12288 : i32
    %dma_wait3A_140 = tpu.memref_slice %arg7[%dma_wait3A_127, %dma_wait3A_139] : memref<2x16384xf32, #tpu.memory_space<vmem>> -> memref<1x4096xf32, #tpu.memory_space<vmem>>
    %dma_wait3A_141 = tpu.memref_squeeze %dma_wait3A_140 : memref<1x4096xf32, #tpu.memory_space<vmem>> -> memref<4096xf32, #tpu.memory_space<vmem>>
    tpu.wait_dma2 semaphore(%arg11 : memref<!tpu.dma_semaphore, #tpu.memory_space<semaphore_mem>>) src(%dma_wait3A_141 : memref<4096xf32, #tpu.memory_space<vmem>>) dst(%dma_wait3A_138 : memref<4096xf32, #tpu.memory_space<hbm>>)
    return
  }
}

#map = affine_map<(d0, d1) -> (0, 0, 0)>
#map1 = affine_map<(d0, d1) -> (0)>
module attributes {stable_mosaic.version = 14 : i64} {
  func.func @k(%arg0: i32, %arg1: i32, %arg2: memref<4x8x1000000xf32, #tpu.memory_space<hbm>>, %arg3: memref<40000000xf32, #tpu.memory_space<hbm>>, %arg4: memref<2x4x8x128xf32, #tpu.memory_space<vmem>>, %arg5: memref<5120xf32, #tpu.memory_space<vmem>>, %arg6: memref<5120xf32, #tpu.memory_space<vmem>>, %arg7: memref<!tpu.dma_semaphore, #tpu.memory_space<semaphore_mem>>, %arg8: memref<!tpu.dma_semaphore, #tpu.memory_space<semaphore_mem>>, %arg9: memref<!tpu.dma_semaphore, #tpu.memory_space<semaphore_mem>>, %arg10: memref<!tpu.dma_semaphore, #tpu.memory_space<semaphore_mem>>) attributes {dimension_semantics = [#tpu.dimension_semantics<core_parallel>, #tpu.dimension_semantics<subcore_parallel>], iteration_bounds = array<i64: 2, 16>, scalar_prefetch = 0 : i64, scratch_operands = 7 : i64, tpu.core_type = #tpu.core_type<sc_vector_subcore>, window_params = [{transform_indices = #map}, {transform_indices = #map1}]} {
    %mul3A = arith.constant 2 : i32
    %mul3A_0 = arith.muli %arg1, %mul3A : i32
    %add3A = arith.addi %mul3A_0, %arg0 : i32
    %iota3A = tpu.iota {dimensions = array<i32: 0>} : vector<16xi32>
    %mul3A_1 = arith.constant 244 : i32
    %mul3A_2 = arith.muli %mul3A_1, %add3A : i32
    %min3A = arith.constant 4 : i32
    %min3A_3 = arith.minsi %add3A, %min3A : i32
    %add3A_4 = arith.addi %mul3A_2, %min3A_3 : i32
    %lt3A = arith.constant 4 : i32
    %lt3A_5 = arith.cmpi slt, %add3A, %lt3A : i32
    %convert_element_type3A = arith.extui %lt3A_5 : i1 to i32
    %add3A_6 = arith.constant 244 : i32
    %add3A_7 = arith.addi %add3A_6, %convert_element_type3A : i32
    %add3A_8 = arith.constant 0 : i32
    %add3A_9 = arith.addi %add3A_4, %add3A_8 : i32
    %mul3A_10 = arith.constant 128 : i32
    %mul3A_11 = arith.muli %add3A_9, %mul3A_10 : i32
    %dma_start3A = arith.constant 0 : i32
    %dma_start3A_12 = arith.constant 0 : i32
    %dma_start3A_13 = arith.constant 0 : i32
    %dma_start3A_14 = arith.constant 0 : i32
    %dma_start3A_15 = tpu.memref_slice %arg4[%dma_start3A, %dma_start3A_12, %dma_start3A_13, %dma_start3A_14] : memref<2x4x8x128xf32, #tpu.memory_space<vmem>> -> memref<1x4x8x128xf32, #tpu.memory_space<vmem>>
    %dma_start3A_16 = tpu.memref_squeeze %dma_start3A_15 : memref<1x4x8x128xf32, #tpu.memory_space<vmem>> -> memref<4x8x128xf32, #tpu.memory_space<vmem>>
    %dma_start3A_17 = arith.constant 0 : i32
    %dma_start3A_18 = arith.constant 0 : i32
    %dma_start3A_19 = tpu.memref_slice %arg2[%dma_start3A_17, %dma_start3A_18, %mul3A_11] : memref<4x8x1000000xf32, #tpu.memory_space<hbm>> -> memref<4x8x128xf32, #tpu.memory_space<hbm>>
    %dma_start3A_20 = arith.constant 0 : i32
    %dma_start3A_21 = arith.constant 0 : i32
    %dma_start3A_22 = arith.constant 0 : i32
    %dma_start3A_23 = tpu.memref_slice %arg4[%dma_start3A, %dma_start3A_20, %dma_start3A_21, %dma_start3A_22] : memref<2x4x8x128xf32, #tpu.memory_space<vmem>> -> memref<1x4x8x128xf32, #tpu.memory_space<vmem>>
    %dma_start3A_24 = tpu.memref_squeeze %dma_start3A_23 : memref<1x4x8x128xf32, #tpu.memory_space<vmem>> -> memref<4x8x128xf32, #tpu.memory_space<vmem>>
    %dma_start3A_25 = arith.constant 0 : i32
    %dma_start3A_26 = arith.constant 0 : i32
    %dma_start3A_27 = tpu.memref_slice %arg2[%dma_start3A_25, %dma_start3A_26, %mul3A_11] : memref<4x8x1000000xf32, #tpu.memory_space<hbm>> -> memref<4x8x128xf32, #tpu.memory_space<hbm>>
    tpu.enqueue_dma source(%dma_start3A_27 : memref<4x8x128xf32, #tpu.memory_space<hbm>>) target(%dma_start3A_24 : memref<4x8x128xf32, #tpu.memory_space<vmem>>) target_semaphore(%arg7 : memref<!tpu.dma_semaphore, #tpu.memory_space<semaphore_mem>>)
    %scan3A = arith.constant 0 : i32
    %scan3A_28 = arith.constant 0 : i32
    %scan3A_29 = arith.constant 123 : i32
    %scan3A_30 = arith.addi %scan3A_28, %scan3A_29 : i32
    %scan3A_31 = arith.constant 1 : i32
    scf.for %scan3A_52 = %scan3A_28 to %scan3A_30 step %scan3A_31  : i32 {
      %mul3A_53 = arith.constant 2 : i32
      %mul3A_54 = arith.muli %mul3A_53, %scan3A_52 : i32
      %lt3A_55 = arith.cmpi slt, %mul3A_54, %add3A_7 : i32
      %convert_element_type3A_56 = arith.extui %lt3A_55 : i1 to i32
      %cond3A_57 = arith.constant 0 : i32
      %cond3A_58 = arith.cmpi ne, %convert_element_type3A_56, %cond3A_57 : i32
      scf.if %cond3A_58 {
        %dma_wait3A_65 = arith.constant 0 : i32
        %dma_wait3A_66 = arith.constant 0 : i32
        %dma_wait3A_67 = arith.constant 0 : i32
        %dma_wait3A_68 = arith.constant 0 : i32
        %dma_wait3A_69 = tpu.memref_slice %arg4[%dma_wait3A_65, %dma_wait3A_66, %dma_wait3A_67, %dma_wait3A_68] : memref<2x4x8x128xf32, #tpu.memory_space<vmem>> -> memref<1x4x8x128xf32, #tpu.memory_space<vmem>>
        %dma_wait3A_70 = tpu.memref_squeeze %dma_wait3A_69 : memref<1x4x8x128xf32, #tpu.memory_space<vmem>> -> memref<4x8x128xf32, #tpu.memory_space<vmem>>
        %dma_wait3A_71 = arith.constant 0 : i32
        %dma_wait3A_72 = arith.constant 0 : i32
        %dma_wait3A_73 = arith.constant 0 : i32
        %dma_wait3A_74 = tpu.memref_slice %arg2[%dma_wait3A_71, %dma_wait3A_72, %dma_wait3A_73] : memref<4x8x1000000xf32, #tpu.memory_space<hbm>> -> memref<4x8x128xf32, #tpu.memory_space<hbm>>
        %dma_wait3A_75 = arith.constant 0 : i32
        %dma_wait3A_76 = arith.constant 0 : i32
        %dma_wait3A_77 = arith.constant 0 : i32
        %dma_wait3A_78 = tpu.memref_slice %arg4[%dma_wait3A_65, %dma_wait3A_75, %dma_wait3A_76, %dma_wait3A_77] : memref<2x4x8x128xf32, #tpu.memory_space<vmem>> -> memref<1x4x8x128xf32, #tpu.memory_space<vmem>>
        %dma_wait3A_79 = tpu.memref_squeeze %dma_wait3A_78 : memref<1x4x8x128xf32, #tpu.memory_space<vmem>> -> memref<4x8x128xf32, #tpu.memory_space<vmem>>
        %dma_wait3A_80 = arith.constant 0 : i32
        %dma_wait3A_81 = arith.constant 0 : i32
        %dma_wait3A_82 = arith.constant 0 : i32
        %dma_wait3A_83 = tpu.memref_slice %arg2[%dma_wait3A_80, %dma_wait3A_81, %dma_wait3A_82] : memref<4x8x1000000xf32, #tpu.memory_space<hbm>> -> memref<4x8x128xf32, #tpu.memory_space<hbm>>
        tpu.wait_dma2 semaphore(%arg7 : memref<!tpu.dma_semaphore, #tpu.memory_space<semaphore_mem>>) src(%dma_wait3A_83 : memref<4x8x128xf32, #tpu.memory_space<hbm>>) dst(%dma_wait3A_79 : memref<4x8x128xf32, #tpu.memory_space<vmem>>)
        %add3A_84 = arith.constant 1 : i32
        %add3A_85 = arith.addi %mul3A_54, %add3A_84 : i32
        %lt3A_86 = arith.cmpi slt, %add3A_85, %add3A_7 : i32
        %convert_element_type3A_87 = arith.extui %lt3A_86 : i1 to i32
        %cond3A_88 = arith.constant 0 : i32
        %cond3A_89 = arith.cmpi ne, %convert_element_type3A_87, %cond3A_88 : i32
        scf.if %cond3A_89 {
          %add3A_107 = arith.constant 1 : i32
          %add3A_108 = arith.addi %mul3A_54, %add3A_107 : i32
          %add3A_109 = arith.addi %add3A_4, %add3A_108 : i32
          %mul3A_110 = arith.constant 128 : i32
          %mul3A_111 = arith.muli %add3A_109, %mul3A_110 : i32
          %dma_start3A_112 = arith.constant 1 : i32
          %dma_start3A_113 = arith.constant 0 : i32
          %dma_start3A_114 = arith.constant 0 : i32
          %dma_start3A_115 = arith.constant 0 : i32
          %dma_start3A_116 = tpu.memref_slice %arg4[%dma_start3A_112, %dma_start3A_113, %dma_start3A_114, %dma_start3A_115] : memref<2x4x8x128xf32, #tpu.memory_space<vmem>> -> memref<1x4x8x128xf32, #tpu.memory_space<vmem>>
          %dma_start3A_117 = tpu.memref_squeeze %dma_start3A_116 : memref<1x4x8x128xf32, #tpu.memory_space<vmem>> -> memref<4x8x128xf32, #tpu.memory_space<vmem>>
          %dma_start3A_118 = arith.constant 0 : i32
          %dma_start3A_119 = arith.constant 0 : i32
          %dma_start3A_120 = tpu.memref_slice %arg2[%dma_start3A_118, %dma_start3A_119, %mul3A_111] : memref<4x8x1000000xf32, #tpu.memory_space<hbm>> -> memref<4x8x128xf32, #tpu.memory_space<hbm>>
          %dma_start3A_121 = arith.constant 0 : i32
          %dma_start3A_122 = arith.constant 0 : i32
          %dma_start3A_123 = arith.constant 0 : i32
          %dma_start3A_124 = tpu.memref_slice %arg4[%dma_start3A_112, %dma_start3A_121, %dma_start3A_122, %dma_start3A_123] : memref<2x4x8x128xf32, #tpu.memory_space<vmem>> -> memref<1x4x8x128xf32, #tpu.memory_space<vmem>>
          %dma_start3A_125 = tpu.memref_squeeze %dma_start3A_124 : memref<1x4x8x128xf32, #tpu.memory_space<vmem>> -> memref<4x8x128xf32, #tpu.memory_space<vmem>>
          %dma_start3A_126 = arith.constant 0 : i32
          %dma_start3A_127 = arith.constant 0 : i32
          %dma_start3A_128 = tpu.memref_slice %arg2[%dma_start3A_126, %dma_start3A_127, %mul3A_111] : memref<4x8x1000000xf32, #tpu.memory_space<hbm>> -> memref<4x8x128xf32, #tpu.memory_space<hbm>>
          tpu.enqueue_dma source(%dma_start3A_128 : memref<4x8x128xf32, #tpu.memory_space<hbm>>) target(%dma_start3A_125 : memref<4x8x128xf32, #tpu.memory_space<vmem>>) target_semaphore(%arg8 : memref<!tpu.dma_semaphore, #tpu.memory_space<semaphore_mem>>)
        } else {
        }
        %ge3A = arith.constant 2 : i32
        %ge3A_90 = arith.cmpi sge, %mul3A_54, %ge3A : i32
        %convert_element_type3A_91 = arith.extui %ge3A_90 : i1 to i32
        %cond3A_92 = arith.constant 0 : i32
        %cond3A_93 = arith.cmpi ne, %convert_element_type3A_91, %cond3A_92 : i32
        scf.if %cond3A_93 {
          %dma_wait3A_107 = arith.constant 0 : i32
          %dma_wait3A_108 = tpu.memref_slice %arg5[%dma_wait3A_107] : memref<5120xf32, #tpu.memory_space<vmem>> -> memref<5120xf32, #tpu.memory_space<vmem>>
          %dma_wait3A_109 = arith.constant 0 : i32
          %dma_wait3A_110 = tpu.memref_slice %arg3[%dma_wait3A_109] : memref<40000000xf32, #tpu.memory_space<hbm>> -> memref<5120xf32, #tpu.memory_space<hbm>>
          %dma_wait3A_111 = arith.constant 0 : i32
          %dma_wait3A_112 = tpu.memref_slice %arg3[%dma_wait3A_111] : memref<40000000xf32, #tpu.memory_space<hbm>> -> memref<5120xf32, #tpu.memory_space<hbm>>
          %dma_wait3A_113 = arith.constant 0 : i32
          %dma_wait3A_114 = tpu.memref_slice %arg5[%dma_wait3A_113] : memref<5120xf32, #tpu.memory_space<vmem>> -> memref<5120xf32, #tpu.memory_space<vmem>>
          tpu.wait_dma2 semaphore(%arg9 : memref<!tpu.dma_semaphore, #tpu.memory_space<semaphore_mem>>) src(%dma_wait3A_114 : memref<5120xf32, #tpu.memory_space<vmem>>) dst(%dma_wait3A_112 : memref<5120xf32, #tpu.memory_space<hbm>>)
        } else {
        }
        %parallel_loop3A = arith.constant 0 : i32
        %parallel_loop3A_94 = arith.constant 256 : i32
        %parallel_loop3A_95 = arith.constant 1 : i32
        scf.for %parallel_loop3A_107 = %parallel_loop3A to %parallel_loop3A_94 step %parallel_loop3A_95  : i32 {
          %parallel_loop3A_108 = arith.constant 6 : i32
          %parallel_loop3A_109 = arith.shrsi %parallel_loop3A_107, %parallel_loop3A_108 : i32
          %parallel_loop3A_110 = arith.constant 3 : i32
          %parallel_loop3A_111 = arith.shrsi %parallel_loop3A_107, %parallel_loop3A_110 : i32
          %parallel_loop3A_112 = arith.constant 7 : i32
          %parallel_loop3A_113 = arith.andi %parallel_loop3A_111, %parallel_loop3A_112 : i32
          %parallel_loop3A_114 = arith.constant 7 : i32
          %parallel_loop3A_115 = arith.andi %parallel_loop3A_107, %parallel_loop3A_114 : i32
          %parallel_loop3A_116 = arith.constant 16 : i32
          %parallel_loop3A_117 = arith.muli %parallel_loop3A_115, %parallel_loop3A_116 : i32
          %parallel_loop3A_118 = arith.constant 0 : i32
          %parallel_loop3A_119 = arith.index_cast %parallel_loop3A_118 : i32 to index
          %parallel_loop3A_120 = arith.index_cast %parallel_loop3A_109 : i32 to index
          %parallel_loop3A_121 = arith.index_cast %parallel_loop3A_113 : i32 to index
          %parallel_loop3A_122 = arith.index_cast %parallel_loop3A_117 : i32 to index
          %parallel_loop3A_123 = tpu.vector_load %arg4[%parallel_loop3A_119, %parallel_loop3A_120, %parallel_loop3A_121, %parallel_loop3A_122] {strides = array<i32>} : memref<2x4x8x128xf32, #tpu.memory_space<vmem>>, vector<16xf32>,
          %parallel_loop3A_124 = arith.constant 40 : i32
          %parallel_loop3A_125 = vector.broadcast %parallel_loop3A_124 : i32 to vector<16xi32>
          %parallel_loop3A_126 = arith.muli %iota3A, %parallel_loop3A_125 : vector<16xi32>
          %parallel_loop3A_127 = arith.constant 40 : i32
          %parallel_loop3A_128 = arith.muli %parallel_loop3A_117, %parallel_loop3A_127 : i32
          %parallel_loop3A_129 = arith.constant 3 : i32
          %parallel_loop3A_130 = arith.shrsi %parallel_loop3A_107, %parallel_loop3A_129 : i32
          %parallel_loop3A_131 = arith.addi %parallel_loop3A_128, %parallel_loop3A_130 : i32
          %parallel_loop3A_132 = vector.broadcast %parallel_loop3A_131 : i32 to vector<16xi32>
          %parallel_loop3A_133 = arith.addi %parallel_loop3A_126, %parallel_loop3A_132 : vector<16xi32>
          tpu.vector_store_idx %arg5[%parallel_loop3A_133], %parallel_loop3A_123 : memref<5120xf32, #tpu.memory_space<vmem>>[vector<16xi32>], vector<16xf32>,
        } {sc.loop_unroll_factor = 16 : i64, sc.parallel_access}
        %add3A_96 = arith.addi %add3A_4, %mul3A_54 : i32
        %mul3A_97 = arith.constant 128 : i32
        %mul3A_98 = arith.muli %add3A_96, %mul3A_97 : i32
        %mul3A_99 = arith.constant 40 : i32
        %mul3A_100 = arith.muli %mul3A_98, %mul3A_99 : i32
        %dma_start3A_101 = arith.constant 0 : i32
        %dma_start3A_102 = tpu.memref_slice %arg5[%dma_start3A_101] : memref<5120xf32, #tpu.memory_space<vmem>> -> memref<5120xf32, #tpu.memory_space<vmem>>
        %dma_start3A_103 = tpu.memref_slice %arg3[%mul3A_100] : memref<40000000xf32, #tpu.memory_space<hbm>> -> memref<5120xf32, #tpu.memory_space<hbm>>
        %dma_start3A_104 = tpu.memref_slice %arg3[%mul3A_100] : memref<40000000xf32, #tpu.memory_space<hbm>> -> memref<5120xf32, #tpu.memory_space<hbm>>
        %dma_start3A_105 = arith.constant 0 : i32
        %dma_start3A_106 = tpu.memref_slice %arg5[%dma_start3A_105] : memref<5120xf32, #tpu.memory_space<vmem>> -> memref<5120xf32, #tpu.memory_space<vmem>>
        tpu.enqueue_dma source(%dma_start3A_106 : memref<5120xf32, #tpu.memory_space<vmem>>) target(%dma_start3A_104 : memref<5120xf32, #tpu.memory_space<hbm>>) target_semaphore(%arg9 : memref<!tpu.dma_semaphore, #tpu.memory_space<semaphore_mem>>)
      } else {
      }
      %add3A_59 = arith.constant 1 : i32
      %add3A_60 = arith.addi %mul3A_54, %add3A_59 : i32
      %lt3A_61 = arith.cmpi slt, %add3A_60, %add3A_7 : i32
      %convert_element_type3A_62 = arith.extui %lt3A_61 : i1 to i32
      %cond3A_63 = arith.constant 0 : i32
      %cond3A_64 = arith.cmpi ne, %convert_element_type3A_62, %cond3A_63 : i32
      scf.if %cond3A_64 {
        %add3A_65 = arith.constant 1 : i32
        %add3A_66 = arith.addi %mul3A_54, %add3A_65 : i32
        %dma_wait3A_67 = arith.constant 1 : i32
        %dma_wait3A_68 = arith.constant 0 : i32
        %dma_wait3A_69 = arith.constant 0 : i32
        %dma_wait3A_70 = arith.constant 0 : i32
        %dma_wait3A_71 = tpu.memref_slice %arg4[%dma_wait3A_67, %dma_wait3A_68, %dma_wait3A_69, %dma_wait3A_70] : memref<2x4x8x128xf32, #tpu.memory_space<vmem>> -> memref<1x4x8x128xf32, #tpu.memory_space<vmem>>
        %dma_wait3A_72 = tpu.memref_squeeze %dma_wait3A_71 : memref<1x4x8x128xf32, #tpu.memory_space<vmem>> -> memref<4x8x128xf32, #tpu.memory_space<vmem>>
        %dma_wait3A_73 = arith.constant 0 : i32
        %dma_wait3A_74 = arith.constant 0 : i32
        %dma_wait3A_75 = arith.constant 0 : i32
        %dma_wait3A_76 = tpu.memref_slice %arg2[%dma_wait3A_73, %dma_wait3A_74, %dma_wait3A_75] : memref<4x8x1000000xf32, #tpu.memory_space<hbm>> -> memref<4x8x128xf32, #tpu.memory_space<hbm>>
        %dma_wait3A_77 = arith.constant 0 : i32
        %dma_wait3A_78 = arith.constant 0 : i32
        %dma_wait3A_79 = arith.constant 0 : i32
        %dma_wait3A_80 = tpu.memref_slice %arg4[%dma_wait3A_67, %dma_wait3A_77, %dma_wait3A_78, %dma_wait3A_79] : memref<2x4x8x128xf32, #tpu.memory_space<vmem>> -> memref<1x4x8x128xf32, #tpu.memory_space<vmem>>
        %dma_wait3A_81 = tpu.memref_squeeze %dma_wait3A_80 : memref<1x4x8x128xf32, #tpu.memory_space<vmem>> -> memref<4x8x128xf32, #tpu.memory_space<vmem>>
        %dma_wait3A_82 = arith.constant 0 : i32
        %dma_wait3A_83 = arith.constant 0 : i32
        %dma_wait3A_84 = arith.constant 0 : i32
        %dma_wait3A_85 = tpu.memref_slice %arg2[%dma_wait3A_82, %dma_wait3A_83, %dma_wait3A_84] : memref<4x8x1000000xf32, #tpu.memory_space<hbm>> -> memref<4x8x128xf32, #tpu.memory_space<hbm>>
        tpu.wait_dma2 semaphore(%arg8 : memref<!tpu.dma_semaphore, #tpu.memory_space<semaphore_mem>>) src(%dma_wait3A_85 : memref<4x8x128xf32, #tpu.memory_space<hbm>>) dst(%dma_wait3A_81 : memref<4x8x128xf32, #tpu.memory_space<vmem>>)
        %add3A_86 = arith.constant 1 : i32
        %add3A_87 = arith.addi %add3A_66, %add3A_86 : i32
        %lt3A_88 = arith.cmpi slt, %add3A_87, %add3A_7 : i32
        %convert_element_type3A_89 = arith.extui %lt3A_88 : i1 to i32
        %cond3A_90 = arith.constant 0 : i32
        %cond3A_91 = arith.cmpi ne, %convert_element_type3A_89, %cond3A_90 : i32
        scf.if %cond3A_91 {
          %add3A_109 = arith.constant 1 : i32
          %add3A_110 = arith.addi %add3A_66, %add3A_109 : i32
          %add3A_111 = arith.addi %add3A_4, %add3A_110 : i32
          %mul3A_112 = arith.constant 128 : i32
          %mul3A_113 = arith.muli %add3A_111, %mul3A_112 : i32
          %dma_start3A_114 = arith.constant 0 : i32
          %dma_start3A_115 = arith.constant 0 : i32
          %dma_start3A_116 = arith.constant 0 : i32
          %dma_start3A_117 = arith.constant 0 : i32
          %dma_start3A_118 = tpu.memref_slice %arg4[%dma_start3A_114, %dma_start3A_115, %dma_start3A_116, %dma_start3A_117] : memref<2x4x8x128xf32, #tpu.memory_space<vmem>> -> memref<1x4x8x128xf32, #tpu.memory_space<vmem>>
          %dma_start3A_119 = tpu.memref_squeeze %dma_start3A_118 : memref<1x4x8x128xf32, #tpu.memory_space<vmem>> -> memref<4x8x128xf32, #tpu.memory_space<vmem>>
          %dma_start3A_120 = arith.constant 0 : i32
          %dma_start3A_121 = arith.constant 0 : i32
          %dma_start3A_122 = tpu.memref_slice %arg2[%dma_start3A_120, %dma_start3A_121, %mul3A_113] : memref<4x8x1000000xf32, #tpu.memory_space<hbm>> -> memref<4x8x128xf32, #tpu.memory_space<hbm>>
          %dma_start3A_123 = arith.constant 0 : i32
          %dma_start3A_124 = arith.constant 0 : i32
          %dma_start3A_125 = arith.constant 0 : i32
          %dma_start3A_126 = tpu.memref_slice %arg4[%dma_start3A_114, %dma_start3A_123, %dma_start3A_124, %dma_start3A_125] : memref<2x4x8x128xf32, #tpu.memory_space<vmem>> -> memref<1x4x8x128xf32, #tpu.memory_space<vmem>>
          %dma_start3A_127 = tpu.memref_squeeze %dma_start3A_126 : memref<1x4x8x128xf32, #tpu.memory_space<vmem>> -> memref<4x8x128xf32, #tpu.memory_space<vmem>>
          %dma_start3A_128 = arith.constant 0 : i32
          %dma_start3A_129 = arith.constant 0 : i32
          %dma_start3A_130 = tpu.memref_slice %arg2[%dma_start3A_128, %dma_start3A_129, %mul3A_113] : memref<4x8x1000000xf32, #tpu.memory_space<hbm>> -> memref<4x8x128xf32, #tpu.memory_space<hbm>>
          tpu.enqueue_dma source(%dma_start3A_130 : memref<4x8x128xf32, #tpu.memory_space<hbm>>) target(%dma_start3A_127 : memref<4x8x128xf32, #tpu.memory_space<vmem>>) target_semaphore(%arg7 : memref<!tpu.dma_semaphore, #tpu.memory_space<semaphore_mem>>)
        } else {
        }
        %ge3A = arith.constant 2 : i32
        %ge3A_92 = arith.cmpi sge, %add3A_66, %ge3A : i32
        %convert_element_type3A_93 = arith.extui %ge3A_92 : i1 to i32
        %cond3A_94 = arith.constant 0 : i32
        %cond3A_95 = arith.cmpi ne, %convert_element_type3A_93, %cond3A_94 : i32
        scf.if %cond3A_95 {
          %dma_wait3A_109 = arith.constant 0 : i32
          %dma_wait3A_110 = tpu.memref_slice %arg6[%dma_wait3A_109] : memref<5120xf32, #tpu.memory_space<vmem>> -> memref<5120xf32, #tpu.memory_space<vmem>>
          %dma_wait3A_111 = arith.constant 0 : i32
          %dma_wait3A_112 = tpu.memref_slice %arg3[%dma_wait3A_111] : memref<40000000xf32, #tpu.memory_space<hbm>> -> memref<5120xf32, #tpu.memory_space<hbm>>
          %dma_wait3A_113 = arith.constant 0 : i32
          %dma_wait3A_114 = tpu.memref_slice %arg3[%dma_wait3A_113] : memref<40000000xf32, #tpu.memory_space<hbm>> -> memref<5120xf32, #tpu.memory_space<hbm>>
          %dma_wait3A_115 = arith.constant 0 : i32
          %dma_wait3A_116 = tpu.memref_slice %arg6[%dma_wait3A_115] : memref<5120xf32, #tpu.memory_space<vmem>> -> memref<5120xf32, #tpu.memory_space<vmem>>
          tpu.wait_dma2 semaphore(%arg10 : memref<!tpu.dma_semaphore, #tpu.memory_space<semaphore_mem>>) src(%dma_wait3A_116 : memref<5120xf32, #tpu.memory_space<vmem>>) dst(%dma_wait3A_114 : memref<5120xf32, #tpu.memory_space<hbm>>)
        } else {
        }
        %parallel_loop3A = arith.constant 0 : i32
        %parallel_loop3A_96 = arith.constant 256 : i32
        %parallel_loop3A_97 = arith.constant 1 : i32
        scf.for %parallel_loop3A_109 = %parallel_loop3A to %parallel_loop3A_96 step %parallel_loop3A_97  : i32 {
          %parallel_loop3A_110 = arith.constant 6 : i32
          %parallel_loop3A_111 = arith.shrsi %parallel_loop3A_109, %parallel_loop3A_110 : i32
          %parallel_loop3A_112 = arith.constant 3 : i32
          %parallel_loop3A_113 = arith.shrsi %parallel_loop3A_109, %parallel_loop3A_112 : i32
          %parallel_loop3A_114 = arith.constant 7 : i32
          %parallel_loop3A_115 = arith.andi %parallel_loop3A_113, %parallel_loop3A_114 : i32
          %parallel_loop3A_116 = arith.constant 7 : i32
          %parallel_loop3A_117 = arith.andi %parallel_loop3A_109, %parallel_loop3A_116 : i32
          %parallel_loop3A_118 = arith.constant 16 : i32
          %parallel_loop3A_119 = arith.muli %parallel_loop3A_117, %parallel_loop3A_118 : i32
          %parallel_loop3A_120 = arith.constant 1 : i32
          %parallel_loop3A_121 = arith.index_cast %parallel_loop3A_120 : i32 to index
          %parallel_loop3A_122 = arith.index_cast %parallel_loop3A_111 : i32 to index
          %parallel_loop3A_123 = arith.index_cast %parallel_loop3A_115 : i32 to index
          %parallel_loop3A_124 = arith.index_cast %parallel_loop3A_119 : i32 to index
          %parallel_loop3A_125 = tpu.vector_load %arg4[%parallel_loop3A_121, %parallel_loop3A_122, %parallel_loop3A_123, %parallel_loop3A_124] {strides = array<i32>} : memref<2x4x8x128xf32, #tpu.memory_space<vmem>>, vector<16xf32>,
          %parallel_loop3A_126 = arith.constant 40 : i32
          %parallel_loop3A_127 = vector.broadcast %parallel_loop3A_126 : i32 to vector<16xi32>
          %parallel_loop3A_128 = arith.muli %iota3A, %parallel_loop3A_127 : vector<16xi32>
          %parallel_loop3A_129 = arith.constant 40 : i32
          %parallel_loop3A_130 = arith.muli %parallel_loop3A_119, %parallel_loop3A_129 : i32
          %parallel_loop3A_131 = arith.constant 3 : i32
          %parallel_loop3A_132 = arith.shrsi %parallel_loop3A_109, %parallel_loop3A_131 : i32
          %parallel_loop3A_133 = arith.addi %parallel_loop3A_130, %parallel_loop3A_132 : i32
          %parallel_loop3A_134 = vector.broadcast %parallel_loop3A_133 : i32 to vector<16xi32>
          %parallel_loop3A_135 = arith.addi %parallel_loop3A_128, %parallel_loop3A_134 : vector<16xi32>
          tpu.vector_store_idx %arg6[%parallel_loop3A_135], %parallel_loop3A_125 : memref<5120xf32, #tpu.memory_space<vmem>>[vector<16xi32>], vector<16xf32>,
        } {sc.loop_unroll_factor = 16 : i64, sc.parallel_access}
        %add3A_98 = arith.addi %add3A_4, %add3A_66 : i32
        %mul3A_99 = arith.constant 128 : i32
        %mul3A_100 = arith.muli %add3A_98, %mul3A_99 : i32
        %mul3A_101 = arith.constant 40 : i32
        %mul3A_102 = arith.muli %mul3A_100, %mul3A_101 : i32
        %dma_start3A_103 = arith.constant 0 : i32
        %dma_start3A_104 = tpu.memref_slice %arg6[%dma_start3A_103] : memref<5120xf32, #tpu.memory_space<vmem>> -> memref<5120xf32, #tpu.memory_space<vmem>>
        %dma_start3A_105 = tpu.memref_slice %arg3[%mul3A_102] : memref<40000000xf32, #tpu.memory_space<hbm>> -> memref<5120xf32, #tpu.memory_space<hbm>>
        %dma_start3A_106 = tpu.memref_slice %arg3[%mul3A_102] : memref<40000000xf32, #tpu.memory_space<hbm>> -> memref<5120xf32, #tpu.memory_space<hbm>>
        %dma_start3A_107 = arith.constant 0 : i32
        %dma_start3A_108 = tpu.memref_slice %arg6[%dma_start3A_107] : memref<5120xf32, #tpu.memory_space<vmem>> -> memref<5120xf32, #tpu.memory_space<vmem>>
        tpu.enqueue_dma source(%dma_start3A_108 : memref<5120xf32, #tpu.memory_space<vmem>>) target(%dma_start3A_106 : memref<5120xf32, #tpu.memory_space<hbm>>) target_semaphore(%arg10 : memref<!tpu.dma_semaphore, #tpu.memory_space<semaphore_mem>>)
      } else {
      }
    }
    %scan3A_32 = arith.constant 123 : i32
    %dma_wait3A = arith.constant 0 : i32
    %dma_wait3A_33 = tpu.memref_slice %arg5[%dma_wait3A] : memref<5120xf32, #tpu.memory_space<vmem>> -> memref<5120xf32, #tpu.memory_space<vmem>>
    %dma_wait3A_34 = arith.constant 0 : i32
    %dma_wait3A_35 = tpu.memref_slice %arg3[%dma_wait3A_34] : memref<40000000xf32, #tpu.memory_space<hbm>> -> memref<5120xf32, #tpu.memory_space<hbm>>
    %dma_wait3A_36 = arith.constant 0 : i32
    %dma_wait3A_37 = tpu.memref_slice %arg3[%dma_wait3A_36] : memref<40000000xf32, #tpu.memory_space<hbm>> -> memref<5120xf32, #tpu.memory_space<hbm>>
    %dma_wait3A_38 = arith.constant 0 : i32
    %dma_wait3A_39 = tpu.memref_slice %arg5[%dma_wait3A_38] : memref<5120xf32, #tpu.memory_space<vmem>> -> memref<5120xf32, #tpu.memory_space<vmem>>
    tpu.wait_dma2 semaphore(%arg9 : memref<!tpu.dma_semaphore, #tpu.memory_space<semaphore_mem>>) src(%dma_wait3A_39 : memref<5120xf32, #tpu.memory_space<vmem>>) dst(%dma_wait3A_37 : memref<5120xf32, #tpu.memory_space<hbm>>)
    %dma_wait3A_40 = arith.constant 0 : i32
    %dma_wait3A_41 = tpu.memref_slice %arg6[%dma_wait3A_40] : memref<5120xf32, #tpu.memory_space<vmem>> -> memref<5120xf32, #tpu.memory_space<vmem>>
    %dma_wait3A_42 = arith.constant 0 : i32
    %dma_wait3A_43 = tpu.memref_slice %arg3[%dma_wait3A_42] : memref<40000000xf32, #tpu.memory_space<hbm>> -> memref<5120xf32, #tpu.memory_space<hbm>>
    %dma_wait3A_44 = arith.constant 0 : i32
    %dma_wait3A_45 = tpu.memref_slice %arg3[%dma_wait3A_44] : memref<40000000xf32, #tpu.memory_space<hbm>> -> memref<5120xf32, #tpu.memory_space<hbm>>
    %dma_wait3A_46 = arith.constant 0 : i32
    %dma_wait3A_47 = tpu.memref_slice %arg6[%dma_wait3A_46] : memref<5120xf32, #tpu.memory_space<vmem>> -> memref<5120xf32, #tpu.memory_space<vmem>>
    tpu.wait_dma2 semaphore(%arg10 : memref<!tpu.dma_semaphore, #tpu.memory_space<semaphore_mem>>) src(%dma_wait3A_47 : memref<5120xf32, #tpu.memory_space<vmem>>) dst(%dma_wait3A_45 : memref<5120xf32, #tpu.memory_space<hbm>>)
    %eq3A = arith.constant 31 : i32
    %eq3A_48 = arith.cmpi eq, %add3A, %eq3A : i32
    %and3A = arith.constant true
    %and3A_49 = arith.andi %eq3A_48, %and3A : i1
    %convert_element_type3A_50 = arith.extui %and3A_49 : i1 to i32
    %cond3A = arith.constant 0 : i32
    %cond3A_51 = arith.cmpi ne, %convert_element_type3A_50, %cond3A : i32
    scf.if %cond3A_51 {
      %dma_start3A_52 = arith.constant 0 : i32
      %dma_start3A_53 = arith.constant 0 : i32
      %dma_start3A_54 = arith.constant 0 : i32
      %dma_start3A_55 = arith.constant 0 : i32
      %dma_start3A_56 = arith.constant 0 : i32
      %dma_start3A_57 = arith.constant 0 : i32
      %dma_start3A_58 = tpu.memref_slice %arg4[%dma_start3A_54, %dma_start3A_55, %dma_start3A_56, %dma_start3A_57] : memref<2x4x8x128xf32, #tpu.memory_space<vmem>> -> memref<1x1x1x64xf32, #tpu.memory_space<vmem>>
      %dma_start3A_59 = tpu.memref_squeeze %dma_start3A_58 : memref<1x1x1x64xf32, #tpu.memory_space<vmem>> -> memref<64xf32, #tpu.memory_space<vmem>>
      %dma_start3A_60 = arith.constant 999936 : i32
      %dma_start3A_61 = tpu.memref_slice %arg2[%dma_start3A_52, %dma_start3A_53, %dma_start3A_60] : memref<4x8x1000000xf32, #tpu.memory_space<hbm>> -> memref<1x1x64xf32, #tpu.memory_space<hbm>>
      %dma_start3A_62 = tpu.memref_squeeze %dma_start3A_61 : memref<1x1x64xf32, #tpu.memory_space<hbm>> -> memref<64xf32, #tpu.memory_space<hbm>>
      %dma_start3A_63 = arith.constant 0 : i32
      %dma_start3A_64 = tpu.memref_slice %arg4[%dma_start3A_54, %dma_start3A_55, %dma_start3A_56, %dma_start3A_63] : memref<2x4x8x128xf32, #tpu.memory_space<vmem>> -> memref<1x1x1x64xf32, #tpu.memory_space<vmem>>
      %dma_start3A_65 = tpu.memref_squeeze %dma_start3A_64 : memref<1x1x1x64xf32, #tpu.memory_space<vmem>> -> memref<64xf32, #tpu.memory_space<vmem>>
      %dma_start3A_66 = arith.constant 999936 : i32
      %dma_start3A_67 = tpu.memref_slice %arg2[%dma_start3A_52, %dma_start3A_53, %dma_start3A_66] : memref<4x8x1000000xf32, #tpu.memory_space<hbm>> -> memref<1x1x64xf32, #tpu.memory_space<hbm>>
      %dma_start3A_68 = tpu.memref_squeeze %dma_start3A_67 : memref<1x1x64xf32, #tpu.memory_space<hbm>> -> memref<64xf32, #tpu.memory_space<hbm>>
      tpu.enqueue_dma source(%dma_start3A_68 : memref<64xf32, #tpu.memory_space<hbm>>) target(%dma_start3A_65 : memref<64xf32, #tpu.memory_space<vmem>>) target_semaphore(%arg7 : memref<!tpu.dma_semaphore, #tpu.memory_space<semaphore_mem>>)
      %dma_start3A_69 = arith.constant 0 : i32
      %dma_start3A_70 = arith.constant 1 : i32
      %dma_start3A_71 = arith.constant 0 : i32
      %dma_start3A_72 = arith.constant 0 : i32
      %dma_start3A_73 = arith.constant 1 : i32
      %dma_start3A_74 = arith.constant 0 : i32
      %dma_start3A_75 = tpu.memref_slice %arg4[%dma_start3A_71, %dma_start3A_72, %dma_start3A_73, %dma_start3A_74] : memref<2x4x8x128xf32, #tpu.memory_space<vmem>> -> memref<1x1x1x64xf32, #tpu.memory_space<vmem>>
      %dma_start3A_76 = tpu.memref_squeeze %dma_start3A_75 : memref<1x1x1x64xf32, #tpu.memory_space<vmem>> -> memref<64xf32, #tpu.memory_space<vmem>>
      %dma_start3A_77 = arith.constant 999936 : i32
      %dma_start3A_78 = tpu.memref_slice %arg2[%dma_start3A_69, %dma_start3A_70, %dma_start3A_77] : memref<4x8x1000000xf32, #tpu.memory_space<hbm>> -> memref<1x1x64xf32, #tpu.memory_space<hbm>>
      %dma_start3A_79 = tpu.memref_squeeze %dma_start3A_78 : memref<1x1x64xf32, #tpu.memory_space<hbm>> -> memref<64xf32, #tpu.memory_space<hbm>>
      %dma_start3A_80 = arith.constant 0 : i32
      %dma_start3A_81 = tpu.memref_slice %arg4[%dma_start3A_71, %dma_start3A_72, %dma_start3A_73, %dma_start3A_80] : memref<2x4x8x128xf32, #tpu.memory_space<vmem>> -> memref<1x1x1x64xf32, #tpu.memory_space<vmem>>
      %dma_start3A_82 = tpu.memref_squeeze %dma_start3A_81 : memref<1x1x1x64xf32, #tpu.memory_space<vmem>> -> memref<64xf32, #tpu.memory_space<vmem>>
      %dma_start3A_83 = arith.constant 999936 : i32
      %dma_start3A_84 = tpu.memref_slice %arg2[%dma_start3A_69, %dma_start3A_70, %dma_start3A_83] : memref<4x8x1000000xf32, #tpu.memory_space<hbm>> -> memref<1x1x64xf32, #tpu.memory_space<hbm>>
      %dma_start3A_85 = tpu.memref_squeeze %dma_start3A_84 : memref<1x1x64xf32, #tpu.memory_space<hbm>> -> memref<64xf32, #tpu.memory_space<hbm>>
      tpu.enqueue_dma source(%dma_start3A_85 : memref<64xf32, #tpu.memory_space<hbm>>) target(%dma_start3A_82 : memref<64xf32, #tpu.memory_space<vmem>>) target_semaphore(%arg7 : memref<!tpu.dma_semaphore, #tpu.memory_space<semaphore_mem>>)
      %dma_start3A_86 = arith.constant 0 : i32
      %dma_start3A_87 = arith.constant 2 : i32
      %dma_start3A_88 = arith.constant 0 : i32
      %dma_start3A_89 = arith.constant 0 : i32
      %dma_start3A_90 = arith.constant 2 : i32
      %dma_start3A_91 = arith.constant 0 : i32
      %dma_start3A_92 = tpu.memref_slice %arg4[%dma_start3A_88, %dma_start3A_89, %dma_start3A_90, %dma_start3A_91] : memref<2x4x8x128xf32, #tpu.memory_space<vmem>> -> memref<1x1x1x64xf32, #tpu.memory_space<vmem>>
      %dma_start3A_93 = tpu.memref_squeeze %dma_start3A_92 : memref<1x1x1x64xf32, #tpu.memory_space<vmem>> -> memref<64xf32, #tpu.memory_space<vmem>>
      %dma_start3A_94 = arith.constant 999936 : i32
      %dma_start3A_95 = tpu.memref_slice %arg2[%dma_start3A_86, %dma_start3A_87, %dma_start3A_94] : memref<4x8x1000000xf32, #tpu.memory_space<hbm>> -> memref<1x1x64xf32, #tpu.memory_space<hbm>>
      %dma_start3A_96 = tpu.memref_squeeze %dma_start3A_95 : memref<1x1x64xf32, #tpu.memory_space<hbm>> -> memref<64xf32, #tpu.memory_space<hbm>>
      %dma_start3A_97 = arith.constant 0 : i32
      %dma_start3A_98 = tpu.memref_slice %arg4[%dma_start3A_88, %dma_start3A_89, %dma_start3A_90, %dma_start3A_97] : memref<2x4x8x128xf32, #tpu.memory_space<vmem>> -> memref<1x1x1x64xf32, #tpu.memory_space<vmem>>
      %dma_start3A_99 = tpu.memref_squeeze %dma_start3A_98 : memref<1x1x1x64xf32, #tpu.memory_space<vmem>> -> memref<64xf32, #tpu.memory_space<vmem>>
      %dma_start3A_100 = arith.constant 999936 : i32
      %dma_start3A_101 = tpu.memref_slice %arg2[%dma_start3A_86, %dma_start3A_87, %dma_start3A_100] : memref<4x8x1000000xf32, #tpu.memory_space<hbm>> -> memref<1x1x64xf32, #tpu.memory_space<hbm>>
      %dma_start3A_102 = tpu.memref_squeeze %dma_start3A_101 : memref<1x1x64xf32, #tpu.memory_space<hbm>> -> memref<64xf32, #tpu.memory_space<hbm>>
      tpu.enqueue_dma source(%dma_start3A_102 : memref<64xf32, #tpu.memory_space<hbm>>) target(%dma_start3A_99 : memref<64xf32, #tpu.memory_space<vmem>>) target_semaphore(%arg7 : memref<!tpu.dma_semaphore, #tpu.memory_space<semaphore_mem>>)
      %dma_start3A_103 = arith.constant 0 : i32
      %dma_start3A_104 = arith.constant 3 : i32
      %dma_start3A_105 = arith.constant 0 : i32
      %dma_start3A_106 = arith.constant 0 : i32
      %dma_start3A_107 = arith.constant 3 : i32
      %dma_start3A_108 = arith.constant 0 : i32
      %dma_start3A_109 = tpu.memref_slice %arg4[%dma_start3A_105, %dma_start3A_106, %dma_start3A_107, %dma_start3A_108] : memref<2x4x8x128xf32, #tpu.memory_space<vmem>> -> memref<1x1x1x64xf32, #tpu.memory_space<vmem>>
      %dma_start3A_110 = tpu.memref_squeeze %dma_start3A_109 : memref<1x1x1x64xf32, #tpu.memory_space<vmem>> -> memref<64xf32, #tpu.memory_space<vmem>>
      %dma_start3A_111 = arith.constant 999936 : i32
      %dma_start3A_112 = tpu.memref_slice %arg2[%dma_start3A_103, %dma_start3A_104, %dma_start3A_111] : memref<4x8x1000000xf32, #tpu.memory_space<hbm>> -> memref<1x1x64xf32, #tpu.memory_space<hbm>>
      %dma_start3A_113 = tpu.memref_squeeze %dma_start3A_112 : memref<1x1x64xf32, #tpu.memory_space<hbm>> -> memref<64xf32, #tpu.memory_space<hbm>>
      %dma_start3A_114 = arith.constant 0 : i32
      %dma_start3A_115 = tpu.memref_slice %arg4[%dma_start3A_105, %dma_start3A_106, %dma_start3A_107, %dma_start3A_114] : memref<2x4x8x128xf32, #tpu.memory_space<vmem>> -> memref<1x1x1x64xf32, #tpu.memory_space<vmem>>
      %dma_start3A_116 = tpu.memref_squeeze %dma_start3A_115 : memref<1x1x1x64xf32, #tpu.memory_space<vmem>> -> memref<64xf32, #tpu.memory_space<vmem>>
      %dma_start3A_117 = arith.constant 999936 : i32
      %dma_start3A_118 = tpu.memref_slice %arg2[%dma_start3A_103, %dma_start3A_104, %dma_start3A_117] : memref<4x8x1000000xf32, #tpu.memory_space<hbm>> -> memref<1x1x64xf32, #tpu.memory_space<hbm>>
      %dma_start3A_119 = tpu.memref_squeeze %dma_start3A_118 : memref<1x1x64xf32, #tpu.memory_space<hbm>> -> memref<64xf32, #tpu.memory_space<hbm>>
      tpu.enqueue_dma source(%dma_start3A_119 : memref<64xf32, #tpu.memory_space<hbm>>) target(%dma_start3A_116 : memref<64xf32, #tpu.memory_space<vmem>>) target_semaphore(%arg7 : memref<!tpu.dma_semaphore, #tpu.memory_space<semaphore_mem>>)
      %dma_start3A_120 = arith.constant 0 : i32
      %dma_start3A_121 = arith.constant 4 : i32
      %dma_start3A_122 = arith.constant 0 : i32
      %dma_start3A_123 = arith.constant 0 : i32
      %dma_start3A_124 = arith.constant 4 : i32
      %dma_start3A_125 = arith.constant 0 : i32
      %dma_start3A_126 = tpu.memref_slice %arg4[%dma_start3A_122, %dma_start3A_123, %dma_start3A_124, %dma_start3A_125] : memref<2x4x8x128xf32, #tpu.memory_space<vmem>> -> memref<1x1x1x64xf32, #tpu.memory_space<vmem>>
      %dma_start3A_127 = tpu.memref_squeeze %dma_start3A_126 : memref<1x1x1x64xf32, #tpu.memory_space<vmem>> -> memref<64xf32, #tpu.memory_space<vmem>>
      %dma_start3A_128 = arith.constant 999936 : i32
      %dma_start3A_129 = tpu.memref_slice %arg2[%dma_start3A_120, %dma_start3A_121, %dma_start3A_128] : memref<4x8x1000000xf32, #tpu.memory_space<hbm>> -> memref<1x1x64xf32, #tpu.memory_space<hbm>>
      %dma_start3A_130 = tpu.memref_squeeze %dma_start3A_129 : memref<1x1x64xf32, #tpu.memory_space<hbm>> -> memref<64xf32, #tpu.memory_space<hbm>>
      %dma_start3A_131 = arith.constant 0 : i32
      %dma_start3A_132 = tpu.memref_slice %arg4[%dma_start3A_122, %dma_start3A_123, %dma_start3A_124, %dma_start3A_131] : memref<2x4x8x128xf32, #tpu.memory_space<vmem>> -> memref<1x1x1x64xf32, #tpu.memory_space<vmem>>
      %dma_start3A_133 = tpu.memref_squeeze %dma_start3A_132 : memref<1x1x1x64xf32, #tpu.memory_space<vmem>> -> memref<64xf32, #tpu.memory_space<vmem>>
      %dma_start3A_134 = arith.constant 999936 : i32
      %dma_start3A_135 = tpu.memref_slice %arg2[%dma_start3A_120, %dma_start3A_121, %dma_start3A_134] : memref<4x8x1000000xf32, #tpu.memory_space<hbm>> -> memref<1x1x64xf32, #tpu.memory_space<hbm>>
      %dma_start3A_136 = tpu.memref_squeeze %dma_start3A_135 : memref<1x1x64xf32, #tpu.memory_space<hbm>> -> memref<64xf32, #tpu.memory_space<hbm>>
      tpu.enqueue_dma source(%dma_start3A_136 : memref<64xf32, #tpu.memory_space<hbm>>) target(%dma_start3A_133 : memref<64xf32, #tpu.memory_space<vmem>>) target_semaphore(%arg7 : memref<!tpu.dma_semaphore, #tpu.memory_space<semaphore_mem>>)
      %dma_start3A_137 = arith.constant 0 : i32
      %dma_start3A_138 = arith.constant 5 : i32
      %dma_start3A_139 = arith.constant 0 : i32
      %dma_start3A_140 = arith.constant 0 : i32
      %dma_start3A_141 = arith.constant 5 : i32
      %dma_start3A_142 = arith.constant 0 : i32
      %dma_start3A_143 = tpu.memref_slice %arg4[%dma_start3A_139, %dma_start3A_140, %dma_start3A_141, %dma_start3A_142] : memref<2x4x8x128xf32, #tpu.memory_space<vmem>> -> memref<1x1x1x64xf32, #tpu.memory_space<vmem>>
      %dma_start3A_144 = tpu.memref_squeeze %dma_start3A_143 : memref<1x1x1x64xf32, #tpu.memory_space<vmem>> -> memref<64xf32, #tpu.memory_space<vmem>>
      %dma_start3A_145 = arith.constant 999936 : i32
      %dma_start3A_146 = tpu.memref_slice %arg2[%dma_start3A_137, %dma_start3A_138, %dma_start3A_145] : memref<4x8x1000000xf32, #tpu.memory_space<hbm>> -> memref<1x1x64xf32, #tpu.memory_space<hbm>>
      %dma_start3A_147 = tpu.memref_squeeze %dma_start3A_146 : memref<1x1x64xf32, #tpu.memory_space<hbm>> -> memref<64xf32, #tpu.memory_space<hbm>>
      %dma_start3A_148 = arith.constant 0 : i32
      %dma_start3A_149 = tpu.memref_slice %arg4[%dma_start3A_139, %dma_start3A_140, %dma_start3A_141, %dma_start3A_148] : memref<2x4x8x128xf32, #tpu.memory_space<vmem>> -> memref<1x1x1x64xf32, #tpu.memory_space<vmem>>
      %dma_start3A_150 = tpu.memref_squeeze %dma_start3A_149 : memref<1x1x1x64xf32, #tpu.memory_space<vmem>> -> memref<64xf32, #tpu.memory_space<vmem>>
      %dma_start3A_151 = arith.constant 999936 : i32
      %dma_start3A_152 = tpu.memref_slice %arg2[%dma_start3A_137, %dma_start3A_138, %dma_start3A_151] : memref<4x8x1000000xf32, #tpu.memory_space<hbm>> -> memref<1x1x64xf32, #tpu.memory_space<hbm>>
      %dma_start3A_153 = tpu.memref_squeeze %dma_start3A_152 : memref<1x1x64xf32, #tpu.memory_space<hbm>> -> memref<64xf32, #tpu.memory_space<hbm>>
      tpu.enqueue_dma source(%dma_start3A_153 : memref<64xf32, #tpu.memory_space<hbm>>) target(%dma_start3A_150 : memref<64xf32, #tpu.memory_space<vmem>>) target_semaphore(%arg7 : memref<!tpu.dma_semaphore, #tpu.memory_space<semaphore_mem>>)
      %dma_start3A_154 = arith.constant 0 : i32
      %dma_start3A_155 = arith.constant 6 : i32
      %dma_start3A_156 = arith.constant 0 : i32
      %dma_start3A_157 = arith.constant 0 : i32
      %dma_start3A_158 = arith.constant 6 : i32
      %dma_start3A_159 = arith.constant 0 : i32
      %dma_start3A_160 = tpu.memref_slice %arg4[%dma_start3A_156, %dma_start3A_157, %dma_start3A_158, %dma_start3A_159] : memref<2x4x8x128xf32, #tpu.memory_space<vmem>> -> memref<1x1x1x64xf32, #tpu.memory_space<vmem>>
      %dma_start3A_161 = tpu.memref_squeeze %dma_start3A_160 : memref<1x1x1x64xf32, #tpu.memory_space<vmem>> -> memref<64xf32, #tpu.memory_space<vmem>>
      %dma_start3A_162 = arith.constant 999936 : i32
      %dma_start3A_163 = tpu.memref_slice %arg2[%dma_start3A_154, %dma_start3A_155, %dma_start3A_162] : memref<4x8x1000000xf32, #tpu.memory_space<hbm>> -> memref<1x1x64xf32, #tpu.memory_space<hbm>>
      %dma_start3A_164 = tpu.memref_squeeze %dma_start3A_163 : memref<1x1x64xf32, #tpu.memory_space<hbm>> -> memref<64xf32, #tpu.memory_space<hbm>>
      %dma_start3A_165 = arith.constant 0 : i32
      %dma_start3A_166 = tpu.memref_slice %arg4[%dma_start3A_156, %dma_start3A_157, %dma_start3A_158, %dma_start3A_165] : memref<2x4x8x128xf32, #tpu.memory_space<vmem>> -> memref<1x1x1x64xf32, #tpu.memory_space<vmem>>
      %dma_start3A_167 = tpu.memref_squeeze %dma_start3A_166 : memref<1x1x1x64xf32, #tpu.memory_space<vmem>> -> memref<64xf32, #tpu.memory_space<vmem>>
      %dma_start3A_168 = arith.constant 999936 : i32
      %dma_start3A_169 = tpu.memref_slice %arg2[%dma_start3A_154, %dma_start3A_155, %dma_start3A_168] : memref<4x8x1000000xf32, #tpu.memory_space<hbm>> -> memref<1x1x64xf32, #tpu.memory_space<hbm>>
      %dma_start3A_170 = tpu.memref_squeeze %dma_start3A_169 : memref<1x1x64xf32, #tpu.memory_space<hbm>> -> memref<64xf32, #tpu.memory_space<hbm>>
      tpu.enqueue_dma source(%dma_start3A_170 : memref<64xf32, #tpu.memory_space<hbm>>) target(%dma_start3A_167 : memref<64xf32, #tpu.memory_space<vmem>>) target_semaphore(%arg7 : memref<!tpu.dma_semaphore, #tpu.memory_space<semaphore_mem>>)
      %dma_start3A_171 = arith.constant 0 : i32
      %dma_start3A_172 = arith.constant 7 : i32
      %dma_start3A_173 = arith.constant 0 : i32
      %dma_start3A_174 = arith.constant 0 : i32
      %dma_start3A_175 = arith.constant 7 : i32
      %dma_start3A_176 = arith.constant 0 : i32
      %dma_start3A_177 = tpu.memref_slice %arg4[%dma_start3A_173, %dma_start3A_174, %dma_start3A_175, %dma_start3A_176] : memref<2x4x8x128xf32, #tpu.memory_space<vmem>> -> memref<1x1x1x64xf32, #tpu.memory_space<vmem>>
      %dma_start3A_178 = tpu.memref_squeeze %dma_start3A_177 : memref<1x1x1x64xf32, #tpu.memory_space<vmem>> -> memref<64xf32, #tpu.memory_space<vmem>>
      %dma_start3A_179 = arith.constant 999936 : i32
      %dma_start3A_180 = tpu.memref_slice %arg2[%dma_start3A_171, %dma_start3A_172, %dma_start3A_179] : memref<4x8x1000000xf32, #tpu.memory_space<hbm>> -> memref<1x1x64xf32, #tpu.memory_space<hbm>>
      %dma_start3A_181 = tpu.memref_squeeze %dma_start3A_180 : memref<1x1x64xf32, #tpu.memory_space<hbm>> -> memref<64xf32, #tpu.memory_space<hbm>>
      %dma_start3A_182 = arith.constant 0 : i32
      %dma_start3A_183 = tpu.memref_slice %arg4[%dma_start3A_173, %dma_start3A_174, %dma_start3A_175, %dma_start3A_182] : memref<2x4x8x128xf32, #tpu.memory_space<vmem>> -> memref<1x1x1x64xf32, #tpu.memory_space<vmem>>
      %dma_start3A_184 = tpu.memref_squeeze %dma_start3A_183 : memref<1x1x1x64xf32, #tpu.memory_space<vmem>> -> memref<64xf32, #tpu.memory_space<vmem>>
      %dma_start3A_185 = arith.constant 999936 : i32
      %dma_start3A_186 = tpu.memref_slice %arg2[%dma_start3A_171, %dma_start3A_172, %dma_start3A_185] : memref<4x8x1000000xf32, #tpu.memory_space<hbm>> -> memref<1x1x64xf32, #tpu.memory_space<hbm>>
      %dma_start3A_187 = tpu.memref_squeeze %dma_start3A_186 : memref<1x1x64xf32, #tpu.memory_space<hbm>> -> memref<64xf32, #tpu.memory_space<hbm>>
      tpu.enqueue_dma source(%dma_start3A_187 : memref<64xf32, #tpu.memory_space<hbm>>) target(%dma_start3A_184 : memref<64xf32, #tpu.memory_space<vmem>>) target_semaphore(%arg7 : memref<!tpu.dma_semaphore, #tpu.memory_space<semaphore_mem>>)
      %dma_start3A_188 = arith.constant 1 : i32
      %dma_start3A_189 = arith.constant 0 : i32
      %dma_start3A_190 = arith.constant 0 : i32
      %dma_start3A_191 = arith.constant 1 : i32
      %dma_start3A_192 = arith.constant 0 : i32
      %dma_start3A_193 = arith.constant 0 : i32
      %dma_start3A_194 = tpu.memref_slice %arg4[%dma_start3A_190, %dma_start3A_191, %dma_start3A_192, %dma_start3A_193] : memref<2x4x8x128xf32, #tpu.memory_space<vmem>> -> memref<1x1x1x64xf32, #tpu.memory_space<vmem>>
      %dma_start3A_195 = tpu.memref_squeeze %dma_start3A_194 : memref<1x1x1x64xf32, #tpu.memory_space<vmem>> -> memref<64xf32, #tpu.memory_space<vmem>>
      %dma_start3A_196 = arith.constant 999936 : i32
      %dma_start3A_197 = tpu.memref_slice %arg2[%dma_start3A_188, %dma_start3A_189, %dma_start3A_196] : memref<4x8x1000000xf32, #tpu.memory_space<hbm>> -> memref<1x1x64xf32, #tpu.memory_space<hbm>>
      %dma_start3A_198 = tpu.memref_squeeze %dma_start3A_197 : memref<1x1x64xf32, #tpu.memory_space<hbm>> -> memref<64xf32, #tpu.memory_space<hbm>>
      %dma_start3A_199 = arith.constant 0 : i32
      %dma_start3A_200 = tpu.memref_slice %arg4[%dma_start3A_190, %dma_start3A_191, %dma_start3A_192, %dma_start3A_199] : memref<2x4x8x128xf32, #tpu.memory_space<vmem>> -> memref<1x1x1x64xf32, #tpu.memory_space<vmem>>
      %dma_start3A_201 = tpu.memref_squeeze %dma_start3A_200 : memref<1x1x1x64xf32, #tpu.memory_space<vmem>> -> memref<64xf32, #tpu.memory_space<vmem>>
      %dma_start3A_202 = arith.constant 999936 : i32
      %dma_start3A_203 = tpu.memref_slice %arg2[%dma_start3A_188, %dma_start3A_189, %dma_start3A_202] : memref<4x8x1000000xf32, #tpu.memory_space<hbm>> -> memref<1x1x64xf32, #tpu.memory_space<hbm>>
      %dma_start3A_204 = tpu.memref_squeeze %dma_start3A_203 : memref<1x1x64xf32, #tpu.memory_space<hbm>> -> memref<64xf32, #tpu.memory_space<hbm>>
      tpu.enqueue_dma source(%dma_start3A_204 : memref<64xf32, #tpu.memory_space<hbm>>) target(%dma_start3A_201 : memref<64xf32, #tpu.memory_space<vmem>>) target_semaphore(%arg7 : memref<!tpu.dma_semaphore, #tpu.memory_space<semaphore_mem>>)
      %dma_start3A_205 = arith.constant 1 : i32
      %dma_start3A_206 = arith.constant 1 : i32
      %dma_start3A_207 = arith.constant 0 : i32
      %dma_start3A_208 = arith.constant 1 : i32
      %dma_start3A_209 = arith.constant 1 : i32
      %dma_start3A_210 = arith.constant 0 : i32
      %dma_start3A_211 = tpu.memref_slice %arg4[%dma_start3A_207, %dma_start3A_208, %dma_start3A_209, %dma_start3A_210] : memref<2x4x8x128xf32, #tpu.memory_space<vmem>> -> memref<1x1x1x64xf32, #tpu.memory_space<vmem>>
      %dma_start3A_212 = tpu.memref_squeeze %dma_start3A_211 : memref<1x1x1x64xf32, #tpu.memory_space<vmem>> -> memref<64xf32, #tpu.memory_space<vmem>>
      %dma_start3A_213 = arith.constant 999936 : i32
      %dma_start3A_214 = tpu.memref_slice %arg2[%dma_start3A_205, %dma_start3A_206, %dma_start3A_213] : memref<4x8x1000000xf32, #tpu.memory_space<hbm>> -> memref<1x1x64xf32, #tpu.memory_space<hbm>>
      %dma_start3A_215 = tpu.memref_squeeze %dma_start3A_214 : memref<1x1x64xf32, #tpu.memory_space<hbm>> -> memref<64xf32, #tpu.memory_space<hbm>>
      %dma_start3A_216 = arith.constant 0 : i32
      %dma_start3A_217 = tpu.memref_slice %arg4[%dma_start3A_207, %dma_start3A_208, %dma_start3A_209, %dma_start3A_216] : memref<2x4x8x128xf32, #tpu.memory_space<vmem>> -> memref<1x1x1x64xf32, #tpu.memory_space<vmem>>
      %dma_start3A_218 = tpu.memref_squeeze %dma_start3A_217 : memref<1x1x1x64xf32, #tpu.memory_space<vmem>> -> memref<64xf32, #tpu.memory_space<vmem>>
      %dma_start3A_219 = arith.constant 999936 : i32
      %dma_start3A_220 = tpu.memref_slice %arg2[%dma_start3A_205, %dma_start3A_206, %dma_start3A_219] : memref<4x8x1000000xf32, #tpu.memory_space<hbm>> -> memref<1x1x64xf32, #tpu.memory_space<hbm>>
      %dma_start3A_221 = tpu.memref_squeeze %dma_start3A_220 : memref<1x1x64xf32, #tpu.memory_space<hbm>> -> memref<64xf32, #tpu.memory_space<hbm>>
      tpu.enqueue_dma source(%dma_start3A_221 : memref<64xf32, #tpu.memory_space<hbm>>) target(%dma_start3A_218 : memref<64xf32, #tpu.memory_space<vmem>>) target_semaphore(%arg7 : memref<!tpu.dma_semaphore, #tpu.memory_space<semaphore_mem>>)
      %dma_start3A_222 = arith.constant 1 : i32
      %dma_start3A_223 = arith.constant 2 : i32
      %dma_start3A_224 = arith.constant 0 : i32
      %dma_start3A_225 = arith.constant 1 : i32
      %dma_start3A_226 = arith.constant 2 : i32
      %dma_start3A_227 = arith.constant 0 : i32
      %dma_start3A_228 = tpu.memref_slice %arg4[%dma_start3A_224, %dma_start3A_225, %dma_start3A_226, %dma_start3A_227] : memref<2x4x8x128xf32, #tpu.memory_space<vmem>> -> memref<1x1x1x64xf32, #tpu.memory_space<vmem>>
      %dma_start3A_229 = tpu.memref_squeeze %dma_start3A_228 : memref<1x1x1x64xf32, #tpu.memory_space<vmem>> -> memref<64xf32, #tpu.memory_space<vmem>>
      %dma_start3A_230 = arith.constant 999936 : i32
      %dma_start3A_231 = tpu.memref_slice %arg2[%dma_start3A_222, %dma_start3A_223, %dma_start3A_230] : memref<4x8x1000000xf32, #tpu.memory_space<hbm>> -> memref<1x1x64xf32, #tpu.memory_space<hbm>>
      %dma_start3A_232 = tpu.memref_squeeze %dma_start3A_231 : memref<1x1x64xf32, #tpu.memory_space<hbm>> -> memref<64xf32, #tpu.memory_space<hbm>>
      %dma_start3A_233 = arith.constant 0 : i32
      %dma_start3A_234 = tpu.memref_slice %arg4[%dma_start3A_224, %dma_start3A_225, %dma_start3A_226, %dma_start3A_233] : memref<2x4x8x128xf32, #tpu.memory_space<vmem>> -> memref<1x1x1x64xf32, #tpu.memory_space<vmem>>
      %dma_start3A_235 = tpu.memref_squeeze %dma_start3A_234 : memref<1x1x1x64xf32, #tpu.memory_space<vmem>> -> memref<64xf32, #tpu.memory_space<vmem>>
      %dma_start3A_236 = arith.constant 999936 : i32
      %dma_start3A_237 = tpu.memref_slice %arg2[%dma_start3A_222, %dma_start3A_223, %dma_start3A_236] : memref<4x8x1000000xf32, #tpu.memory_space<hbm>> -> memref<1x1x64xf32, #tpu.memory_space<hbm>>
      %dma_start3A_238 = tpu.memref_squeeze %dma_start3A_237 : memref<1x1x64xf32, #tpu.memory_space<hbm>> -> memref<64xf32, #tpu.memory_space<hbm>>
      tpu.enqueue_dma source(%dma_start3A_238 : memref<64xf32, #tpu.memory_space<hbm>>) target(%dma_start3A_235 : memref<64xf32, #tpu.memory_space<vmem>>) target_semaphore(%arg7 : memref<!tpu.dma_semaphore, #tpu.memory_space<semaphore_mem>>)
      %dma_start3A_239 = arith.constant 1 : i32
      %dma_start3A_240 = arith.constant 3 : i32
      %dma_start3A_241 = arith.constant 0 : i32
      %dma_start3A_242 = arith.constant 1 : i32
      %dma_start3A_243 = arith.constant 3 : i32
      %dma_start3A_244 = arith.constant 0 : i32
      %dma_start3A_245 = tpu.memref_slice %arg4[%dma_start3A_241, %dma_start3A_242, %dma_start3A_243, %dma_start3A_244] : memref<2x4x8x128xf32, #tpu.memory_space<vmem>> -> memref<1x1x1x64xf32, #tpu.memory_space<vmem>>
      %dma_start3A_246 = tpu.memref_squeeze %dma_start3A_245 : memref<1x1x1x64xf32, #tpu.memory_space<vmem>> -> memref<64xf32, #tpu.memory_space<vmem>>
      %dma_start3A_247 = arith.constant 999936 : i32
      %dma_start3A_248 = tpu.memref_slice %arg2[%dma_start3A_239, %dma_start3A_240, %dma_start3A_247] : memref<4x8x1000000xf32, #tpu.memory_space<hbm>> -> memref<1x1x64xf32, #tpu.memory_space<hbm>>
      %dma_start3A_249 = tpu.memref_squeeze %dma_start3A_248 : memref<1x1x64xf32, #tpu.memory_space<hbm>> -> memref<64xf32, #tpu.memory_space<hbm>>
      %dma_start3A_250 = arith.constant 0 : i32
      %dma_start3A_251 = tpu.memref_slice %arg4[%dma_start3A_241, %dma_start3A_242, %dma_start3A_243, %dma_start3A_250] : memref<2x4x8x128xf32, #tpu.memory_space<vmem>> -> memref<1x1x1x64xf32, #tpu.memory_space<vmem>>
      %dma_start3A_252 = tpu.memref_squeeze %dma_start3A_251 : memref<1x1x1x64xf32, #tpu.memory_space<vmem>> -> memref<64xf32, #tpu.memory_space<vmem>>
      %dma_start3A_253 = arith.constant 999936 : i32
      %dma_start3A_254 = tpu.memref_slice %arg2[%dma_start3A_239, %dma_start3A_240, %dma_start3A_253] : memref<4x8x1000000xf32, #tpu.memory_space<hbm>> -> memref<1x1x64xf32, #tpu.memory_space<hbm>>
      %dma_start3A_255 = tpu.memref_squeeze %dma_start3A_254 : memref<1x1x64xf32, #tpu.memory_space<hbm>> -> memref<64xf32, #tpu.memory_space<hbm>>
      tpu.enqueue_dma source(%dma_start3A_255 : memref<64xf32, #tpu.memory_space<hbm>>) target(%dma_start3A_252 : memref<64xf32, #tpu.memory_space<vmem>>) target_semaphore(%arg7 : memref<!tpu.dma_semaphore, #tpu.memory_space<semaphore_mem>>)
      %dma_start3A_256 = arith.constant 1 : i32
      %dma_start3A_257 = arith.constant 4 : i32
      %dma_start3A_258 = arith.constant 0 : i32
      %dma_start3A_259 = arith.constant 1 : i32
      %dma_start3A_260 = arith.constant 4 : i32
      %dma_start3A_261 = arith.constant 0 : i32
      %dma_start3A_262 = tpu.memref_slice %arg4[%dma_start3A_258, %dma_start3A_259, %dma_start3A_260, %dma_start3A_261] : memref<2x4x8x128xf32, #tpu.memory_space<vmem>> -> memref<1x1x1x64xf32, #tpu.memory_space<vmem>>
      %dma_start3A_263 = tpu.memref_squeeze %dma_start3A_262 : memref<1x1x1x64xf32, #tpu.memory_space<vmem>> -> memref<64xf32, #tpu.memory_space<vmem>>
      %dma_start3A_264 = arith.constant 999936 : i32
      %dma_start3A_265 = tpu.memref_slice %arg2[%dma_start3A_256, %dma_start3A_257, %dma_start3A_264] : memref<4x8x1000000xf32, #tpu.memory_space<hbm>> -> memref<1x1x64xf32, #tpu.memory_space<hbm>>
      %dma_start3A_266 = tpu.memref_squeeze %dma_start3A_265 : memref<1x1x64xf32, #tpu.memory_space<hbm>> -> memref<64xf32, #tpu.memory_space<hbm>>
      %dma_start3A_267 = arith.constant 0 : i32
      %dma_start3A_268 = tpu.memref_slice %arg4[%dma_start3A_258, %dma_start3A_259, %dma_start3A_260, %dma_start3A_267] : memref<2x4x8x128xf32, #tpu.memory_space<vmem>> -> memref<1x1x1x64xf32, #tpu.memory_space<vmem>>
      %dma_start3A_269 = tpu.memref_squeeze %dma_start3A_268 : memref<1x1x1x64xf32, #tpu.memory_space<vmem>> -> memref<64xf32, #tpu.memory_space<vmem>>
      %dma_start3A_270 = arith.constant 999936 : i32
      %dma_start3A_271 = tpu.memref_slice %arg2[%dma_start3A_256, %dma_start3A_257, %dma_start3A_270] : memref<4x8x1000000xf32, #tpu.memory_space<hbm>> -> memref<1x1x64xf32, #tpu.memory_space<hbm>>
      %dma_start3A_272 = tpu.memref_squeeze %dma_start3A_271 : memref<1x1x64xf32, #tpu.memory_space<hbm>> -> memref<64xf32, #tpu.memory_space<hbm>>
      tpu.enqueue_dma source(%dma_start3A_272 : memref<64xf32, #tpu.memory_space<hbm>>) target(%dma_start3A_269 : memref<64xf32, #tpu.memory_space<vmem>>) target_semaphore(%arg7 : memref<!tpu.dma_semaphore, #tpu.memory_space<semaphore_mem>>)
      %dma_start3A_273 = arith.constant 1 : i32
      %dma_start3A_274 = arith.constant 5 : i32
      %dma_start3A_275 = arith.constant 0 : i32
      %dma_start3A_276 = arith.constant 1 : i32
      %dma_start3A_277 = arith.constant 5 : i32
      %dma_start3A_278 = arith.constant 0 : i32
      %dma_start3A_279 = tpu.memref_slice %arg4[%dma_start3A_275, %dma_start3A_276, %dma_start3A_277, %dma_start3A_278] : memref<2x4x8x128xf32, #tpu.memory_space<vmem>> -> memref<1x1x1x64xf32, #tpu.memory_space<vmem>>
      %dma_start3A_280 = tpu.memref_squeeze %dma_start3A_279 : memref<1x1x1x64xf32, #tpu.memory_space<vmem>> -> memref<64xf32, #tpu.memory_space<vmem>>
      %dma_start3A_281 = arith.constant 999936 : i32
      %dma_start3A_282 = tpu.memref_slice %arg2[%dma_start3A_273, %dma_start3A_274, %dma_start3A_281] : memref<4x8x1000000xf32, #tpu.memory_space<hbm>> -> memref<1x1x64xf32, #tpu.memory_space<hbm>>
      %dma_start3A_283 = tpu.memref_squeeze %dma_start3A_282 : memref<1x1x64xf32, #tpu.memory_space<hbm>> -> memref<64xf32, #tpu.memory_space<hbm>>
      %dma_start3A_284 = arith.constant 0 : i32
      %dma_start3A_285 = tpu.memref_slice %arg4[%dma_start3A_275, %dma_start3A_276, %dma_start3A_277, %dma_start3A_284] : memref<2x4x8x128xf32, #tpu.memory_space<vmem>> -> memref<1x1x1x64xf32, #tpu.memory_space<vmem>>
      %dma_start3A_286 = tpu.memref_squeeze %dma_start3A_285 : memref<1x1x1x64xf32, #tpu.memory_space<vmem>> -> memref<64xf32, #tpu.memory_space<vmem>>
      %dma_start3A_287 = arith.constant 999936 : i32
      %dma_start3A_288 = tpu.memref_slice %arg2[%dma_start3A_273, %dma_start3A_274, %dma_start3A_287] : memref<4x8x1000000xf32, #tpu.memory_space<hbm>> -> memref<1x1x64xf32, #tpu.memory_space<hbm>>
      %dma_start3A_289 = tpu.memref_squeeze %dma_start3A_288 : memref<1x1x64xf32, #tpu.memory_space<hbm>> -> memref<64xf32, #tpu.memory_space<hbm>>
      tpu.enqueue_dma source(%dma_start3A_289 : memref<64xf32, #tpu.memory_space<hbm>>) target(%dma_start3A_286 : memref<64xf32, #tpu.memory_space<vmem>>) target_semaphore(%arg7 : memref<!tpu.dma_semaphore, #tpu.memory_space<semaphore_mem>>)
      %dma_start3A_290 = arith.constant 1 : i32
      %dma_start3A_291 = arith.constant 6 : i32
      %dma_start3A_292 = arith.constant 0 : i32
      %dma_start3A_293 = arith.constant 1 : i32
      %dma_start3A_294 = arith.constant 6 : i32
      %dma_start3A_295 = arith.constant 0 : i32
      %dma_start3A_296 = tpu.memref_slice %arg4[%dma_start3A_292, %dma_start3A_293, %dma_start3A_294, %dma_start3A_295] : memref<2x4x8x128xf32, #tpu.memory_space<vmem>> -> memref<1x1x1x64xf32, #tpu.memory_space<vmem>>
      %dma_start3A_297 = tpu.memref_squeeze %dma_start3A_296 : memref<1x1x1x64xf32, #tpu.memory_space<vmem>> -> memref<64xf32, #tpu.memory_space<vmem>>
      %dma_start3A_298 = arith.constant 999936 : i32
      %dma_start3A_299 = tpu.memref_slice %arg2[%dma_start3A_290, %dma_start3A_291, %dma_start3A_298] : memref<4x8x1000000xf32, #tpu.memory_space<hbm>> -> memref<1x1x64xf32, #tpu.memory_space<hbm>>
      %dma_start3A_300 = tpu.memref_squeeze %dma_start3A_299 : memref<1x1x64xf32, #tpu.memory_space<hbm>> -> memref<64xf32, #tpu.memory_space<hbm>>
      %dma_start3A_301 = arith.constant 0 : i32
      %dma_start3A_302 = tpu.memref_slice %arg4[%dma_start3A_292, %dma_start3A_293, %dma_start3A_294, %dma_start3A_301] : memref<2x4x8x128xf32, #tpu.memory_space<vmem>> -> memref<1x1x1x64xf32, #tpu.memory_space<vmem>>
      %dma_start3A_303 = tpu.memref_squeeze %dma_start3A_302 : memref<1x1x1x64xf32, #tpu.memory_space<vmem>> -> memref<64xf32, #tpu.memory_space<vmem>>
      %dma_start3A_304 = arith.constant 999936 : i32
      %dma_start3A_305 = tpu.memref_slice %arg2[%dma_start3A_290, %dma_start3A_291, %dma_start3A_304] : memref<4x8x1000000xf32, #tpu.memory_space<hbm>> -> memref<1x1x64xf32, #tpu.memory_space<hbm>>
      %dma_start3A_306 = tpu.memref_squeeze %dma_start3A_305 : memref<1x1x64xf32, #tpu.memory_space<hbm>> -> memref<64xf32, #tpu.memory_space<hbm>>
      tpu.enqueue_dma source(%dma_start3A_306 : memref<64xf32, #tpu.memory_space<hbm>>) target(%dma_start3A_303 : memref<64xf32, #tpu.memory_space<vmem>>) target_semaphore(%arg7 : memref<!tpu.dma_semaphore, #tpu.memory_space<semaphore_mem>>)
      %dma_start3A_307 = arith.constant 1 : i32
      %dma_start3A_308 = arith.constant 7 : i32
      %dma_start3A_309 = arith.constant 0 : i32
      %dma_start3A_310 = arith.constant 1 : i32
      %dma_start3A_311 = arith.constant 7 : i32
      %dma_start3A_312 = arith.constant 0 : i32
      %dma_start3A_313 = tpu.memref_slice %arg4[%dma_start3A_309, %dma_start3A_310, %dma_start3A_311, %dma_start3A_312] : memref<2x4x8x128xf32, #tpu.memory_space<vmem>> -> memref<1x1x1x64xf32, #tpu.memory_space<vmem>>
      %dma_start3A_314 = tpu.memref_squeeze %dma_start3A_313 : memref<1x1x1x64xf32, #tpu.memory_space<vmem>> -> memref<64xf32, #tpu.memory_space<vmem>>
      %dma_start3A_315 = arith.constant 999936 : i32
      %dma_start3A_316 = tpu.memref_slice %arg2[%dma_start3A_307, %dma_start3A_308, %dma_start3A_315] : memref<4x8x1000000xf32, #tpu.memory_space<hbm>> -> memref<1x1x64xf32, #tpu.memory_space<hbm>>
      %dma_start3A_317 = tpu.memref_squeeze %dma_start3A_316 : memref<1x1x64xf32, #tpu.memory_space<hbm>> -> memref<64xf32, #tpu.memory_space<hbm>>
      %dma_start3A_318 = arith.constant 0 : i32
      %dma_start3A_319 = tpu.memref_slice %arg4[%dma_start3A_309, %dma_start3A_310, %dma_start3A_311, %dma_start3A_318] : memref<2x4x8x128xf32, #tpu.memory_space<vmem>> -> memref<1x1x1x64xf32, #tpu.memory_space<vmem>>
      %dma_start3A_320 = tpu.memref_squeeze %dma_start3A_319 : memref<1x1x1x64xf32, #tpu.memory_space<vmem>> -> memref<64xf32, #tpu.memory_space<vmem>>
      %dma_start3A_321 = arith.constant 999936 : i32
      %dma_start3A_322 = tpu.memref_slice %arg2[%dma_start3A_307, %dma_start3A_308, %dma_start3A_321] : memref<4x8x1000000xf32, #tpu.memory_space<hbm>> -> memref<1x1x64xf32, #tpu.memory_space<hbm>>
      %dma_start3A_323 = tpu.memref_squeeze %dma_start3A_322 : memref<1x1x64xf32, #tpu.memory_space<hbm>> -> memref<64xf32, #tpu.memory_space<hbm>>
      tpu.enqueue_dma source(%dma_start3A_323 : memref<64xf32, #tpu.memory_space<hbm>>) target(%dma_start3A_320 : memref<64xf32, #tpu.memory_space<vmem>>) target_semaphore(%arg7 : memref<!tpu.dma_semaphore, #tpu.memory_space<semaphore_mem>>)
      %dma_start3A_324 = arith.constant 2 : i32
      %dma_start3A_325 = arith.constant 0 : i32
      %dma_start3A_326 = arith.constant 0 : i32
      %dma_start3A_327 = arith.constant 2 : i32
      %dma_start3A_328 = arith.constant 0 : i32
      %dma_start3A_329 = arith.constant 0 : i32
      %dma_start3A_330 = tpu.memref_slice %arg4[%dma_start3A_326, %dma_start3A_327, %dma_start3A_328, %dma_start3A_329] : memref<2x4x8x128xf32, #tpu.memory_space<vmem>> -> memref<1x1x1x64xf32, #tpu.memory_space<vmem>>
      %dma_start3A_331 = tpu.memref_squeeze %dma_start3A_330 : memref<1x1x1x64xf32, #tpu.memory_space<vmem>> -> memref<64xf32, #tpu.memory_space<vmem>>
      %dma_start3A_332 = arith.constant 999936 : i32
      %dma_start3A_333 = tpu.memref_slice %arg2[%dma_start3A_324, %dma_start3A_325, %dma_start3A_332] : memref<4x8x1000000xf32, #tpu.memory_space<hbm>> -> memref<1x1x64xf32, #tpu.memory_space<hbm>>
      %dma_start3A_334 = tpu.memref_squeeze %dma_start3A_333 : memref<1x1x64xf32, #tpu.memory_space<hbm>> -> memref<64xf32, #tpu.memory_space<hbm>>
      %dma_start3A_335 = arith.constant 0 : i32
      %dma_start3A_336 = tpu.memref_slice %arg4[%dma_start3A_326, %dma_start3A_327, %dma_start3A_328, %dma_start3A_335] : memref<2x4x8x128xf32, #tpu.memory_space<vmem>> -> memref<1x1x1x64xf32, #tpu.memory_space<vmem>>
      %dma_start3A_337 = tpu.memref_squeeze %dma_start3A_336 : memref<1x1x1x64xf32, #tpu.memory_space<vmem>> -> memref<64xf32, #tpu.memory_space<vmem>>
      %dma_start3A_338 = arith.constant 999936 : i32
      %dma_start3A_339 = tpu.memref_slice %arg2[%dma_start3A_324, %dma_start3A_325, %dma_start3A_338] : memref<4x8x1000000xf32, #tpu.memory_space<hbm>> -> memref<1x1x64xf32, #tpu.memory_space<hbm>>
      %dma_start3A_340 = tpu.memref_squeeze %dma_start3A_339 : memref<1x1x64xf32, #tpu.memory_space<hbm>> -> memref<64xf32, #tpu.memory_space<hbm>>
      tpu.enqueue_dma source(%dma_start3A_340 : memref<64xf32, #tpu.memory_space<hbm>>) target(%dma_start3A_337 : memref<64xf32, #tpu.memory_space<vmem>>) target_semaphore(%arg7 : memref<!tpu.dma_semaphore, #tpu.memory_space<semaphore_mem>>)
      %dma_start3A_341 = arith.constant 2 : i32
      %dma_start3A_342 = arith.constant 1 : i32
      %dma_start3A_343 = arith.constant 0 : i32
      %dma_start3A_344 = arith.constant 2 : i32
      %dma_start3A_345 = arith.constant 1 : i32
      %dma_start3A_346 = arith.constant 0 : i32
      %dma_start3A_347 = tpu.memref_slice %arg4[%dma_start3A_343, %dma_start3A_344, %dma_start3A_345, %dma_start3A_346] : memref<2x4x8x128xf32, #tpu.memory_space<vmem>> -> memref<1x1x1x64xf32, #tpu.memory_space<vmem>>
      %dma_start3A_348 = tpu.memref_squeeze %dma_start3A_347 : memref<1x1x1x64xf32, #tpu.memory_space<vmem>> -> memref<64xf32, #tpu.memory_space<vmem>>
      %dma_start3A_349 = arith.constant 999936 : i32
      %dma_start3A_350 = tpu.memref_slice %arg2[%dma_start3A_341, %dma_start3A_342, %dma_start3A_349] : memref<4x8x1000000xf32, #tpu.memory_space<hbm>> -> memref<1x1x64xf32, #tpu.memory_space<hbm>>
      %dma_start3A_351 = tpu.memref_squeeze %dma_start3A_350 : memref<1x1x64xf32, #tpu.memory_space<hbm>> -> memref<64xf32, #tpu.memory_space<hbm>>
      %dma_start3A_352 = arith.constant 0 : i32
      %dma_start3A_353 = tpu.memref_slice %arg4[%dma_start3A_343, %dma_start3A_344, %dma_start3A_345, %dma_start3A_352] : memref<2x4x8x128xf32, #tpu.memory_space<vmem>> -> memref<1x1x1x64xf32, #tpu.memory_space<vmem>>
      %dma_start3A_354 = tpu.memref_squeeze %dma_start3A_353 : memref<1x1x1x64xf32, #tpu.memory_space<vmem>> -> memref<64xf32, #tpu.memory_space<vmem>>
      %dma_start3A_355 = arith.constant 999936 : i32
      %dma_start3A_356 = tpu.memref_slice %arg2[%dma_start3A_341, %dma_start3A_342, %dma_start3A_355] : memref<4x8x1000000xf32, #tpu.memory_space<hbm>> -> memref<1x1x64xf32, #tpu.memory_space<hbm>>
      %dma_start3A_357 = tpu.memref_squeeze %dma_start3A_356 : memref<1x1x64xf32, #tpu.memory_space<hbm>> -> memref<64xf32, #tpu.memory_space<hbm>>
      tpu.enqueue_dma source(%dma_start3A_357 : memref<64xf32, #tpu.memory_space<hbm>>) target(%dma_start3A_354 : memref<64xf32, #tpu.memory_space<vmem>>) target_semaphore(%arg7 : memref<!tpu.dma_semaphore, #tpu.memory_space<semaphore_mem>>)
      %dma_start3A_358 = arith.constant 2 : i32
      %dma_start3A_359 = arith.constant 2 : i32
      %dma_start3A_360 = arith.constant 0 : i32
      %dma_start3A_361 = arith.constant 2 : i32
      %dma_start3A_362 = arith.constant 2 : i32
      %dma_start3A_363 = arith.constant 0 : i32
      %dma_start3A_364 = tpu.memref_slice %arg4[%dma_start3A_360, %dma_start3A_361, %dma_start3A_362, %dma_start3A_363] : memref<2x4x8x128xf32, #tpu.memory_space<vmem>> -> memref<1x1x1x64xf32, #tpu.memory_space<vmem>>
      %dma_start3A_365 = tpu.memref_squeeze %dma_start3A_364 : memref<1x1x1x64xf32, #tpu.memory_space<vmem>> -> memref<64xf32, #tpu.memory_space<vmem>>
      %dma_start3A_366 = arith.constant 999936 : i32
      %dma_start3A_367 = tpu.memref_slice %arg2[%dma_start3A_358, %dma_start3A_359, %dma_start3A_366] : memref<4x8x1000000xf32, #tpu.memory_space<hbm>> -> memref<1x1x64xf32, #tpu.memory_space<hbm>>
      %dma_start3A_368 = tpu.memref_squeeze %dma_start3A_367 : memref<1x1x64xf32, #tpu.memory_space<hbm>> -> memref<64xf32, #tpu.memory_space<hbm>>
      %dma_start3A_369 = arith.constant 0 : i32
      %dma_start3A_370 = tpu.memref_slice %arg4[%dma_start3A_360, %dma_start3A_361, %dma_start3A_362, %dma_start3A_369] : memref<2x4x8x128xf32, #tpu.memory_space<vmem>> -> memref<1x1x1x64xf32, #tpu.memory_space<vmem>>
      %dma_start3A_371 = tpu.memref_squeeze %dma_start3A_370 : memref<1x1x1x64xf32, #tpu.memory_space<vmem>> -> memref<64xf32, #tpu.memory_space<vmem>>
      %dma_start3A_372 = arith.constant 999936 : i32
      %dma_start3A_373 = tpu.memref_slice %arg2[%dma_start3A_358, %dma_start3A_359, %dma_start3A_372] : memref<4x8x1000000xf32, #tpu.memory_space<hbm>> -> memref<1x1x64xf32, #tpu.memory_space<hbm>>
      %dma_start3A_374 = tpu.memref_squeeze %dma_start3A_373 : memref<1x1x64xf32, #tpu.memory_space<hbm>> -> memref<64xf32, #tpu.memory_space<hbm>>
      tpu.enqueue_dma source(%dma_start3A_374 : memref<64xf32, #tpu.memory_space<hbm>>) target(%dma_start3A_371 : memref<64xf32, #tpu.memory_space<vmem>>) target_semaphore(%arg7 : memref<!tpu.dma_semaphore, #tpu.memory_space<semaphore_mem>>)
      %dma_start3A_375 = arith.constant 2 : i32
      %dma_start3A_376 = arith.constant 3 : i32
      %dma_start3A_377 = arith.constant 0 : i32
      %dma_start3A_378 = arith.constant 2 : i32
      %dma_start3A_379 = arith.constant 3 : i32
      %dma_start3A_380 = arith.constant 0 : i32
      %dma_start3A_381 = tpu.memref_slice %arg4[%dma_start3A_377, %dma_start3A_378, %dma_start3A_379, %dma_start3A_380] : memref<2x4x8x128xf32, #tpu.memory_space<vmem>> -> memref<1x1x1x64xf32, #tpu.memory_space<vmem>>
      %dma_start3A_382 = tpu.memref_squeeze %dma_start3A_381 : memref<1x1x1x64xf32, #tpu.memory_space<vmem>> -> memref<64xf32, #tpu.memory_space<vmem>>
      %dma_start3A_383 = arith.constant 999936 : i32
      %dma_start3A_384 = tpu.memref_slice %arg2[%dma_start3A_375, %dma_start3A_376, %dma_start3A_383] : memref<4x8x1000000xf32, #tpu.memory_space<hbm>> -> memref<1x1x64xf32, #tpu.memory_space<hbm>>
      %dma_start3A_385 = tpu.memref_squeeze %dma_start3A_384 : memref<1x1x64xf32, #tpu.memory_space<hbm>> -> memref<64xf32, #tpu.memory_space<hbm>>
      %dma_start3A_386 = arith.constant 0 : i32
      %dma_start3A_387 = tpu.memref_slice %arg4[%dma_start3A_377, %dma_start3A_378, %dma_start3A_379, %dma_start3A_386] : memref<2x4x8x128xf32, #tpu.memory_space<vmem>> -> memref<1x1x1x64xf32, #tpu.memory_space<vmem>>
      %dma_start3A_388 = tpu.memref_squeeze %dma_start3A_387 : memref<1x1x1x64xf32, #tpu.memory_space<vmem>> -> memref<64xf32, #tpu.memory_space<vmem>>
      %dma_start3A_389 = arith.constant 999936 : i32
      %dma_start3A_390 = tpu.memref_slice %arg2[%dma_start3A_375, %dma_start3A_376, %dma_start3A_389] : memref<4x8x1000000xf32, #tpu.memory_space<hbm>> -> memref<1x1x64xf32, #tpu.memory_space<hbm>>
      %dma_start3A_391 = tpu.memref_squeeze %dma_start3A_390 : memref<1x1x64xf32, #tpu.memory_space<hbm>> -> memref<64xf32, #tpu.memory_space<hbm>>
      tpu.enqueue_dma source(%dma_start3A_391 : memref<64xf32, #tpu.memory_space<hbm>>) target(%dma_start3A_388 : memref<64xf32, #tpu.memory_space<vmem>>) target_semaphore(%arg7 : memref<!tpu.dma_semaphore, #tpu.memory_space<semaphore_mem>>)
      %dma_start3A_392 = arith.constant 2 : i32
      %dma_start3A_393 = arith.constant 4 : i32
      %dma_start3A_394 = arith.constant 0 : i32
      %dma_start3A_395 = arith.constant 2 : i32
      %dma_start3A_396 = arith.constant 4 : i32
      %dma_start3A_397 = arith.constant 0 : i32
      %dma_start3A_398 = tpu.memref_slice %arg4[%dma_start3A_394, %dma_start3A_395, %dma_start3A_396, %dma_start3A_397] : memref<2x4x8x128xf32, #tpu.memory_space<vmem>> -> memref<1x1x1x64xf32, #tpu.memory_space<vmem>>
      %dma_start3A_399 = tpu.memref_squeeze %dma_start3A_398 : memref<1x1x1x64xf32, #tpu.memory_space<vmem>> -> memref<64xf32, #tpu.memory_space<vmem>>
      %dma_start3A_400 = arith.constant 999936 : i32
      %dma_start3A_401 = tpu.memref_slice %arg2[%dma_start3A_392, %dma_start3A_393, %dma_start3A_400] : memref<4x8x1000000xf32, #tpu.memory_space<hbm>> -> memref<1x1x64xf32, #tpu.memory_space<hbm>>
      %dma_start3A_402 = tpu.memref_squeeze %dma_start3A_401 : memref<1x1x64xf32, #tpu.memory_space<hbm>> -> memref<64xf32, #tpu.memory_space<hbm>>
      %dma_start3A_403 = arith.constant 0 : i32
      %dma_start3A_404 = tpu.memref_slice %arg4[%dma_start3A_394, %dma_start3A_395, %dma_start3A_396, %dma_start3A_403] : memref<2x4x8x128xf32, #tpu.memory_space<vmem>> -> memref<1x1x1x64xf32, #tpu.memory_space<vmem>>
      %dma_start3A_405 = tpu.memref_squeeze %dma_start3A_404 : memref<1x1x1x64xf32, #tpu.memory_space<vmem>> -> memref<64xf32, #tpu.memory_space<vmem>>
      %dma_start3A_406 = arith.constant 999936 : i32
      %dma_start3A_407 = tpu.memref_slice %arg2[%dma_start3A_392, %dma_start3A_393, %dma_start3A_406] : memref<4x8x1000000xf32, #tpu.memory_space<hbm>> -> memref<1x1x64xf32, #tpu.memory_space<hbm>>
      %dma_start3A_408 = tpu.memref_squeeze %dma_start3A_407 : memref<1x1x64xf32, #tpu.memory_space<hbm>> -> memref<64xf32, #tpu.memory_space<hbm>>
      tpu.enqueue_dma source(%dma_start3A_408 : memref<64xf32, #tpu.memory_space<hbm>>) target(%dma_start3A_405 : memref<64xf32, #tpu.memory_space<vmem>>) target_semaphore(%arg7 : memref<!tpu.dma_semaphore, #tpu.memory_space<semaphore_mem>>)
      %dma_start3A_409 = arith.constant 2 : i32
      %dma_start3A_410 = arith.constant 5 : i32
      %dma_start3A_411 = arith.constant 0 : i32
      %dma_start3A_412 = arith.constant 2 : i32
      %dma_start3A_413 = arith.constant 5 : i32
      %dma_start3A_414 = arith.constant 0 : i32
      %dma_start3A_415 = tpu.memref_slice %arg4[%dma_start3A_411, %dma_start3A_412, %dma_start3A_413, %dma_start3A_414] : memref<2x4x8x128xf32, #tpu.memory_space<vmem>> -> memref<1x1x1x64xf32, #tpu.memory_space<vmem>>
      %dma_start3A_416 = tpu.memref_squeeze %dma_start3A_415 : memref<1x1x1x64xf32, #tpu.memory_space<vmem>> -> memref<64xf32, #tpu.memory_space<vmem>>
      %dma_start3A_417 = arith.constant 999936 : i32
      %dma_start3A_418 = tpu.memref_slice %arg2[%dma_start3A_409, %dma_start3A_410, %dma_start3A_417] : memref<4x8x1000000xf32, #tpu.memory_space<hbm>> -> memref<1x1x64xf32, #tpu.memory_space<hbm>>
      %dma_start3A_419 = tpu.memref_squeeze %dma_start3A_418 : memref<1x1x64xf32, #tpu.memory_space<hbm>> -> memref<64xf32, #tpu.memory_space<hbm>>
      %dma_start3A_420 = arith.constant 0 : i32
      %dma_start3A_421 = tpu.memref_slice %arg4[%dma_start3A_411, %dma_start3A_412, %dma_start3A_413, %dma_start3A_420] : memref<2x4x8x128xf32, #tpu.memory_space<vmem>> -> memref<1x1x1x64xf32, #tpu.memory_space<vmem>>
      %dma_start3A_422 = tpu.memref_squeeze %dma_start3A_421 : memref<1x1x1x64xf32, #tpu.memory_space<vmem>> -> memref<64xf32, #tpu.memory_space<vmem>>
      %dma_start3A_423 = arith.constant 999936 : i32
      %dma_start3A_424 = tpu.memref_slice %arg2[%dma_start3A_409, %dma_start3A_410, %dma_start3A_423] : memref<4x8x1000000xf32, #tpu.memory_space<hbm>> -> memref<1x1x64xf32, #tpu.memory_space<hbm>>
      %dma_start3A_425 = tpu.memref_squeeze %dma_start3A_424 : memref<1x1x64xf32, #tpu.memory_space<hbm>> -> memref<64xf32, #tpu.memory_space<hbm>>
      tpu.enqueue_dma source(%dma_start3A_425 : memref<64xf32, #tpu.memory_space<hbm>>) target(%dma_start3A_422 : memref<64xf32, #tpu.memory_space<vmem>>) target_semaphore(%arg7 : memref<!tpu.dma_semaphore, #tpu.memory_space<semaphore_mem>>)
      %dma_start3A_426 = arith.constant 2 : i32
      %dma_start3A_427 = arith.constant 6 : i32
      %dma_start3A_428 = arith.constant 0 : i32
      %dma_start3A_429 = arith.constant 2 : i32
      %dma_start3A_430 = arith.constant 6 : i32
      %dma_start3A_431 = arith.constant 0 : i32
      %dma_start3A_432 = tpu.memref_slice %arg4[%dma_start3A_428, %dma_start3A_429, %dma_start3A_430, %dma_start3A_431] : memref<2x4x8x128xf32, #tpu.memory_space<vmem>> -> memref<1x1x1x64xf32, #tpu.memory_space<vmem>>
      %dma_start3A_433 = tpu.memref_squeeze %dma_start3A_432 : memref<1x1x1x64xf32, #tpu.memory_space<vmem>> -> memref<64xf32, #tpu.memory_space<vmem>>
      %dma_start3A_434 = arith.constant 999936 : i32
      %dma_start3A_435 = tpu.memref_slice %arg2[%dma_start3A_426, %dma_start3A_427, %dma_start3A_434] : memref<4x8x1000000xf32, #tpu.memory_space<hbm>> -> memref<1x1x64xf32, #tpu.memory_space<hbm>>
      %dma_start3A_436 = tpu.memref_squeeze %dma_start3A_435 : memref<1x1x64xf32, #tpu.memory_space<hbm>> -> memref<64xf32, #tpu.memory_space<hbm>>
      %dma_start3A_437 = arith.constant 0 : i32
      %dma_start3A_438 = tpu.memref_slice %arg4[%dma_start3A_428, %dma_start3A_429, %dma_start3A_430, %dma_start3A_437] : memref<2x4x8x128xf32, #tpu.memory_space<vmem>> -> memref<1x1x1x64xf32, #tpu.memory_space<vmem>>
      %dma_start3A_439 = tpu.memref_squeeze %dma_start3A_438 : memref<1x1x1x64xf32, #tpu.memory_space<vmem>> -> memref<64xf32, #tpu.memory_space<vmem>>
      %dma_start3A_440 = arith.constant 999936 : i32
      %dma_start3A_441 = tpu.memref_slice %arg2[%dma_start3A_426, %dma_start3A_427, %dma_start3A_440] : memref<4x8x1000000xf32, #tpu.memory_space<hbm>> -> memref<1x1x64xf32, #tpu.memory_space<hbm>>
      %dma_start3A_442 = tpu.memref_squeeze %dma_start3A_441 : memref<1x1x64xf32, #tpu.memory_space<hbm>> -> memref<64xf32, #tpu.memory_space<hbm>>
      tpu.enqueue_dma source(%dma_start3A_442 : memref<64xf32, #tpu.memory_space<hbm>>) target(%dma_start3A_439 : memref<64xf32, #tpu.memory_space<vmem>>) target_semaphore(%arg7 : memref<!tpu.dma_semaphore, #tpu.memory_space<semaphore_mem>>)
      %dma_start3A_443 = arith.constant 2 : i32
      %dma_start3A_444 = arith.constant 7 : i32
      %dma_start3A_445 = arith.constant 0 : i32
      %dma_start3A_446 = arith.constant 2 : i32
      %dma_start3A_447 = arith.constant 7 : i32
      %dma_start3A_448 = arith.constant 0 : i32
      %dma_start3A_449 = tpu.memref_slice %arg4[%dma_start3A_445, %dma_start3A_446, %dma_start3A_447, %dma_start3A_448] : memref<2x4x8x128xf32, #tpu.memory_space<vmem>> -> memref<1x1x1x64xf32, #tpu.memory_space<vmem>>
      %dma_start3A_450 = tpu.memref_squeeze %dma_start3A_449 : memref<1x1x1x64xf32, #tpu.memory_space<vmem>> -> memref<64xf32, #tpu.memory_space<vmem>>
      %dma_start3A_451 = arith.constant 999936 : i32
      %dma_start3A_452 = tpu.memref_slice %arg2[%dma_start3A_443, %dma_start3A_444, %dma_start3A_451] : memref<4x8x1000000xf32, #tpu.memory_space<hbm>> -> memref<1x1x64xf32, #tpu.memory_space<hbm>>
      %dma_start3A_453 = tpu.memref_squeeze %dma_start3A_452 : memref<1x1x64xf32, #tpu.memory_space<hbm>> -> memref<64xf32, #tpu.memory_space<hbm>>
      %dma_start3A_454 = arith.constant 0 : i32
      %dma_start3A_455 = tpu.memref_slice %arg4[%dma_start3A_445, %dma_start3A_446, %dma_start3A_447, %dma_start3A_454] : memref<2x4x8x128xf32, #tpu.memory_space<vmem>> -> memref<1x1x1x64xf32, #tpu.memory_space<vmem>>
      %dma_start3A_456 = tpu.memref_squeeze %dma_start3A_455 : memref<1x1x1x64xf32, #tpu.memory_space<vmem>> -> memref<64xf32, #tpu.memory_space<vmem>>
      %dma_start3A_457 = arith.constant 999936 : i32
      %dma_start3A_458 = tpu.memref_slice %arg2[%dma_start3A_443, %dma_start3A_444, %dma_start3A_457] : memref<4x8x1000000xf32, #tpu.memory_space<hbm>> -> memref<1x1x64xf32, #tpu.memory_space<hbm>>
      %dma_start3A_459 = tpu.memref_squeeze %dma_start3A_458 : memref<1x1x64xf32, #tpu.memory_space<hbm>> -> memref<64xf32, #tpu.memory_space<hbm>>
      tpu.enqueue_dma source(%dma_start3A_459 : memref<64xf32, #tpu.memory_space<hbm>>) target(%dma_start3A_456 : memref<64xf32, #tpu.memory_space<vmem>>) target_semaphore(%arg7 : memref<!tpu.dma_semaphore, #tpu.memory_space<semaphore_mem>>)
      %dma_start3A_460 = arith.constant 3 : i32
      %dma_start3A_461 = arith.constant 0 : i32
      %dma_start3A_462 = arith.constant 0 : i32
      %dma_start3A_463 = arith.constant 3 : i32
      %dma_start3A_464 = arith.constant 0 : i32
      %dma_start3A_465 = arith.constant 0 : i32
      %dma_start3A_466 = tpu.memref_slice %arg4[%dma_start3A_462, %dma_start3A_463, %dma_start3A_464, %dma_start3A_465] : memref<2x4x8x128xf32, #tpu.memory_space<vmem>> -> memref<1x1x1x64xf32, #tpu.memory_space<vmem>>
      %dma_start3A_467 = tpu.memref_squeeze %dma_start3A_466 : memref<1x1x1x64xf32, #tpu.memory_space<vmem>> -> memref<64xf32, #tpu.memory_space<vmem>>
      %dma_start3A_468 = arith.constant 999936 : i32
      %dma_start3A_469 = tpu.memref_slice %arg2[%dma_start3A_460, %dma_start3A_461, %dma_start3A_468] : memref<4x8x1000000xf32, #tpu.memory_space<hbm>> -> memref<1x1x64xf32, #tpu.memory_space<hbm>>
      %dma_start3A_470 = tpu.memref_squeeze %dma_start3A_469 : memref<1x1x64xf32, #tpu.memory_space<hbm>> -> memref<64xf32, #tpu.memory_space<hbm>>
      %dma_start3A_471 = arith.constant 0 : i32
      %dma_start3A_472 = tpu.memref_slice %arg4[%dma_start3A_462, %dma_start3A_463, %dma_start3A_464, %dma_start3A_471] : memref<2x4x8x128xf32, #tpu.memory_space<vmem>> -> memref<1x1x1x64xf32, #tpu.memory_space<vmem>>
      %dma_start3A_473 = tpu.memref_squeeze %dma_start3A_472 : memref<1x1x1x64xf32, #tpu.memory_space<vmem>> -> memref<64xf32, #tpu.memory_space<vmem>>
      %dma_start3A_474 = arith.constant 999936 : i32
      %dma_start3A_475 = tpu.memref_slice %arg2[%dma_start3A_460, %dma_start3A_461, %dma_start3A_474] : memref<4x8x1000000xf32, #tpu.memory_space<hbm>> -> memref<1x1x64xf32, #tpu.memory_space<hbm>>
      %dma_start3A_476 = tpu.memref_squeeze %dma_start3A_475 : memref<1x1x64xf32, #tpu.memory_space<hbm>> -> memref<64xf32, #tpu.memory_space<hbm>>
      tpu.enqueue_dma source(%dma_start3A_476 : memref<64xf32, #tpu.memory_space<hbm>>) target(%dma_start3A_473 : memref<64xf32, #tpu.memory_space<vmem>>) target_semaphore(%arg7 : memref<!tpu.dma_semaphore, #tpu.memory_space<semaphore_mem>>)
      %dma_start3A_477 = arith.constant 3 : i32
      %dma_start3A_478 = arith.constant 1 : i32
      %dma_start3A_479 = arith.constant 0 : i32
      %dma_start3A_480 = arith.constant 3 : i32
      %dma_start3A_481 = arith.constant 1 : i32
      %dma_start3A_482 = arith.constant 0 : i32
      %dma_start3A_483 = tpu.memref_slice %arg4[%dma_start3A_479, %dma_start3A_480, %dma_start3A_481, %dma_start3A_482] : memref<2x4x8x128xf32, #tpu.memory_space<vmem>> -> memref<1x1x1x64xf32, #tpu.memory_space<vmem>>
      %dma_start3A_484 = tpu.memref_squeeze %dma_start3A_483 : memref<1x1x1x64xf32, #tpu.memory_space<vmem>> -> memref<64xf32, #tpu.memory_space<vmem>>
      %dma_start3A_485 = arith.constant 999936 : i32
      %dma_start3A_486 = tpu.memref_slice %arg2[%dma_start3A_477, %dma_start3A_478, %dma_start3A_485] : memref<4x8x1000000xf32, #tpu.memory_space<hbm>> -> memref<1x1x64xf32, #tpu.memory_space<hbm>>
      %dma_start3A_487 = tpu.memref_squeeze %dma_start3A_486 : memref<1x1x64xf32, #tpu.memory_space<hbm>> -> memref<64xf32, #tpu.memory_space<hbm>>
      %dma_start3A_488 = arith.constant 0 : i32
      %dma_start3A_489 = tpu.memref_slice %arg4[%dma_start3A_479, %dma_start3A_480, %dma_start3A_481, %dma_start3A_488] : memref<2x4x8x128xf32, #tpu.memory_space<vmem>> -> memref<1x1x1x64xf32, #tpu.memory_space<vmem>>
      %dma_start3A_490 = tpu.memref_squeeze %dma_start3A_489 : memref<1x1x1x64xf32, #tpu.memory_space<vmem>> -> memref<64xf32, #tpu.memory_space<vmem>>
      %dma_start3A_491 = arith.constant 999936 : i32
      %dma_start3A_492 = tpu.memref_slice %arg2[%dma_start3A_477, %dma_start3A_478, %dma_start3A_491] : memref<4x8x1000000xf32, #tpu.memory_space<hbm>> -> memref<1x1x64xf32, #tpu.memory_space<hbm>>
      %dma_start3A_493 = tpu.memref_squeeze %dma_start3A_492 : memref<1x1x64xf32, #tpu.memory_space<hbm>> -> memref<64xf32, #tpu.memory_space<hbm>>
      tpu.enqueue_dma source(%dma_start3A_493 : memref<64xf32, #tpu.memory_space<hbm>>) target(%dma_start3A_490 : memref<64xf32, #tpu.memory_space<vmem>>) target_semaphore(%arg7 : memref<!tpu.dma_semaphore, #tpu.memory_space<semaphore_mem>>)
      %dma_start3A_494 = arith.constant 3 : i32
      %dma_start3A_495 = arith.constant 2 : i32
      %dma_start3A_496 = arith.constant 0 : i32
      %dma_start3A_497 = arith.constant 3 : i32
      %dma_start3A_498 = arith.constant 2 : i32
      %dma_start3A_499 = arith.constant 0 : i32
      %dma_start3A_500 = tpu.memref_slice %arg4[%dma_start3A_496, %dma_start3A_497, %dma_start3A_498, %dma_start3A_499] : memref<2x4x8x128xf32, #tpu.memory_space<vmem>> -> memref<1x1x1x64xf32, #tpu.memory_space<vmem>>
      %dma_start3A_501 = tpu.memref_squeeze %dma_start3A_500 : memref<1x1x1x64xf32, #tpu.memory_space<vmem>> -> memref<64xf32, #tpu.memory_space<vmem>>
      %dma_start3A_502 = arith.constant 999936 : i32
      %dma_start3A_503 = tpu.memref_slice %arg2[%dma_start3A_494, %dma_start3A_495, %dma_start3A_502] : memref<4x8x1000000xf32, #tpu.memory_space<hbm>> -> memref<1x1x64xf32, #tpu.memory_space<hbm>>
      %dma_start3A_504 = tpu.memref_squeeze %dma_start3A_503 : memref<1x1x64xf32, #tpu.memory_space<hbm>> -> memref<64xf32, #tpu.memory_space<hbm>>
      %dma_start3A_505 = arith.constant 0 : i32
      %dma_start3A_506 = tpu.memref_slice %arg4[%dma_start3A_496, %dma_start3A_497, %dma_start3A_498, %dma_start3A_505] : memref<2x4x8x128xf32, #tpu.memory_space<vmem>> -> memref<1x1x1x64xf32, #tpu.memory_space<vmem>>
      %dma_start3A_507 = tpu.memref_squeeze %dma_start3A_506 : memref<1x1x1x64xf32, #tpu.memory_space<vmem>> -> memref<64xf32, #tpu.memory_space<vmem>>
      %dma_start3A_508 = arith.constant 999936 : i32
      %dma_start3A_509 = tpu.memref_slice %arg2[%dma_start3A_494, %dma_start3A_495, %dma_start3A_508] : memref<4x8x1000000xf32, #tpu.memory_space<hbm>> -> memref<1x1x64xf32, #tpu.memory_space<hbm>>
      %dma_start3A_510 = tpu.memref_squeeze %dma_start3A_509 : memref<1x1x64xf32, #tpu.memory_space<hbm>> -> memref<64xf32, #tpu.memory_space<hbm>>
      tpu.enqueue_dma source(%dma_start3A_510 : memref<64xf32, #tpu.memory_space<hbm>>) target(%dma_start3A_507 : memref<64xf32, #tpu.memory_space<vmem>>) target_semaphore(%arg7 : memref<!tpu.dma_semaphore, #tpu.memory_space<semaphore_mem>>)
      %dma_start3A_511 = arith.constant 3 : i32
      %dma_start3A_512 = arith.constant 3 : i32
      %dma_start3A_513 = arith.constant 0 : i32
      %dma_start3A_514 = arith.constant 3 : i32
      %dma_start3A_515 = arith.constant 3 : i32
      %dma_start3A_516 = arith.constant 0 : i32
      %dma_start3A_517 = tpu.memref_slice %arg4[%dma_start3A_513, %dma_start3A_514, %dma_start3A_515, %dma_start3A_516] : memref<2x4x8x128xf32, #tpu.memory_space<vmem>> -> memref<1x1x1x64xf32, #tpu.memory_space<vmem>>
      %dma_start3A_518 = tpu.memref_squeeze %dma_start3A_517 : memref<1x1x1x64xf32, #tpu.memory_space<vmem>> -> memref<64xf32, #tpu.memory_space<vmem>>
      %dma_start3A_519 = arith.constant 999936 : i32
      %dma_start3A_520 = tpu.memref_slice %arg2[%dma_start3A_511, %dma_start3A_512, %dma_start3A_519] : memref<4x8x1000000xf32, #tpu.memory_space<hbm>> -> memref<1x1x64xf32, #tpu.memory_space<hbm>>
      %dma_start3A_521 = tpu.memref_squeeze %dma_start3A_520 : memref<1x1x64xf32, #tpu.memory_space<hbm>> -> memref<64xf32, #tpu.memory_space<hbm>>
      %dma_start3A_522 = arith.constant 0 : i32
      %dma_start3A_523 = tpu.memref_slice %arg4[%dma_start3A_513, %dma_start3A_514, %dma_start3A_515, %dma_start3A_522] : memref<2x4x8x128xf32, #tpu.memory_space<vmem>> -> memref<1x1x1x64xf32, #tpu.memory_space<vmem>>
      %dma_start3A_524 = tpu.memref_squeeze %dma_start3A_523 : memref<1x1x1x64xf32, #tpu.memory_space<vmem>> -> memref<64xf32, #tpu.memory_space<vmem>>
      %dma_start3A_525 = arith.constant 999936 : i32
      %dma_start3A_526 = tpu.memref_slice %arg2[%dma_start3A_511, %dma_start3A_512, %dma_start3A_525] : memref<4x8x1000000xf32, #tpu.memory_space<hbm>> -> memref<1x1x64xf32, #tpu.memory_space<hbm>>
      %dma_start3A_527 = tpu.memref_squeeze %dma_start3A_526 : memref<1x1x64xf32, #tpu.memory_space<hbm>> -> memref<64xf32, #tpu.memory_space<hbm>>
      tpu.enqueue_dma source(%dma_start3A_527 : memref<64xf32, #tpu.memory_space<hbm>>) target(%dma_start3A_524 : memref<64xf32, #tpu.memory_space<vmem>>) target_semaphore(%arg7 : memref<!tpu.dma_semaphore, #tpu.memory_space<semaphore_mem>>)
      %dma_start3A_528 = arith.constant 3 : i32
      %dma_start3A_529 = arith.constant 4 : i32
      %dma_start3A_530 = arith.constant 0 : i32
      %dma_start3A_531 = arith.constant 3 : i32
      %dma_start3A_532 = arith.constant 4 : i32
      %dma_start3A_533 = arith.constant 0 : i32
      %dma_start3A_534 = tpu.memref_slice %arg4[%dma_start3A_530, %dma_start3A_531, %dma_start3A_532, %dma_start3A_533] : memref<2x4x8x128xf32, #tpu.memory_space<vmem>> -> memref<1x1x1x64xf32, #tpu.memory_space<vmem>>
      %dma_start3A_535 = tpu.memref_squeeze %dma_start3A_534 : memref<1x1x1x64xf32, #tpu.memory_space<vmem>> -> memref<64xf32, #tpu.memory_space<vmem>>
      %dma_start3A_536 = arith.constant 999936 : i32
      %dma_start3A_537 = tpu.memref_slice %arg2[%dma_start3A_528, %dma_start3A_529, %dma_start3A_536] : memref<4x8x1000000xf32, #tpu.memory_space<hbm>> -> memref<1x1x64xf32, #tpu.memory_space<hbm>>
      %dma_start3A_538 = tpu.memref_squeeze %dma_start3A_537 : memref<1x1x64xf32, #tpu.memory_space<hbm>> -> memref<64xf32, #tpu.memory_space<hbm>>
      %dma_start3A_539 = arith.constant 0 : i32
      %dma_start3A_540 = tpu.memref_slice %arg4[%dma_start3A_530, %dma_start3A_531, %dma_start3A_532, %dma_start3A_539] : memref<2x4x8x128xf32, #tpu.memory_space<vmem>> -> memref<1x1x1x64xf32, #tpu.memory_space<vmem>>
      %dma_start3A_541 = tpu.memref_squeeze %dma_start3A_540 : memref<1x1x1x64xf32, #tpu.memory_space<vmem>> -> memref<64xf32, #tpu.memory_space<vmem>>
      %dma_start3A_542 = arith.constant 999936 : i32
      %dma_start3A_543 = tpu.memref_slice %arg2[%dma_start3A_528, %dma_start3A_529, %dma_start3A_542] : memref<4x8x1000000xf32, #tpu.memory_space<hbm>> -> memref<1x1x64xf32, #tpu.memory_space<hbm>>
      %dma_start3A_544 = tpu.memref_squeeze %dma_start3A_543 : memref<1x1x64xf32, #tpu.memory_space<hbm>> -> memref<64xf32, #tpu.memory_space<hbm>>
      tpu.enqueue_dma source(%dma_start3A_544 : memref<64xf32, #tpu.memory_space<hbm>>) target(%dma_start3A_541 : memref<64xf32, #tpu.memory_space<vmem>>) target_semaphore(%arg7 : memref<!tpu.dma_semaphore, #tpu.memory_space<semaphore_mem>>)
      %dma_start3A_545 = arith.constant 3 : i32
      %dma_start3A_546 = arith.constant 5 : i32
      %dma_start3A_547 = arith.constant 0 : i32
      %dma_start3A_548 = arith.constant 3 : i32
      %dma_start3A_549 = arith.constant 5 : i32
      %dma_start3A_550 = arith.constant 0 : i32
      %dma_start3A_551 = tpu.memref_slice %arg4[%dma_start3A_547, %dma_start3A_548, %dma_start3A_549, %dma_start3A_550] : memref<2x4x8x128xf32, #tpu.memory_space<vmem>> -> memref<1x1x1x64xf32, #tpu.memory_space<vmem>>
      %dma_start3A_552 = tpu.memref_squeeze %dma_start3A_551 : memref<1x1x1x64xf32, #tpu.memory_space<vmem>> -> memref<64xf32, #tpu.memory_space<vmem>>
      %dma_start3A_553 = arith.constant 999936 : i32
      %dma_start3A_554 = tpu.memref_slice %arg2[%dma_start3A_545, %dma_start3A_546, %dma_start3A_553] : memref<4x8x1000000xf32, #tpu.memory_space<hbm>> -> memref<1x1x64xf32, #tpu.memory_space<hbm>>
      %dma_start3A_555 = tpu.memref_squeeze %dma_start3A_554 : memref<1x1x64xf32, #tpu.memory_space<hbm>> -> memref<64xf32, #tpu.memory_space<hbm>>
      %dma_start3A_556 = arith.constant 0 : i32
      %dma_start3A_557 = tpu.memref_slice %arg4[%dma_start3A_547, %dma_start3A_548, %dma_start3A_549, %dma_start3A_556] : memref<2x4x8x128xf32, #tpu.memory_space<vmem>> -> memref<1x1x1x64xf32, #tpu.memory_space<vmem>>
      %dma_start3A_558 = tpu.memref_squeeze %dma_start3A_557 : memref<1x1x1x64xf32, #tpu.memory_space<vmem>> -> memref<64xf32, #tpu.memory_space<vmem>>
      %dma_start3A_559 = arith.constant 999936 : i32
      %dma_start3A_560 = tpu.memref_slice %arg2[%dma_start3A_545, %dma_start3A_546, %dma_start3A_559] : memref<4x8x1000000xf32, #tpu.memory_space<hbm>> -> memref<1x1x64xf32, #tpu.memory_space<hbm>>
      %dma_start3A_561 = tpu.memref_squeeze %dma_start3A_560 : memref<1x1x64xf32, #tpu.memory_space<hbm>> -> memref<64xf32, #tpu.memory_space<hbm>>
      tpu.enqueue_dma source(%dma_start3A_561 : memref<64xf32, #tpu.memory_space<hbm>>) target(%dma_start3A_558 : memref<64xf32, #tpu.memory_space<vmem>>) target_semaphore(%arg7 : memref<!tpu.dma_semaphore, #tpu.memory_space<semaphore_mem>>)
      %dma_start3A_562 = arith.constant 3 : i32
      %dma_start3A_563 = arith.constant 6 : i32
      %dma_start3A_564 = arith.constant 0 : i32
      %dma_start3A_565 = arith.constant 3 : i32
      %dma_start3A_566 = arith.constant 6 : i32
      %dma_start3A_567 = arith.constant 0 : i32
      %dma_start3A_568 = tpu.memref_slice %arg4[%dma_start3A_564, %dma_start3A_565, %dma_start3A_566, %dma_start3A_567] : memref<2x4x8x128xf32, #tpu.memory_space<vmem>> -> memref<1x1x1x64xf32, #tpu.memory_space<vmem>>
      %dma_start3A_569 = tpu.memref_squeeze %dma_start3A_568 : memref<1x1x1x64xf32, #tpu.memory_space<vmem>> -> memref<64xf32, #tpu.memory_space<vmem>>
      %dma_start3A_570 = arith.constant 999936 : i32
      %dma_start3A_571 = tpu.memref_slice %arg2[%dma_start3A_562, %dma_start3A_563, %dma_start3A_570] : memref<4x8x1000000xf32, #tpu.memory_space<hbm>> -> memref<1x1x64xf32, #tpu.memory_space<hbm>>
      %dma_start3A_572 = tpu.memref_squeeze %dma_start3A_571 : memref<1x1x64xf32, #tpu.memory_space<hbm>> -> memref<64xf32, #tpu.memory_space<hbm>>
      %dma_start3A_573 = arith.constant 0 : i32
      %dma_start3A_574 = tpu.memref_slice %arg4[%dma_start3A_564, %dma_start3A_565, %dma_start3A_566, %dma_start3A_573] : memref<2x4x8x128xf32, #tpu.memory_space<vmem>> -> memref<1x1x1x64xf32, #tpu.memory_space<vmem>>
      %dma_start3A_575 = tpu.memref_squeeze %dma_start3A_574 : memref<1x1x1x64xf32, #tpu.memory_space<vmem>> -> memref<64xf32, #tpu.memory_space<vmem>>
      %dma_start3A_576 = arith.constant 999936 : i32
      %dma_start3A_577 = tpu.memref_slice %arg2[%dma_start3A_562, %dma_start3A_563, %dma_start3A_576] : memref<4x8x1000000xf32, #tpu.memory_space<hbm>> -> memref<1x1x64xf32, #tpu.memory_space<hbm>>
      %dma_start3A_578 = tpu.memref_squeeze %dma_start3A_577 : memref<1x1x64xf32, #tpu.memory_space<hbm>> -> memref<64xf32, #tpu.memory_space<hbm>>
      tpu.enqueue_dma source(%dma_start3A_578 : memref<64xf32, #tpu.memory_space<hbm>>) target(%dma_start3A_575 : memref<64xf32, #tpu.memory_space<vmem>>) target_semaphore(%arg7 : memref<!tpu.dma_semaphore, #tpu.memory_space<semaphore_mem>>)
      %dma_start3A_579 = arith.constant 3 : i32
      %dma_start3A_580 = arith.constant 7 : i32
      %dma_start3A_581 = arith.constant 0 : i32
      %dma_start3A_582 = arith.constant 3 : i32
      %dma_start3A_583 = arith.constant 7 : i32
      %dma_start3A_584 = arith.constant 0 : i32
      %dma_start3A_585 = tpu.memref_slice %arg4[%dma_start3A_581, %dma_start3A_582, %dma_start3A_583, %dma_start3A_584] : memref<2x4x8x128xf32, #tpu.memory_space<vmem>> -> memref<1x1x1x64xf32, #tpu.memory_space<vmem>>
      %dma_start3A_586 = tpu.memref_squeeze %dma_start3A_585 : memref<1x1x1x64xf32, #tpu.memory_space<vmem>> -> memref<64xf32, #tpu.memory_space<vmem>>
      %dma_start3A_587 = arith.constant 999936 : i32
      %dma_start3A_588 = tpu.memref_slice %arg2[%dma_start3A_579, %dma_start3A_580, %dma_start3A_587] : memref<4x8x1000000xf32, #tpu.memory_space<hbm>> -> memref<1x1x64xf32, #tpu.memory_space<hbm>>
      %dma_start3A_589 = tpu.memref_squeeze %dma_start3A_588 : memref<1x1x64xf32, #tpu.memory_space<hbm>> -> memref<64xf32, #tpu.memory_space<hbm>>
      %dma_start3A_590 = arith.constant 0 : i32
      %dma_start3A_591 = tpu.memref_slice %arg4[%dma_start3A_581, %dma_start3A_582, %dma_start3A_583, %dma_start3A_590] : memref<2x4x8x128xf32, #tpu.memory_space<vmem>> -> memref<1x1x1x64xf32, #tpu.memory_space<vmem>>
      %dma_start3A_592 = tpu.memref_squeeze %dma_start3A_591 : memref<1x1x1x64xf32, #tpu.memory_space<vmem>> -> memref<64xf32, #tpu.memory_space<vmem>>
      %dma_start3A_593 = arith.constant 999936 : i32
      %dma_start3A_594 = tpu.memref_slice %arg2[%dma_start3A_579, %dma_start3A_580, %dma_start3A_593] : memref<4x8x1000000xf32, #tpu.memory_space<hbm>> -> memref<1x1x64xf32, #tpu.memory_space<hbm>>
      %dma_start3A_595 = tpu.memref_squeeze %dma_start3A_594 : memref<1x1x64xf32, #tpu.memory_space<hbm>> -> memref<64xf32, #tpu.memory_space<hbm>>
      tpu.enqueue_dma source(%dma_start3A_595 : memref<64xf32, #tpu.memory_space<hbm>>) target(%dma_start3A_592 : memref<64xf32, #tpu.memory_space<vmem>>) target_semaphore(%arg7 : memref<!tpu.dma_semaphore, #tpu.memory_space<semaphore_mem>>)
      %dma_wait3A_596 = arith.constant 0 : i32
      %dma_wait3A_597 = arith.constant 0 : i32
      %dma_wait3A_598 = arith.constant 0 : i32
      %dma_wait3A_599 = arith.constant 0 : i32
      %dma_wait3A_600 = arith.constant 0 : i32
      %dma_wait3A_601 = arith.constant 0 : i32
      %dma_wait3A_602 = tpu.memref_slice %arg4[%dma_wait3A_598, %dma_wait3A_599, %dma_wait3A_600, %dma_wait3A_601] : memref<2x4x8x128xf32, #tpu.memory_space<vmem>> -> memref<1x1x1x64xf32, #tpu.memory_space<vmem>>
      %dma_wait3A_603 = tpu.memref_squeeze %dma_wait3A_602 : memref<1x1x1x64xf32, #tpu.memory_space<vmem>> -> memref<64xf32, #tpu.memory_space<vmem>>
      %dma_wait3A_604 = arith.constant 999936 : i32
      %dma_wait3A_605 = tpu.memref_slice %arg2[%dma_wait3A_596, %dma_wait3A_597, %dma_wait3A_604] : memref<4x8x1000000xf32, #tpu.memory_space<hbm>> -> memref<1x1x64xf32, #tpu.memory_space<hbm>>
      %dma_wait3A_606 = tpu.memref_squeeze %dma_wait3A_605 : memref<1x1x64xf32, #tpu.memory_space<hbm>> -> memref<64xf32, #tpu.memory_space<hbm>>
      %dma_wait3A_607 = arith.constant 0 : i32
      %dma_wait3A_608 = tpu.memref_slice %arg4[%dma_wait3A_598, %dma_wait3A_599, %dma_wait3A_600, %dma_wait3A_607] : memref<2x4x8x128xf32, #tpu.memory_space<vmem>> -> memref<1x1x1x64xf32, #tpu.memory_space<vmem>>
      %dma_wait3A_609 = tpu.memref_squeeze %dma_wait3A_608 : memref<1x1x1x64xf32, #tpu.memory_space<vmem>> -> memref<64xf32, #tpu.memory_space<vmem>>
      %dma_wait3A_610 = arith.constant 999936 : i32
      %dma_wait3A_611 = tpu.memref_slice %arg2[%dma_wait3A_596, %dma_wait3A_597, %dma_wait3A_610] : memref<4x8x1000000xf32, #tpu.memory_space<hbm>> -> memref<1x1x64xf32, #tpu.memory_space<hbm>>
      %dma_wait3A_612 = tpu.memref_squeeze %dma_wait3A_611 : memref<1x1x64xf32, #tpu.memory_space<hbm>> -> memref<64xf32, #tpu.memory_space<hbm>>
      tpu.wait_dma2 semaphore(%arg7 : memref<!tpu.dma_semaphore, #tpu.memory_space<semaphore_mem>>) src(%dma_wait3A_612 : memref<64xf32, #tpu.memory_space<hbm>>) dst(%dma_wait3A_609 : memref<64xf32, #tpu.memory_space<vmem>>)
      %dma_wait3A_613 = arith.constant 0 : i32
      %dma_wait3A_614 = arith.constant 1 : i32
      %dma_wait3A_615 = arith.constant 0 : i32
      %dma_wait3A_616 = arith.constant 0 : i32
      %dma_wait3A_617 = arith.constant 1 : i32
      %dma_wait3A_618 = arith.constant 0 : i32
      %dma_wait3A_619 = tpu.memref_slice %arg4[%dma_wait3A_615, %dma_wait3A_616, %dma_wait3A_617, %dma_wait3A_618] : memref<2x4x8x128xf32, #tpu.memory_space<vmem>> -> memref<1x1x1x64xf32, #tpu.memory_space<vmem>>
      %dma_wait3A_620 = tpu.memref_squeeze %dma_wait3A_619 : memref<1x1x1x64xf32, #tpu.memory_space<vmem>> -> memref<64xf32, #tpu.memory_space<vmem>>
      %dma_wait3A_621 = arith.constant 999936 : i32
      %dma_wait3A_622 = tpu.memref_slice %arg2[%dma_wait3A_613, %dma_wait3A_614, %dma_wait3A_621] : memref<4x8x1000000xf32, #tpu.memory_space<hbm>> -> memref<1x1x64xf32, #tpu.memory_space<hbm>>
      %dma_wait3A_623 = tpu.memref_squeeze %dma_wait3A_622 : memref<1x1x64xf32, #tpu.memory_space<hbm>> -> memref<64xf32, #tpu.memory_space<hbm>>
      %dma_wait3A_624 = arith.constant 0 : i32
      %dma_wait3A_625 = tpu.memref_slice %arg4[%dma_wait3A_615, %dma_wait3A_616, %dma_wait3A_617, %dma_wait3A_624] : memref<2x4x8x128xf32, #tpu.memory_space<vmem>> -> memref<1x1x1x64xf32, #tpu.memory_space<vmem>>
      %dma_wait3A_626 = tpu.memref_squeeze %dma_wait3A_625 : memref<1x1x1x64xf32, #tpu.memory_space<vmem>> -> memref<64xf32, #tpu.memory_space<vmem>>
      %dma_wait3A_627 = arith.constant 999936 : i32
      %dma_wait3A_628 = tpu.memref_slice %arg2[%dma_wait3A_613, %dma_wait3A_614, %dma_wait3A_627] : memref<4x8x1000000xf32, #tpu.memory_space<hbm>> -> memref<1x1x64xf32, #tpu.memory_space<hbm>>
      %dma_wait3A_629 = tpu.memref_squeeze %dma_wait3A_628 : memref<1x1x64xf32, #tpu.memory_space<hbm>> -> memref<64xf32, #tpu.memory_space<hbm>>
      tpu.wait_dma2 semaphore(%arg7 : memref<!tpu.dma_semaphore, #tpu.memory_space<semaphore_mem>>) src(%dma_wait3A_629 : memref<64xf32, #tpu.memory_space<hbm>>) dst(%dma_wait3A_626 : memref<64xf32, #tpu.memory_space<vmem>>)
      %dma_wait3A_630 = arith.constant 0 : i32
      %dma_wait3A_631 = arith.constant 2 : i32
      %dma_wait3A_632 = arith.constant 0 : i32
      %dma_wait3A_633 = arith.constant 0 : i32
      %dma_wait3A_634 = arith.constant 2 : i32
      %dma_wait3A_635 = arith.constant 0 : i32
      %dma_wait3A_636 = tpu.memref_slice %arg4[%dma_wait3A_632, %dma_wait3A_633, %dma_wait3A_634, %dma_wait3A_635] : memref<2x4x8x128xf32, #tpu.memory_space<vmem>> -> memref<1x1x1x64xf32, #tpu.memory_space<vmem>>
      %dma_wait3A_637 = tpu.memref_squeeze %dma_wait3A_636 : memref<1x1x1x64xf32, #tpu.memory_space<vmem>> -> memref<64xf32, #tpu.memory_space<vmem>>
      %dma_wait3A_638 = arith.constant 999936 : i32
      %dma_wait3A_639 = tpu.memref_slice %arg2[%dma_wait3A_630, %dma_wait3A_631, %dma_wait3A_638] : memref<4x8x1000000xf32, #tpu.memory_space<hbm>> -> memref<1x1x64xf32, #tpu.memory_space<hbm>>
      %dma_wait3A_640 = tpu.memref_squeeze %dma_wait3A_639 : memref<1x1x64xf32, #tpu.memory_space<hbm>> -> memref<64xf32, #tpu.memory_space<hbm>>
      %dma_wait3A_641 = arith.constant 0 : i32
      %dma_wait3A_642 = tpu.memref_slice %arg4[%dma_wait3A_632, %dma_wait3A_633, %dma_wait3A_634, %dma_wait3A_641] : memref<2x4x8x128xf32, #tpu.memory_space<vmem>> -> memref<1x1x1x64xf32, #tpu.memory_space<vmem>>
      %dma_wait3A_643 = tpu.memref_squeeze %dma_wait3A_642 : memref<1x1x1x64xf32, #tpu.memory_space<vmem>> -> memref<64xf32, #tpu.memory_space<vmem>>
      %dma_wait3A_644 = arith.constant 999936 : i32
      %dma_wait3A_645 = tpu.memref_slice %arg2[%dma_wait3A_630, %dma_wait3A_631, %dma_wait3A_644] : memref<4x8x1000000xf32, #tpu.memory_space<hbm>> -> memref<1x1x64xf32, #tpu.memory_space<hbm>>
      %dma_wait3A_646 = tpu.memref_squeeze %dma_wait3A_645 : memref<1x1x64xf32, #tpu.memory_space<hbm>> -> memref<64xf32, #tpu.memory_space<hbm>>
      tpu.wait_dma2 semaphore(%arg7 : memref<!tpu.dma_semaphore, #tpu.memory_space<semaphore_mem>>) src(%dma_wait3A_646 : memref<64xf32, #tpu.memory_space<hbm>>) dst(%dma_wait3A_643 : memref<64xf32, #tpu.memory_space<vmem>>)
      %dma_wait3A_647 = arith.constant 0 : i32
      %dma_wait3A_648 = arith.constant 3 : i32
      %dma_wait3A_649 = arith.constant 0 : i32
      %dma_wait3A_650 = arith.constant 0 : i32
      %dma_wait3A_651 = arith.constant 3 : i32
      %dma_wait3A_652 = arith.constant 0 : i32
      %dma_wait3A_653 = tpu.memref_slice %arg4[%dma_wait3A_649, %dma_wait3A_650, %dma_wait3A_651, %dma_wait3A_652] : memref<2x4x8x128xf32, #tpu.memory_space<vmem>> -> memref<1x1x1x64xf32, #tpu.memory_space<vmem>>
      %dma_wait3A_654 = tpu.memref_squeeze %dma_wait3A_653 : memref<1x1x1x64xf32, #tpu.memory_space<vmem>> -> memref<64xf32, #tpu.memory_space<vmem>>
      %dma_wait3A_655 = arith.constant 999936 : i32
      %dma_wait3A_656 = tpu.memref_slice %arg2[%dma_wait3A_647, %dma_wait3A_648, %dma_wait3A_655] : memref<4x8x1000000xf32, #tpu.memory_space<hbm>> -> memref<1x1x64xf32, #tpu.memory_space<hbm>>
      %dma_wait3A_657 = tpu.memref_squeeze %dma_wait3A_656 : memref<1x1x64xf32, #tpu.memory_space<hbm>> -> memref<64xf32, #tpu.memory_space<hbm>>
      %dma_wait3A_658 = arith.constant 0 : i32
      %dma_wait3A_659 = tpu.memref_slice %arg4[%dma_wait3A_649, %dma_wait3A_650, %dma_wait3A_651, %dma_wait3A_658] : memref<2x4x8x128xf32, #tpu.memory_space<vmem>> -> memref<1x1x1x64xf32, #tpu.memory_space<vmem>>
      %dma_wait3A_660 = tpu.memref_squeeze %dma_wait3A_659 : memref<1x1x1x64xf32, #tpu.memory_space<vmem>> -> memref<64xf32, #tpu.memory_space<vmem>>
      %dma_wait3A_661 = arith.constant 999936 : i32
      %dma_wait3A_662 = tpu.memref_slice %arg2[%dma_wait3A_647, %dma_wait3A_648, %dma_wait3A_661] : memref<4x8x1000000xf32, #tpu.memory_space<hbm>> -> memref<1x1x64xf32, #tpu.memory_space<hbm>>
      %dma_wait3A_663 = tpu.memref_squeeze %dma_wait3A_662 : memref<1x1x64xf32, #tpu.memory_space<hbm>> -> memref<64xf32, #tpu.memory_space<hbm>>
      tpu.wait_dma2 semaphore(%arg7 : memref<!tpu.dma_semaphore, #tpu.memory_space<semaphore_mem>>) src(%dma_wait3A_663 : memref<64xf32, #tpu.memory_space<hbm>>) dst(%dma_wait3A_660 : memref<64xf32, #tpu.memory_space<vmem>>)
      %dma_wait3A_664 = arith.constant 0 : i32
      %dma_wait3A_665 = arith.constant 4 : i32
      %dma_wait3A_666 = arith.constant 0 : i32
      %dma_wait3A_667 = arith.constant 0 : i32
      %dma_wait3A_668 = arith.constant 4 : i32
      %dma_wait3A_669 = arith.constant 0 : i32
      %dma_wait3A_670 = tpu.memref_slice %arg4[%dma_wait3A_666, %dma_wait3A_667, %dma_wait3A_668, %dma_wait3A_669] : memref<2x4x8x128xf32, #tpu.memory_space<vmem>> -> memref<1x1x1x64xf32, #tpu.memory_space<vmem>>
      %dma_wait3A_671 = tpu.memref_squeeze %dma_wait3A_670 : memref<1x1x1x64xf32, #tpu.memory_space<vmem>> -> memref<64xf32, #tpu.memory_space<vmem>>
      %dma_wait3A_672 = arith.constant 999936 : i32
      %dma_wait3A_673 = tpu.memref_slice %arg2[%dma_wait3A_664, %dma_wait3A_665, %dma_wait3A_672] : memref<4x8x1000000xf32, #tpu.memory_space<hbm>> -> memref<1x1x64xf32, #tpu.memory_space<hbm>>
      %dma_wait3A_674 = tpu.memref_squeeze %dma_wait3A_673 : memref<1x1x64xf32, #tpu.memory_space<hbm>> -> memref<64xf32, #tpu.memory_space<hbm>>
      %dma_wait3A_675 = arith.constant 0 : i32
      %dma_wait3A_676 = tpu.memref_slice %arg4[%dma_wait3A_666, %dma_wait3A_667, %dma_wait3A_668, %dma_wait3A_675] : memref<2x4x8x128xf32, #tpu.memory_space<vmem>> -> memref<1x1x1x64xf32, #tpu.memory_space<vmem>>
      %dma_wait3A_677 = tpu.memref_squeeze %dma_wait3A_676 : memref<1x1x1x64xf32, #tpu.memory_space<vmem>> -> memref<64xf32, #tpu.memory_space<vmem>>
      %dma_wait3A_678 = arith.constant 999936 : i32
      %dma_wait3A_679 = tpu.memref_slice %arg2[%dma_wait3A_664, %dma_wait3A_665, %dma_wait3A_678] : memref<4x8x1000000xf32, #tpu.memory_space<hbm>> -> memref<1x1x64xf32, #tpu.memory_space<hbm>>
      %dma_wait3A_680 = tpu.memref_squeeze %dma_wait3A_679 : memref<1x1x64xf32, #tpu.memory_space<hbm>> -> memref<64xf32, #tpu.memory_space<hbm>>
      tpu.wait_dma2 semaphore(%arg7 : memref<!tpu.dma_semaphore, #tpu.memory_space<semaphore_mem>>) src(%dma_wait3A_680 : memref<64xf32, #tpu.memory_space<hbm>>) dst(%dma_wait3A_677 : memref<64xf32, #tpu.memory_space<vmem>>)
      %dma_wait3A_681 = arith.constant 0 : i32
      %dma_wait3A_682 = arith.constant 5 : i32
      %dma_wait3A_683 = arith.constant 0 : i32
      %dma_wait3A_684 = arith.constant 0 : i32
      %dma_wait3A_685 = arith.constant 5 : i32
      %dma_wait3A_686 = arith.constant 0 : i32
      %dma_wait3A_687 = tpu.memref_slice %arg4[%dma_wait3A_683, %dma_wait3A_684, %dma_wait3A_685, %dma_wait3A_686] : memref<2x4x8x128xf32, #tpu.memory_space<vmem>> -> memref<1x1x1x64xf32, #tpu.memory_space<vmem>>
      %dma_wait3A_688 = tpu.memref_squeeze %dma_wait3A_687 : memref<1x1x1x64xf32, #tpu.memory_space<vmem>> -> memref<64xf32, #tpu.memory_space<vmem>>
      %dma_wait3A_689 = arith.constant 999936 : i32
      %dma_wait3A_690 = tpu.memref_slice %arg2[%dma_wait3A_681, %dma_wait3A_682, %dma_wait3A_689] : memref<4x8x1000000xf32, #tpu.memory_space<hbm>> -> memref<1x1x64xf32, #tpu.memory_space<hbm>>
      %dma_wait3A_691 = tpu.memref_squeeze %dma_wait3A_690 : memref<1x1x64xf32, #tpu.memory_space<hbm>> -> memref<64xf32, #tpu.memory_space<hbm>>
      %dma_wait3A_692 = arith.constant 0 : i32
      %dma_wait3A_693 = tpu.memref_slice %arg4[%dma_wait3A_683, %dma_wait3A_684, %dma_wait3A_685, %dma_wait3A_692] : memref<2x4x8x128xf32, #tpu.memory_space<vmem>> -> memref<1x1x1x64xf32, #tpu.memory_space<vmem>>
      %dma_wait3A_694 = tpu.memref_squeeze %dma_wait3A_693 : memref<1x1x1x64xf32, #tpu.memory_space<vmem>> -> memref<64xf32, #tpu.memory_space<vmem>>
      %dma_wait3A_695 = arith.constant 999936 : i32
      %dma_wait3A_696 = tpu.memref_slice %arg2[%dma_wait3A_681, %dma_wait3A_682, %dma_wait3A_695] : memref<4x8x1000000xf32, #tpu.memory_space<hbm>> -> memref<1x1x64xf32, #tpu.memory_space<hbm>>
      %dma_wait3A_697 = tpu.memref_squeeze %dma_wait3A_696 : memref<1x1x64xf32, #tpu.memory_space<hbm>> -> memref<64xf32, #tpu.memory_space<hbm>>
      tpu.wait_dma2 semaphore(%arg7 : memref<!tpu.dma_semaphore, #tpu.memory_space<semaphore_mem>>) src(%dma_wait3A_697 : memref<64xf32, #tpu.memory_space<hbm>>) dst(%dma_wait3A_694 : memref<64xf32, #tpu.memory_space<vmem>>)
      %dma_wait3A_698 = arith.constant 0 : i32
      %dma_wait3A_699 = arith.constant 6 : i32
      %dma_wait3A_700 = arith.constant 0 : i32
      %dma_wait3A_701 = arith.constant 0 : i32
      %dma_wait3A_702 = arith.constant 6 : i32
      %dma_wait3A_703 = arith.constant 0 : i32
      %dma_wait3A_704 = tpu.memref_slice %arg4[%dma_wait3A_700, %dma_wait3A_701, %dma_wait3A_702, %dma_wait3A_703] : memref<2x4x8x128xf32, #tpu.memory_space<vmem>> -> memref<1x1x1x64xf32, #tpu.memory_space<vmem>>
      %dma_wait3A_705 = tpu.memref_squeeze %dma_wait3A_704 : memref<1x1x1x64xf32, #tpu.memory_space<vmem>> -> memref<64xf32, #tpu.memory_space<vmem>>
      %dma_wait3A_706 = arith.constant 999936 : i32
      %dma_wait3A_707 = tpu.memref_slice %arg2[%dma_wait3A_698, %dma_wait3A_699, %dma_wait3A_706] : memref<4x8x1000000xf32, #tpu.memory_space<hbm>> -> memref<1x1x64xf32, #tpu.memory_space<hbm>>
      %dma_wait3A_708 = tpu.memref_squeeze %dma_wait3A_707 : memref<1x1x64xf32, #tpu.memory_space<hbm>> -> memref<64xf32, #tpu.memory_space<hbm>>
      %dma_wait3A_709 = arith.constant 0 : i32
      %dma_wait3A_710 = tpu.memref_slice %arg4[%dma_wait3A_700, %dma_wait3A_701, %dma_wait3A_702, %dma_wait3A_709] : memref<2x4x8x128xf32, #tpu.memory_space<vmem>> -> memref<1x1x1x64xf32, #tpu.memory_space<vmem>>
      %dma_wait3A_711 = tpu.memref_squeeze %dma_wait3A_710 : memref<1x1x1x64xf32, #tpu.memory_space<vmem>> -> memref<64xf32, #tpu.memory_space<vmem>>
      %dma_wait3A_712 = arith.constant 999936 : i32
      %dma_wait3A_713 = tpu.memref_slice %arg2[%dma_wait3A_698, %dma_wait3A_699, %dma_wait3A_712] : memref<4x8x1000000xf32, #tpu.memory_space<hbm>> -> memref<1x1x64xf32, #tpu.memory_space<hbm>>
      %dma_wait3A_714 = tpu.memref_squeeze %dma_wait3A_713 : memref<1x1x64xf32, #tpu.memory_space<hbm>> -> memref<64xf32, #tpu.memory_space<hbm>>
      tpu.wait_dma2 semaphore(%arg7 : memref<!tpu.dma_semaphore, #tpu.memory_space<semaphore_mem>>) src(%dma_wait3A_714 : memref<64xf32, #tpu.memory_space<hbm>>) dst(%dma_wait3A_711 : memref<64xf32, #tpu.memory_space<vmem>>)
      %dma_wait3A_715 = arith.constant 0 : i32
      %dma_wait3A_716 = arith.constant 7 : i32
      %dma_wait3A_717 = arith.constant 0 : i32
      %dma_wait3A_718 = arith.constant 0 : i32
      %dma_wait3A_719 = arith.constant 7 : i32
      %dma_wait3A_720 = arith.constant 0 : i32
      %dma_wait3A_721 = tpu.memref_slice %arg4[%dma_wait3A_717, %dma_wait3A_718, %dma_wait3A_719, %dma_wait3A_720] : memref<2x4x8x128xf32, #tpu.memory_space<vmem>> -> memref<1x1x1x64xf32, #tpu.memory_space<vmem>>
      %dma_wait3A_722 = tpu.memref_squeeze %dma_wait3A_721 : memref<1x1x1x64xf32, #tpu.memory_space<vmem>> -> memref<64xf32, #tpu.memory_space<vmem>>
      %dma_wait3A_723 = arith.constant 999936 : i32
      %dma_wait3A_724 = tpu.memref_slice %arg2[%dma_wait3A_715, %dma_wait3A_716, %dma_wait3A_723] : memref<4x8x1000000xf32, #tpu.memory_space<hbm>> -> memref<1x1x64xf32, #tpu.memory_space<hbm>>
      %dma_wait3A_725 = tpu.memref_squeeze %dma_wait3A_724 : memref<1x1x64xf32, #tpu.memory_space<hbm>> -> memref<64xf32, #tpu.memory_space<hbm>>
      %dma_wait3A_726 = arith.constant 0 : i32
      %dma_wait3A_727 = tpu.memref_slice %arg4[%dma_wait3A_717, %dma_wait3A_718, %dma_wait3A_719, %dma_wait3A_726] : memref<2x4x8x128xf32, #tpu.memory_space<vmem>> -> memref<1x1x1x64xf32, #tpu.memory_space<vmem>>
      %dma_wait3A_728 = tpu.memref_squeeze %dma_wait3A_727 : memref<1x1x1x64xf32, #tpu.memory_space<vmem>> -> memref<64xf32, #tpu.memory_space<vmem>>
      %dma_wait3A_729 = arith.constant 999936 : i32
      %dma_wait3A_730 = tpu.memref_slice %arg2[%dma_wait3A_715, %dma_wait3A_716, %dma_wait3A_729] : memref<4x8x1000000xf32, #tpu.memory_space<hbm>> -> memref<1x1x64xf32, #tpu.memory_space<hbm>>
      %dma_wait3A_731 = tpu.memref_squeeze %dma_wait3A_730 : memref<1x1x64xf32, #tpu.memory_space<hbm>> -> memref<64xf32, #tpu.memory_space<hbm>>
      tpu.wait_dma2 semaphore(%arg7 : memref<!tpu.dma_semaphore, #tpu.memory_space<semaphore_mem>>) src(%dma_wait3A_731 : memref<64xf32, #tpu.memory_space<hbm>>) dst(%dma_wait3A_728 : memref<64xf32, #tpu.memory_space<vmem>>)
      %dma_wait3A_732 = arith.constant 1 : i32
      %dma_wait3A_733 = arith.constant 0 : i32
      %dma_wait3A_734 = arith.constant 0 : i32
      %dma_wait3A_735 = arith.constant 1 : i32
      %dma_wait3A_736 = arith.constant 0 : i32
      %dma_wait3A_737 = arith.constant 0 : i32
      %dma_wait3A_738 = tpu.memref_slice %arg4[%dma_wait3A_734, %dma_wait3A_735, %dma_wait3A_736, %dma_wait3A_737] : memref<2x4x8x128xf32, #tpu.memory_space<vmem>> -> memref<1x1x1x64xf32, #tpu.memory_space<vmem>>
      %dma_wait3A_739 = tpu.memref_squeeze %dma_wait3A_738 : memref<1x1x1x64xf32, #tpu.memory_space<vmem>> -> memref<64xf32, #tpu.memory_space<vmem>>
      %dma_wait3A_740 = arith.constant 999936 : i32
      %dma_wait3A_741 = tpu.memref_slice %arg2[%dma_wait3A_732, %dma_wait3A_733, %dma_wait3A_740] : memref<4x8x1000000xf32, #tpu.memory_space<hbm>> -> memref<1x1x64xf32, #tpu.memory_space<hbm>>
      %dma_wait3A_742 = tpu.memref_squeeze %dma_wait3A_741 : memref<1x1x64xf32, #tpu.memory_space<hbm>> -> memref<64xf32, #tpu.memory_space<hbm>>
      %dma_wait3A_743 = arith.constant 0 : i32
      %dma_wait3A_744 = tpu.memref_slice %arg4[%dma_wait3A_734, %dma_wait3A_735, %dma_wait3A_736, %dma_wait3A_743] : memref<2x4x8x128xf32, #tpu.memory_space<vmem>> -> memref<1x1x1x64xf32, #tpu.memory_space<vmem>>
      %dma_wait3A_745 = tpu.memref_squeeze %dma_wait3A_744 : memref<1x1x1x64xf32, #tpu.memory_space<vmem>> -> memref<64xf32, #tpu.memory_space<vmem>>
      %dma_wait3A_746 = arith.constant 999936 : i32
      %dma_wait3A_747 = tpu.memref_slice %arg2[%dma_wait3A_732, %dma_wait3A_733, %dma_wait3A_746] : memref<4x8x1000000xf32, #tpu.memory_space<hbm>> -> memref<1x1x64xf32, #tpu.memory_space<hbm>>
      %dma_wait3A_748 = tpu.memref_squeeze %dma_wait3A_747 : memref<1x1x64xf32, #tpu.memory_space<hbm>> -> memref<64xf32, #tpu.memory_space<hbm>>
      tpu.wait_dma2 semaphore(%arg7 : memref<!tpu.dma_semaphore, #tpu.memory_space<semaphore_mem>>) src(%dma_wait3A_748 : memref<64xf32, #tpu.memory_space<hbm>>) dst(%dma_wait3A_745 : memref<64xf32, #tpu.memory_space<vmem>>)
      %dma_wait3A_749 = arith.constant 1 : i32
      %dma_wait3A_750 = arith.constant 1 : i32
      %dma_wait3A_751 = arith.constant 0 : i32
      %dma_wait3A_752 = arith.constant 1 : i32
      %dma_wait3A_753 = arith.constant 1 : i32
      %dma_wait3A_754 = arith.constant 0 : i32
      %dma_wait3A_755 = tpu.memref_slice %arg4[%dma_wait3A_751, %dma_wait3A_752, %dma_wait3A_753, %dma_wait3A_754] : memref<2x4x8x128xf32, #tpu.memory_space<vmem>> -> memref<1x1x1x64xf32, #tpu.memory_space<vmem>>
      %dma_wait3A_756 = tpu.memref_squeeze %dma_wait3A_755 : memref<1x1x1x64xf32, #tpu.memory_space<vmem>> -> memref<64xf32, #tpu.memory_space<vmem>>
      %dma_wait3A_757 = arith.constant 999936 : i32
      %dma_wait3A_758 = tpu.memref_slice %arg2[%dma_wait3A_749, %dma_wait3A_750, %dma_wait3A_757] : memref<4x8x1000000xf32, #tpu.memory_space<hbm>> -> memref<1x1x64xf32, #tpu.memory_space<hbm>>
      %dma_wait3A_759 = tpu.memref_squeeze %dma_wait3A_758 : memref<1x1x64xf32, #tpu.memory_space<hbm>> -> memref<64xf32, #tpu.memory_space<hbm>>
      %dma_wait3A_760 = arith.constant 0 : i32
      %dma_wait3A_761 = tpu.memref_slice %arg4[%dma_wait3A_751, %dma_wait3A_752, %dma_wait3A_753, %dma_wait3A_760] : memref<2x4x8x128xf32, #tpu.memory_space<vmem>> -> memref<1x1x1x64xf32, #tpu.memory_space<vmem>>
      %dma_wait3A_762 = tpu.memref_squeeze %dma_wait3A_761 : memref<1x1x1x64xf32, #tpu.memory_space<vmem>> -> memref<64xf32, #tpu.memory_space<vmem>>
      %dma_wait3A_763 = arith.constant 999936 : i32
      %dma_wait3A_764 = tpu.memref_slice %arg2[%dma_wait3A_749, %dma_wait3A_750, %dma_wait3A_763] : memref<4x8x1000000xf32, #tpu.memory_space<hbm>> -> memref<1x1x64xf32, #tpu.memory_space<hbm>>
      %dma_wait3A_765 = tpu.memref_squeeze %dma_wait3A_764 : memref<1x1x64xf32, #tpu.memory_space<hbm>> -> memref<64xf32, #tpu.memory_space<hbm>>
      tpu.wait_dma2 semaphore(%arg7 : memref<!tpu.dma_semaphore, #tpu.memory_space<semaphore_mem>>) src(%dma_wait3A_765 : memref<64xf32, #tpu.memory_space<hbm>>) dst(%dma_wait3A_762 : memref<64xf32, #tpu.memory_space<vmem>>)
      %dma_wait3A_766 = arith.constant 1 : i32
      %dma_wait3A_767 = arith.constant 2 : i32
      %dma_wait3A_768 = arith.constant 0 : i32
      %dma_wait3A_769 = arith.constant 1 : i32
      %dma_wait3A_770 = arith.constant 2 : i32
      %dma_wait3A_771 = arith.constant 0 : i32
      %dma_wait3A_772 = tpu.memref_slice %arg4[%dma_wait3A_768, %dma_wait3A_769, %dma_wait3A_770, %dma_wait3A_771] : memref<2x4x8x128xf32, #tpu.memory_space<vmem>> -> memref<1x1x1x64xf32, #tpu.memory_space<vmem>>
      %dma_wait3A_773 = tpu.memref_squeeze %dma_wait3A_772 : memref<1x1x1x64xf32, #tpu.memory_space<vmem>> -> memref<64xf32, #tpu.memory_space<vmem>>
      %dma_wait3A_774 = arith.constant 999936 : i32
      %dma_wait3A_775 = tpu.memref_slice %arg2[%dma_wait3A_766, %dma_wait3A_767, %dma_wait3A_774] : memref<4x8x1000000xf32, #tpu.memory_space<hbm>> -> memref<1x1x64xf32, #tpu.memory_space<hbm>>
      %dma_wait3A_776 = tpu.memref_squeeze %dma_wait3A_775 : memref<1x1x64xf32, #tpu.memory_space<hbm>> -> memref<64xf32, #tpu.memory_space<hbm>>
      %dma_wait3A_777 = arith.constant 0 : i32
      %dma_wait3A_778 = tpu.memref_slice %arg4[%dma_wait3A_768, %dma_wait3A_769, %dma_wait3A_770, %dma_wait3A_777] : memref<2x4x8x128xf32, #tpu.memory_space<vmem>> -> memref<1x1x1x64xf32, #tpu.memory_space<vmem>>
      %dma_wait3A_779 = tpu.memref_squeeze %dma_wait3A_778 : memref<1x1x1x64xf32, #tpu.memory_space<vmem>> -> memref<64xf32, #tpu.memory_space<vmem>>
      %dma_wait3A_780 = arith.constant 999936 : i32
      %dma_wait3A_781 = tpu.memref_slice %arg2[%dma_wait3A_766, %dma_wait3A_767, %dma_wait3A_780] : memref<4x8x1000000xf32, #tpu.memory_space<hbm>> -> memref<1x1x64xf32, #tpu.memory_space<hbm>>
      %dma_wait3A_782 = tpu.memref_squeeze %dma_wait3A_781 : memref<1x1x64xf32, #tpu.memory_space<hbm>> -> memref<64xf32, #tpu.memory_space<hbm>>
      tpu.wait_dma2 semaphore(%arg7 : memref<!tpu.dma_semaphore, #tpu.memory_space<semaphore_mem>>) src(%dma_wait3A_782 : memref<64xf32, #tpu.memory_space<hbm>>) dst(%dma_wait3A_779 : memref<64xf32, #tpu.memory_space<vmem>>)
      %dma_wait3A_783 = arith.constant 1 : i32
      %dma_wait3A_784 = arith.constant 3 : i32
      %dma_wait3A_785 = arith.constant 0 : i32
      %dma_wait3A_786 = arith.constant 1 : i32
      %dma_wait3A_787 = arith.constant 3 : i32
      %dma_wait3A_788 = arith.constant 0 : i32
      %dma_wait3A_789 = tpu.memref_slice %arg4[%dma_wait3A_785, %dma_wait3A_786, %dma_wait3A_787, %dma_wait3A_788] : memref<2x4x8x128xf32, #tpu.memory_space<vmem>> -> memref<1x1x1x64xf32, #tpu.memory_space<vmem>>
      %dma_wait3A_790 = tpu.memref_squeeze %dma_wait3A_789 : memref<1x1x1x64xf32, #tpu.memory_space<vmem>> -> memref<64xf32, #tpu.memory_space<vmem>>
      %dma_wait3A_791 = arith.constant 999936 : i32
      %dma_wait3A_792 = tpu.memref_slice %arg2[%dma_wait3A_783, %dma_wait3A_784, %dma_wait3A_791] : memref<4x8x1000000xf32, #tpu.memory_space<hbm>> -> memref<1x1x64xf32, #tpu.memory_space<hbm>>
      %dma_wait3A_793 = tpu.memref_squeeze %dma_wait3A_792 : memref<1x1x64xf32, #tpu.memory_space<hbm>> -> memref<64xf32, #tpu.memory_space<hbm>>
      %dma_wait3A_794 = arith.constant 0 : i32
      %dma_wait3A_795 = tpu.memref_slice %arg4[%dma_wait3A_785, %dma_wait3A_786, %dma_wait3A_787, %dma_wait3A_794] : memref<2x4x8x128xf32, #tpu.memory_space<vmem>> -> memref<1x1x1x64xf32, #tpu.memory_space<vmem>>
      %dma_wait3A_796 = tpu.memref_squeeze %dma_wait3A_795 : memref<1x1x1x64xf32, #tpu.memory_space<vmem>> -> memref<64xf32, #tpu.memory_space<vmem>>
      %dma_wait3A_797 = arith.constant 999936 : i32
      %dma_wait3A_798 = tpu.memref_slice %arg2[%dma_wait3A_783, %dma_wait3A_784, %dma_wait3A_797] : memref<4x8x1000000xf32, #tpu.memory_space<hbm>> -> memref<1x1x64xf32, #tpu.memory_space<hbm>>
      %dma_wait3A_799 = tpu.memref_squeeze %dma_wait3A_798 : memref<1x1x64xf32, #tpu.memory_space<hbm>> -> memref<64xf32, #tpu.memory_space<hbm>>
      tpu.wait_dma2 semaphore(%arg7 : memref<!tpu.dma_semaphore, #tpu.memory_space<semaphore_mem>>) src(%dma_wait3A_799 : memref<64xf32, #tpu.memory_space<hbm>>) dst(%dma_wait3A_796 : memref<64xf32, #tpu.memory_space<vmem>>)
      %dma_wait3A_800 = arith.constant 1 : i32
      %dma_wait3A_801 = arith.constant 4 : i32
      %dma_wait3A_802 = arith.constant 0 : i32
      %dma_wait3A_803 = arith.constant 1 : i32
      %dma_wait3A_804 = arith.constant 4 : i32
      %dma_wait3A_805 = arith.constant 0 : i32
      %dma_wait3A_806 = tpu.memref_slice %arg4[%dma_wait3A_802, %dma_wait3A_803, %dma_wait3A_804, %dma_wait3A_805] : memref<2x4x8x128xf32, #tpu.memory_space<vmem>> -> memref<1x1x1x64xf32, #tpu.memory_space<vmem>>
      %dma_wait3A_807 = tpu.memref_squeeze %dma_wait3A_806 : memref<1x1x1x64xf32, #tpu.memory_space<vmem>> -> memref<64xf32, #tpu.memory_space<vmem>>
      %dma_wait3A_808 = arith.constant 999936 : i32
      %dma_wait3A_809 = tpu.memref_slice %arg2[%dma_wait3A_800, %dma_wait3A_801, %dma_wait3A_808] : memref<4x8x1000000xf32, #tpu.memory_space<hbm>> -> memref<1x1x64xf32, #tpu.memory_space<hbm>>
      %dma_wait3A_810 = tpu.memref_squeeze %dma_wait3A_809 : memref<1x1x64xf32, #tpu.memory_space<hbm>> -> memref<64xf32, #tpu.memory_space<hbm>>
      %dma_wait3A_811 = arith.constant 0 : i32
      %dma_wait3A_812 = tpu.memref_slice %arg4[%dma_wait3A_802, %dma_wait3A_803, %dma_wait3A_804, %dma_wait3A_811] : memref<2x4x8x128xf32, #tpu.memory_space<vmem>> -> memref<1x1x1x64xf32, #tpu.memory_space<vmem>>
      %dma_wait3A_813 = tpu.memref_squeeze %dma_wait3A_812 : memref<1x1x1x64xf32, #tpu.memory_space<vmem>> -> memref<64xf32, #tpu.memory_space<vmem>>
      %dma_wait3A_814 = arith.constant 999936 : i32
      %dma_wait3A_815 = tpu.memref_slice %arg2[%dma_wait3A_800, %dma_wait3A_801, %dma_wait3A_814] : memref<4x8x1000000xf32, #tpu.memory_space<hbm>> -> memref<1x1x64xf32, #tpu.memory_space<hbm>>
      %dma_wait3A_816 = tpu.memref_squeeze %dma_wait3A_815 : memref<1x1x64xf32, #tpu.memory_space<hbm>> -> memref<64xf32, #tpu.memory_space<hbm>>
      tpu.wait_dma2 semaphore(%arg7 : memref<!tpu.dma_semaphore, #tpu.memory_space<semaphore_mem>>) src(%dma_wait3A_816 : memref<64xf32, #tpu.memory_space<hbm>>) dst(%dma_wait3A_813 : memref<64xf32, #tpu.memory_space<vmem>>)
      %dma_wait3A_817 = arith.constant 1 : i32
      %dma_wait3A_818 = arith.constant 5 : i32
      %dma_wait3A_819 = arith.constant 0 : i32
      %dma_wait3A_820 = arith.constant 1 : i32
      %dma_wait3A_821 = arith.constant 5 : i32
      %dma_wait3A_822 = arith.constant 0 : i32
      %dma_wait3A_823 = tpu.memref_slice %arg4[%dma_wait3A_819, %dma_wait3A_820, %dma_wait3A_821, %dma_wait3A_822] : memref<2x4x8x128xf32, #tpu.memory_space<vmem>> -> memref<1x1x1x64xf32, #tpu.memory_space<vmem>>
      %dma_wait3A_824 = tpu.memref_squeeze %dma_wait3A_823 : memref<1x1x1x64xf32, #tpu.memory_space<vmem>> -> memref<64xf32, #tpu.memory_space<vmem>>
      %dma_wait3A_825 = arith.constant 999936 : i32
      %dma_wait3A_826 = tpu.memref_slice %arg2[%dma_wait3A_817, %dma_wait3A_818, %dma_wait3A_825] : memref<4x8x1000000xf32, #tpu.memory_space<hbm>> -> memref<1x1x64xf32, #tpu.memory_space<hbm>>
      %dma_wait3A_827 = tpu.memref_squeeze %dma_wait3A_826 : memref<1x1x64xf32, #tpu.memory_space<hbm>> -> memref<64xf32, #tpu.memory_space<hbm>>
      %dma_wait3A_828 = arith.constant 0 : i32
      %dma_wait3A_829 = tpu.memref_slice %arg4[%dma_wait3A_819, %dma_wait3A_820, %dma_wait3A_821, %dma_wait3A_828] : memref<2x4x8x128xf32, #tpu.memory_space<vmem>> -> memref<1x1x1x64xf32, #tpu.memory_space<vmem>>
      %dma_wait3A_830 = tpu.memref_squeeze %dma_wait3A_829 : memref<1x1x1x64xf32, #tpu.memory_space<vmem>> -> memref<64xf32, #tpu.memory_space<vmem>>
      %dma_wait3A_831 = arith.constant 999936 : i32
      %dma_wait3A_832 = tpu.memref_slice %arg2[%dma_wait3A_817, %dma_wait3A_818, %dma_wait3A_831] : memref<4x8x1000000xf32, #tpu.memory_space<hbm>> -> memref<1x1x64xf32, #tpu.memory_space<hbm>>
      %dma_wait3A_833 = tpu.memref_squeeze %dma_wait3A_832 : memref<1x1x64xf32, #tpu.memory_space<hbm>> -> memref<64xf32, #tpu.memory_space<hbm>>
      tpu.wait_dma2 semaphore(%arg7 : memref<!tpu.dma_semaphore, #tpu.memory_space<semaphore_mem>>) src(%dma_wait3A_833 : memref<64xf32, #tpu.memory_space<hbm>>) dst(%dma_wait3A_830 : memref<64xf32, #tpu.memory_space<vmem>>)
      %dma_wait3A_834 = arith.constant 1 : i32
      %dma_wait3A_835 = arith.constant 6 : i32
      %dma_wait3A_836 = arith.constant 0 : i32
      %dma_wait3A_837 = arith.constant 1 : i32
      %dma_wait3A_838 = arith.constant 6 : i32
      %dma_wait3A_839 = arith.constant 0 : i32
      %dma_wait3A_840 = tpu.memref_slice %arg4[%dma_wait3A_836, %dma_wait3A_837, %dma_wait3A_838, %dma_wait3A_839] : memref<2x4x8x128xf32, #tpu.memory_space<vmem>> -> memref<1x1x1x64xf32, #tpu.memory_space<vmem>>
      %dma_wait3A_841 = tpu.memref_squeeze %dma_wait3A_840 : memref<1x1x1x64xf32, #tpu.memory_space<vmem>> -> memref<64xf32, #tpu.memory_space<vmem>>
      %dma_wait3A_842 = arith.constant 999936 : i32
      %dma_wait3A_843 = tpu.memref_slice %arg2[%dma_wait3A_834, %dma_wait3A_835, %dma_wait3A_842] : memref<4x8x1000000xf32, #tpu.memory_space<hbm>> -> memref<1x1x64xf32, #tpu.memory_space<hbm>>
      %dma_wait3A_844 = tpu.memref_squeeze %dma_wait3A_843 : memref<1x1x64xf32, #tpu.memory_space<hbm>> -> memref<64xf32, #tpu.memory_space<hbm>>
      %dma_wait3A_845 = arith.constant 0 : i32
      %dma_wait3A_846 = tpu.memref_slice %arg4[%dma_wait3A_836, %dma_wait3A_837, %dma_wait3A_838, %dma_wait3A_845] : memref<2x4x8x128xf32, #tpu.memory_space<vmem>> -> memref<1x1x1x64xf32, #tpu.memory_space<vmem>>
      %dma_wait3A_847 = tpu.memref_squeeze %dma_wait3A_846 : memref<1x1x1x64xf32, #tpu.memory_space<vmem>> -> memref<64xf32, #tpu.memory_space<vmem>>
      %dma_wait3A_848 = arith.constant 999936 : i32
      %dma_wait3A_849 = tpu.memref_slice %arg2[%dma_wait3A_834, %dma_wait3A_835, %dma_wait3A_848] : memref<4x8x1000000xf32, #tpu.memory_space<hbm>> -> memref<1x1x64xf32, #tpu.memory_space<hbm>>
      %dma_wait3A_850 = tpu.memref_squeeze %dma_wait3A_849 : memref<1x1x64xf32, #tpu.memory_space<hbm>> -> memref<64xf32, #tpu.memory_space<hbm>>
      tpu.wait_dma2 semaphore(%arg7 : memref<!tpu.dma_semaphore, #tpu.memory_space<semaphore_mem>>) src(%dma_wait3A_850 : memref<64xf32, #tpu.memory_space<hbm>>) dst(%dma_wait3A_847 : memref<64xf32, #tpu.memory_space<vmem>>)
      %dma_wait3A_851 = arith.constant 1 : i32
      %dma_wait3A_852 = arith.constant 7 : i32
      %dma_wait3A_853 = arith.constant 0 : i32
      %dma_wait3A_854 = arith.constant 1 : i32
      %dma_wait3A_855 = arith.constant 7 : i32
      %dma_wait3A_856 = arith.constant 0 : i32
      %dma_wait3A_857 = tpu.memref_slice %arg4[%dma_wait3A_853, %dma_wait3A_854, %dma_wait3A_855, %dma_wait3A_856] : memref<2x4x8x128xf32, #tpu.memory_space<vmem>> -> memref<1x1x1x64xf32, #tpu.memory_space<vmem>>
      %dma_wait3A_858 = tpu.memref_squeeze %dma_wait3A_857 : memref<1x1x1x64xf32, #tpu.memory_space<vmem>> -> memref<64xf32, #tpu.memory_space<vmem>>
      %dma_wait3A_859 = arith.constant 999936 : i32
      %dma_wait3A_860 = tpu.memref_slice %arg2[%dma_wait3A_851, %dma_wait3A_852, %dma_wait3A_859] : memref<4x8x1000000xf32, #tpu.memory_space<hbm>> -> memref<1x1x64xf32, #tpu.memory_space<hbm>>
      %dma_wait3A_861 = tpu.memref_squeeze %dma_wait3A_860 : memref<1x1x64xf32, #tpu.memory_space<hbm>> -> memref<64xf32, #tpu.memory_space<hbm>>
      %dma_wait3A_862 = arith.constant 0 : i32
      %dma_wait3A_863 = tpu.memref_slice %arg4[%dma_wait3A_853, %dma_wait3A_854, %dma_wait3A_855, %dma_wait3A_862] : memref<2x4x8x128xf32, #tpu.memory_space<vmem>> -> memref<1x1x1x64xf32, #tpu.memory_space<vmem>>
      %dma_wait3A_864 = tpu.memref_squeeze %dma_wait3A_863 : memref<1x1x1x64xf32, #tpu.memory_space<vmem>> -> memref<64xf32, #tpu.memory_space<vmem>>
      %dma_wait3A_865 = arith.constant 999936 : i32
      %dma_wait3A_866 = tpu.memref_slice %arg2[%dma_wait3A_851, %dma_wait3A_852, %dma_wait3A_865] : memref<4x8x1000000xf32, #tpu.memory_space<hbm>> -> memref<1x1x64xf32, #tpu.memory_space<hbm>>
      %dma_wait3A_867 = tpu.memref_squeeze %dma_wait3A_866 : memref<1x1x64xf32, #tpu.memory_space<hbm>> -> memref<64xf32, #tpu.memory_space<hbm>>
      tpu.wait_dma2 semaphore(%arg7 : memref<!tpu.dma_semaphore, #tpu.memory_space<semaphore_mem>>) src(%dma_wait3A_867 : memref<64xf32, #tpu.memory_space<hbm>>) dst(%dma_wait3A_864 : memref<64xf32, #tpu.memory_space<vmem>>)
      %dma_wait3A_868 = arith.constant 2 : i32
      %dma_wait3A_869 = arith.constant 0 : i32
      %dma_wait3A_870 = arith.constant 0 : i32
      %dma_wait3A_871 = arith.constant 2 : i32
      %dma_wait3A_872 = arith.constant 0 : i32
      %dma_wait3A_873 = arith.constant 0 : i32
      %dma_wait3A_874 = tpu.memref_slice %arg4[%dma_wait3A_870, %dma_wait3A_871, %dma_wait3A_872, %dma_wait3A_873] : memref<2x4x8x128xf32, #tpu.memory_space<vmem>> -> memref<1x1x1x64xf32, #tpu.memory_space<vmem>>
      %dma_wait3A_875 = tpu.memref_squeeze %dma_wait3A_874 : memref<1x1x1x64xf32, #tpu.memory_space<vmem>> -> memref<64xf32, #tpu.memory_space<vmem>>
      %dma_wait3A_876 = arith.constant 999936 : i32
      %dma_wait3A_877 = tpu.memref_slice %arg2[%dma_wait3A_868, %dma_wait3A_869, %dma_wait3A_876] : memref<4x8x1000000xf32, #tpu.memory_space<hbm>> -> memref<1x1x64xf32, #tpu.memory_space<hbm>>
      %dma_wait3A_878 = tpu.memref_squeeze %dma_wait3A_877 : memref<1x1x64xf32, #tpu.memory_space<hbm>> -> memref<64xf32, #tpu.memory_space<hbm>>
      %dma_wait3A_879 = arith.constant 0 : i32
      %dma_wait3A_880 = tpu.memref_slice %arg4[%dma_wait3A_870, %dma_wait3A_871, %dma_wait3A_872, %dma_wait3A_879] : memref<2x4x8x128xf32, #tpu.memory_space<vmem>> -> memref<1x1x1x64xf32, #tpu.memory_space<vmem>>
      %dma_wait3A_881 = tpu.memref_squeeze %dma_wait3A_880 : memref<1x1x1x64xf32, #tpu.memory_space<vmem>> -> memref<64xf32, #tpu.memory_space<vmem>>
      %dma_wait3A_882 = arith.constant 999936 : i32
      %dma_wait3A_883 = tpu.memref_slice %arg2[%dma_wait3A_868, %dma_wait3A_869, %dma_wait3A_882] : memref<4x8x1000000xf32, #tpu.memory_space<hbm>> -> memref<1x1x64xf32, #tpu.memory_space<hbm>>
      %dma_wait3A_884 = tpu.memref_squeeze %dma_wait3A_883 : memref<1x1x64xf32, #tpu.memory_space<hbm>> -> memref<64xf32, #tpu.memory_space<hbm>>
      tpu.wait_dma2 semaphore(%arg7 : memref<!tpu.dma_semaphore, #tpu.memory_space<semaphore_mem>>) src(%dma_wait3A_884 : memref<64xf32, #tpu.memory_space<hbm>>) dst(%dma_wait3A_881 : memref<64xf32, #tpu.memory_space<vmem>>)
      %dma_wait3A_885 = arith.constant 2 : i32
      %dma_wait3A_886 = arith.constant 1 : i32
      %dma_wait3A_887 = arith.constant 0 : i32
      %dma_wait3A_888 = arith.constant 2 : i32
      %dma_wait3A_889 = arith.constant 1 : i32
      %dma_wait3A_890 = arith.constant 0 : i32
      %dma_wait3A_891 = tpu.memref_slice %arg4[%dma_wait3A_887, %dma_wait3A_888, %dma_wait3A_889, %dma_wait3A_890] : memref<2x4x8x128xf32, #tpu.memory_space<vmem>> -> memref<1x1x1x64xf32, #tpu.memory_space<vmem>>
      %dma_wait3A_892 = tpu.memref_squeeze %dma_wait3A_891 : memref<1x1x1x64xf32, #tpu.memory_space<vmem>> -> memref<64xf32, #tpu.memory_space<vmem>>
      %dma_wait3A_893 = arith.constant 999936 : i32
      %dma_wait3A_894 = tpu.memref_slice %arg2[%dma_wait3A_885, %dma_wait3A_886, %dma_wait3A_893] : memref<4x8x1000000xf32, #tpu.memory_space<hbm>> -> memref<1x1x64xf32, #tpu.memory_space<hbm>>
      %dma_wait3A_895 = tpu.memref_squeeze %dma_wait3A_894 : memref<1x1x64xf32, #tpu.memory_space<hbm>> -> memref<64xf32, #tpu.memory_space<hbm>>
      %dma_wait3A_896 = arith.constant 0 : i32
      %dma_wait3A_897 = tpu.memref_slice %arg4[%dma_wait3A_887, %dma_wait3A_888, %dma_wait3A_889, %dma_wait3A_896] : memref<2x4x8x128xf32, #tpu.memory_space<vmem>> -> memref<1x1x1x64xf32, #tpu.memory_space<vmem>>
      %dma_wait3A_898 = tpu.memref_squeeze %dma_wait3A_897 : memref<1x1x1x64xf32, #tpu.memory_space<vmem>> -> memref<64xf32, #tpu.memory_space<vmem>>
      %dma_wait3A_899 = arith.constant 999936 : i32
      %dma_wait3A_900 = tpu.memref_slice %arg2[%dma_wait3A_885, %dma_wait3A_886, %dma_wait3A_899] : memref<4x8x1000000xf32, #tpu.memory_space<hbm>> -> memref<1x1x64xf32, #tpu.memory_space<hbm>>
      %dma_wait3A_901 = tpu.memref_squeeze %dma_wait3A_900 : memref<1x1x64xf32, #tpu.memory_space<hbm>> -> memref<64xf32, #tpu.memory_space<hbm>>
      tpu.wait_dma2 semaphore(%arg7 : memref<!tpu.dma_semaphore, #tpu.memory_space<semaphore_mem>>) src(%dma_wait3A_901 : memref<64xf32, #tpu.memory_space<hbm>>) dst(%dma_wait3A_898 : memref<64xf32, #tpu.memory_space<vmem>>)
      %dma_wait3A_902 = arith.constant 2 : i32
      %dma_wait3A_903 = arith.constant 2 : i32
      %dma_wait3A_904 = arith.constant 0 : i32
      %dma_wait3A_905 = arith.constant 2 : i32
      %dma_wait3A_906 = arith.constant 2 : i32
      %dma_wait3A_907 = arith.constant 0 : i32
      %dma_wait3A_908 = tpu.memref_slice %arg4[%dma_wait3A_904, %dma_wait3A_905, %dma_wait3A_906, %dma_wait3A_907] : memref<2x4x8x128xf32, #tpu.memory_space<vmem>> -> memref<1x1x1x64xf32, #tpu.memory_space<vmem>>
      %dma_wait3A_909 = tpu.memref_squeeze %dma_wait3A_908 : memref<1x1x1x64xf32, #tpu.memory_space<vmem>> -> memref<64xf32, #tpu.memory_space<vmem>>
      %dma_wait3A_910 = arith.constant 999936 : i32
      %dma_wait3A_911 = tpu.memref_slice %arg2[%dma_wait3A_902, %dma_wait3A_903, %dma_wait3A_910] : memref<4x8x1000000xf32, #tpu.memory_space<hbm>> -> memref<1x1x64xf32, #tpu.memory_space<hbm>>
      %dma_wait3A_912 = tpu.memref_squeeze %dma_wait3A_911 : memref<1x1x64xf32, #tpu.memory_space<hbm>> -> memref<64xf32, #tpu.memory_space<hbm>>
      %dma_wait3A_913 = arith.constant 0 : i32
      %dma_wait3A_914 = tpu.memref_slice %arg4[%dma_wait3A_904, %dma_wait3A_905, %dma_wait3A_906, %dma_wait3A_913] : memref<2x4x8x128xf32, #tpu.memory_space<vmem>> -> memref<1x1x1x64xf32, #tpu.memory_space<vmem>>
      %dma_wait3A_915 = tpu.memref_squeeze %dma_wait3A_914 : memref<1x1x1x64xf32, #tpu.memory_space<vmem>> -> memref<64xf32, #tpu.memory_space<vmem>>
      %dma_wait3A_916 = arith.constant 999936 : i32
      %dma_wait3A_917 = tpu.memref_slice %arg2[%dma_wait3A_902, %dma_wait3A_903, %dma_wait3A_916] : memref<4x8x1000000xf32, #tpu.memory_space<hbm>> -> memref<1x1x64xf32, #tpu.memory_space<hbm>>
      %dma_wait3A_918 = tpu.memref_squeeze %dma_wait3A_917 : memref<1x1x64xf32, #tpu.memory_space<hbm>> -> memref<64xf32, #tpu.memory_space<hbm>>
      tpu.wait_dma2 semaphore(%arg7 : memref<!tpu.dma_semaphore, #tpu.memory_space<semaphore_mem>>) src(%dma_wait3A_918 : memref<64xf32, #tpu.memory_space<hbm>>) dst(%dma_wait3A_915 : memref<64xf32, #tpu.memory_space<vmem>>)
      %dma_wait3A_919 = arith.constant 2 : i32
      %dma_wait3A_920 = arith.constant 3 : i32
      %dma_wait3A_921 = arith.constant 0 : i32
      %dma_wait3A_922 = arith.constant 2 : i32
      %dma_wait3A_923 = arith.constant 3 : i32
      %dma_wait3A_924 = arith.constant 0 : i32
      %dma_wait3A_925 = tpu.memref_slice %arg4[%dma_wait3A_921, %dma_wait3A_922, %dma_wait3A_923, %dma_wait3A_924] : memref<2x4x8x128xf32, #tpu.memory_space<vmem>> -> memref<1x1x1x64xf32, #tpu.memory_space<vmem>>
      %dma_wait3A_926 = tpu.memref_squeeze %dma_wait3A_925 : memref<1x1x1x64xf32, #tpu.memory_space<vmem>> -> memref<64xf32, #tpu.memory_space<vmem>>
      %dma_wait3A_927 = arith.constant 999936 : i32
      %dma_wait3A_928 = tpu.memref_slice %arg2[%dma_wait3A_919, %dma_wait3A_920, %dma_wait3A_927] : memref<4x8x1000000xf32, #tpu.memory_space<hbm>> -> memref<1x1x64xf32, #tpu.memory_space<hbm>>
      %dma_wait3A_929 = tpu.memref_squeeze %dma_wait3A_928 : memref<1x1x64xf32, #tpu.memory_space<hbm>> -> memref<64xf32, #tpu.memory_space<hbm>>
      %dma_wait3A_930 = arith.constant 0 : i32
      %dma_wait3A_931 = tpu.memref_slice %arg4[%dma_wait3A_921, %dma_wait3A_922, %dma_wait3A_923, %dma_wait3A_930] : memref<2x4x8x128xf32, #tpu.memory_space<vmem>> -> memref<1x1x1x64xf32, #tpu.memory_space<vmem>>
      %dma_wait3A_932 = tpu.memref_squeeze %dma_wait3A_931 : memref<1x1x1x64xf32, #tpu.memory_space<vmem>> -> memref<64xf32, #tpu.memory_space<vmem>>
      %dma_wait3A_933 = arith.constant 999936 : i32
      %dma_wait3A_934 = tpu.memref_slice %arg2[%dma_wait3A_919, %dma_wait3A_920, %dma_wait3A_933] : memref<4x8x1000000xf32, #tpu.memory_space<hbm>> -> memref<1x1x64xf32, #tpu.memory_space<hbm>>
      %dma_wait3A_935 = tpu.memref_squeeze %dma_wait3A_934 : memref<1x1x64xf32, #tpu.memory_space<hbm>> -> memref<64xf32, #tpu.memory_space<hbm>>
      tpu.wait_dma2 semaphore(%arg7 : memref<!tpu.dma_semaphore, #tpu.memory_space<semaphore_mem>>) src(%dma_wait3A_935 : memref<64xf32, #tpu.memory_space<hbm>>) dst(%dma_wait3A_932 : memref<64xf32, #tpu.memory_space<vmem>>)
      %dma_wait3A_936 = arith.constant 2 : i32
      %dma_wait3A_937 = arith.constant 4 : i32
      %dma_wait3A_938 = arith.constant 0 : i32
      %dma_wait3A_939 = arith.constant 2 : i32
      %dma_wait3A_940 = arith.constant 4 : i32
      %dma_wait3A_941 = arith.constant 0 : i32
      %dma_wait3A_942 = tpu.memref_slice %arg4[%dma_wait3A_938, %dma_wait3A_939, %dma_wait3A_940, %dma_wait3A_941] : memref<2x4x8x128xf32, #tpu.memory_space<vmem>> -> memref<1x1x1x64xf32, #tpu.memory_space<vmem>>
      %dma_wait3A_943 = tpu.memref_squeeze %dma_wait3A_942 : memref<1x1x1x64xf32, #tpu.memory_space<vmem>> -> memref<64xf32, #tpu.memory_space<vmem>>
      %dma_wait3A_944 = arith.constant 999936 : i32
      %dma_wait3A_945 = tpu.memref_slice %arg2[%dma_wait3A_936, %dma_wait3A_937, %dma_wait3A_944] : memref<4x8x1000000xf32, #tpu.memory_space<hbm>> -> memref<1x1x64xf32, #tpu.memory_space<hbm>>
      %dma_wait3A_946 = tpu.memref_squeeze %dma_wait3A_945 : memref<1x1x64xf32, #tpu.memory_space<hbm>> -> memref<64xf32, #tpu.memory_space<hbm>>
      %dma_wait3A_947 = arith.constant 0 : i32
      %dma_wait3A_948 = tpu.memref_slice %arg4[%dma_wait3A_938, %dma_wait3A_939, %dma_wait3A_940, %dma_wait3A_947] : memref<2x4x8x128xf32, #tpu.memory_space<vmem>> -> memref<1x1x1x64xf32, #tpu.memory_space<vmem>>
      %dma_wait3A_949 = tpu.memref_squeeze %dma_wait3A_948 : memref<1x1x1x64xf32, #tpu.memory_space<vmem>> -> memref<64xf32, #tpu.memory_space<vmem>>
      %dma_wait3A_950 = arith.constant 999936 : i32
      %dma_wait3A_951 = tpu.memref_slice %arg2[%dma_wait3A_936, %dma_wait3A_937, %dma_wait3A_950] : memref<4x8x1000000xf32, #tpu.memory_space<hbm>> -> memref<1x1x64xf32, #tpu.memory_space<hbm>>
      %dma_wait3A_952 = tpu.memref_squeeze %dma_wait3A_951 : memref<1x1x64xf32, #tpu.memory_space<hbm>> -> memref<64xf32, #tpu.memory_space<hbm>>
      tpu.wait_dma2 semaphore(%arg7 : memref<!tpu.dma_semaphore, #tpu.memory_space<semaphore_mem>>) src(%dma_wait3A_952 : memref<64xf32, #tpu.memory_space<hbm>>) dst(%dma_wait3A_949 : memref<64xf32, #tpu.memory_space<vmem>>)
      %dma_wait3A_953 = arith.constant 2 : i32
      %dma_wait3A_954 = arith.constant 5 : i32
      %dma_wait3A_955 = arith.constant 0 : i32
      %dma_wait3A_956 = arith.constant 2 : i32
      %dma_wait3A_957 = arith.constant 5 : i32
      %dma_wait3A_958 = arith.constant 0 : i32
      %dma_wait3A_959 = tpu.memref_slice %arg4[%dma_wait3A_955, %dma_wait3A_956, %dma_wait3A_957, %dma_wait3A_958] : memref<2x4x8x128xf32, #tpu.memory_space<vmem>> -> memref<1x1x1x64xf32, #tpu.memory_space<vmem>>
      %dma_wait3A_960 = tpu.memref_squeeze %dma_wait3A_959 : memref<1x1x1x64xf32, #tpu.memory_space<vmem>> -> memref<64xf32, #tpu.memory_space<vmem>>
      %dma_wait3A_961 = arith.constant 999936 : i32
      %dma_wait3A_962 = tpu.memref_slice %arg2[%dma_wait3A_953, %dma_wait3A_954, %dma_wait3A_961] : memref<4x8x1000000xf32, #tpu.memory_space<hbm>> -> memref<1x1x64xf32, #tpu.memory_space<hbm>>
      %dma_wait3A_963 = tpu.memref_squeeze %dma_wait3A_962 : memref<1x1x64xf32, #tpu.memory_space<hbm>> -> memref<64xf32, #tpu.memory_space<hbm>>
      %dma_wait3A_964 = arith.constant 0 : i32
      %dma_wait3A_965 = tpu.memref_slice %arg4[%dma_wait3A_955, %dma_wait3A_956, %dma_wait3A_957, %dma_wait3A_964] : memref<2x4x8x128xf32, #tpu.memory_space<vmem>> -> memref<1x1x1x64xf32, #tpu.memory_space<vmem>>
      %dma_wait3A_966 = tpu.memref_squeeze %dma_wait3A_965 : memref<1x1x1x64xf32, #tpu.memory_space<vmem>> -> memref<64xf32, #tpu.memory_space<vmem>>
      %dma_wait3A_967 = arith.constant 999936 : i32
      %dma_wait3A_968 = tpu.memref_slice %arg2[%dma_wait3A_953, %dma_wait3A_954, %dma_wait3A_967] : memref<4x8x1000000xf32, #tpu.memory_space<hbm>> -> memref<1x1x64xf32, #tpu.memory_space<hbm>>
      %dma_wait3A_969 = tpu.memref_squeeze %dma_wait3A_968 : memref<1x1x64xf32, #tpu.memory_space<hbm>> -> memref<64xf32, #tpu.memory_space<hbm>>
      tpu.wait_dma2 semaphore(%arg7 : memref<!tpu.dma_semaphore, #tpu.memory_space<semaphore_mem>>) src(%dma_wait3A_969 : memref<64xf32, #tpu.memory_space<hbm>>) dst(%dma_wait3A_966 : memref<64xf32, #tpu.memory_space<vmem>>)
      %dma_wait3A_970 = arith.constant 2 : i32
      %dma_wait3A_971 = arith.constant 6 : i32
      %dma_wait3A_972 = arith.constant 0 : i32
      %dma_wait3A_973 = arith.constant 2 : i32
      %dma_wait3A_974 = arith.constant 6 : i32
      %dma_wait3A_975 = arith.constant 0 : i32
      %dma_wait3A_976 = tpu.memref_slice %arg4[%dma_wait3A_972, %dma_wait3A_973, %dma_wait3A_974, %dma_wait3A_975] : memref<2x4x8x128xf32, #tpu.memory_space<vmem>> -> memref<1x1x1x64xf32, #tpu.memory_space<vmem>>
      %dma_wait3A_977 = tpu.memref_squeeze %dma_wait3A_976 : memref<1x1x1x64xf32, #tpu.memory_space<vmem>> -> memref<64xf32, #tpu.memory_space<vmem>>
      %dma_wait3A_978 = arith.constant 999936 : i32
      %dma_wait3A_979 = tpu.memref_slice %arg2[%dma_wait3A_970, %dma_wait3A_971, %dma_wait3A_978] : memref<4x8x1000000xf32, #tpu.memory_space<hbm>> -> memref<1x1x64xf32, #tpu.memory_space<hbm>>
      %dma_wait3A_980 = tpu.memref_squeeze %dma_wait3A_979 : memref<1x1x64xf32, #tpu.memory_space<hbm>> -> memref<64xf32, #tpu.memory_space<hbm>>
      %dma_wait3A_981 = arith.constant 0 : i32
      %dma_wait3A_982 = tpu.memref_slice %arg4[%dma_wait3A_972, %dma_wait3A_973, %dma_wait3A_974, %dma_wait3A_981] : memref<2x4x8x128xf32, #tpu.memory_space<vmem>> -> memref<1x1x1x64xf32, #tpu.memory_space<vmem>>
      %dma_wait3A_983 = tpu.memref_squeeze %dma_wait3A_982 : memref<1x1x1x64xf32, #tpu.memory_space<vmem>> -> memref<64xf32, #tpu.memory_space<vmem>>
      %dma_wait3A_984 = arith.constant 999936 : i32
      %dma_wait3A_985 = tpu.memref_slice %arg2[%dma_wait3A_970, %dma_wait3A_971, %dma_wait3A_984] : memref<4x8x1000000xf32, #tpu.memory_space<hbm>> -> memref<1x1x64xf32, #tpu.memory_space<hbm>>
      %dma_wait3A_986 = tpu.memref_squeeze %dma_wait3A_985 : memref<1x1x64xf32, #tpu.memory_space<hbm>> -> memref<64xf32, #tpu.memory_space<hbm>>
      tpu.wait_dma2 semaphore(%arg7 : memref<!tpu.dma_semaphore, #tpu.memory_space<semaphore_mem>>) src(%dma_wait3A_986 : memref<64xf32, #tpu.memory_space<hbm>>) dst(%dma_wait3A_983 : memref<64xf32, #tpu.memory_space<vmem>>)
      %dma_wait3A_987 = arith.constant 2 : i32
      %dma_wait3A_988 = arith.constant 7 : i32
      %dma_wait3A_989 = arith.constant 0 : i32
      %dma_wait3A_990 = arith.constant 2 : i32
      %dma_wait3A_991 = arith.constant 7 : i32
      %dma_wait3A_992 = arith.constant 0 : i32
      %dma_wait3A_993 = tpu.memref_slice %arg4[%dma_wait3A_989, %dma_wait3A_990, %dma_wait3A_991, %dma_wait3A_992] : memref<2x4x8x128xf32, #tpu.memory_space<vmem>> -> memref<1x1x1x64xf32, #tpu.memory_space<vmem>>
      %dma_wait3A_994 = tpu.memref_squeeze %dma_wait3A_993 : memref<1x1x1x64xf32, #tpu.memory_space<vmem>> -> memref<64xf32, #tpu.memory_space<vmem>>
      %dma_wait3A_995 = arith.constant 999936 : i32
      %dma_wait3A_996 = tpu.memref_slice %arg2[%dma_wait3A_987, %dma_wait3A_988, %dma_wait3A_995] : memref<4x8x1000000xf32, #tpu.memory_space<hbm>> -> memref<1x1x64xf32, #tpu.memory_space<hbm>>
      %dma_wait3A_997 = tpu.memref_squeeze %dma_wait3A_996 : memref<1x1x64xf32, #tpu.memory_space<hbm>> -> memref<64xf32, #tpu.memory_space<hbm>>
      %dma_wait3A_998 = arith.constant 0 : i32
      %dma_wait3A_999 = tpu.memref_slice %arg4[%dma_wait3A_989, %dma_wait3A_990, %dma_wait3A_991, %dma_wait3A_998] : memref<2x4x8x128xf32, #tpu.memory_space<vmem>> -> memref<1x1x1x64xf32, #tpu.memory_space<vmem>>
      %dma_wait3A_1000 = tpu.memref_squeeze %dma_wait3A_999 : memref<1x1x1x64xf32, #tpu.memory_space<vmem>> -> memref<64xf32, #tpu.memory_space<vmem>>
      %dma_wait3A_1001 = arith.constant 999936 : i32
      %dma_wait3A_1002 = tpu.memref_slice %arg2[%dma_wait3A_987, %dma_wait3A_988, %dma_wait3A_1001] : memref<4x8x1000000xf32, #tpu.memory_space<hbm>> -> memref<1x1x64xf32, #tpu.memory_space<hbm>>
      %dma_wait3A_1003 = tpu.memref_squeeze %dma_wait3A_1002 : memref<1x1x64xf32, #tpu.memory_space<hbm>> -> memref<64xf32, #tpu.memory_space<hbm>>
      tpu.wait_dma2 semaphore(%arg7 : memref<!tpu.dma_semaphore, #tpu.memory_space<semaphore_mem>>) src(%dma_wait3A_1003 : memref<64xf32, #tpu.memory_space<hbm>>) dst(%dma_wait3A_1000 : memref<64xf32, #tpu.memory_space<vmem>>)
      %dma_wait3A_1004 = arith.constant 3 : i32
      %dma_wait3A_1005 = arith.constant 0 : i32
      %dma_wait3A_1006 = arith.constant 0 : i32
      %dma_wait3A_1007 = arith.constant 3 : i32
      %dma_wait3A_1008 = arith.constant 0 : i32
      %dma_wait3A_1009 = arith.constant 0 : i32
      %dma_wait3A_1010 = tpu.memref_slice %arg4[%dma_wait3A_1006, %dma_wait3A_1007, %dma_wait3A_1008, %dma_wait3A_1009] : memref<2x4x8x128xf32, #tpu.memory_space<vmem>> -> memref<1x1x1x64xf32, #tpu.memory_space<vmem>>
      %dma_wait3A_1011 = tpu.memref_squeeze %dma_wait3A_1010 : memref<1x1x1x64xf32, #tpu.memory_space<vmem>> -> memref<64xf32, #tpu.memory_space<vmem>>
      %dma_wait3A_1012 = arith.constant 999936 : i32
      %dma_wait3A_1013 = tpu.memref_slice %arg2[%dma_wait3A_1004, %dma_wait3A_1005, %dma_wait3A_1012] : memref<4x8x1000000xf32, #tpu.memory_space<hbm>> -> memref<1x1x64xf32, #tpu.memory_space<hbm>>
      %dma_wait3A_1014 = tpu.memref_squeeze %dma_wait3A_1013 : memref<1x1x64xf32, #tpu.memory_space<hbm>> -> memref<64xf32, #tpu.memory_space<hbm>>
      %dma_wait3A_1015 = arith.constant 0 : i32
      %dma_wait3A_1016 = tpu.memref_slice %arg4[%dma_wait3A_1006, %dma_wait3A_1007, %dma_wait3A_1008, %dma_wait3A_1015] : memref<2x4x8x128xf32, #tpu.memory_space<vmem>> -> memref<1x1x1x64xf32, #tpu.memory_space<vmem>>
      %dma_wait3A_1017 = tpu.memref_squeeze %dma_wait3A_1016 : memref<1x1x1x64xf32, #tpu.memory_space<vmem>> -> memref<64xf32, #tpu.memory_space<vmem>>
      %dma_wait3A_1018 = arith.constant 999936 : i32
      %dma_wait3A_1019 = tpu.memref_slice %arg2[%dma_wait3A_1004, %dma_wait3A_1005, %dma_wait3A_1018] : memref<4x8x1000000xf32, #tpu.memory_space<hbm>> -> memref<1x1x64xf32, #tpu.memory_space<hbm>>
      %dma_wait3A_1020 = tpu.memref_squeeze %dma_wait3A_1019 : memref<1x1x64xf32, #tpu.memory_space<hbm>> -> memref<64xf32, #tpu.memory_space<hbm>>
      tpu.wait_dma2 semaphore(%arg7 : memref<!tpu.dma_semaphore, #tpu.memory_space<semaphore_mem>>) src(%dma_wait3A_1020 : memref<64xf32, #tpu.memory_space<hbm>>) dst(%dma_wait3A_1017 : memref<64xf32, #tpu.memory_space<vmem>>)
      %dma_wait3A_1021 = arith.constant 3 : i32
      %dma_wait3A_1022 = arith.constant 1 : i32
      %dma_wait3A_1023 = arith.constant 0 : i32
      %dma_wait3A_1024 = arith.constant 3 : i32
      %dma_wait3A_1025 = arith.constant 1 : i32
      %dma_wait3A_1026 = arith.constant 0 : i32
      %dma_wait3A_1027 = tpu.memref_slice %arg4[%dma_wait3A_1023, %dma_wait3A_1024, %dma_wait3A_1025, %dma_wait3A_1026] : memref<2x4x8x128xf32, #tpu.memory_space<vmem>> -> memref<1x1x1x64xf32, #tpu.memory_space<vmem>>
      %dma_wait3A_1028 = tpu.memref_squeeze %dma_wait3A_1027 : memref<1x1x1x64xf32, #tpu.memory_space<vmem>> -> memref<64xf32, #tpu.memory_space<vmem>>
      %dma_wait3A_1029 = arith.constant 999936 : i32
      %dma_wait3A_1030 = tpu.memref_slice %arg2[%dma_wait3A_1021, %dma_wait3A_1022, %dma_wait3A_1029] : memref<4x8x1000000xf32, #tpu.memory_space<hbm>> -> memref<1x1x64xf32, #tpu.memory_space<hbm>>
      %dma_wait3A_1031 = tpu.memref_squeeze %dma_wait3A_1030 : memref<1x1x64xf32, #tpu.memory_space<hbm>> -> memref<64xf32, #tpu.memory_space<hbm>>
      %dma_wait3A_1032 = arith.constant 0 : i32
      %dma_wait3A_1033 = tpu.memref_slice %arg4[%dma_wait3A_1023, %dma_wait3A_1024, %dma_wait3A_1025, %dma_wait3A_1032] : memref<2x4x8x128xf32, #tpu.memory_space<vmem>> -> memref<1x1x1x64xf32, #tpu.memory_space<vmem>>
      %dma_wait3A_1034 = tpu.memref_squeeze %dma_wait3A_1033 : memref<1x1x1x64xf32, #tpu.memory_space<vmem>> -> memref<64xf32, #tpu.memory_space<vmem>>
      %dma_wait3A_1035 = arith.constant 999936 : i32
      %dma_wait3A_1036 = tpu.memref_slice %arg2[%dma_wait3A_1021, %dma_wait3A_1022, %dma_wait3A_1035] : memref<4x8x1000000xf32, #tpu.memory_space<hbm>> -> memref<1x1x64xf32, #tpu.memory_space<hbm>>
      %dma_wait3A_1037 = tpu.memref_squeeze %dma_wait3A_1036 : memref<1x1x64xf32, #tpu.memory_space<hbm>> -> memref<64xf32, #tpu.memory_space<hbm>>
      tpu.wait_dma2 semaphore(%arg7 : memref<!tpu.dma_semaphore, #tpu.memory_space<semaphore_mem>>) src(%dma_wait3A_1037 : memref<64xf32, #tpu.memory_space<hbm>>) dst(%dma_wait3A_1034 : memref<64xf32, #tpu.memory_space<vmem>>)
      %dma_wait3A_1038 = arith.constant 3 : i32
      %dma_wait3A_1039 = arith.constant 2 : i32
      %dma_wait3A_1040 = arith.constant 0 : i32
      %dma_wait3A_1041 = arith.constant 3 : i32
      %dma_wait3A_1042 = arith.constant 2 : i32
      %dma_wait3A_1043 = arith.constant 0 : i32
      %dma_wait3A_1044 = tpu.memref_slice %arg4[%dma_wait3A_1040, %dma_wait3A_1041, %dma_wait3A_1042, %dma_wait3A_1043] : memref<2x4x8x128xf32, #tpu.memory_space<vmem>> -> memref<1x1x1x64xf32, #tpu.memory_space<vmem>>
      %dma_wait3A_1045 = tpu.memref_squeeze %dma_wait3A_1044 : memref<1x1x1x64xf32, #tpu.memory_space<vmem>> -> memref<64xf32, #tpu.memory_space<vmem>>
      %dma_wait3A_1046 = arith.constant 999936 : i32
      %dma_wait3A_1047 = tpu.memref_slice %arg2[%dma_wait3A_1038, %dma_wait3A_1039, %dma_wait3A_1046] : memref<4x8x1000000xf32, #tpu.memory_space<hbm>> -> memref<1x1x64xf32, #tpu.memory_space<hbm>>
      %dma_wait3A_1048 = tpu.memref_squeeze %dma_wait3A_1047 : memref<1x1x64xf32, #tpu.memory_space<hbm>> -> memref<64xf32, #tpu.memory_space<hbm>>
      %dma_wait3A_1049 = arith.constant 0 : i32
      %dma_wait3A_1050 = tpu.memref_slice %arg4[%dma_wait3A_1040, %dma_wait3A_1041, %dma_wait3A_1042, %dma_wait3A_1049] : memref<2x4x8x128xf32, #tpu.memory_space<vmem>> -> memref<1x1x1x64xf32, #tpu.memory_space<vmem>>
      %dma_wait3A_1051 = tpu.memref_squeeze %dma_wait3A_1050 : memref<1x1x1x64xf32, #tpu.memory_space<vmem>> -> memref<64xf32, #tpu.memory_space<vmem>>
      %dma_wait3A_1052 = arith.constant 999936 : i32
      %dma_wait3A_1053 = tpu.memref_slice %arg2[%dma_wait3A_1038, %dma_wait3A_1039, %dma_wait3A_1052] : memref<4x8x1000000xf32, #tpu.memory_space<hbm>> -> memref<1x1x64xf32, #tpu.memory_space<hbm>>
      %dma_wait3A_1054 = tpu.memref_squeeze %dma_wait3A_1053 : memref<1x1x64xf32, #tpu.memory_space<hbm>> -> memref<64xf32, #tpu.memory_space<hbm>>
      tpu.wait_dma2 semaphore(%arg7 : memref<!tpu.dma_semaphore, #tpu.memory_space<semaphore_mem>>) src(%dma_wait3A_1054 : memref<64xf32, #tpu.memory_space<hbm>>) dst(%dma_wait3A_1051 : memref<64xf32, #tpu.memory_space<vmem>>)
      %dma_wait3A_1055 = arith.constant 3 : i32
      %dma_wait3A_1056 = arith.constant 3 : i32
      %dma_wait3A_1057 = arith.constant 0 : i32
      %dma_wait3A_1058 = arith.constant 3 : i32
      %dma_wait3A_1059 = arith.constant 3 : i32
      %dma_wait3A_1060 = arith.constant 0 : i32
      %dma_wait3A_1061 = tpu.memref_slice %arg4[%dma_wait3A_1057, %dma_wait3A_1058, %dma_wait3A_1059, %dma_wait3A_1060] : memref<2x4x8x128xf32, #tpu.memory_space<vmem>> -> memref<1x1x1x64xf32, #tpu.memory_space<vmem>>
      %dma_wait3A_1062 = tpu.memref_squeeze %dma_wait3A_1061 : memref<1x1x1x64xf32, #tpu.memory_space<vmem>> -> memref<64xf32, #tpu.memory_space<vmem>>
      %dma_wait3A_1063 = arith.constant 999936 : i32
      %dma_wait3A_1064 = tpu.memref_slice %arg2[%dma_wait3A_1055, %dma_wait3A_1056, %dma_wait3A_1063] : memref<4x8x1000000xf32, #tpu.memory_space<hbm>> -> memref<1x1x64xf32, #tpu.memory_space<hbm>>
      %dma_wait3A_1065 = tpu.memref_squeeze %dma_wait3A_1064 : memref<1x1x64xf32, #tpu.memory_space<hbm>> -> memref<64xf32, #tpu.memory_space<hbm>>
      %dma_wait3A_1066 = arith.constant 0 : i32
      %dma_wait3A_1067 = tpu.memref_slice %arg4[%dma_wait3A_1057, %dma_wait3A_1058, %dma_wait3A_1059, %dma_wait3A_1066] : memref<2x4x8x128xf32, #tpu.memory_space<vmem>> -> memref<1x1x1x64xf32, #tpu.memory_space<vmem>>
      %dma_wait3A_1068 = tpu.memref_squeeze %dma_wait3A_1067 : memref<1x1x1x64xf32, #tpu.memory_space<vmem>> -> memref<64xf32, #tpu.memory_space<vmem>>
      %dma_wait3A_1069 = arith.constant 999936 : i32
      %dma_wait3A_1070 = tpu.memref_slice %arg2[%dma_wait3A_1055, %dma_wait3A_1056, %dma_wait3A_1069] : memref<4x8x1000000xf32, #tpu.memory_space<hbm>> -> memref<1x1x64xf32, #tpu.memory_space<hbm>>
      %dma_wait3A_1071 = tpu.memref_squeeze %dma_wait3A_1070 : memref<1x1x64xf32, #tpu.memory_space<hbm>> -> memref<64xf32, #tpu.memory_space<hbm>>
      tpu.wait_dma2 semaphore(%arg7 : memref<!tpu.dma_semaphore, #tpu.memory_space<semaphore_mem>>) src(%dma_wait3A_1071 : memref<64xf32, #tpu.memory_space<hbm>>) dst(%dma_wait3A_1068 : memref<64xf32, #tpu.memory_space<vmem>>)
      %dma_wait3A_1072 = arith.constant 3 : i32
      %dma_wait3A_1073 = arith.constant 4 : i32
      %dma_wait3A_1074 = arith.constant 0 : i32
      %dma_wait3A_1075 = arith.constant 3 : i32
      %dma_wait3A_1076 = arith.constant 4 : i32
      %dma_wait3A_1077 = arith.constant 0 : i32
      %dma_wait3A_1078 = tpu.memref_slice %arg4[%dma_wait3A_1074, %dma_wait3A_1075, %dma_wait3A_1076, %dma_wait3A_1077] : memref<2x4x8x128xf32, #tpu.memory_space<vmem>> -> memref<1x1x1x64xf32, #tpu.memory_space<vmem>>
      %dma_wait3A_1079 = tpu.memref_squeeze %dma_wait3A_1078 : memref<1x1x1x64xf32, #tpu.memory_space<vmem>> -> memref<64xf32, #tpu.memory_space<vmem>>
      %dma_wait3A_1080 = arith.constant 999936 : i32
      %dma_wait3A_1081 = tpu.memref_slice %arg2[%dma_wait3A_1072, %dma_wait3A_1073, %dma_wait3A_1080] : memref<4x8x1000000xf32, #tpu.memory_space<hbm>> -> memref<1x1x64xf32, #tpu.memory_space<hbm>>
      %dma_wait3A_1082 = tpu.memref_squeeze %dma_wait3A_1081 : memref<1x1x64xf32, #tpu.memory_space<hbm>> -> memref<64xf32, #tpu.memory_space<hbm>>
      %dma_wait3A_1083 = arith.constant 0 : i32
      %dma_wait3A_1084 = tpu.memref_slice %arg4[%dma_wait3A_1074, %dma_wait3A_1075, %dma_wait3A_1076, %dma_wait3A_1083] : memref<2x4x8x128xf32, #tpu.memory_space<vmem>> -> memref<1x1x1x64xf32, #tpu.memory_space<vmem>>
      %dma_wait3A_1085 = tpu.memref_squeeze %dma_wait3A_1084 : memref<1x1x1x64xf32, #tpu.memory_space<vmem>> -> memref<64xf32, #tpu.memory_space<vmem>>
      %dma_wait3A_1086 = arith.constant 999936 : i32
      %dma_wait3A_1087 = tpu.memref_slice %arg2[%dma_wait3A_1072, %dma_wait3A_1073, %dma_wait3A_1086] : memref<4x8x1000000xf32, #tpu.memory_space<hbm>> -> memref<1x1x64xf32, #tpu.memory_space<hbm>>
      %dma_wait3A_1088 = tpu.memref_squeeze %dma_wait3A_1087 : memref<1x1x64xf32, #tpu.memory_space<hbm>> -> memref<64xf32, #tpu.memory_space<hbm>>
      tpu.wait_dma2 semaphore(%arg7 : memref<!tpu.dma_semaphore, #tpu.memory_space<semaphore_mem>>) src(%dma_wait3A_1088 : memref<64xf32, #tpu.memory_space<hbm>>) dst(%dma_wait3A_1085 : memref<64xf32, #tpu.memory_space<vmem>>)
      %dma_wait3A_1089 = arith.constant 3 : i32
      %dma_wait3A_1090 = arith.constant 5 : i32
      %dma_wait3A_1091 = arith.constant 0 : i32
      %dma_wait3A_1092 = arith.constant 3 : i32
      %dma_wait3A_1093 = arith.constant 5 : i32
      %dma_wait3A_1094 = arith.constant 0 : i32
      %dma_wait3A_1095 = tpu.memref_slice %arg4[%dma_wait3A_1091, %dma_wait3A_1092, %dma_wait3A_1093, %dma_wait3A_1094] : memref<2x4x8x128xf32, #tpu.memory_space<vmem>> -> memref<1x1x1x64xf32, #tpu.memory_space<vmem>>
      %dma_wait3A_1096 = tpu.memref_squeeze %dma_wait3A_1095 : memref<1x1x1x64xf32, #tpu.memory_space<vmem>> -> memref<64xf32, #tpu.memory_space<vmem>>
      %dma_wait3A_1097 = arith.constant 999936 : i32
      %dma_wait3A_1098 = tpu.memref_slice %arg2[%dma_wait3A_1089, %dma_wait3A_1090, %dma_wait3A_1097] : memref<4x8x1000000xf32, #tpu.memory_space<hbm>> -> memref<1x1x64xf32, #tpu.memory_space<hbm>>
      %dma_wait3A_1099 = tpu.memref_squeeze %dma_wait3A_1098 : memref<1x1x64xf32, #tpu.memory_space<hbm>> -> memref<64xf32, #tpu.memory_space<hbm>>
      %dma_wait3A_1100 = arith.constant 0 : i32
      %dma_wait3A_1101 = tpu.memref_slice %arg4[%dma_wait3A_1091, %dma_wait3A_1092, %dma_wait3A_1093, %dma_wait3A_1100] : memref<2x4x8x128xf32, #tpu.memory_space<vmem>> -> memref<1x1x1x64xf32, #tpu.memory_space<vmem>>
      %dma_wait3A_1102 = tpu.memref_squeeze %dma_wait3A_1101 : memref<1x1x1x64xf32, #tpu.memory_space<vmem>> -> memref<64xf32, #tpu.memory_space<vmem>>
      %dma_wait3A_1103 = arith.constant 999936 : i32
      %dma_wait3A_1104 = tpu.memref_slice %arg2[%dma_wait3A_1089, %dma_wait3A_1090, %dma_wait3A_1103] : memref<4x8x1000000xf32, #tpu.memory_space<hbm>> -> memref<1x1x64xf32, #tpu.memory_space<hbm>>
      %dma_wait3A_1105 = tpu.memref_squeeze %dma_wait3A_1104 : memref<1x1x64xf32, #tpu.memory_space<hbm>> -> memref<64xf32, #tpu.memory_space<hbm>>
      tpu.wait_dma2 semaphore(%arg7 : memref<!tpu.dma_semaphore, #tpu.memory_space<semaphore_mem>>) src(%dma_wait3A_1105 : memref<64xf32, #tpu.memory_space<hbm>>) dst(%dma_wait3A_1102 : memref<64xf32, #tpu.memory_space<vmem>>)
      %dma_wait3A_1106 = arith.constant 3 : i32
      %dma_wait3A_1107 = arith.constant 6 : i32
      %dma_wait3A_1108 = arith.constant 0 : i32
      %dma_wait3A_1109 = arith.constant 3 : i32
      %dma_wait3A_1110 = arith.constant 6 : i32
      %dma_wait3A_1111 = arith.constant 0 : i32
      %dma_wait3A_1112 = tpu.memref_slice %arg4[%dma_wait3A_1108, %dma_wait3A_1109, %dma_wait3A_1110, %dma_wait3A_1111] : memref<2x4x8x128xf32, #tpu.memory_space<vmem>> -> memref<1x1x1x64xf32, #tpu.memory_space<vmem>>
      %dma_wait3A_1113 = tpu.memref_squeeze %dma_wait3A_1112 : memref<1x1x1x64xf32, #tpu.memory_space<vmem>> -> memref<64xf32, #tpu.memory_space<vmem>>
      %dma_wait3A_1114 = arith.constant 999936 : i32
      %dma_wait3A_1115 = tpu.memref_slice %arg2[%dma_wait3A_1106, %dma_wait3A_1107, %dma_wait3A_1114] : memref<4x8x1000000xf32, #tpu.memory_space<hbm>> -> memref<1x1x64xf32, #tpu.memory_space<hbm>>
      %dma_wait3A_1116 = tpu.memref_squeeze %dma_wait3A_1115 : memref<1x1x64xf32, #tpu.memory_space<hbm>> -> memref<64xf32, #tpu.memory_space<hbm>>
      %dma_wait3A_1117 = arith.constant 0 : i32
      %dma_wait3A_1118 = tpu.memref_slice %arg4[%dma_wait3A_1108, %dma_wait3A_1109, %dma_wait3A_1110, %dma_wait3A_1117] : memref<2x4x8x128xf32, #tpu.memory_space<vmem>> -> memref<1x1x1x64xf32, #tpu.memory_space<vmem>>
      %dma_wait3A_1119 = tpu.memref_squeeze %dma_wait3A_1118 : memref<1x1x1x64xf32, #tpu.memory_space<vmem>> -> memref<64xf32, #tpu.memory_space<vmem>>
      %dma_wait3A_1120 = arith.constant 999936 : i32
      %dma_wait3A_1121 = tpu.memref_slice %arg2[%dma_wait3A_1106, %dma_wait3A_1107, %dma_wait3A_1120] : memref<4x8x1000000xf32, #tpu.memory_space<hbm>> -> memref<1x1x64xf32, #tpu.memory_space<hbm>>
      %dma_wait3A_1122 = tpu.memref_squeeze %dma_wait3A_1121 : memref<1x1x64xf32, #tpu.memory_space<hbm>> -> memref<64xf32, #tpu.memory_space<hbm>>
      tpu.wait_dma2 semaphore(%arg7 : memref<!tpu.dma_semaphore, #tpu.memory_space<semaphore_mem>>) src(%dma_wait3A_1122 : memref<64xf32, #tpu.memory_space<hbm>>) dst(%dma_wait3A_1119 : memref<64xf32, #tpu.memory_space<vmem>>)
      %dma_wait3A_1123 = arith.constant 3 : i32
      %dma_wait3A_1124 = arith.constant 7 : i32
      %dma_wait3A_1125 = arith.constant 0 : i32
      %dma_wait3A_1126 = arith.constant 3 : i32
      %dma_wait3A_1127 = arith.constant 7 : i32
      %dma_wait3A_1128 = arith.constant 0 : i32
      %dma_wait3A_1129 = tpu.memref_slice %arg4[%dma_wait3A_1125, %dma_wait3A_1126, %dma_wait3A_1127, %dma_wait3A_1128] : memref<2x4x8x128xf32, #tpu.memory_space<vmem>> -> memref<1x1x1x64xf32, #tpu.memory_space<vmem>>
      %dma_wait3A_1130 = tpu.memref_squeeze %dma_wait3A_1129 : memref<1x1x1x64xf32, #tpu.memory_space<vmem>> -> memref<64xf32, #tpu.memory_space<vmem>>
      %dma_wait3A_1131 = arith.constant 999936 : i32
      %dma_wait3A_1132 = tpu.memref_slice %arg2[%dma_wait3A_1123, %dma_wait3A_1124, %dma_wait3A_1131] : memref<4x8x1000000xf32, #tpu.memory_space<hbm>> -> memref<1x1x64xf32, #tpu.memory_space<hbm>>
      %dma_wait3A_1133 = tpu.memref_squeeze %dma_wait3A_1132 : memref<1x1x64xf32, #tpu.memory_space<hbm>> -> memref<64xf32, #tpu.memory_space<hbm>>
      %dma_wait3A_1134 = arith.constant 0 : i32
      %dma_wait3A_1135 = tpu.memref_slice %arg4[%dma_wait3A_1125, %dma_wait3A_1126, %dma_wait3A_1127, %dma_wait3A_1134] : memref<2x4x8x128xf32, #tpu.memory_space<vmem>> -> memref<1x1x1x64xf32, #tpu.memory_space<vmem>>
      %dma_wait3A_1136 = tpu.memref_squeeze %dma_wait3A_1135 : memref<1x1x1x64xf32, #tpu.memory_space<vmem>> -> memref<64xf32, #tpu.memory_space<vmem>>
      %dma_wait3A_1137 = arith.constant 999936 : i32
      %dma_wait3A_1138 = tpu.memref_slice %arg2[%dma_wait3A_1123, %dma_wait3A_1124, %dma_wait3A_1137] : memref<4x8x1000000xf32, #tpu.memory_space<hbm>> -> memref<1x1x64xf32, #tpu.memory_space<hbm>>
      %dma_wait3A_1139 = tpu.memref_squeeze %dma_wait3A_1138 : memref<1x1x64xf32, #tpu.memory_space<hbm>> -> memref<64xf32, #tpu.memory_space<hbm>>
      tpu.wait_dma2 semaphore(%arg7 : memref<!tpu.dma_semaphore, #tpu.memory_space<semaphore_mem>>) src(%dma_wait3A_1139 : memref<64xf32, #tpu.memory_space<hbm>>) dst(%dma_wait3A_1136 : memref<64xf32, #tpu.memory_space<vmem>>)
      %parallel_loop3A = arith.constant 0 : i32
      %parallel_loop3A_1140 = arith.constant 128 : i32
      %parallel_loop3A_1141 = arith.constant 1 : i32
      scf.for %parallel_loop3A_1158 = %parallel_loop3A to %parallel_loop3A_1140 step %parallel_loop3A_1141  : i32 {
        %parallel_loop3A_1159 = arith.constant 5 : i32
        %parallel_loop3A_1160 = arith.shrsi %parallel_loop3A_1158, %parallel_loop3A_1159 : i32
        %parallel_loop3A_1161 = arith.constant 2 : i32
        %parallel_loop3A_1162 = arith.shrsi %parallel_loop3A_1158, %parallel_loop3A_1161 : i32
        %parallel_loop3A_1163 = arith.constant 7 : i32
        %parallel_loop3A_1164 = arith.andi %parallel_loop3A_1162, %parallel_loop3A_1163 : i32
        %parallel_loop3A_1165 = arith.constant 3 : i32
        %parallel_loop3A_1166 = arith.andi %parallel_loop3A_1158, %parallel_loop3A_1165 : i32
        %parallel_loop3A_1167 = arith.constant 16 : i32
        %parallel_loop3A_1168 = arith.muli %parallel_loop3A_1166, %parallel_loop3A_1167 : i32
        %parallel_loop3A_1169 = arith.constant 0 : i32
        %parallel_loop3A_1170 = arith.index_cast %parallel_loop3A_1169 : i32 to index
        %parallel_loop3A_1171 = arith.index_cast %parallel_loop3A_1160 : i32 to index
        %parallel_loop3A_1172 = arith.index_cast %parallel_loop3A_1164 : i32 to index
        %parallel_loop3A_1173 = arith.index_cast %parallel_loop3A_1168 : i32 to index
        %parallel_loop3A_1174 = tpu.vector_load %arg4[%parallel_loop3A_1170, %parallel_loop3A_1171, %parallel_loop3A_1172, %parallel_loop3A_1173] {strides = array<i32>} : memref<2x4x8x128xf32, #tpu.memory_space<vmem>>, vector<16xf32>,
        %parallel_loop3A_1175 = arith.constant 40 : i32
        %parallel_loop3A_1176 = vector.broadcast %parallel_loop3A_1175 : i32 to vector<16xi32>
        %parallel_loop3A_1177 = arith.muli %iota3A, %parallel_loop3A_1176 : vector<16xi32>
        %parallel_loop3A_1178 = arith.constant 40 : i32
        %parallel_loop3A_1179 = arith.muli %parallel_loop3A_1168, %parallel_loop3A_1178 : i32
        %parallel_loop3A_1180 = arith.constant 2 : i32
        %parallel_loop3A_1181 = arith.shrsi %parallel_loop3A_1158, %parallel_loop3A_1180 : i32
        %parallel_loop3A_1182 = arith.addi %parallel_loop3A_1179, %parallel_loop3A_1181 : i32
        %parallel_loop3A_1183 = vector.broadcast %parallel_loop3A_1182 : i32 to vector<16xi32>
        %parallel_loop3A_1184 = arith.addi %parallel_loop3A_1177, %parallel_loop3A_1183 : vector<16xi32>
        tpu.vector_store_idx %arg5[%parallel_loop3A_1184], %parallel_loop3A_1174 : memref<5120xf32, #tpu.memory_space<vmem>>[vector<16xi32>], vector<16xf32>,
      } {sc.loop_unroll_factor = 16 : i64, sc.parallel_access}
      %dma_start3A_1142 = arith.constant 0 : i32
      %dma_start3A_1143 = tpu.memref_slice %arg5[%dma_start3A_1142] : memref<5120xf32, #tpu.memory_space<vmem>> -> memref<2560xf32, #tpu.memory_space<vmem>>
      %dma_start3A_1144 = arith.constant 39997440 : i32
      %dma_start3A_1145 = tpu.memref_slice %arg3[%dma_start3A_1144] : memref<40000000xf32, #tpu.memory_space<hbm>> -> memref<2560xf32, #tpu.memory_space<hbm>>
      %dma_start3A_1146 = arith.constant 39997440 : i32
      %dma_start3A_1147 = tpu.memref_slice %arg3[%dma_start3A_1146] : memref<40000000xf32, #tpu.memory_space<hbm>> -> memref<2560xf32, #tpu.memory_space<hbm>>
      %dma_start3A_1148 = arith.constant 0 : i32
      %dma_start3A_1149 = tpu.memref_slice %arg5[%dma_start3A_1148] : memref<5120xf32, #tpu.memory_space<vmem>> -> memref<2560xf32, #tpu.memory_space<vmem>>
      tpu.enqueue_dma source(%dma_start3A_1149 : memref<2560xf32, #tpu.memory_space<vmem>>) target(%dma_start3A_1147 : memref<2560xf32, #tpu.memory_space<hbm>>) target_semaphore(%arg9 : memref<!tpu.dma_semaphore, #tpu.memory_space<semaphore_mem>>)
      %dma_wait3A_1150 = arith.constant 0 : i32
      %dma_wait3A_1151 = tpu.memref_slice %arg5[%dma_wait3A_1150] : memref<5120xf32, #tpu.memory_space<vmem>> -> memref<2560xf32, #tpu.memory_space<vmem>>
      %dma_wait3A_1152 = arith.constant 39997440 : i32
      %dma_wait3A_1153 = tpu.memref_slice %arg3[%dma_wait3A_1152] : memref<40000000xf32, #tpu.memory_space<hbm>> -> memref<2560xf32, #tpu.memory_space<hbm>>
      %dma_wait3A_1154 = arith.constant 39997440 : i32
      %dma_wait3A_1155 = tpu.memref_slice %arg3[%dma_wait3A_1154] : memref<40000000xf32, #tpu.memory_space<hbm>> -> memref<2560xf32, #tpu.memory_space<hbm>>
      %dma_wait3A_1156 = arith.constant 0 : i32
      %dma_wait3A_1157 = tpu.memref_slice %arg5[%dma_wait3A_1156] : memref<5120xf32, #tpu.memory_space<vmem>> -> memref<2560xf32, #tpu.memory_space<vmem>>
      tpu.wait_dma2 semaphore(%arg9 : memref<!tpu.dma_semaphore, #tpu.memory_space<semaphore_mem>>) src(%dma_wait3A_1157 : memref<2560xf32, #tpu.memory_space<vmem>>) dst(%dma_wait3A_1155 : memref<2560xf32, #tpu.memory_space<hbm>>)
    } else {
    }
    return
  }
}

</mosaic_0001>

<sc_bundles>
// kernel: kernel.4.cloned.1.call-start
scs
__scs_entry_jumppad:
0x0: {  	(pc) =	sbr.rel $0x88, $3  }
0x1: {  	(tag) =	ssettag $0x0;
	lr =	simm.s32 $0x1  }
0x2: {  	[smem:$0x3F9F] =	sst lr;
	_ =	strace $0xD0000000  }
0x3: {  	_ = 	snop  }
0x4: {  	_ = 	snop  }
0x5: {  	_ = 	snop  }
0x6: {  	_ = 	snop  }
0x7: {  	_ = 	snop  }
__scs_overlays_trampoline_lowered:
0x8: {  	[smem:$0x3FAE] =	sst s0  }
0x9: {  	[smem:$0x3FAF] =	sst s1  }
0xa: {  	[smem:$0x3FB0] =	sst s2  }
0xb: {  	[smem:$0x3FB1] =	sst s3  }
0xc: {  	[smem:$0x3FB2] =	sst s4  }
0xd: {  	[smem:$0x3FB3] =	sst s5  }
0xe: {  	[smem:$0x3FB4] =	sst s6  }
0xf: {  	[smem:$0x3FB5] =	sst s7  }
0x10: {  	[smem:$0x3FB6] =	sst s8  }
0x11: {  	[smem:$0x3FB7] =	sst s9;
	s0 =	simm.s32 @!p0 $0x0  }
0x12: {  	s1 =	sld [smem:$0x3F9D];
	s0 =	simm.s32 @p0 $0x1  }
0x13: {  	[smem:$0x3FB8] =	sst s0;
	s0 =	simm.s32 @!p1 $0x0  }
0x14: {  	s2 =	sld [smem:$0x3F9C];
	s0 =	simm.s32 @p1 $0x1  }
0x15: {  	[smem:$0x3FB9] =	sst s0;
	s0 =	simm.s32 @!p2 $0x0  }
0x16: {  	s3 =	sld [smem:$0x3FDB];
	s0 =	simm.s32 @p2 $0x1  }
0x17: {  	s4 =	simm.s32 $0x1BF5;
	[smem:$0x3FBB] =	sst s0  }
0x18: {  	s0 =	sld [smem:$0x3F9E];
	_ =	swait.ge [sflag:s4], $0x0  }
0x19: {  	s7 =	sld [smem:$0x3F9F]  }
0x1a: {  	s8 =	sadd.s32 $0xFFFFE003, lr  }
0x1b: {  	s9 =	sadd.s32 $0xFFFFFEF7, lr;
	s5 =	simm.s32 $0xFFFFFFFF;
	p2 =	slt.u32 s8, $0xFFFFF086  }
0x1c: {  	p1 =	slt.u32 s9, $0xF7A;
	s5 =	simm.s32 @!p2 $0x0  }
0x1d: {  	s5 =	simm.s32 @p1 $0x1;
	p0 =	seq.s32 s7, s2  }
0x1e: {  	s7 =	smul.u32 @!p0 $0xF7A, s2;
	p2 =	seq.s32 @!p0 s5, $0x0  }
0x1f: {  	s9 =	smul.u32 $0xF7A, s1;
	s8 =	simm.s32 @!p0 $0x1BF5;
	p2 =	por !p2, p0  }
0x20: {  	[sflag:s8] =	ssyncset.s32 @!p0 $0xFFFFF086;
	s6 =	sadd.s32 @!p0 s3, s7;
	s7 =	simm.s32 @!p0 $0x108  }
0x21: {  	s3 =	sadd.s32 s3, s9;
	s6 =	sadd.s32 @!p0 $0x88, s6;
	s7 =	simm.s32 @p2 $0x1082  }
0x22: {  	[simem:s7], [sflag:s8] =	dma.local @!p0 [hbm:s6], $0xF7A  }
0x23: {  	s9 =	sor.u32 $0xD0000000, s2;
	s6 =	simm.s32 $0x108;
	_ =	swait.ge @!p0 [sflag:s8], $0x0  }
0x24: {  	s3 =	sadd.s32 $0x88, s3;
	s6 =	simm.s32 @!p1 $0x1082;
	[sflag:s4] =	ssyncset.s32 $0xFFFFF086  }
0x25: {  	[simem:s6], [sflag:s4] =	dma.local [hbm:s3], $0xF7A  }
0x26: {  	[smem:$0x3F9F] =	sst s1;
	(tag) =	ssettag s2;
	_ =	strace s9  }
0x27: {  	s1 =	sld [smem:$0x3FAF]  }
0x28: {  	s2 =	sld [smem:$0x3FB0]  }
0x29: {  	s4 =	sld [smem:$0x3FB2]  }
0x2a: {  	p0 =	seq.s32 s5, $0x0;
	s5 =	sld [smem:$0x3FB3]  }
0x2b: {  	s6 =	sld [smem:$0x3FB4]  }
0x2c: {  	s7 =	sld [smem:$0x3FB5]  }
0x2d: {  	s3 =	simm.s32 $0x108;
	s8 =	sld [smem:$0x3FB6]  }
0x2e: {  	s3 =	simm.s32 @!p0 $0x1082;
	s9 =	sld [smem:$0x3FB7]  }
0x2f: {  	lr =	sadd.s32 s0, s3;
	s0 =	sld [smem:$0x3FAE]  }
0x30: {  	s3 =	sld [smem:$0x3FB1]  }
0x31: {  	[smem:$0x3FBA] =	sst s10  }
0x32: {  	s10 =	sld [smem:$0x3FB8];
	_ =	sdelay $0x3  }
0x33: {  	p0 =	seq.s32 s10, $0x1;
	s10 =	sld [smem:$0x3FBA];
	_ =	sdelay $0x3  }
0x34: {  	[smem:$0x3FBA] =	sst s10  }
0x35: {  	s10 =	sld [smem:$0x3FB9];
	_ =	sdelay $0x3  }
0x36: {  	p1 =	seq.s32 s10, $0x1;
	s10 =	sld [smem:$0x3FBA];
	_ =	sdelay $0x3  }
0x37: {  	[smem:$0x3FBA] =	sst s10  }
0x38: {  	s10 =	sld [smem:$0x3FBB]  }
0x39: {  	_ = 	snop;
	(pc) =	sbr.ind lr, $3  }
0x3a: {  	_ = 	snop  }
0x3b: {  	_ = 	snop  }
0x3c: {  	p2 =	seq.s32 s10, $0x1;
	s10 =	sld [smem:$0x3FBA]  }
0x3d: {  	_ =	shalt  }
0x3e: {  	_ =	shalt  }
0x3f: {  	_ =	shalt  }
0x40: {  	_ =	shalt  }
0x41: {  	_ =	shalt  }
0x42: {  	_ =	shalt  }
0x43: {  	_ =	shalt  }
0x44: {  	_ =	shalt  }
0x45: {  	_ =	shalt  }
0x46: {  	_ =	shalt  }
0x47: {  	_ =	shalt  }
0x48: {  	_ =	shalt  }
0x49: {  	_ =	shalt  }
0x4a: {  	_ =	shalt  }
0x4b: {  	_ =	shalt  }
0x4c: {  	_ =	shalt  }
0x4d: {  	_ =	shalt  }
0x4e: {  	_ =	shalt  }
0x4f: {  	_ =	shalt  }
0x50: {  	_ =	shalt  }
0x51: {  	_ =	shalt  }
0x52: {  	_ =	shalt  }
0x53: {  	_ =	shalt  }
0x54: {  	_ =	shalt  }
0x55: {  	_ =	shalt  }
0x56: {  	_ =	shalt  }
0x57: {  	_ =	shalt  }
0x58: {  	_ =	shalt  }
0x59: {  	_ =	shalt  }
0x5a: {  	_ =	shalt  }
0x5b: {  	_ =	shalt  }
0x5c: {  	_ =	shalt  }
0x5d: {  	_ =	shalt  }
0x5e: {  	_ =	shalt  }
0x5f: {  	_ =	shalt  }
0x60: {  	_ =	shalt  }
0x61: {  	_ =	shalt  }
0x62: {  	_ =	shalt  }
0x63: {  	_ =	shalt  }
0x64: {  	_ =	shalt  }
0x65: {  	_ =	shalt  }
0x66: {  	_ =	shalt  }
0x67: {  	_ =	shalt  }
0x68: {  	_ =	shalt  }
0x69: {  	_ =	shalt  }
0x6a: {  	_ =	shalt  }
0x6b: {  	_ =	shalt  }
0x6c: {  	_ =	shalt  }
0x6d: {  	_ =	shalt  }
0x6e: {  	_ =	shalt  }
0x6f: {  	_ =	shalt  }
0x70: {  	_ =	shalt  }
0x71: {  	_ =	shalt  }
0x72: {  	_ =	shalt  }
0x73: {  	_ =	shalt  }
0x74: {  	_ =	shalt  }
0x75: {  	_ =	shalt  }
0x76: {  	_ =	shalt  }
0x77: {  	_ =	shalt  }
0x78: {  	_ =	shalt  }
0x79: {  	_ =	shalt  }
0x7a: {  	_ =	shalt  }
0x7b: {  	_ =	shalt  }
0x7c: {  	_ =	shalt  }
0x7d: {  	_ =	shalt  }
0x7e: {  	_ =	shalt  }
0x7f: {  	_ =	shalt  }
0x80: {  	_ =	shalt  }
0x81: {  	_ =	shalt  }
0x82: {  	_ =	shalt  }
0x83: {  	_ =	shalt  }
0x84: {  	_ =	shalt  }
0x85: {  	_ =	shalt  }
0x86: {  	_ =	shalt  }
0x87: {  	_ =	shalt  }
.Lfunc_end0:
.L_simem_size_0:
called_computation_lowered:
.L_overlay_start_0:
0x88: {  	s2 =	sld [smem:$0x3FD9]  }
0x89: {  	s3 =	sld [smem:$0x3FFE];
	_ =	sdelay $0x1  }
0x8a: {  	s1 =	srdreg.scid  }
0x8b: {  	s0 =	sand.u32 $0x1, s1  }
0x8c: {  	s17 =	sshll.u32 s0, $0xA;
	s2 =	sadd.s32 s3, s2  }
0x8d: {  	s2 =	sadd.s32 s2, s17  }
0x8e: {  	[smem:$0x3FC6] =	sst s2  }
0x8f: {  	_ = 	snop  }
0x90: {  	s2 =	sld [smem:$0x3FC9];
	(tm) =	ssettm $0x1  }
0x91: {  	s18 =	sld [smem:$0x3FFB];
	_ =	sdelay $0x3  }
0x92: {  	_ =	strace s18  }
0x93: {  	s3 =	sld [smem:$0x3FFC];
	_ =	sdelay $0x3  }
0x94: {  	_ =	strace s3  }
0x95: {  	s3 =	sld [smem:$0x3FFD];
	_ =	sdelay $0x3  }
0x96: {  	_ =	strace s3  }
0x97: {  	_ =	strace $0x8FFFFFFF  }
0x98: {  	s19 =	sld [smem:$0x3FDB];
	_ =	sdelay $0x1  }
0x99: {  	s4 =	simm.s32 $_scs_section_size  }
0x9a: {  	s5 =	simm.s32 $_size__tile_overlayer_lowered;
	s6 =	simm.s32 $_tile_overlayer_lowered  }
0x9b: {  	s22 =	simm.s32 $0x1BFF;
	s21 =	sshll.u32 s6, $0x1;
	s3 =	sadd.s32 s4, s19  }
0x9c: {  	s7 =	simm.s32 $0x0;
	s20 =	sshll.u32 s5, $0x1;
	s5 =	sadd.s32 s21, s3  }
0x9d: {  	[timem:s7], [sflag:s22] =	dma.local [hbm:s5], s20  }
0x9e: {  	_ =	swait.ge [sflag:s22], s20  }
0x9f: {  	s4 =	ssub.s32 $0x0, s20;
	[sflag:s22] =	ssyncset.done $0x0  }
0xa0: {  	[sflag:s22] =	ssyncadd.s32 s4;
	_ =	sdelay $0x1  }
0xa1: {  	s23 =	simm.s32 $0x1B8B  }
0xa2: {  	_ =	swait.ge [sflag:s23], $0x1  }
0xa3: {  	[sflag:s23] =	ssyncset.done $0x0  }
0xa4: {  	s25 =	simm.s32 $0x1B8E;
	s24 =	sld [smem:$0x3FFE];
	[sflag:s23] =	ssyncadd.s32 $0xFFFFFFFF  }
0xa5: {  	s26 =	simm.s32 $execute0_lowered;
	[smem:$0x3FD2] =	sst s25  }
0xa6: {  	s5 =	sshll.u32 s26, $0x1;
	_ =	strace $0x80000046;
	[dreg:$0x1] =	wrdreg $0xFFFFFFFF  }
0xa7: {  	s28 =	simm.s32 $_size_execute0_lowered;
	s3 =	sadd.s32 s3, s5;
	[dreg:$0x0] =	wrdreg $0x0  }
0xa8: {  	s5 =	sshll.u32 s28, $0x1;
	[dreg:$0x2] =	wrdreg s3  }
0xa9: {  	[dreg:$0x3] =	wrdreg s5  }
0xaa: {  	[dreg:$0x4] =	wrdreg $0xC0  }
0xab: {  	_ =	task [dreg:s7], $0x5FFFF  }
0xac: {  	[dreg:$0x1] =	wrdreg $0xFFFFFFFF  }
0xad: {  	[dreg:$0x0] =	wrdreg $0x60  }
0xae: {  	[dreg:$0x2] =	wrdreg s2  }
0xaf: {  	[dreg:$0x3] =	wrdreg s24  }
0xb0: {  	[dreg:$0x4] =	wrdreg $0x9  }
0xb1: {  	_ =	task.clear_ibuf [dreg:s7], $0x5FFFF;
	_ =	strace $0x90000046  }
0xb2: {  	s29 =	simm.s32 $0x9;
	_ =	strace $0x80000048  }
0xb3: {  	_ =	swait.ge [sflag:s29], $0x1  }
0xb4: {  	[sflag:s29] =	ssyncadd.s32 $0xFFFFFFFF  }
0xb5: {  	_ =	strace $0x90000048  }
0xb6: {  	_ =	sfence  }
0xb7: {  	s30 =	sld [smem:$0x0];
	_ =	sdelay $0x2  }
0xb8: {  	s31 =	sshll.u32 s1, $0xD;
	s1 =	sshrl.u32 s1, $0x2  }
0xb9: {  	s3 =	sand.u32 $0x4000, s31;
	s1 =	sadd.s32 s1, s30  }
0xba: {  	s0 =	sor.u32 s3, s0;
	s1 =	sshll.u32 s1, $0x11  }
0xbb: {  	s0 =	sor.u32 s1, s0  }
0xbc: {  	s0 =	sadd.s32 $0x8F2B, s0  }
0xbd: {  	[sflag:s0] =	ssyncadd.remote.s32 $0x1  }
0xbe: {  	_ =	sfence.sel $0xFFFF  }
0xbf: {  	[dreg:$0x0] =	wrdreg $0xFFFFFFFF;
	(pc) =	sbr.abs _section_cstart, $3  }
0xc0: {  	[dreg:$0x1] =	wrdreg $0xFFFFFFFF  }
0xc1: {  	_ =	task.clear_ibuf [dreg:s7], $0x2FFFF;
	_ =	strace $0x9FFFFFFF  }
0xc2: {  	(tm) =	ssettm $0x7FFFFFFF  }
0xc3: {  	_ =	shalt  }
tec
execute0_lowered:
.L_overlay_start_1:
0x0: {  	(tag) =	ssettag $0x1  }
0x1: {  	s1 =	rddreg [dreg:$0x0]  }
0x2: {  	s0 =	rddreg [dreg:$0x1];
	s3 =	simm.s32 $0x0  }
0x3: {  	[smem:$0x7FF] =	sst s3;
	s8 =	sadd.s32 $0xF4200, s1  }
0x4: {  	s17 =	sadd.s32 $0xF4210, s1;
	_ =	strace $0x80000047;
	[dreg:$0x3] =	wrdreg s8  }
0x5: {  	s18 =	sadd.s32 $0xF4220, s1;
	[dreg:$0x4] =	wrdreg s17  }
0x6: {  	s19 =	sadd.s32 $0xF4230, s1;
	[dreg:$0x5] =	wrdreg s18  }
0x7: {  	s20 =	sadd.s32 $0xF4240, s1;
	[dreg:$0x6] =	wrdreg s19  }
0x8: {  	s21 =	sadd.s32 $0xF4250, s1;
	[dreg:$0x7] =	wrdreg s20  }
0x9: {  	s22 =	sadd.s32 $0xF4260, s1;
	[dreg:$0x8] =	wrdreg s21  }
0xa: {  	s23 =	sadd.s32 $0x1E8480, s1;
	[dreg:$0x9] =	wrdreg s22  }
0xb: {  	s24 =	sadd.s32 $0x1E8490, s1;
	[dreg:$0xa] =	wrdreg s23  }
0xc: {  	s25 =	sadd.s32 $0x1E84A0, s1;
	[dreg:$0xb] =	wrdreg s24  }
0xd: {  	s26 =	sadd.s32 $0x1E84B0, s1;
	[dreg:$0xc] =	wrdreg s25  }
0xe: {  	s29 =	sadd.s32 $0x1E84C0, s1;
	[dreg:$0xd] =	wrdreg s26  }
0xf: {  	s30 =	sadd.s32 $0x1E84D0, s1;
	[dreg:$0xe] =	wrdreg s29  }
0x10: {  	s2 =	srdreg.scid;
	s10 =	sadd.s32 $0x1E84E0, s1;
	[dreg:$0xf] =	wrdreg s30  }
0x11: {  	s4 =	sadd.s32 $0xA00, s0;
	s0 =	sadd.s32 $0x4C5400, s0;
	[dreg:$0x10] =	wrdreg s10  }
0x12: {  	s9 =	stileid.u32;
	s11 =	sadd.s32 $0xF4270, s1;
	[dreg:$0x11] =	wrdreg s0  }
0x13: {  	s2 =	sand.u32 $0x1, s2;
	s12 =	sadd.s32 $0x1E84F0, s1;
	[dreg:$0x12] =	wrdreg s11  }
0x14: {  	s5 =	sshll.u32 s9, $0x1;
	s14 =	sadd.s32 $0x2DC700, s1;
	[dreg:$0x13] =	wrdreg s12  }
0x15: {  	s15 =	sadd.s32 $0x2DC710, s1;
	p1 =	slt.u32 s9, $0x2;
	[dreg:$0x14] =	wrdreg s14  }
0x16: {  	s6 =	sor.u32 s2, s5;
	[dreg:$0x15] =	wrdreg s15;
	s17 =	sadd.s32 $0x2DC720, s1  }
0x17: {  	s5 =	simm.s32 $0xF5;
	s18 =	sadd.s32 $0x2DC730, s1;
	[dreg:$0x16] =	wrdreg s17  }
0x18: {  	s2 =	ssub.s32 $0x2, s2;
	s19 =	sadd.s32 $0x2DC740, s1;
	[dreg:$0x17] =	wrdreg s18  }
0x19: {  	s20 =	sadd.s32 $0x2DC750, s1;
	s21 =	sadd.s32 $0x2DC760, s1;
	[dreg:$0x18] =	wrdreg s19  }
0x1a: {  	s22 =	sadd.s32 $0x2DC770, s1;
	s23 =	sadd.s32 $0x3D0980, s1;
	[dreg:$0x19] =	wrdreg s20  }
0x1b: {  	s24 =	sadd.s32 $0x3D0990, s1;
	s26 =	sadd.s32 $0x3D09A0, s1;
	[dreg:$0x1a] =	wrdreg s21  }
0x1c: {  	s29 =	sadd.s32 $0x3D09B0, s1;
	s30 =	sadd.s32 $0x3D09C0, s1;
	[dreg:$0x1b] =	wrdreg s22  }
0x1d: {  	s12 =	sadd.s32 $0x3D09E0, s1;
	s14 =	simm.s32 $0x400;
	[dreg:$0x1c] =	wrdreg s23  }
0x1e: {  	s15 =	simm.s32 $0x1;
	s7 =	smul.u32 $0xF4, s6;
	[dreg:$0x1d] =	wrdreg s24  }
0x1f: {  	s31 =	sshrl.u32 s2, $0x1;
	p0 =	sne.s32 s6, $0x1F;
	[dreg:$0x1e] =	wrdreg s26  }
0x20: {  	s16 =	smin.u32 s6, $0x4;
	s5 =	simm.s32 @!p1 $0xF4;
	[dreg:$0x1f] =	wrdreg s29  }
0x21: {  	[smem:$0x7FC] =	sst s30;
	s17 =	simm.s32 $0x2;
	s18 =	simm.s32 $0x3400  }
.Ltmp0:
0x22: {  	s19 =	simm.s32 $0x3;
	s21 =	simm.s32 $0x4;
	(pc) =	sbr.rel .LBB2_1-.Ltmp0, $4  }
0x23: {  	s22 =	simm.s32 $0x80;
	s23 =	simm.s32 $0x0;
	s28 =	sadd.s32 s16, s7  }
0x24: {  	v0 =	vlaneseq.u32;
	s13 =	ssub.s32 s2, s31;
	s31 =	sadd.s32 $0x3D09D0, s1;
	s25 =	sshll.u32 s28, $0x7  }
0x25: {  	v0 =	vmul.u32 $0x28, v0;
	[smem:$0x7FD] =	sst s31;
	s11 =	smax.u32 s13, $0x1;
	s2 =	sadd.s32 s1, s25  }
0x26: {  	s13 =	sadd.s32 $0x3D09F0, s1;
	s16 =	simm.s32 $0x2000;
	[smem:$0x7FB] =	sst s2  }
.LBB2_15:
0x27: {  	s23 =	sadd.s32 $0x1, s23  }
0x28: {  	p1 =	sne.s32 s23, s11  }
.Ltmp1:
0x29: {  	_ = 	snop;
	(pc) =	sbr.rel @!p1 .LBB2_16-.Ltmp1, $1  }
0x2a: {  	_ =	sdelay $0x3  }
.LBB2_1:
.Ltmp2:
0x2b: {  	(pc) =	sbr.rel .LBB2_2-.Ltmp2, $3  }
0x2c: {  	s0 =	sld [smem:$0x7FB];
	_ =	sdelay $0x1  }
0x2d: {  	s2 =	simm.s32 $0x7A1400;
	s24 =	simm.s32 $0x0  }
0x2e: {  	[tilespmem:s3], [sflag:$0x1] =	stream.strided.gather [hbm4b:s0+s14], $0x1000, s2, s14, $0x38;
	[tilespmem:$0x4800] =	vst v63  }
.LBB2_10:
0x2f: {  	s24 =	sadd.s32 $0x1, s24  }
0x30: {  	p1 =	sne.s32 s24, $0x7B  }
.Ltmp3:
0x31: {  	_ = 	snop;
	(pc) =	sbr.rel @!p1 .LBB2_11-.Ltmp3, $1  }
0x32: {  	_ =	sdelay $0x3  }
.LBB2_2:
0x33: {  	s26 =	sshll.u32 s24, $0x1  }
0x34: {  	p1 =	slt.u32 s26, s5  }
.Ltmp4:
0x35: {  	_ = 	snop;
	(pc) =	sbr.rel @!p1 .LBB2_6-.Ltmp4, $2  }
0x36: {  	_ =	sdelay $0x2  }
0x37: {  	s25 =	sor.u32 $0x1, s26  }
0x38: {  	s25 =	sor.u32 $0x1, s26  }
0x39: {  	p1 =	sge.u32 s25, s5  }
0x3a: {  	_ =	swait.ge [sflag:s15], $0x1000;
	s0 =	sadd.s32 @!p1 s28, s25  }
0x3b: {  	[sflag:s15] =	ssyncset.done $0x0;
	s0 =	sshll.u32 @!p1 s0, $0x7  }
0x3c: {  	[sflag:s15] =	ssyncadd.s32 $0xFFFFF000;
	s2 =	simm.s32 @!p1 $0x400;
	s0 =	sand.u32 @!p1 $0x1FFFFF80, s0  }
0x3d: {  	s6 =	simm.s32 @!p1 $0x7A1400;
	s7 =	simm.s32 @!p1 $0x1000;
	s0 =	sadd.s32 @!p1 s1, s0  }
0x3e: {  	[tilespmem:s7], [sflag:$0x2] =	stream.strided.gather @!p1 [hbm4b:s0+s2], $0x1000, s6, s2, $0x38;
	[tilespmem:$0x4800] =	vst v63  }
0x3f: {  	p1 =	seq.s32 s24, $0x0  }
0x40: {  	s0 =	simm.s32 @!p1 $0x3  }
0x41: {  	_ =	swait.ge @!p1 [sflag:s0], $0x1400  }
0x42: {  	s8 =	simm.s32 $0x0;
	[sflag:s0] =	ssyncset.done @!p1 $0x0  }
0x43: {  	s29 =	sand.u32 $0xF00, s8;
	[sflag:s0] =	ssyncadd.s32 @!p1 $0xFFFFEC00  }
0x44: {  	v3 =	vld [tilespmem:s29+$0x90]  }
0x45: {  	v2 =	vld [tilespmem:s29+$0x70]  }
0x46: {  	v4 =	vld [tilespmem:s29+$0x40]  }
0x47: {  	v1 =	vld [tilespmem:s29+$0xD0]  }
0x48: {  	s10 =	simm.s32 $0xF01;
	v8 =	vld [tilespmem:s29+$0x30]  }
0x49: {  	v9 =	vadd.s32 s10, v0;
	s7 =	simm.s32 $0x500;
	v11 =	vld [tilespmem:s29+$0xE0]  }
0x4a: {  	s9 =	simm.s32 $0x1181;
	s20 =	simm.s32 $0x80;
	v12 =	vadd.s32 s7, v0;
	v13 =	vld [tilespmem:s29+$0x20]  }
0x4b: {  	v5 =	vadd.s32 s9, v0;
	s2 =	sand.u32 $0xC00, s8;
	s8 =	simm.s32 $0x0;
	s0 =	sand.u32 $0x380, s20;
	v6 =	vld [tilespmem:s29+$0xF0]  }
0x4c: {  	s9 =	simm.s32 $0x1;
	v14 =	vadd.s32 s8, v0;
	s0 =	sor.u32 s0, s2;
	v16 =	vld [tilespmem:s29+$0x0]  }
0x4d: {  	v18 =	vadd.s32 s9, v0;
	s6 =	simm.s32 $0x780;
	v19 =	vld [tilespmem:s0+$0x0]  }
0x4e: {  	s7 =	simm.s32 $0xA00;
	v7 =	vld [tilespmem:s29+$0xA0];
	[tilespmem:v9+s16+$0x0] =	vst.idx.msk $0xffff, v11;
	v11 =	vadd.s32 s6, v0  }
0x4f: {  	s30 =	simm.s32 $0x0;
	s31 =	simm.s32 $0x100;
	s8 =	simm.s32 $0x1180;
	v10 =	vld [tilespmem:s29+$0x10];
	[tilespmem:v12+s16+$0x0] =	vst.idx.msk $0xffff, v13;
	v12 =	vadd.s32 s7, v0  }
0x50: {  	s10 =	simm.s32 $0x781;
	s9 =	simm.s32 $0x281;
	v15 =	vadd.s32 s8, v0;
	s20 =	simm.s32 $0xC81;
	[tilespmem:v5+s16+$0x0] =	vst.idx.msk $0xffff, v6;
	v9 =	vld [tilespmem:s29+$0xB0]  }
0x51: {  	v17 =	vadd.s32 s9, v0;
	s2 =	simm.s32 $0xF00;
	s0 =	simm.s32 $0x1183;
	v5 =	vadd.s32 s10, v0;
	[tilespmem:v14+s16+$0x0] =	vst.idx.msk $0xffff, v16;
	s10 =	simm.s32 $0x280;
	v14 =	vld [tilespmem:s29+$0xC0]  }
0x52: {  	v6 =	vadd.s32 s20, v0;
	s20 =	simm.s32 $0xC80;
	s6 =	simm.s32 $0x501;
	v13 =	vld [tilespmem:s29+$0x50];
	s7 =	simm.s32 $0xA01;
	v16 =	vadd.s32 s10, v0;
	[tilespmem:v18+s16+$0x0] =	vst.idx.msk $0xffff, v19  }
.LBB2_4:
0x53: {  	s8 =	sadd.s32 $0x80, s31;
	s9 =	sadd.s32 $0xFFFFF600, s0;
	[tilespmem:v11+s16+$0x0] =	vst.idx.msk $0xffff, v8;
	v18 =	vld [tilespmem:s29+$0x60];
	s29 =	sand.u32 $0xF00, s31;
	v19 =	vadd.s32 s2, v0;
	v20 =	vadd.s32 s7, v0  }
0x54: {  	s2 =	sand.u32 $0xC00, s31;
	v22 =	vadd.s32 s20, v0;
	v23 =	vadd.s32 s6, v0;
	s7 =	sand.u32 $0x380, s8;
	v21 =	vld [tilespmem:s29+$0x90];
	s8 =	sadd.s32 $0xFFFFFD80, s0;
	[tilespmem:v12+s16+$0x0] =	vst.idx.msk $0xffff, v4  }
0x55: {  	s6 =	sadd.s32 $0xFFFFEE80, s0;
	v24 =	vadd.s32 s9, v0;
	s2 =	sor.u32 s7, s2;
	s7 =	sadd.s32 $0xFFFFFB00, s0;
	v25 =	vadd.s32 s8, v0;
	[tilespmem:v15+s16+$0x0] =	vst.idx.msk $0xffff, v2;
	v2 =	vld [tilespmem:s29+$0x70]  }
0x56: {  	s30 =	sadd.s32 $0x10, s30;
	s9 =	sadd.s32 $0xFFFFF37F, s0;
	v26 =	vadd.s32 s6, v0;
	s8 =	sadd.s32 $0xFFFFEE7F, s0;
	v15 =	vadd.s32 s0, v0;
	v4 =	vld [tilespmem:s29+$0x40];
	[tilespmem:v17+s16+$0x0] =	vst.idx.msk $0xffff, v3  }
0x57: {  	s6 =	sadd.s32 $0xFFFFF5FF, s0;
	p1 =	slt.u32 s30, $0xF0;
	v27 =	vadd.s32 s9, v0;
	v17 =	vadd.s32 s8, v0;
	v28 =	vld [tilespmem:s29+$0xD0];
	[tilespmem:v16+s16+$0x0] =	vst.idx.msk $0xffff, v10  }
0x58: {  	v11 =	vadd.s32 s6, v0;
	s6 =	sadd.s32 $0xFFFFF87F, s0;
	v10 =	vadd.s32 s7, v0;
	v8 =	vld [tilespmem:s29+$0x30];
	[tilespmem:v20+s16+$0x0] =	vst.idx.msk $0xffff, v14  }
0x59: {  	v12 =	vadd.s32 s6, v0;
	v14 =	vld [tilespmem:s29+$0xF0];
	[tilespmem:v23+s16+$0x0] =	vst.idx.msk $0xffff, v7;
	v3 =	vmov v21  }
0x5a: {  	v16 =	vld [tilespmem:s29+$0xE0];
	[tilespmem:v22+s16+$0x0] =	vst.idx.msk $0xffff, v13  }
0x5b: {  	v13 =	vld [tilespmem:s29+$0x20];
	[tilespmem:v5+s16+$0x0] =	vst.idx.msk $0xffff, v9;
	v5 =	vmov v24  }
0x5c: {  	v20 =	vld [tilespmem:s29+$0x0];
	[tilespmem:v6+s16+$0x0] =	vst.idx.msk $0xffff, v1;
	v1 =	vmov v28;
	v6 =	vmov v10  }
0x5d: {  	v21 =	vld [tilespmem:s2+$0x0];
	[tilespmem:v19+s16+$0x0] =	vst.idx.msk $0xffff, v18  }
.Ltmp5:
0x5e: {  	v7 =	vld [tilespmem:s29+$0xA0];
	[tilespmem:v15+s16+$0x0] =	vst.idx.msk $0xffff, v14;
	(pc) =	sbr.rel @p1 .LBB2_4-.Ltmp5, $4  }
0x5f: {  	s6 =	sadd.s32 $0xFFFFFFFF, s0;
	v10 =	vld [tilespmem:s29+$0x10];
	[tilespmem:v25+s16+$0x0] =	vst.idx.msk $0xffff, v16  }
0x60: {  	s2 =	sadd.s32 $0xFFFFFD7F, s0;
	v15 =	vadd.s32 s6, v0;
	s6 =	sadd.s32 $0xFFFFF100, s0;
	[tilespmem:v27+s16+$0x0] =	vst.idx.msk $0xffff, v13;
	v9 =	vld [tilespmem:s29+$0xB0]  }
0x61: {  	s20 =	sadd.s32 $0xFFFFFAFF, s0;
	s7 =	sadd.s32 $0xFFFFF0FF, s0;
	[tilespmem:v17+s16+$0x0] =	vst.idx.msk $0xffff, v20;
	v17 =	vadd.s32 s6, v0;
	s6 =	sadd.s32 $0xFFFFF380, s0;
	v14 =	vld [tilespmem:s29+$0xC0]  }
0x62: {  	s31 =	sadd.s32 $0x100, s31;
	v16 =	vadd.s32 s7, v0;
	s7 =	sadd.s32 $0xFFFFF880, s0;
	s0 =	sadd.s32 $0x2, s0;
	v13 =	vld [tilespmem:s29+$0x50];
	[tilespmem:v26+s16+$0x0] =	vst.idx.msk $0xffff, v21  }
0x63: {  	_ =	sdelay $0x3  }
0x64: {  	[tilespmem:v11+s16+$0x0] =	vst.idx.msk $0xffff, v8  }
0x65: {  	[tilespmem:v12+s16+$0x0] =	vst.idx.msk $0xffff, v4  }
0x66: {  	v61 =	vadd.s32 s7, v0;
	[tilespmem:v15+s16+$0x0] =	vst.idx.msk $0xffff, v2  }
0x67: {  	v62 =	vadd.s32 s6, v0;
	[tilespmem:v17+s16+$0x0] =	vst.idx.msk $0xffff, v3  }
0x68: {  	v63 =	vadd.s32 s20, v0;
	[tilespmem:v6+s16+$0x0] =	vst.idx.msk $0xffff, v1  }
0x69: {  	v2 =	vld [tilespmem:s29+$0x60];
	v3 =	vadd.s32 s2, v0;
	[tilespmem:v16+s16+$0x0] =	vst.idx.msk $0xffff, v10  }
0x6a: {  	[tilespmem:v5+s16+$0x0] =	vst.idx.msk $0xffff, v9  }
0x6b: {  	s0 =	sadd.s32 s28, s26;
	[tilespmem:v61+s16+$0x0] =	vst.idx.msk $0xffff, v14  }
0x6c: {  	s0 =	smul.u32 $0x280, s0;
	[tilespmem:v62+s16+$0x0] =	vst.idx.msk $0xffff, v7  }
0x6d: {  	[tilespmem:v63+s16+$0x0] =	vst.idx.msk $0xffff, v13  }
0x6e: {  	s0 =	sadd.s32 s4, s0;
	[tilespmem:v3+s16+$0x0] =	vst.idx.msk $0xffff, v2  }
0x6f: {  	[hbm4b:s0+s3] =	stream.linear.scatter [tilespmem:s16], [sflag:$0x3], $0x1400, $0x38;
	[tilespmem:$0x4800] =	vst v63  }
.LBB2_6:
0x70: {  	p1 =	sge.u32 s25, s5  }
.Ltmp6:
0x71: {  	_ = 	snop;
	(pc) =	sbr.rel @p1 .LBB2_10-.Ltmp6, $1  }
0x72: {  	_ =	sdelay $0x3  }
0x73: {  	s0 =	sadd.s32 $0x2, s26  }
0x74: {  	p1 =	sge.u32 s0, s5  }
0x75: {  	_ =	swait.ge [sflag:s17], $0x1000;
	s0 =	sadd.s32 @!p1 s28, s0  }
0x76: {  	[sflag:s17] =	ssyncset.done $0x0;
	s0 =	sshll.u32 @!p1 s0, $0x7  }
0x77: {  	[sflag:s17] =	ssyncadd.s32 $0xFFFFF000;
	s2 =	simm.s32 @!p1 $0x400;
	s0 =	sand.u32 @!p1 $0x1FFFFF80, s0  }
0x78: {  	s6 =	simm.s32 @!p1 $0x7A1400;
	s7 =	simm.s32 @!p1 $0x0;
	s0 =	sadd.s32 @!p1 s1, s0  }
0x79: {  	[tilespmem:s7], [sflag:$0x1] =	stream.strided.gather @!p1 [hbm4b:s0+s2], $0x1000, s6, s2, $0x38;
	[tilespmem:$0x4800] =	vst v63  }
0x7a: {  	p1 =	seq.s32 s24, $0x0  }
0x7b: {  	s0 =	simm.s32 @!p1 $0x4  }
0x7c: {  	s10 =	simm.s32 $0x0;
	_ =	swait.ge @!p1 [sflag:s0], $0x1400  }
0x7d: {  	s20 =	sand.u32 $0xC00, s10;
	s2 =	sand.u32 $0x300, s10;
	[sflag:s0] =	ssyncset.done @!p1 $0x0  }
0x7e: {  	s26 =	sor.u32 s2, s20;
	[sflag:s0] =	ssyncadd.s32 @!p1 $0xFFFFEC00  }
0x7f: {  	v1 =	vld [tilespmem:s26+$0x1090]  }
0x80: {  	s7 =	simm.s32 $0xA00;
	v2 =	vld [tilespmem:s26+$0x1040]  }
0x81: {  	s8 =	simm.s32 $0x501;
	s6 =	sor.u32 $0x1000, s20;
	v4 =	vadd.s32 s7, v0;
	v3 =	vld [tilespmem:s26+$0x1070]  }
0x82: {  	s9 =	simm.s32 $0x0;
	v5 =	vadd.s32 s8, v0;
	s2 =	sor.u32 s2, s6;
	v6 =	vld [tilespmem:s26+$0x10A0]  }
0x83: {  	v8 =	vadd.s32 s9, v0;
	s10 =	simm.s32 $0xF00;
	v7 =	vld [tilespmem:s2+$0x0]  }
0x84: {  	s20 =	simm.s32 $0x1181;
	v10 =	vadd.s32 s10, v0;
	v9 =	vld [tilespmem:s26+$0x1060]  }
0x85: {  	s7 =	simm.s32 $0xC81;
	v11 =	vadd.s32 s20, v0;
	v13 =	vld [tilespmem:s26+$0x10F0]  }
0x86: {  	s8 =	simm.s32 $0xF01;
	v15 =	vadd.s32 s7, v0;
	v16 =	vld [tilespmem:s26+$0x10D0];
	[tilespmem:v4+s18+$0x0] =	vst.idx.msk $0xffff, v2  }
0x87: {  	s9 =	simm.s32 $0x80;
	v17 =	vadd.s32 s8, v0;
	s20 =	simm.s32 $0x780;
	v18 =	vld [tilespmem:s26+$0x10E0];
	[tilespmem:v5+s18+$0x0] =	vst.idx.msk $0xffff, v6  }
0x88: {  	s0 =	sand.u32 $0x380, s9;
	s9 =	simm.s32 $0x1180;
	v12 =	vld [tilespmem:s26+$0x1030];
	[tilespmem:v8+s18+$0x0] =	vst.idx.msk $0xffff, v7;
	v6 =	vadd.s32 s20, v0  }
0x89: {  	s8 =	simm.s32 $0x500;
	s2 =	simm.s32 $0x281;
	v14 =	vadd.s32 s9, v0;
	[tilespmem:v10+s18+$0x0] =	vst.idx.msk $0xffff, v9;
	v9 =	vld [tilespmem:s26+$0x10C0]  }
0x8a: {  	s29 =	simm.s32 $0x0;
	s10 =	simm.s32 $0x781;
	v4 =	vadd.s32 s8, v0;
	s8 =	simm.s32 $0xA01;
	v8 =	vld [tilespmem:s26+$0x1010];
	[tilespmem:v11+s18+$0x0] =	vst.idx.msk $0xffff, v13;
	v13 =	vadd.s32 s2, v0  }
0x8b: {  	s30 =	simm.s32 $0x100;
	s31 =	simm.s32 $0x1183;
	v2 =	vadd.s32 s10, v0;
	s10 =	simm.s32 $0x280;
	v10 =	vld [tilespmem:s26+$0x1020];
	[tilespmem:v15+s18+$0x0] =	vst.idx.msk $0xffff, v16;
	v7 =	vadd.s32 s8, v0  }
0x8c: {  	s0 =	sor.u32 s0, s6;
	s20 =	simm.s32 $0xC80;
	v5 =	vld [tilespmem:s26+$0x1050];
	s2 =	simm.s32 $0x1;
	[tilespmem:v17+s18+$0x0] =	vst.idx.msk $0xffff, v18;
	v11 =	vadd.s32 s10, v0  }
.LBB2_8:
0x8d: {  	s6 =	sand.u32 $0xC00, s30;
	s7 =	sand.u32 $0x300, s30;
	s8 =	sadd.s32 $0x80, s30;
	[tilespmem:v6+s18+$0x0] =	vst.idx.msk $0xffff, v12;
	v12 =	vld [tilespmem:s0+$0x0]  }
0x8e: {  	s9 =	sadd.s32 $0xFFFFF87F, s31;
	s0 =	sor.u32 $0x1000, s6;
	[tilespmem:v14+s18+$0x0] =	vst.idx.msk $0xffff, v3;
	v14 =	vadd.s32 s2, v0;
	v15 =	vld [tilespmem:s26+$0x10B0];
	s26 =	sor.u32 s7, s6  }
0x8f: {  	v16 =	vadd.s32 s31, v0;
	v17 =	vadd.s32 s20, v0;
	s2 =	sadd.s32 $0xFFFFF100, s31;
	s6 =	sor.u32 s7, s0;
	s7 =	sadd.s32 $0xFFFFF600, s31;
	[tilespmem:v13+s18+$0x0] =	vst.idx.msk $0xffff, v1;
	v1 =	vld [tilespmem:s26+$0x1090]  }
0x90: {  	s20 =	sadd.s32 $0xFFFFEE7F, s31;
	s10 =	sadd.s32 $0xFFFFF37F, s31;
	v18 =	vadd.s32 s9, v0;
	s9 =	sadd.s32 $0xFFFFF380, s31;
	v13 =	vld [tilespmem:s26+$0x1040];
	v19 =	vadd.s32 s7, v0;
	[tilespmem:v7+s18+$0x0] =	vst.idx.msk $0xffff, v9  }
0x91: {  	v7 =	vadd.s32 s10, v0;
	s7 =	sadd.s32 $0xFFFFF5FF, s31;
	s10 =	sadd.s32 $0xFFFFFD7F, s31;
	v9 =	vadd.s32 s9, v0;
	s9 =	sadd.s32 $0xFFFFFD80, s31;
	v3 =	vld [tilespmem:s26+$0x1070];
	[tilespmem:v11+s18+$0x0] =	vst.idx.msk $0xffff, v8  }
0x92: {  	s29 =	sadd.s32 $0x10, s29;
	v6 =	vadd.s32 s7, v0;
	s7 =	sand.u32 $0x380, s8;
	s8 =	sadd.s32 $0xFFFFFB00, s31;
	v20 =	vadd.s32 s9, v0;
	v8 =	vld [tilespmem:s26+$0x10A0];
	[tilespmem:v4+s18+$0x0] =	vst.idx.msk $0xffff, v10;
	v4 =	vmov v7  }
0x93: {  	p1 =	slt.u32 s29, $0xF0;
	v11 =	vadd.s32 s20, v0;
	s0 =	sor.u32 s7, s0;
	v21 =	vadd.s32 s8, v0;
	v10 =	vld [tilespmem:s6+$0x0];
	[tilespmem:v14+s18+$0x0] =	vst.idx.msk $0xffff, v12  }
0x94: {  	v22 =	vadd.s32 s10, v0;
	v14 =	vld [tilespmem:s26+$0x1060];
	[tilespmem:v2+s18+$0x0] =	vst.idx.msk $0xffff, v15;
	v2 =	vmov v19  }
0x95: {  	v15 =	vld [tilespmem:s26+$0x10F0];
	[tilespmem:v17+s18+$0x0] =	vst.idx.msk $0xffff, v5  }
0x96: {  	s6 =	sadd.s32 $0xFFFFF880, s31;
	[tilespmem:v18+s18+$0x0] =	vst.idx.msk $0xffff, v13;
	v5 =	vld [tilespmem:s26+$0x10D0]  }
0x97: {  	v7 =	vadd.s32 s6, v0;
	[tilespmem:v9+s18+$0x0] =	vst.idx.msk $0xffff, v8;
	v17 =	vld [tilespmem:s26+$0x10E0]  }
.Ltmp7:
0x98: {  	s6 =	sadd.s32 $0xFFFFFFFF, s31;
	[tilespmem:v11+s18+$0x0] =	vst.idx.msk $0xffff, v10;
	v12 =	vld [tilespmem:s26+$0x1030];
	(pc) =	sbr.rel @p1 .LBB2_8-.Ltmp7, $4  }
0x99: {  	s7 =	sadd.s32 $0xFFFFF0FF, s31;
	[tilespmem:v22+s18+$0x0] =	vst.idx.msk $0xffff, v14;
	v14 =	vadd.s32 s6, v0;
	v9 =	vld [tilespmem:s26+$0x10C0]  }
0x9a: {  	v13 =	vadd.s32 s2, v0;
	v11 =	vadd.s32 s7, v0;
	v8 =	vld [tilespmem:s26+$0x1010];
	[tilespmem:v16+s18+$0x0] =	vst.idx.msk $0xffff, v15  }
0x9b: {  	s20 =	sadd.s32 $0xFFFFFAFF, s31;
	v10 =	vld [tilespmem:s26+$0x1020];
	[tilespmem:v21+s18+$0x0] =	vst.idx.msk $0xffff, v5  }
0x9c: {  	s30 =	sadd.s32 $0x100, s30;
	s2 =	sadd.s32 $0xFFFFEE80, s31;
	s31 =	sadd.s32 $0x2, s31;
	v5 =	vld [tilespmem:s26+$0x1050];
	[tilespmem:v20+s18+$0x0] =	vst.idx.msk $0xffff, v17  }
0x9d: {  	_ =	sdelay $0x3  }
0x9e: {  	[tilespmem:v6+s18+$0x0] =	vst.idx.msk $0xffff, v12  }
0x9f: {  	v62 =	vld [tilespmem:s0+$0x0];
	[tilespmem:v14+s18+$0x0] =	vst.idx.msk $0xffff, v3;
	v3 =	vadd.s32 s2, v0  }
0xa0: {  	v63 =	vld [tilespmem:s26+$0x10B0];
	[tilespmem:v13+s18+$0x0] =	vst.idx.msk $0xffff, v1  }
0xa1: {  	v1 =	vadd.s32 s20, v0;
	[tilespmem:v7+s18+$0x0] =	vst.idx.msk $0xffff, v9  }
0xa2: {  	[tilespmem:v11+s18+$0x0] =	vst.idx.msk $0xffff, v8  }
.Ltmp8:
0xa3: {  	s31 =	sadd.s32 s28, s25;
	[tilespmem:v4+s18+$0x0] =	vst.idx.msk $0xffff, v10;
	(pc) =	sbr.rel .LBB2_10-.Ltmp8, $4  }
0xa4: {  	s0 =	smul.u32 $0x280, s31;
	[tilespmem:v3+s18+$0x0] =	vst.idx.msk $0xffff, v62  }
0xa5: {  	[tilespmem:v2+s18+$0x0] =	vst.idx.msk $0xffff, v63  }
0xa6: {  	s0 =	sadd.s32 s4, s0;
	[tilespmem:v1+s18+$0x0] =	vst.idx.msk $0xffff, v5  }
0xa7: {  	[hbm4b:s0+s3] =	stream.linear.scatter [tilespmem:s18], [sflag:$0x4], $0x1400, $0x38;
	[tilespmem:$0x4800] =	vst v63  }
.LBB2_11:
0xa8: {  	_ =	swait.ge [sflag:s19], $0x1400  }
.Ltmp9:
0xa9: {  	[sflag:s19] =	ssyncset.done $0x0;
	(pc) =	sbr.rel @p0 .LBB2_15-.Ltmp9, $4  }
0xaa: {  	[sflag:s19] =	ssyncadd.s32 $0xFFFFEC00  }
0xab: {  	_ =	swait.ge [sflag:s21], $0x1400  }
0xac: {  	[sflag:s21] =	ssyncset.done $0x0  }
0xad: {  	[sflag:s21] =	ssyncadd.s32 $0xFFFFEC00  }
0xae: {  	s24 =	simm.s32 $0x0;
	s0 =	rddreg [dreg:$0x3]  }
0xaf: {  	[tilespmem:s24], [sflag:$0x1] =	stream.strided.gather [hbm4b:s0+s22], $0x0, s14, s22, $0x38;
	[tilespmem:$0x4800] =	vst v63  }
0xb0: {  	_ = 	snop  }
0xb1: {  	[tilespmem:s24], [sflag:$0x1] =	stream.linear.gather [hbm4b:s0+s24], $0x40, $0x38;
	[tilespmem:$0x4800] =	vst v63  }
0xb2: {  	s25 =	rddreg [dreg:$0x4]  }
0xb3: {  	[tilespmem:s22], [sflag:$0x1] =	stream.strided.gather [hbm4b:s25+s22], $0x0, s14, s22, $0x38;
	[tilespmem:$0x4800] =	vst v63  }
0xb4: {  	_ = 	snop  }
0xb5: {  	[tilespmem:s22], [sflag:$0x1] =	stream.linear.gather [hbm4b:s25+s24], $0x40, $0x38;
	[tilespmem:$0x4800] =	vst v63  }
0xb6: {  	s26 =	rddreg [dreg:$0x5];
	s2 =	simm.s32 $0x100  }
0xb7: {  	[tilespmem:s2], [sflag:$0x1] =	stream.strided.gather [hbm4b:s26+s22], $0x0, s14, s22, $0x38;
	[tilespmem:$0x4800] =	vst v63  }
0xb8: {  	_ = 	snop  }
0xb9: {  	[tilespmem:s2], [sflag:$0x1] =	stream.linear.gather [hbm4b:s26+s24], $0x40, $0x38;
	[tilespmem:$0x4800] =	vst v63  }
0xba: {  	s30 =	rddreg [dreg:$0x6];
	s31 =	simm.s32 $0x180  }
0xbb: {  	[tilespmem:s31], [sflag:$0x1] =	stream.strided.gather [hbm4b:s30+s22], $0x0, s14, s22, $0x38;
	[tilespmem:$0x4800] =	vst v63  }
0xbc: {  	_ = 	snop  }
0xbd: {  	[tilespmem:s31], [sflag:$0x1] =	stream.linear.gather [hbm4b:s30+s24], $0x40, $0x38;
	[tilespmem:$0x4800] =	vst v63  }
0xbe: {  	s6 =	simm.s32 $0x200;
	s2 =	rddreg [dreg:$0x7]  }
0xbf: {  	[tilespmem:s6], [sflag:$0x1] =	stream.strided.gather [hbm4b:s2+s22], $0x0, s14, s22, $0x38;
	[tilespmem:$0x4800] =	vst v63  }
0xc0: {  	_ = 	snop  }
0xc1: {  	[tilespmem:s6], [sflag:$0x1] =	stream.linear.gather [hbm4b:s2+s24], $0x40, $0x38;
	[tilespmem:$0x4800] =	vst v63  }
0xc2: {  	s7 =	rddreg [dreg:$0x8];
	s8 =	simm.s32 $0x280  }
0xc3: {  	[tilespmem:s8], [sflag:$0x1] =	stream.strided.gather [hbm4b:s7+s22], $0x0, s14, s22, $0x38;
	[tilespmem:$0x4800] =	vst v63  }
0xc4: {  	_ = 	snop  }
0xc5: {  	[tilespmem:s8], [sflag:$0x1] =	stream.linear.gather [hbm4b:s7+s24], $0x40, $0x38;
	[tilespmem:$0x4800] =	vst v63  }
0xc6: {  	s9 =	rddreg [dreg:$0x9];
	s10 =	simm.s32 $0x300  }
0xc7: {  	[tilespmem:s10], [sflag:$0x1] =	stream.strided.gather [hbm4b:s9+s22], $0x0, s14, s22, $0x38;
	[tilespmem:$0x4800] =	vst v63  }
0xc8: {  	_ = 	snop  }
0xc9: {  	[tilespmem:s10], [sflag:$0x1] =	stream.linear.gather [hbm4b:s9+s24], $0x40, $0x38;
	[tilespmem:$0x4800] =	vst v63  }
0xca: {  	s20 =	rddreg [dreg:$0x12];
	s25 =	simm.s32 $0x380  }
0xcb: {  	[tilespmem:s25], [sflag:$0x1] =	stream.strided.gather [hbm4b:s20+s22], $0x0, s14, s22, $0x38;
	[tilespmem:$0x4800] =	vst v63  }
0xcc: {  	_ = 	snop  }
0xcd: {  	[tilespmem:s25], [sflag:$0x1] =	stream.linear.gather [hbm4b:s20+s24], $0x40, $0x38;
	[tilespmem:$0x4800] =	vst v63  }
0xce: {  	s26 =	rddreg [dreg:$0xa]  }
0xcf: {  	[tilespmem:s14], [sflag:$0x1] =	stream.strided.gather [hbm4b:s26+s22], $0x0, s14, s22, $0x38;
	[tilespmem:$0x4800] =	vst v63  }
0xd0: {  	_ = 	snop  }
0xd1: {  	[tilespmem:s14], [sflag:$0x1] =	stream.linear.gather [hbm4b:s26+s24], $0x40, $0x38;
	[tilespmem:$0x4800] =	vst v63  }
0xd2: {  	s30 =	rddreg [dreg:$0xb];
	s31 =	simm.s32 $0x480  }
0xd3: {  	[tilespmem:s31], [sflag:$0x1] =	stream.strided.gather [hbm4b:s30+s22], $0x0, s14, s22, $0x38;
	[tilespmem:$0x4800] =	vst v63  }
0xd4: {  	_ = 	snop  }
0xd5: {  	[tilespmem:s31], [sflag:$0x1] =	stream.linear.gather [hbm4b:s30+s24], $0x40, $0x38;
	[tilespmem:$0x4800] =	vst v63  }
0xd6: {  	s6 =	rddreg [dreg:$0xc];
	s7 =	simm.s32 $0x500  }
0xd7: {  	[tilespmem:s7], [sflag:$0x1] =	stream.strided.gather [hbm4b:s6+s22], $0x0, s14, s22, $0x38;
	[tilespmem:$0x4800] =	vst v63  }
0xd8: {  	_ = 	snop  }
0xd9: {  	[tilespmem:s7], [sflag:$0x1] =	stream.linear.gather [hbm4b:s6+s24], $0x40, $0x38;
	[tilespmem:$0x4800] =	vst v63  }
0xda: {  	s8 =	rddreg [dreg:$0xd];
	s9 =	simm.s32 $0x580  }
0xdb: {  	[tilespmem:s9], [sflag:$0x1] =	stream.strided.gather [hbm4b:s8+s22], $0x0, s14, s22, $0x38;
	[tilespmem:$0x4800] =	vst v63  }
0xdc: {  	_ = 	snop  }
0xdd: {  	[tilespmem:s9], [sflag:$0x1] =	stream.linear.gather [hbm4b:s8+s24], $0x40, $0x38;
	[tilespmem:$0x4800] =	vst v63  }
0xde: {  	s10 =	rddreg [dreg:$0xe];
	s20 =	simm.s32 $0x600  }
0xdf: {  	[tilespmem:s20], [sflag:$0x1] =	stream.strided.gather [hbm4b:s10+s22], $0x0, s14, s22, $0x38;
	[tilespmem:$0x4800] =	vst v63  }
0xe0: {  	_ = 	snop  }
0xe1: {  	[tilespmem:s20], [sflag:$0x1] =	stream.linear.gather [hbm4b:s10+s24], $0x40, $0x38;
	[tilespmem:$0x4800] =	vst v63  }
0xe2: {  	s25 =	rddreg [dreg:$0xf];
	s26 =	simm.s32 $0x680  }
0xe3: {  	[tilespmem:s26], [sflag:$0x1] =	stream.strided.gather [hbm4b:s25+s22], $0x0, s14, s22, $0x38;
	[tilespmem:$0x4800] =	vst v63  }
0xe4: {  	_ = 	snop  }
0xe5: {  	[tilespmem:s26], [sflag:$0x1] =	stream.linear.gather [hbm4b:s25+s24], $0x40, $0x38;
	[tilespmem:$0x4800] =	vst v63  }
0xe6: {  	s30 =	rddreg [dreg:$0x10];
	s31 =	simm.s32 $0x700  }
0xe7: {  	[tilespmem:s31], [sflag:$0x1] =	stream.strided.gather [hbm4b:s30+s22], $0x0, s14, s22, $0x38;
	[tilespmem:$0x4800] =	vst v63  }
0xe8: {  	_ = 	snop  }
0xe9: {  	[tilespmem:s31], [sflag:$0x1] =	stream.linear.gather [hbm4b:s30+s24], $0x40, $0x38;
	[tilespmem:$0x4800] =	vst v63  }
0xea: {  	s6 =	rddreg [dreg:$0x13];
	s7 =	simm.s32 $0x780  }
0xeb: {  	[tilespmem:s7], [sflag:$0x1] =	stream.strided.gather [hbm4b:s6+s22], $0x0, s14, s22, $0x38;
	[tilespmem:$0x4800] =	vst v63  }
0xec: {  	_ = 	snop  }
0xed: {  	[tilespmem:s7], [sflag:$0x1] =	stream.linear.gather [hbm4b:s6+s24], $0x40, $0x38;
	[tilespmem:$0x4800] =	vst v63  }
0xee: {  	s8 =	rddreg [dreg:$0x14];
	s9 =	simm.s32 $0x800  }
0xef: {  	[tilespmem:s9], [sflag:$0x1] =	stream.strided.gather [hbm4b:s8+s22], $0x0, s14, s22, $0x38;
	[tilespmem:$0x4800] =	vst v63  }
0xf0: {  	_ = 	snop  }
0xf1: {  	[tilespmem:s9], [sflag:$0x1] =	stream.linear.gather [hbm4b:s8+s24], $0x40, $0x38;
	[tilespmem:$0x4800] =	vst v63  }
0xf2: {  	s10 =	rddreg [dreg:$0x15];
	s20 =	simm.s32 $0x880  }
0xf3: {  	[tilespmem:s20], [sflag:$0x1] =	stream.strided.gather [hbm4b:s10+s22], $0x0, s14, s22, $0x38;
	[tilespmem:$0x4800] =	vst v63  }
0xf4: {  	_ = 	snop  }
0xf5: {  	[tilespmem:s20], [sflag:$0x1] =	stream.linear.gather [hbm4b:s10+s24], $0x40, $0x38;
	[tilespmem:$0x4800] =	vst v63  }
0xf6: {  	s25 =	rddreg [dreg:$0x16];
	s26 =	simm.s32 $0x900  }
0xf7: {  	[tilespmem:s26], [sflag:$0x1] =	stream.strided.gather [hbm4b:s25+s22], $0x0, s14, s22, $0x38;
	[tilespmem:$0x4800] =	vst v63  }
0xf8: {  	_ = 	snop  }
0xf9: {  	[tilespmem:s26], [sflag:$0x1] =	stream.linear.gather [hbm4b:s25+s24], $0x40, $0x38;
	[tilespmem:$0x4800] =	vst v63  }
0xfa: {  	s30 =	rddreg [dreg:$0x17];
	s31 =	simm.s32 $0x980  }
0xfb: {  	[tilespmem:s31], [sflag:$0x1] =	stream.strided.gather [hbm4b:s30+s22], $0x0, s14, s22, $0x38;
	[tilespmem:$0x4800] =	vst v63  }
0xfc: {  	_ = 	snop  }
0xfd: {  	[tilespmem:s31], [sflag:$0x1] =	stream.linear.gather [hbm4b:s30+s24], $0x40, $0x38;
	[tilespmem:$0x4800] =	vst v63  }
0xfe: {  	s6 =	rddreg [dreg:$0x18];
	s7 =	simm.s32 $0xA00  }
0xff: {  	[tilespmem:s7], [sflag:$0x1] =	stream.strided.gather [hbm4b:s6+s22], $0x0, s14, s22, $0x38;
	[tilespmem:$0x4800] =	vst v63  }
0x100: {  	_ = 	snop  }
0x101: {  	[tilespmem:s7], [sflag:$0x1] =	stream.linear.gather [hbm4b:s6+s24], $0x40, $0x38;
	[tilespmem:$0x4800] =	vst v63  }
0x102: {  	s8 =	rddreg [dreg:$0x19];
	s9 =	simm.s32 $0xA80  }
0x103: {  	[tilespmem:s9], [sflag:$0x1] =	stream.strided.gather [hbm4b:s8+s22], $0x0, s14, s22, $0x38;
	[tilespmem:$0x4800] =	vst v63  }
0x104: {  	_ = 	snop  }
0x105: {  	[tilespmem:s9], [sflag:$0x1] =	stream.linear.gather [hbm4b:s8+s24], $0x40, $0x38;
	[tilespmem:$0x4800] =	vst v63  }
0x106: {  	s10 =	rddreg [dreg:$0x1a];
	s20 =	simm.s32 $0xB00  }
0x107: {  	[tilespmem:s20], [sflag:$0x1] =	stream.strided.gather [hbm4b:s10+s22], $0x0, s14, s22, $0x38;
	[tilespmem:$0x4800] =	vst v63  }
0x108: {  	_ = 	snop  }
0x109: {  	[tilespmem:s20], [sflag:$0x1] =	stream.linear.gather [hbm4b:s10+s24], $0x40, $0x38;
	[tilespmem:$0x4800] =	vst v63  }
0x10a: {  	s25 =	rddreg [dreg:$0x1b];
	s26 =	simm.s32 $0xB80  }
0x10b: {  	[tilespmem:s26], [sflag:$0x1] =	stream.strided.gather [hbm4b:s25+s22], $0x0, s14, s22, $0x38;
	[tilespmem:$0x4800] =	vst v63  }
0x10c: {  	_ = 	snop  }
0x10d: {  	[tilespmem:s26], [sflag:$0x1] =	stream.linear.gather [hbm4b:s25+s24], $0x40, $0x38;
	[tilespmem:$0x4800] =	vst v63  }
0x10e: {  	s30 =	rddreg [dreg:$0x1c];
	s31 =	simm.s32 $0xC00  }
0x10f: {  	[tilespmem:s31], [sflag:$0x1] =	stream.strided.gather [hbm4b:s30+s22], $0x0, s14, s22, $0x38;
	[tilespmem:$0x4800] =	vst v63  }
0x110: {  	_ = 	snop  }
0x111: {  	[tilespmem:s31], [sflag:$0x1] =	stream.linear.gather [hbm4b:s30+s24], $0x40, $0x38;
	[tilespmem:$0x4800] =	vst v63  }
0x112: {  	s2 =	rddreg [dreg:$0x1d];
	s6 =	simm.s32 $0xC80  }
0x113: {  	[tilespmem:s6], [sflag:$0x1] =	stream.strided.gather [hbm4b:s2+s22], $0x0, s14, s22, $0x38;
	[tilespmem:$0x4800] =	vst v63  }
0x114: {  	_ = 	snop  }
0x115: {  	[tilespmem:s6], [sflag:$0x1] =	stream.linear.gather [hbm4b:s2+s24], $0x40, $0x38;
	[tilespmem:$0x4800] =	vst v63  }
0x116: {  	s7 =	rddreg [dreg:$0x1e];
	s8 =	simm.s32 $0xD00  }
0x117: {  	[tilespmem:s8], [sflag:$0x1] =	stream.strided.gather [hbm4b:s7+s22], $0x0, s14, s22, $0x38;
	[tilespmem:$0x4800] =	vst v63  }
0x118: {  	_ = 	snop  }
0x119: {  	[tilespmem:s8], [sflag:$0x1] =	stream.linear.gather [hbm4b:s7+s24], $0x40, $0x38;
	[tilespmem:$0x4800] =	vst v63  }
0x11a: {  	s9 =	rddreg [dreg:$0x1f];
	s10 =	simm.s32 $0xD80  }
0x11b: {  	[tilespmem:s10], [sflag:$0x1] =	stream.strided.gather [hbm4b:s9+s22], $0x0, s14, s22, $0x38;
	[tilespmem:$0x4800] =	vst v63  }
0x11c: {  	s20 =	sld [smem:$0x7FC]  }
0x11d: {  	[tilespmem:s10], [sflag:$0x1] =	stream.linear.gather [hbm4b:s9+s24], $0x40, $0x38;
	[tilespmem:$0x4800] =	vst v63  }
0x11e: {  	s25 =	simm.s32 $0xE00  }
0x11f: {  	[tilespmem:s25], [sflag:$0x1] =	stream.strided.gather [hbm4b:s20+s22], $0x0, s14, s22, $0x38;
	[tilespmem:$0x4800] =	vst v63  }
0x120: {  	s26 =	sld [smem:$0x7FD]  }
0x121: {  	[tilespmem:s25], [sflag:$0x1] =	stream.linear.gather [hbm4b:s20+s24], $0x40, $0x38;
	[tilespmem:$0x4800] =	vst v63  }
0x122: {  	s30 =	simm.s32 $0xE80  }
0x123: {  	[tilespmem:s30], [sflag:$0x1] =	stream.strided.gather [hbm4b:s26+s22], $0x0, s14, s22, $0x38;
	[tilespmem:$0x4800] =	vst v63  }
0x124: {  	_ = 	snop  }
0x125: {  	[tilespmem:s30], [sflag:$0x1] =	stream.linear.gather [hbm4b:s26+s24], $0x40, $0x38;
	[tilespmem:$0x4800] =	vst v63  }
0x126: {  	s31 =	simm.s32 $0xF00  }
0x127: {  	[tilespmem:s31], [sflag:$0x1] =	stream.strided.gather [hbm4b:s12+s22], $0x0, s14, s22, $0x38;
	[tilespmem:$0x4800] =	vst v63  }
0x128: {  	_ = 	snop  }
0x129: {  	[tilespmem:s31], [sflag:$0x1] =	stream.linear.gather [hbm4b:s12+s24], $0x40, $0x38;
	[tilespmem:$0x4800] =	vst v63  }
0x12a: {  	s2 =	simm.s32 $0xF80  }
0x12b: {  	[tilespmem:s2], [sflag:$0x1] =	stream.strided.gather [hbm4b:s13+s22], $0x0, s14, s22, $0x38;
	[tilespmem:$0x4800] =	vst v63  }
0x12c: {  	_ = 	snop  }
0x12d: {  	[tilespmem:s2], [sflag:$0x1] =	stream.linear.gather [hbm4b:s13+s24], $0x40, $0x38;
	[tilespmem:$0x4800] =	vst v63  }
0x12e: {  	_ =	swait.ge [sflag:s15], $0x40  }
0x12f: {  	[sflag:s15] =	ssyncset.done $0x0  }
0x130: {  	[sflag:s15] =	ssyncadd.s32 $0xFFFFFFC0  }
0x131: {  	_ =	swait.ge [sflag:s15], $0x40  }
0x132: {  	[sflag:s15] =	ssyncset.done $0x0  }
0x133: {  	[sflag:s15] =	ssyncadd.s32 $0xFFFFFFC0  }
0x134: {  	_ =	swait.ge [sflag:s15], $0x40  }
0x135: {  	[sflag:s15] =	ssyncset.done $0x0  }
0x136: {  	[sflag:s15] =	ssyncadd.s32 $0xFFFFFFC0  }
0x137: {  	_ =	swait.ge [sflag:s15], $0x40  }
0x138: {  	[sflag:s15] =	ssyncset.done $0x0  }
0x139: {  	[sflag:s15] =	ssyncadd.s32 $0xFFFFFFC0  }
0x13a: {  	_ =	swait.ge [sflag:s15], $0x40  }
0x13b: {  	[sflag:s15] =	ssyncset.done $0x0  }
0x13c: {  	[sflag:s15] =	ssyncadd.s32 $0xFFFFFFC0  }
0x13d: {  	_ =	swait.ge [sflag:s15], $0x40  }
0x13e: {  	[sflag:s15] =	ssyncset.done $0x0  }
0x13f: {  	[sflag:s15] =	ssyncadd.s32 $0xFFFFFFC0  }
0x140: {  	_ =	swait.ge [sflag:s15], $0x40  }
0x141: {  	[sflag:s15] =	ssyncset.done $0x0  }
0x142: {  	[sflag:s15] =	ssyncadd.s32 $0xFFFFFFC0  }
0x143: {  	_ =	swait.ge [sflag:s15], $0x40  }
0x144: {  	[sflag:s15] =	ssyncset.done $0x0  }
0x145: {  	[sflag:s15] =	ssyncadd.s32 $0xFFFFFFC0  }
0x146: {  	_ =	swait.ge [sflag:s15], $0x40  }
0x147: {  	[sflag:s15] =	ssyncset.done $0x0  }
0x148: {  	[sflag:s15] =	ssyncadd.s32 $0xFFFFFFC0  }
0x149: {  	_ =	swait.ge [sflag:s15], $0x40  }
0x14a: {  	[sflag:s15] =	ssyncset.done $0x0  }
0x14b: {  	[sflag:s15] =	ssyncadd.s32 $0xFFFFFFC0  }
0x14c: {  	_ =	swait.ge [sflag:s15], $0x40  }
0x14d: {  	[sflag:s15] =	ssyncset.done $0x0  }
0x14e: {  	[sflag:s15] =	ssyncadd.s32 $0xFFFFFFC0  }
0x14f: {  	_ =	swait.ge [sflag:s15], $0x40  }
0x150: {  	[sflag:s15] =	ssyncset.done $0x0  }
0x151: {  	[sflag:s15] =	ssyncadd.s32 $0xFFFFFFC0  }
0x152: {  	_ =	swait.ge [sflag:s15], $0x40  }
0x153: {  	[sflag:s15] =	ssyncset.done $0x0  }
0x154: {  	[sflag:s15] =	ssyncadd.s32 $0xFFFFFFC0  }
0x155: {  	_ =	swait.ge [sflag:s15], $0x40  }
0x156: {  	[sflag:s15] =	ssyncset.done $0x0  }
0x157: {  	[sflag:s15] =	ssyncadd.s32 $0xFFFFFFC0  }
0x158: {  	_ =	swait.ge [sflag:s15], $0x40  }
0x159: {  	[sflag:s15] =	ssyncset.done $0x0  }
0x15a: {  	[sflag:s15] =	ssyncadd.s32 $0xFFFFFFC0  }
0x15b: {  	_ =	swait.ge [sflag:s15], $0x40  }
0x15c: {  	[sflag:s15] =	ssyncset.done $0x0  }
0x15d: {  	[sflag:s15] =	ssyncadd.s32 $0xFFFFFFC0  }
0x15e: {  	_ =	swait.ge [sflag:s15], $0x40  }
0x15f: {  	[sflag:s15] =	ssyncset.done $0x0  }
0x160: {  	[sflag:s15] =	ssyncadd.s32 $0xFFFFFFC0  }
0x161: {  	_ =	swait.ge [sflag:s15], $0x40  }
0x162: {  	[sflag:s15] =	ssyncset.done $0x0  }
0x163: {  	[sflag:s15] =	ssyncadd.s32 $0xFFFFFFC0  }
0x164: {  	_ =	swait.ge [sflag:s15], $0x40  }
0x165: {  	[sflag:s15] =	ssyncset.done $0x0  }
0x166: {  	[sflag:s15] =	ssyncadd.s32 $0xFFFFFFC0  }
0x167: {  	_ =	swait.ge [sflag:s15], $0x40  }
0x168: {  	[sflag:s15] =	ssyncset.done $0x0  }
0x169: {  	[sflag:s15] =	ssyncadd.s32 $0xFFFFFFC0  }
0x16a: {  	_ =	swait.ge [sflag:s15], $0x40  }
0x16b: {  	[sflag:s15] =	ssyncset.done $0x0  }
0x16c: {  	[sflag:s15] =	ssyncadd.s32 $0xFFFFFFC0  }
0x16d: {  	_ =	swait.ge [sflag:s15], $0x40  }
0x16e: {  	[sflag:s15] =	ssyncset.done $0x0  }
0x16f: {  	[sflag:s15] =	ssyncadd.s32 $0xFFFFFFC0  }
0x170: {  	_ =	swait.ge [sflag:s15], $0x40  }
0x171: {  	[sflag:s15] =	ssyncset.done $0x0  }
0x172: {  	[sflag:s15] =	ssyncadd.s32 $0xFFFFFFC0  }
0x173: {  	_ =	swait.ge [sflag:s15], $0x40  }
0x174: {  	[sflag:s15] =	ssyncset.done $0x0  }
0x175: {  	[sflag:s15] =	ssyncadd.s32 $0xFFFFFFC0  }
0x176: {  	_ =	swait.ge [sflag:s15], $0x40  }
0x177: {  	[sflag:s15] =	ssyncset.done $0x0  }
0x178: {  	[sflag:s15] =	ssyncadd.s32 $0xFFFFFFC0  }
0x179: {  	_ =	swait.ge [sflag:s15], $0x40  }
0x17a: {  	[sflag:s15] =	ssyncset.done $0x0  }
0x17b: {  	[sflag:s15] =	ssyncadd.s32 $0xFFFFFFC0  }
0x17c: {  	_ =	swait.ge [sflag:s15], $0x40  }
0x17d: {  	[sflag:s15] =	ssyncset.done $0x0  }
0x17e: {  	[sflag:s15] =	ssyncadd.s32 $0xFFFFFFC0  }
0x17f: {  	_ =	swait.ge [sflag:s15], $0x40  }
0x180: {  	[sflag:s15] =	ssyncset.done $0x0  }
0x181: {  	[sflag:s15] =	ssyncadd.s32 $0xFFFFFFC0  }
0x182: {  	_ =	swait.ge [sflag:s15], $0x40  }
0x183: {  	[sflag:s15] =	ssyncset.done $0x0  }
0x184: {  	[sflag:s15] =	ssyncadd.s32 $0xFFFFFFC0  }
0x185: {  	_ =	swait.ge [sflag:s15], $0x40  }
0x186: {  	[sflag:s15] =	ssyncset.done $0x0  }
0x187: {  	[sflag:s15] =	ssyncadd.s32 $0xFFFFFFC0  }
0x188: {  	_ =	swait.ge [sflag:s15], $0x40  }
0x189: {  	[sflag:s15] =	ssyncset.done $0x0  }
0x18a: {  	[sflag:s15] =	ssyncadd.s32 $0xFFFFFFC0  }
0x18b: {  	_ =	swait.ge [sflag:s15], $0x40  }
0x18c: {  	[sflag:s15] =	ssyncset.done $0x0  }
0x18d: {  	s25 =	sand.u32 $0xE00, s24;
	[sflag:s15] =	ssyncadd.s32 $0xFFFFFFC0  }
0x18e: {  	v2 =	vld [tilespmem:s25+$0x110]  }
0x18f: {  	s6 =	simm.s32 $0x781;
	v1 =	vld [tilespmem:s25+$0x0]  }
0x190: {  	v4 =	vadd.s32 s6, v0;
	s7 =	simm.s32 $0x282;
	v3 =	vld [tilespmem:s25+$0xB0]  }
0x191: {  	s8 =	simm.s32 $0x281;
	v6 =	vadd.s32 s7, v0;
	v5 =	vld [tilespmem:s25+$0x90]  }
0x192: {  	v8 =	vadd.s32 s8, v0;
	s9 =	simm.s32 $0x783;
	v7 =	vld [tilespmem:s25+$0x30]  }
0x193: {  	s10 =	simm.s32 $0x283;
	v9 =	vadd.s32 s9, v0;
	v10 =	vld [tilespmem:s25+$0x1B0]  }
0x194: {  	s6 =	simm.s32 $0x100;
	s7 =	simm.s32 $0x780;
	v13 =	vadd.s32 s10, v0;
	v12 =	vld [tilespmem:s25+$0x190]  }
0x195: {  	s6 =	sand.u32 $0x300, s6;
	v14 =	vadd.s32 s7, v0;
	s20 =	simm.s32 $0x80;
	s31 =	simm.s32 $0x503;
	v15 =	vld [tilespmem:s25+$0x1A0];
	[tilespmem:v4+s16+$0x0] =	vst.idx.msk $0xffff, v3  }
0x196: {  	s8 =	simm.s32 $0x502;
	s26 =	sand.u32 $0x280, s20;
	s30 =	sand.u32 $0xC00, s24;
	v16 =	vadd.s32 s31, v0;
	v17 =	vld [tilespmem:s25+$0x120];
	[tilespmem:v6+s16+$0x0] =	vst.idx.msk $0xffff, v2  }
0x197: {  	v18 =	vadd.s32 s8, v0;
	s9 =	simm.s32 $0x180;
	s0 =	sor.u32 s26, s30;
	s24 =	simm.s32 $0x280;
	v11 =	vld [tilespmem:s25+$0x10];
	[tilespmem:v8+s16+$0x0] =	vst.idx.msk $0xffff, v5  }
0x198: {  	s20 =	simm.s32 $0x2;
	s6 =	sor.u32 s6, s30;
	v5 =	vld [tilespmem:s0+$0x0];
	[tilespmem:v9+s16+$0x0] =	vst.idx.msk $0xffff, v10;
	s0 =	sand.u32 $0x380, s9;
	v6 =	vadd.s32 s24, v0  }
0x199: {  	v10 =	vld [tilespmem:s6+$0x0];
	[tilespmem:v13+s16+$0x0] =	vst.idx.msk $0xffff, v12;
	v3 =	vadd.s32 s20, v0;
	s0 =	sor.u32 s0, s30;
	s30 =	simm.s32 $0x1  }
0x19a: {  	s29 =	simm.s32 $0x787;
	s31 =	simm.s32 $0x500;
	v9 =	vld [tilespmem:s25+$0x20];
	[tilespmem:v14+s16+$0x0] =	vst.idx.msk $0xffff, v7;
	v8 =	vadd.s32 s30, v0  }
0x19b: {  	s10 =	simm.s32 $0x0;
	s26 =	simm.s32 $0x782;
	s2 =	simm.s32 $0x3;
	[tilespmem:v16+s16+$0x0] =	vst.idx.msk $0xffff, v15;
	v13 =	vadd.s32 s31, v0;
	v7 =	vld [tilespmem:s25+$0xA0]  }
0x19c: {  	v2 =	vadd.s32 s26, v0;
	s24 =	simm.s32 $0x0;
	v12 =	vadd.s32 s10, v0;
	[tilespmem:v18+s16+$0x0] =	vst.idx.msk $0xffff, v17;
	s26 =	simm.s32 $0x200;
	v4 =	vld [tilespmem:s0+$0x0];
	s0 =	simm.s32 $0x501  }
.LBB2_13:
0x19d: {  	s6 =	sadd.s32 $0x80, s26;
	s7 =	sadd.s32 $0x100, s26;
	[tilespmem:v6+s16+$0x0] =	vst.idx.msk $0xffff, v11;
	v6 =	vld [tilespmem:s25+$0x130];
	s25 =	sand.u32 $0xE00, s26  }
0x19e: {  	s8 =	sadd.s32 $0xFFFFFFFE, s29;
	v11 =	vadd.s32 s0, v0;
	s6 =	sand.u32 $0x280, s6;
	s7 =	sand.u32 $0x300, s7;
	v14 =	vld [tilespmem:s25+$0x110];
	[tilespmem:v3+s16+$0x0] =	vst.idx.msk $0xffff, v10;
	v10 =	vadd.s32 s2, v0  }
0x19f: {  	s9 =	sadd.s32 $0xFFFFFAFF, s29;
	s10 =	sadd.s32 $0x180, s26;
	v16 =	vadd.s32 s29, v0;
	s2 =	sand.u32 $0xC00, s26;
	v15 =	vld [tilespmem:s25+$0x0];
	[tilespmem:v8+s16+$0x0] =	vst.idx.msk $0xffff, v5  }
0x1a0: {  	s0 =	sadd.s32 $0xFFFFF87D, s29;
	s10 =	sand.u32 $0x380, s10;
	v8 =	vadd.s32 s8, v0;
	s8 =	sadd.s32 $0xFFFFF87F, s29;
	v5 =	vld [tilespmem:s25+$0xB0];
	[tilespmem:v13+s16+$0x0] =	vst.idx.msk $0xffff, v9  }
0x1a1: {  	s20 =	sadd.s32 $0xFFFFFAFE, s29;
	s7 =	sor.u32 s7, s2;
	v3 =	vadd.s32 s8, v0;
	v13 =	vadd.s32 s9, v0;
	s8 =	sor.u32 s10, s2;
	v9 =	vld [tilespmem:s25+$0x90];
	[tilespmem:v12+s16+$0x0] =	vst.idx.msk $0xffff, v1  }
0x1a2: {  	v17 =	vadd.s32 s20, v0;
	s9 =	sadd.s32 $0xFFFFFAFD, s29;
	s2 =	sor.u32 s6, s2;
	s6 =	sadd.s32 $0xFFFFFFFF, s29;
	v12 =	vld [tilespmem:s25+$0x30];
	[tilespmem:v2+s16+$0x0] =	vst.idx.msk $0xffff, v6  }
0x1a3: {  	s10 =	sadd.s32 $0xFFFFFD7F, s29;
	v6 =	vadd.s32 s9, v0;
	s9 =	sadd.s32 $0xFFFFFFFD, s29;
	v2 =	vadd.s32 s6, v0;
	s6 =	sadd.s32 $0xFFFFFB00, s29;
	v18 =	vld [tilespmem:s25+$0x1B0];
	[tilespmem:v11+s16+$0x0] =	vst.idx.msk $0xffff, v7  }
0x1a4: {  	s24 =	sadd.s32 $0x10, s24;
	v7 =	vadd.s32 s9, v0;
	v20 =	vadd.s32 s6, v0;
	s6 =	sadd.s32 $0xFFFFFD80, s29;
	v19 =	vld [tilespmem:s25+$0x190];
	[tilespmem:v10+s16+$0x0] =	vst.idx.msk $0xffff, v4;
	v1 =	vmov v15  }
0x1a5: {  	p1 =	slt.u32 s24, $0x70;
	s9 =	sadd.s32 $0xFFFFF87E, s29;
	v21 =	vadd.s32 s6, v0;
	[tilespmem:v8+s16+$0x0] =	vst.idx.msk $0xffff, v5;
	v15 =	vld [tilespmem:s25+$0x1A0]  }
0x1a6: {  	v8 =	vadd.s32 s9, v0;
	v11 =	vld [tilespmem:s25+$0x10];
	[tilespmem:v13+s16+$0x0] =	vst.idx.msk $0xffff, v14  }
0x1a7: {  	[tilespmem:v17+s16+$0x0] =	vst.idx.msk $0xffff, v9;
	v14 =	vld [tilespmem:s25+$0x120];
	v17 =	vadd.s32 s10, v0  }
.Ltmp10:
0x1a8: {  	v5 =	vld [tilespmem:s2+$0x0];
	[tilespmem:v16+s16+$0x0] =	vst.idx.msk $0xffff, v18;
	(pc) =	sbr.rel @p1 .LBB2_13-.Ltmp10, $4  }
0x1a9: {  	v10 =	vld [tilespmem:s7+$0x0];
	[tilespmem:v20+s16+$0x0] =	vst.idx.msk $0xffff, v19  }
0x1aa: {  	s2 =	sadd.s32 $0xFFFFFD7D, s29;
	v9 =	vld [tilespmem:s25+$0x20];
	[tilespmem:v7+s16+$0x0] =	vst.idx.msk $0xffff, v12  }
0x1ab: {  	v13 =	vadd.s32 s2, v0;
	s2 =	sadd.s32 $0xFFFFF880, s29;
	v4 =	vld [tilespmem:s8+$0x0];
	[tilespmem:v21+s16+$0x0] =	vst.idx.msk $0xffff, v15  }
0x1ac: {  	s26 =	sadd.s32 $0x200, s26;
	v12 =	vadd.s32 s0, v0;
	s0 =	sadd.s32 $0xFFFFFD7E, s29;
	s29 =	sadd.s32 $0x4, s29;
	v7 =	vld [tilespmem:s25+$0xA0];
	[tilespmem:v17+s16+$0x0] =	vst.idx.msk $0xffff, v14  }
0x1ad: {  	_ =	sdelay $0x3  }
0x1ae: {  	[tilespmem:v6+s16+$0x0] =	vst.idx.msk $0xffff, v11;
	v62 =	vld [tilespmem:s25+$0x130]  }
0x1af: {  	v63 =	vadd.s32 s0, v0;
	[tilespmem:v8+s16+$0x0] =	vst.idx.msk $0xffff, v5  }
0x1b0: {  	[tilespmem:v3+s16+$0x0] =	vst.idx.msk $0xffff, v10;
	v3 =	vadd.s32 s2, v0  }
0x1b1: {  	[tilespmem:v12+s16+$0x0] =	vst.idx.msk $0xffff, v1  }
0x1b2: {  	[tilespmem:v13+s16+$0x0] =	vst.idx.msk $0xffff, v9  }
0x1b3: {  	[tilespmem:v2+s16+$0x0] =	vst.idx.msk $0xffff, v62  }
0x1b4: {  	[tilespmem:v63+s16+$0x0] =	vst.idx.msk $0xffff, v7  }
0x1b5: {  	[tilespmem:v3+s16+$0x0] =	vst.idx.msk $0xffff, v4  }
.Ltmp11:
0x1b6: {  	s31 =	rddreg [dreg:$0x11];
	(pc) =	sbr.rel .LBB2_15-.Ltmp11, $4  }
0x1b7: {  	[hbm4b:s31+s3] =	stream.linear.scatter [tilespmem:s16], [sflag:$0x3], $0xA00, $0x38;
	[tilespmem:$0x4800] =	vst v63  }
0x1b8: {  	_ =	swait.ge [sflag:s19], $0xA00  }
0x1b9: {  	[sflag:s19] =	ssyncset.done $0x0  }
0x1ba: {  	[sflag:s19] =	ssyncadd.s32 $0xFFFFF600  }
.LBB2_16:
0x1bb: {  	_ =	sfence.sel $0x180000  }
0x1bc: {  	[bflag:$0x0] =	sbarrier.arrive $0xFFFF  }
0x1bd: {  	_ =	strace $0x90000047  }
0x1be: {  	s0 =	stileid.u32;
	[bflag:$0x2] =	sbarrier.arrive $0xFFFF  }
0x1bf: {  	p0 =	sne.s32 s0, $0x0;
	s0 =	rddreg [dreg:$0x2]  }
0x1c0: {  	s0 =	sadd.s32 @!p0 $0x100000, s0  }
0x1c1: {  	[sflag:s0] =	ssyncadd.tile.s32 @!p0 $0x1;
	_ =	shalt  }
.Lfunc_end2:
_tile_overlayer_lowered:
.L_overlay_start_2:
0x1c2: {  	(tag) =	ssettag $0x2  }
0x1c3: {  	s0 =	rddreg [dreg:$0x0];
	s2 =	stileid.u32  }
0x1c4: {  	s1 =	rddreg [dreg:$0x1];
	p0 =	sne.s32 s2, $0x0  }
0x1c5: {  	s3 =	rddreg [dreg:$0x2];
	[bflag:$0x3] =	sbarrier.arrive $0xFFFF;
	s2 =	simm.s32 @!p0 $0x1C05  }
0x1c6: {  	[timem:s3], [sflag:s2] =	dma.local @!p0 [hbm:s0], s1  }
0x1c7: {  	s0 =	simm.s32 @!p0 $0x5  }
0x1c8: {  	_ =	swait.ge @!p0 [sflag:s0], s1  }
0x1c9: {  	s1 =	ssub.s32 @!p0 $0x0, s1;
	[sflag:s0] =	ssyncset.done @!p0 $0x0  }
0x1ca: {  	[sflag:s0] =	ssyncadd.s32 @!p0 s1  }
0x1cb: {  	[bflag:$0x3] =	sbarrier.arrive $0xFFFF  }
0x1cc: {  	_ =	shalt  }

// kernel: kernel.7.cloned.1.call-start
scs
__scs_entry_jumppad:
0x0: {  	(pc) =	sbr.rel $0x88, $3  }
0x1: {  	(tag) =	ssettag $0x0;
	lr =	simm.s32 $0x1  }
0x2: {  	[smem:$0x3F9F] =	sst lr;
	_ =	strace $0xD0000000  }
0x3: {  	_ = 	snop  }
0x4: {  	_ = 	snop  }
0x5: {  	_ = 	snop  }
0x6: {  	_ = 	snop  }
0x7: {  	_ = 	snop  }
__scs_overlays_trampoline_lowered:
0x8: {  	[smem:$0x3FAE] =	sst s0  }
0x9: {  	[smem:$0x3FAF] =	sst s1  }
0xa: {  	[smem:$0x3FB0] =	sst s2  }
0xb: {  	[smem:$0x3FB1] =	sst s3  }
0xc: {  	[smem:$0x3FB2] =	sst s4  }
0xd: {  	[smem:$0x3FB3] =	sst s5  }
0xe: {  	[smem:$0x3FB4] =	sst s6  }
0xf: {  	[smem:$0x3FB5] =	sst s7  }
0x10: {  	[smem:$0x3FB6] =	sst s8  }
0x11: {  	[smem:$0x3FB7] =	sst s9;
	s0 =	simm.s32 @!p0 $0x0  }
0x12: {  	s1 =	sld [smem:$0x3F9D];
	s0 =	simm.s32 @p0 $0x1  }
0x13: {  	[smem:$0x3FB8] =	sst s0;
	s0 =	simm.s32 @!p1 $0x0  }
0x14: {  	s2 =	sld [smem:$0x3F9C];
	s0 =	simm.s32 @p1 $0x1  }
0x15: {  	[smem:$0x3FB9] =	sst s0;
	s0 =	simm.s32 @!p2 $0x0  }
0x16: {  	s3 =	sld [smem:$0x3FDB];
	s0 =	simm.s32 @p2 $0x1  }
0x17: {  	s4 =	simm.s32 $0x1BF5;
	[smem:$0x3FBB] =	sst s0  }
0x18: {  	s0 =	sld [smem:$0x3F9E];
	_ =	swait.ge [sflag:s4], $0x0  }
0x19: {  	s7 =	sld [smem:$0x3F9F]  }
0x1a: {  	s8 =	sadd.s32 $0xFFFFE003, lr  }
0x1b: {  	s9 =	sadd.s32 $0xFFFFFEF7, lr;
	s5 =	simm.s32 $0xFFFFFFFF;
	p2 =	slt.u32 s8, $0xFFFFF086  }
0x1c: {  	p1 =	slt.u32 s9, $0xF7A;
	s5 =	simm.s32 @!p2 $0x0  }
0x1d: {  	s5 =	simm.s32 @p1 $0x1;
	p0 =	seq.s32 s7, s2  }
0x1e: {  	s7 =	smul.u32 @!p0 $0xF7A, s2;
	p2 =	seq.s32 @!p0 s5, $0x0  }
0x1f: {  	s9 =	smul.u32 $0xF7A, s1;
	s8 =	simm.s32 @!p0 $0x1BF5;
	p2 =	por !p2, p0  }
0x20: {  	[sflag:s8] =	ssyncset.s32 @!p0 $0xFFFFF086;
	s6 =	sadd.s32 @!p0 s3, s7;
	s7 =	simm.s32 @!p0 $0x108  }
0x21: {  	s3 =	sadd.s32 s3, s9;
	s6 =	sadd.s32 @!p0 $0x88, s6;
	s7 =	simm.s32 @p2 $0x1082  }
0x22: {  	[simem:s7], [sflag:s8] =	dma.local @!p0 [hbm:s6], $0xF7A  }
0x23: {  	s9 =	sor.u32 $0xD0000000, s2;
	s6 =	simm.s32 $0x108;
	_ =	swait.ge @!p0 [sflag:s8], $0x0  }
0x24: {  	s3 =	sadd.s32 $0x88, s3;
	s6 =	simm.s32 @!p1 $0x1082;
	[sflag:s4] =	ssyncset.s32 $0xFFFFF086  }
0x25: {  	[simem:s6], [sflag:s4] =	dma.local [hbm:s3], $0xF7A  }
0x26: {  	[smem:$0x3F9F] =	sst s1;
	(tag) =	ssettag s2;
	_ =	strace s9  }
0x27: {  	s1 =	sld [smem:$0x3FAF]  }
0x28: {  	s2 =	sld [smem:$0x3FB0]  }
0x29: {  	s4 =	sld [smem:$0x3FB2]  }
0x2a: {  	p0 =	seq.s32 s5, $0x0;
	s5 =	sld [smem:$0x3FB3]  }
0x2b: {  	s6 =	sld [smem:$0x3FB4]  }
0x2c: {  	s7 =	sld [smem:$0x3FB5]  }
0x2d: {  	s3 =	simm.s32 $0x108;
	s8 =	sld [smem:$0x3FB6]  }
0x2e: {  	s3 =	simm.s32 @!p0 $0x1082;
	s9 =	sld [smem:$0x3FB7]  }
0x2f: {  	lr =	sadd.s32 s0, s3;
	s0 =	sld [smem:$0x3FAE]  }
0x30: {  	s3 =	sld [smem:$0x3FB1]  }
0x31: {  	[smem:$0x3FBA] =	sst s10  }
0x32: {  	s10 =	sld [smem:$0x3FB8];
	_ =	sdelay $0x3  }
0x33: {  	p0 =	seq.s32 s10, $0x1;
	s10 =	sld [smem:$0x3FBA];
	_ =	sdelay $0x3  }
0x34: {  	[smem:$0x3FBA] =	sst s10  }
0x35: {  	s10 =	sld [smem:$0x3FB9];
	_ =	sdelay $0x3  }
0x36: {  	p1 =	seq.s32 s10, $0x1;
	s10 =	sld [smem:$0x3FBA];
	_ =	sdelay $0x3  }
0x37: {  	[smem:$0x3FBA] =	sst s10  }
0x38: {  	s10 =	sld [smem:$0x3FBB]  }
0x39: {  	_ = 	snop;
	(pc) =	sbr.ind lr, $3  }
0x3a: {  	_ = 	snop  }
0x3b: {  	_ = 	snop  }
0x3c: {  	p2 =	seq.s32 s10, $0x1;
	s10 =	sld [smem:$0x3FBA]  }
0x3d: {  	_ =	shalt  }
0x3e: {  	_ =	shalt  }
0x3f: {  	_ =	shalt  }
0x40: {  	_ =	shalt  }
0x41: {  	_ =	shalt  }
0x42: {  	_ =	shalt  }
0x43: {  	_ =	shalt  }
0x44: {  	_ =	shalt  }
0x45: {  	_ =	shalt  }
0x46: {  	_ =	shalt  }
0x47: {  	_ =	shalt  }
0x48: {  	_ =	shalt  }
0x49: {  	_ =	shalt  }
0x4a: {  	_ =	shalt  }
0x4b: {  	_ =	shalt  }
0x4c: {  	_ =	shalt  }
0x4d: {  	_ =	shalt  }
0x4e: {  	_ =	shalt  }
0x4f: {  	_ =	shalt  }
0x50: {  	_ =	shalt  }
0x51: {  	_ =	shalt  }
0x52: {  	_ =	shalt  }
0x53: {  	_ =	shalt  }
0x54: {  	_ =	shalt  }
0x55: {  	_ =	shalt  }
0x56: {  	_ =	shalt  }
0x57: {  	_ =	shalt  }
0x58: {  	_ =	shalt  }
0x59: {  	_ =	shalt  }
0x5a: {  	_ =	shalt  }
0x5b: {  	_ =	shalt  }
0x5c: {  	_ =	shalt  }
0x5d: {  	_ =	shalt  }
0x5e: {  	_ =	shalt  }
0x5f: {  	_ =	shalt  }
0x60: {  	_ =	shalt  }
0x61: {  	_ =	shalt  }
0x62: {  	_ =	shalt  }
0x63: {  	_ =	shalt  }
0x64: {  	_ =	shalt  }
0x65: {  	_ =	shalt  }
0x66: {  	_ =	shalt  }
0x67: {  	_ =	shalt  }
0x68: {  	_ =	shalt  }
0x69: {  	_ =	shalt  }
0x6a: {  	_ =	shalt  }
0x6b: {  	_ =	shalt  }
0x6c: {  	_ =	shalt  }
0x6d: {  	_ =	shalt  }
0x6e: {  	_ =	shalt  }
0x6f: {  	_ =	shalt  }
0x70: {  	_ =	shalt  }
0x71: {  	_ =	shalt  }
0x72: {  	_ =	shalt  }
0x73: {  	_ =	shalt  }
0x74: {  	_ =	shalt  }
0x75: {  	_ =	shalt  }
0x76: {  	_ =	shalt  }
0x77: {  	_ =	shalt  }
0x78: {  	_ =	shalt  }
0x79: {  	_ =	shalt  }
0x7a: {  	_ =	shalt  }
0x7b: {  	_ =	shalt  }
0x7c: {  	_ =	shalt  }
0x7d: {  	_ =	shalt  }
0x7e: {  	_ =	shalt  }
0x7f: {  	_ =	shalt  }
0x80: {  	_ =	shalt  }
0x81: {  	_ =	shalt  }
0x82: {  	_ =	shalt  }
0x83: {  	_ =	shalt  }
0x84: {  	_ =	shalt  }
0x85: {  	_ =	shalt  }
0x86: {  	_ =	shalt  }
0x87: {  	_ =	shalt  }
.Lfunc_end0:
.L_simem_size_0:
called_computation.1_lowered:
.L_overlay_start_0:
0x88: {  	s2 =	sld [smem:$0x3FD9]  }
0x89: {  	s3 =	sld [smem:$0x3FFE];
	_ =	sdelay $0x1  }
0x8a: {  	s1 =	srdreg.scid  }
0x8b: {  	s0 =	sand.u32 $0x1, s1  }
0x8c: {  	s17 =	sshll.u32 s0, $0xA;
	s2 =	sadd.s32 s3, s2  }
0x8d: {  	s2 =	sadd.s32 s2, s17  }
0x8e: {  	[smem:$0x3FC6] =	sst s2  }
0x8f: {  	_ = 	snop  }
0x90: {  	s2 =	sld [smem:$0x3FD0];
	(tm) =	ssettm $0x1  }
0x91: {  	s18 =	sld [smem:$0x3FFB];
	_ =	sdelay $0x3  }
0x92: {  	_ =	strace s18  }
0x93: {  	s3 =	sld [smem:$0x3FFC];
	_ =	sdelay $0x3  }
0x94: {  	_ =	strace s3  }
0x95: {  	s3 =	sld [smem:$0x3FFD];
	_ =	sdelay $0x3  }
0x96: {  	_ =	strace s3  }
0x97: {  	_ =	strace $0x8FFFFFFF  }
0x98: {  	s19 =	sld [smem:$0x3FDB];
	_ =	sdelay $0x1  }
0x99: {  	s4 =	simm.s32 $_scs_section_size  }
0x9a: {  	s5 =	simm.s32 $_size__tile_overlayer_lowered;
	s6 =	simm.s32 $_tile_overlayer_lowered  }
0x9b: {  	s22 =	simm.s32 $0x1BFF;
	s21 =	sshll.u32 s6, $0x1;
	s3 =	sadd.s32 s4, s19  }
0x9c: {  	s7 =	simm.s32 $0x0;
	s20 =	sshll.u32 s5, $0x1;
	s5 =	sadd.s32 s21, s3  }
0x9d: {  	[timem:s7], [sflag:s22] =	dma.local [hbm:s5], s20  }
0x9e: {  	_ =	swait.ge [sflag:s22], s20  }
0x9f: {  	s4 =	ssub.s32 $0x0, s20;
	[sflag:s22] =	ssyncset.done $0x0  }
0xa0: {  	[sflag:s22] =	ssyncadd.s32 s4;
	_ =	sdelay $0x1  }
0xa1: {  	s23 =	simm.s32 $0x1B8B  }
0xa2: {  	_ =	swait.ge [sflag:s23], $0x1  }
0xa3: {  	[sflag:s23] =	ssyncset.done $0x0  }
0xa4: {  	s25 =	simm.s32 $0x1B8E;
	s24 =	sld [smem:$0x3FFE];
	[sflag:s23] =	ssyncadd.s32 $0xFFFFFFFF  }
0xa5: {  	s26 =	simm.s32 $execute0_lowered;
	[smem:$0x3FD2] =	sst s25  }
0xa6: {  	s5 =	sshll.u32 s26, $0x1;
	_ =	strace $0x80000049;
	[dreg:$0x1] =	wrdreg $0xFFFFFFFF  }
0xa7: {  	s28 =	simm.s32 $_size_execute0_lowered;
	s3 =	sadd.s32 s3, s5;
	[dreg:$0x0] =	wrdreg $0x0  }
0xa8: {  	s5 =	sshll.u32 s28, $0x1;
	[dreg:$0x2] =	wrdreg s3  }
0xa9: {  	[dreg:$0x3] =	wrdreg s5  }
0xaa: {  	[dreg:$0x4] =	wrdreg $0xC0  }
0xab: {  	_ =	task [dreg:s7], $0x5FFFF  }
0xac: {  	[dreg:$0x1] =	wrdreg $0xFFFFFFFF  }
0xad: {  	[dreg:$0x0] =	wrdreg $0x60  }
0xae: {  	[dreg:$0x2] =	wrdreg s24  }
0xaf: {  	[dreg:$0x3] =	wrdreg s2  }
0xb0: {  	[dreg:$0x4] =	wrdreg $0x9  }
0xb1: {  	_ =	task.clear_ibuf [dreg:s7], $0x5FFFF;
	_ =	strace $0x90000049  }
0xb2: {  	s29 =	simm.s32 $0x9;
	_ =	strace $0x8000004B  }
0xb3: {  	_ =	swait.ge [sflag:s29], $0x1  }
0xb4: {  	[sflag:s29] =	ssyncadd.s32 $0xFFFFFFFF  }
0xb5: {  	_ =	strace $0x9000004B  }
0xb6: {  	_ =	sfence  }
0xb7: {  	s30 =	sld [smem:$0x0];
	_ =	sdelay $0x2  }
0xb8: {  	s31 =	sshll.u32 s1, $0xD;
	s1 =	sshrl.u32 s1, $0x2  }
0xb9: {  	s3 =	sand.u32 $0x4000, s31;
	s1 =	sadd.s32 s1, s30  }
0xba: {  	s0 =	sor.u32 s3, s0;
	s1 =	sshll.u32 s1, $0x11  }
0xbb: {  	s0 =	sor.u32 s1, s0  }
0xbc: {  	s0 =	sadd.s32 $0x8F2B, s0  }
0xbd: {  	[sflag:s0] =	ssyncadd.remote.s32 $0x1  }
0xbe: {  	_ =	sfence.sel $0xFFFF  }
0xbf: {  	[dreg:$0x0] =	wrdreg $0xFFFFFFFF;
	(pc) =	sbr.abs _section_cstart, $3  }
0xc0: {  	[dreg:$0x1] =	wrdreg $0xFFFFFFFF  }
0xc1: {  	_ =	task.clear_ibuf [dreg:s7], $0x2FFFF;
	_ =	strace $0x9FFFFFFF  }
0xc2: {  	(tm) =	ssettm $0x7FFFFFFF  }
0xc3: {  	_ =	shalt  }
tec
execute0_lowered:
.L_overlay_start_1:
0x0: {  	(tag) =	ssettag $0x1  }
0x1: {  	v0 =	vimm.s32 $0x38F;
	vm14 =	vcmask $0x300  }
0x2: {  	vm13 =	vcmask $0x704;
	vm12 =	vcmask $0xB08;
	vm11 =	vcmask $0xF0C  }
0x3: {  	vm10 =	vcmask $0x1310;
	vm9 =	vcmask $0x1714;
	vm8 =	vcmask $0x1B18  }
0x4: {  	vm7 =	vcmask $0x1F1C;
	vm6 =	vcmask $0x2320;
	vm5 =	vcmask $0x2724  }
0x5: {  	v4 =	vlaneseq.u32;
	vm4 =	vcmask $0x2B28;
	vm3 =	vcmask $0x2F2C  }
0x6: {  	vm1 =	vcmask $0x3330;
	v1 =	vimm.s32 $0xF;
	v0 =	vsel vm14, $0x0, v0  }
0x7: {  	vm0 =	vcmask $0x3734;
	v2 =	vimm.s32 $0xFEDCBA9;
	v0 =	vsel vm13, $0x81, v0  }
0x8: {  	v3 =	vimm.s32 $0x87654321;
	vm2 =	vcmask $0x3B38;
	v0 =	vsel vm12, $0x102, v0  }
0x9: {  	v6 =	vimm.s32 $0x10765432;
	v9 =	vimm.s32 $0x43210765;
	v0 =	vsel vm11, $0x183, v0  }
0xa: {  	v20 =	vimm.s32 $0x6543210F;
	v21 =	vimm.s32 $0xEDCBA987;
	v0 =	vsel vm10, $0x204, v0  }
0xb: {  	v22 =	vimm.s32 $0x76543210;
	v23 =	vimm.s32 $0x65432107;
	v0 =	vsel vm9, $0x285, v0  }
0xc: {  	v10 =	vmul.u32 $0x28, v4;
	v1 =	vsel vm14, $0x80, v1;
	v0 =	vsel vm8, $0x306, v0  }
0xd: {  	v2 =	vunpack.c.l.s4.s8 v2;
	v3 =	vunpack.c.l.s4.s8 v3;
	v0 =	vsel vm7, $0x387, v0  }
0xe: {  	v9 =	vunpack.c.l.s4.s8 v9;
	v20 =	vunpack.c.l.s4.s8 v20;
	v0 =	vsel vm6, $0x8, v0  }
0xf: {  	v21 =	vunpack.c.l.s4.s8 v21;
	v1 =	vsel vm13, $0x101, v1;
	v0 =	vsel vm5, $0x89, v0  }
0x10: {  	v26 =	vunpack.c.0.s8.s32 v3;
	v3 =	vimm.s32 $0x7654321;
	v0 =	vsel vm4, $0x10A, v0  }
0x11: {  	v1 =	vsel vm12, $0x182, v1;
	v3 =	vunpack.c.l.s4.s8 v3;
	v0 =	vsel vm3, $0x18B, v0  }
0x12: {  	v25 =	vunpack.c.0.s8.s32 v2;
	v1 =	vsel vm11, $0x203, v1;
	v0 =	vsel vm1, $0x20C, v0  }
0x13: {  	v5 =	vunpack.c.0.s8.s32 v3;
	v3 =	vimm.s32 $0x10FEDCBA;
	v0 =	vsel vm0, $0x28D, v0  }
0x14: {  	v1 =	vsel vm10, $0x284, v1;
	v3 =	vunpack.c.l.s4.s8 v3;
	v0 =	vsel vm2, $0x30E, v0  }
0x15: {  	v2 =	vand.u32 $0x7, v4;
	[tilespmem:$0x1FED0] =	vst v0;
	v0 =	vsel vm9, $0x305, v1;
	v1 =	vcombine.low v26, v25  }
0x16: {  	v4 =	vimm.s32 $0x8F;
	v18 =	vunpack.c.0.s8.s32 v9;
	v27 =	vunpack.c.0.s8.s32 v3  }
0x17: {  	v0 =	vsel vm8, $0x386, v0;
	v12 =	vand.u32 $0xF, v1;
	v1 =	vsel vm14, $0x100, v4  }
0x18: {  	v0 =	vsel vm7, $0x7, v0;
	v4 =	vimm.s32 $0x98765432;
	v1 =	vsel vm13, $0x181, v1  }
0x19: {  	v0 =	vsel vm6, $0x88, v0;
	v4 =	vunpack.c.l.s4.s8 v4;
	v1 =	vsel vm12, $0x202, v1  }
0x1a: {  	v3 =	vimm.s32 $0x10F;
	v0 =	vsel vm5, $0x109, v0;
	v1 =	vsel vm11, $0x283, v1  }
0x1b: {  	v0 =	vsel vm4, $0x18A, v0;
	v28 =	vunpack.c.0.s8.s32 v4;
	v1 =	vsel vm10, $0x304, v1  }
0x1c: {  	v3 =	vsel vm14, $0x180, v3;
	v0 =	vsel vm3, $0x20B, v0;
	v1 =	vsel vm9, $0x385, v1  }
0x1d: {  	v0 =	vsel vm1, $0x28C, v0;
	v4 =	vcombine.low v28, v27;
	v1 =	vsel vm8, $0x6, v1  }
0x1e: {  	v3 =	vsel vm13, $0x201, v3;
	v0 =	vsel vm0, $0x30D, v0;
	v1 =	vsel vm7, $0x87, v1  }
0x1f: {  	v0 =	vsel vm2, $0x38E, v0;
	v13 =	vand.u32 $0xF, v4;
	v1 =	vsel vm6, $0x108, v1  }
0x20: {  	v4 =	vimm.s32 $0xA9876543;
	[tilespmem:$0x1FEE0] =	vst v0;
	v0 =	vsel vm5, $0x189, v1;
	v1 =	vsel vm12, $0x282, v3  }
0x21: {  	v4 =	vunpack.c.l.s4.s8 v4;
	v3 =	vimm.s32 $0x210FEDCB;
	v1 =	vsel vm11, $0x303, v1  }
0x22: {  	v0 =	vsel vm4, $0x20A, v0;
	v3 =	vunpack.c.l.s4.s8 v3;
	v1 =	vsel vm10, $0x384, v1  }
0x23: {  	v30 =	vunpack.c.0.s8.s32 v4;
	v0 =	vsel vm3, $0x28B, v0;
	v1 =	vsel vm9, $0x5, v1  }
0x24: {  	v29 =	vunpack.c.0.s8.s32 v3;
	v3 =	vunpack.c.l.s4.s8 v6;
	v1 =	vsel vm8, $0x86, v1  }
0x25: {  	v0 =	vsel vm1, $0x30C, v0;
	v6 =	vimm.s32 $0xBA987654;
	v1 =	vsel vm7, $0x107, v1  }
0x26: {  	v0 =	vsel vm0, $0x38D, v0;
	v6 =	vunpack.c.l.s4.s8 v6;
	v1 =	vsel vm6, $0x188, v1  }
0x27: {  	v4 =	vcombine.low v30, v29;
	v0 =	vsel vm2, $0xE, v0;
	v1 =	vsel vm5, $0x209, v1  }
0x28: {  	v8 =	vunpack.c.0.s8.s32 v3;
	[tilespmem:$0x1FEF0] =	vst v0;
	v0 =	vsel vm4, $0x28A, v1;
	v1 =	vimm.s32 $0x18F  }
0x29: {  	v15 =	vand.u32 $0xF, v4;
	v4 =	vimm.s32 $0x3210FEDC;
	v1 =	vsel vm14, $0x200, v1  }
0x2a: {  	v4 =	vunpack.c.l.s4.s8 v4;
	v0 =	vsel vm3, $0x30B, v0;
	v1 =	vsel vm13, $0x281, v1  }
0x2b: {  	v32 =	vunpack.c.0.s8.s32 v6;
	v0 =	vsel vm1, $0x38C, v0;
	v1 =	vsel vm12, $0x302, v1  }
0x2c: {  	v31 =	vunpack.c.0.s8.s32 v4;
	v0 =	vsel vm0, $0xD, v0;
	v1 =	vsel vm11, $0x383, v1  }
0x2d: {  	v3 =	vimm.s32 $0x21076543;
	v0 =	vsel vm2, $0x8E, v0;
	v1 =	vsel vm10, $0x4, v1  }
0x2e: {  	v6 =	vimm.s32 $0x28F;
	[tilespmem:$0x1FF00] =	vst v0;
	v0 =	vsel vm9, $0x85, v1;
	v1 =	vcombine.low v32, v31  }
0x2f: {  	v3 =	vunpack.c.l.s4.s8 v3;
	v6 =	vsel vm14, $0x300, v6;
	v4 =	vimm.s32 $0x20F  }
0x30: {  	v0 =	vsel vm8, $0x106, v0;
	v14 =	vand.u32 $0xF, v1;
	v1 =	vsel vm14, $0x280, v4  }
0x31: {  	v11 =	vunpack.c.0.s8.s32 v3;
	v0 =	vsel vm7, $0x187, v0;
	v1 =	vsel vm13, $0x301, v1  }
0x32: {  	v3 =	vimm.s32 $0x32107654;
	v0 =	vsel vm6, $0x208, v0;
	v1 =	vsel vm12, $0x382, v1  }
0x33: {  	v3 =	vunpack.c.l.s4.s8 v3;
	v0 =	vsel vm5, $0x289, v0;
	v1 =	vsel vm11, $0x3, v1  }
0x34: {  	v6 =	vsel vm13, $0x381, v6;
	v0 =	vsel vm4, $0x30A, v0;
	v1 =	vsel vm10, $0x84, v1  }
0x35: {  	v17 =	vunpack.c.0.s8.s32 v3;
	v0 =	vsel vm3, $0x38B, v0;
	v1 =	vsel vm9, $0x105, v1  }
0x36: {  	v3 =	vimm.s32 $0x43210FED;
	v0 =	vsel vm1, $0xC, v0;
	v1 =	vsel vm8, $0x186, v1  }
0x37: {  	v3 =	vunpack.c.l.s4.s8 v3;
	v0 =	vsel vm0, $0x8D, v0;
	v1 =	vsel vm7, $0x207, v1  }
0x38: {  	v4 =	vimm.s32 $0xCBA98765;
	v0 =	vsel vm2, $0x10E, v0;
	v1 =	vsel vm6, $0x288, v1  }
0x39: {  	v4 =	vunpack.c.l.s4.s8 v4;
	[tilespmem:$0x1FF10] =	vst v0;
	v0 =	vsel vm5, $0x309, v1;
	v1 =	vsel vm12, $0x2, v6  }
0x3a: {  	v9 =	vimm.s32 $0x54321076;
	v33 =	vunpack.c.0.s8.s32 v20;
	v1 =	vsel vm11, $0x83, v1  }
0x3b: {  	v3 =	vunpack.c.0.s8.s32 v3;
	v4 =	vunpack.c.0.s8.s32 v4;
	v1 =	vsel vm10, $0x104, v1  }
0x3c: {  	v34 =	vunpack.c.0.s8.s32 v21;
	v0 =	vsel vm4, $0x38A, v0;
	v1 =	vsel vm9, $0x185, v1  }
0x3d: {  	v7 =	vcombine.low v4, v3;
	v0 =	vsel vm3, $0xB, v0;
	v1 =	vsel vm8, $0x206, v1  }
0x3e: {  	v9 =	vunpack.c.l.s4.s8 v9;
	v0 =	vsel vm1, $0x8C, v0;
	v1 =	vsel vm7, $0x287, v1  }
0x3f: {  	v16 =	vand.u32 $0xF, v7;
	v0 =	vsel vm0, $0x10D, v0;
	v1 =	vsel vm6, $0x308, v1  }
0x40: {  	v7 =	vimm.s32 $0xDCBA9876;
	v0 =	vsel vm2, $0x18E, v0;
	v1 =	vsel vm5, $0x389, v1  }
0x41: {  	v7 =	vunpack.c.l.s4.s8 v7;
	[tilespmem:$0x1FF20] =	vst v0;
	v0 =	vsel vm4, $0xA, v1;
	v1 =	vimm.s32 $0x30F  }
0x42: {  	v20 =	vmovc v16;
	v16 =	vunpack.c.0.s8.s32 v9;
	v9 =	vimm.s32 $0xFEDCBA98;
	v1 =	vsel vm14, $0x380, v1  }
0x43: {  	v6 =	vimm.s32 $0x543210FE;
	v9 =	vunpack.c.l.s4.s8 v9;
	v1 =	vsel vm13, $0x1, v1  }
0x44: {  	v6 =	vunpack.c.l.s4.s8 v6;
	v0 =	vsel vm3, $0x8B, v0;
	v1 =	vsel vm12, $0x82, v1  }
0x45: {  	v7 =	vunpack.c.0.s8.s32 v7;
	v0 =	vsel vm1, $0x10C, v0;
	v1 =	vsel vm11, $0x103, v1  }
0x46: {  	v6 =	vunpack.c.0.s8.s32 v6;
	v0 =	vsel vm0, $0x18D, v0;
	v1 =	vsel vm10, $0x184, v1  }
0x47: {  	v35 =	vsel vm2, $0x20E, v0;
	v0 =	vsel vm9, $0x205, v1;
	v1 =	vcombine.low v34, v33  }
0x48: {  	s0 =	rddreg [dreg:$0x0];
	s3 =	simm.s32 $0x0;
	v24 =	vunpack.c.l.s4.s8 v22;
	v9 =	vunpack.c.0.s8.s32 v9;
	v0 =	vsel vm8, $0x286, v0  }
0x49: {  	[smem:$0x7FF] =	sst s3;
	v19 =	vcombine.low v7, v6;
	v0 =	vsel vm7, $0x307, v0;
	v1 =	vand.u32 $0xF, v1  }
0x4a: {  	s1 =	rddreg [dreg:$0x1];
	v23 =	vunpack.c.l.s4.s8 v23;
	_ =	strace $0x8000004A;
	v0 =	vsel vm6, $0x388, v0;
	[tilespmem:$0x1FF30] =	vst v1;
	v1 =	vunpack.c.0.s8.s32 v24  }
0x4b: {  	v9 =	vand.u32 $0xF, v9;
	v19 =	vand.u32 $0xF, v19;
	v0 =	vsel vm5, $0x9, v0  }
0x4c: {  	s2 =	srdreg.scid;
	s4 =	stileid.u32;
	s14 =	simm.s32 $0x5;
	[tilespmem:$0x1FFE0] =	vst v19;
	v0 =	vsel vm4, $0x8A, v0;
	v1 =	vcombine.low v9, v1  }
0x4d: {  	s15 =	simm.s32 $0x200;
	s16 =	simm.s32 $0x400;
	s17 =	simm.s32 $0x1;
	[tilespmem:$0x1FFC0] =	vst v35;
	v24 =	vmovc v16;
	v16 =	vunpack.c.0.s8.s32 v23;
	v9 =	vcombine.low v27, v28;
	v0 =	vsel vm3, $0x10B, v0  }
0x4e: {  	s18 =	simm.s32 $0x5400;
	s19 =	simm.s32 $0xA400;
	s21 =	simm.s32 $0xC400;
	v28 =	vcombine.low v29, v30;
	v0 =	vsel vm1, $0x18C, v0;
	[tilespmem:$0x1FF50] =	vst v1;
	v1 =	vcombine.low v25, v26  }
0x4f: {  	s22 =	simm.s32 $0xD400;
	s23 =	simm.s32 $0x2;
	s24 =	simm.s32 $0xE400;
	v3 =	vcombine.low v3, v4;
	[tilespmem:$0x1FF40] =	vst v16;
	v26 =	vand.u32 $0xF, v9;
	v0 =	vsel vm0, $0x20D, v0  }
0x50: {  	s25 =	simm.s32 $0xF400;
	s26 =	simm.s32 $0x10400;
	s28 =	simm.s32 $0x11400;
	v25 =	vmovc v12;
	[tilespmem:$0x1FFD0] =	vst v26;
	v12 =	vsel vm2, $0x28E, v0;
	v0 =	vcombine.low v31, v32;
	v32 =	vmovc v2;
	v2 =	vand.u32 $0xF, v1  }
0x51: {  	s30 =	simm.s32 $0x4;
	s2 =	sand.u32 $0x1, s2;
	s4 =	sshll.u32 s4, $0x1;
	v4 =	vcombine.low v33, v34;
	v1 =	vcombine.low v6, v7;
	v6 =	vand.u32 $0xF, v28;
	[tilespmem:$0x1FF60] =	vst v2  }
0x52: {  	s5 =	sadd.s32 $0x4C5600, s0;
	s6 =	ssub.s32 $0x2, s2;
	s2 =	sor.u32 s2, s4;
	v28 =	vmov v13;
	v13 =	vand.u32 $0xF, v3;
	[tilespmem:$0x1FF70] =	vst v6  }
0x53: {  	s9 =	sadd.s32 $0x1000, s1;
	s10 =	sadd.s32 $0x2000, s1;
	s8 =	smul.u32 $0xC80, s2;
	v3 =	vand.u32 $0xF, v4;
	[tilespmem:$0x1FF90] =	vst v13  }
0x54: {  	s11 =	sadd.s32 $0x3000, s1;
	s4 =	sadd.s32 $0xA00, s0;
	s7 =	sshrl.u32 s6, $0x1;
	[tilespmem:$0x1FFB0] =	vst v3  }
0x55: {  	s29 =	ssub.s32 s6, s7;
	s6 =	smul.u32 $0x6400, s2;
	s31 =	sadd.s32 s5, s8;
	[tilespmem:$0x1FFF0] =	vst v12;
	v9 =	vand.u32 $0xF, v0  }
0x56: {  	s7 =	smul.u32 $0xC8, s2;
	s0 =	smax.u32 s29, $0x1;
	[dreg:$0x3] =	wrdreg s31;
	v30 =	vmov v15;
	v15 =	vand.u32 $0xF, v1;
	[tilespmem:$0x1FF80] =	vst v9  }
0x57: {  	v21 =	vlaneseq.u32;
	v22 =	vmovc v10;
	s2 =	simm.s32 $0x0;
	s12 =	sadd.s32 $0x400, s6;
	[dreg:$0x4] =	wrdreg s0;
	v10 =	vmov v35;
	v23 =	vmov v18;
	[tilespmem:$0x1FFA0] =	vst v15  }
.LBB2_1:
0x58: {  	[dreg:$0x5] =	wrdreg s2  }
0x59: {  	s0 =	rddreg [dreg:$0x3]  }
0x5a: {  	[tilespmem:s3], [sflag:$0x5] =	stream.linear.gather [hbm4b:s0+s3], $0x200, $0x38;
	[tilespmem:$0x12400] =	vst v63  }
0x5b: {  	_ =	swait.ge [sflag:s14], $0x200  }
0x5c: {  	[sflag:s14] =	ssyncset.done $0x0  }
0x5d: {  	s0 =	simm.s32 $0x0;
	[sflag:s14] =	ssyncadd.s32 $0xFFFFFE00  }
0x5e: {  	[tilespmem:s16], [sflag:$0x1] =	stream.indirect.gather [hbm4b:s4+s15], $0x28, s3, s15, $0xb8;
	[tilespmem:$0x12400] =	vst v63  }
.LBB2_2:
0x5f: {  	s8 =	simm.s32 $0x0  }
0x60: {  	s2 =	simm.s32 $0x0;
	s29 =	sand.u32 $0x70, s8  }
0x61: {  	s13 =	sor.u32 s29, s2;
	s2 =	sshllo.u32 s0, $0x1  }
0x62: {  	s31 =	sshll.u32 s2, $0x9  }
0x63: {  	_ =	swait.ge [sflag:s17], $0x5000;
	s31 =	sadd.s32 s6, s31  }
0x64: {  	[sflag:s17] =	ssyncset.done $0x0;
	s31 =	sshrl.u32 s31, $0x3  }
0x65: {  	[sflag:s17] =	ssyncadd.s32 $0xFFFFB000;
	s31 =	sadd.s32 s5, s31  }
0x66: {  	v0 =	vmov s13;
	[tilespmem:s15], [sflag:$0x5] =	stream.linear.gather [hbm4b:s31+s3], $0x200, $0x38;
	[tilespmem:$0x12400] =	vst v63  }
0x67: {  	v0 =	vmul.u32 $0x28, v0;
	_ =	swait.ge [sflag:s14], $0x200  }
0x68: {  	s13 =	simm.s32 $0x0;
	v18 =	vld [tilespmem:$0x1FF40]  }
0x69: {  	s20 =	sand.u32 $0x10, s13;
	v0 =	vbroadcast v0, $0x0  }
0x6a: {  	v4 =	vor.u32 s20, v3  }
0x6b: {  	v7 =	vand.u32 $0x18, v4;
	v0 =	vadd.s32 v22, v0  }
0x6c: {  	v7 =	vadd.s32 v7, v0  }
0x6d: {  	v16 =	vld [tilespmem:$0x1FF30];
	v7 =	vor.u32 v18, v7  }
0x6e: {  	[tilespmem:$0x1FE90] =	vst v7;
	v7 =	vld [tilespmem:$0x1FF50]  }
0x6f: {  	v1 =	vor.u32 s20, v21;
	v29 =	vor.u32 s20, v25;
	v31 =	vor.u32 s20, v28  }
0x70: {  	v45 =	vor.u32 s20, v30;
	v38 =	vor.u32 s20, v14;
	v39 =	vor.u32 s20, v20;
	[sflag:s14] =	ssyncset.done $0x0  }
0x71: {  	p0 =	seq.s32 s0, $0x0;
	v3 =	vor.u32 s20, v19;
	v44 =	vor.u32 s20, v26;
	v46 =	vor.u32 s20, v6;
	[sflag:s14] =	ssyncadd.s32 $0xFFFFFE00  }
0x72: {  	v47 =	vor.u32 s20, v9;
	v48 =	vor.u32 s20, v13;
	v50 =	vor.u32 s20, v15;
	[tilespmem:s18], [sflag:$0x2] =	stream.indirect.gather [hbm4b:s4+s15], $0x28, s15, s15, $0xb8;
	[tilespmem:$0x12400] =	vst v63  }
0x73: {  	v42 =	vor.u32 s20, v16;
	v41 =	vor.u32 s20, v7;
	v7 =	vor.u32 s20, v2;
	s20 =	simm.s32 @!p0 $0x3  }
0x74: {  	_ =	swait.ge @!p0 [sflag:s20], $0x1000  }
0x75: {  	[sflag:s20] =	ssyncset.done @!p0 $0x0  }
0x76: {  	[sflag:s20] =	ssyncadd.s32 @!p0 $0xFFFFF000  }
0x77: {  	_ =	swait.ge @!p0 [sflag:s20], $0x1000  }
0x78: {  	v34 =	vand.u32 $0x18, v1;
	v1 =	vshll.u32 v1, $0x9;
	[sflag:s20] =	ssyncset.done @!p0 $0x0  }
0x79: {  	[tilespmem:$0x1FEA0] =	vst v1;
	[sflag:s20] =	ssyncadd.s32 @!p0 $0xFFFFF000  }
0x7a: {  	_ =	swait.ge @!p0 [sflag:s20], $0x1000  }
0x7b: {  	v54 =	vand.u32 $0x18, v44;
	[sflag:s20] =	ssyncset.done @!p0 $0x0  }
0x7c: {  	v54 =	vadd.s32 v54, v0;
	[sflag:s20] =	ssyncadd.s32 @!p0 $0xFFFFF000  }
0x7d: {  	v6 =	vor.u32 v8, v54;
	_ =	swait.ge @!p0 [sflag:s20], $0x1000  }
0x7e: {  	v35 =	vand.u32 $0x18, v29;
	[tilespmem:$0x1FEC0] =	vst v6;
	v6 =	vld [tilespmem:$0x1FE90]  }
0x7f: {  	v36 =	vand.u32 $0x18, v31;
	v4 =	vshll.u32 v4, $0x9;
	v37 =	vand.u32 $0x18, v45  }
0x80: {  	v40 =	vand.u32 $0x18, v38;
	v49 =	vand.u32 $0x18, v39;
	v55 =	vand.u32 $0x18, v46;
	s31 =	simm.s32 $0x0  }
0x81: {  	v56 =	vand.u32 $0x18, v47;
	v57 =	vand.u32 $0x18, v48;
	v58 =	vand.u32 $0x18, v50;
	s29 =	sor.u32 s29, s31  }
0x82: {  	v4 =	vand.u32 $0x3000, v4;
	v33 =	vor.u32 s29, v12;
	v34 =	vadd.s32 v34, v0  }
0x83: {  	v35 =	vadd.s32 v35, v0;
	v36 =	vadd.s32 v36, v0;
	v37 =	vadd.s32 v37, v0  }
0x84: {  	v40 =	vadd.s32 v40, v0;
	v49 =	vadd.s32 v49, v0;
	v55 =	vadd.s32 v55, v0;
	[sflag:s20] =	ssyncset.done @!p0 $0x0  }
0x85: {  	v56 =	vadd.s32 v56, v0;
	v57 =	vadd.s32 v57, v0;
	v27 =	vor.u32 v4, v33;
	[sflag:s20] =	ssyncadd.s32 @!p0 $0xFFFFF000  }
0x86: {  	v4 =	vand.u32 $0x18, v3;
	v59 =	vor.u32 v32, v34;
	v60 =	vor.u32 v5, v35;
	v6 =	vld.idx.msk [tilespmem:v6+s16+$0x0], $0xffff  }
0x87: {  	v4 =	vadd.s32 v4, v0;
	v51 =	vand.u32 $0x18, v42;
	v52 =	vand.u32 $0x18, v41  }
0x88: {  	v51 =	vadd.s32 v51, v0;
	v53 =	vand.u32 $0x18, v7;
	v52 =	vadd.s32 v52, v0  }
0x89: {  	v26 =	vmovc v7;
	v53 =	vadd.s32 v53, v0;
	v0 =	vadd.s32 v58, v0;
	v58 =	vor.u32 v8, v36  }
0x8a: {  	v35 =	vor.u32 v24, v0;
	v0 =	vshll.u32 v45, $0x9;
	v45 =	vshll.u32 v26, $0x9;
	v26 =	vld [tilespmem:$0x1FEA0]  }
0x8b: {  	v63 =	vor.u32 v23, v49;
	[tilespmem:$0x1FEB0] =	vst v6  }
0x8c: {  	v4 =	vor.u32 v24, v4;
	v36 =	vld.idx.msk [tilespmem:v59+s16+$0x0], $0xffff  }
0x8d: {  	v61 =	vor.u32 v11, v37;
	v37 =	vld.idx.msk [tilespmem:v60+s16+$0x0], $0xffff  }
0x8e: {  	v54 =	vshll.u32 v38, $0x9;
	v38 =	vld.idx.msk [tilespmem:v58+s16+$0x0], $0xffff  }
0x8f: {  	v60 =	vand.u32 $0x3000, v26;
	v26 =	vld [tilespmem:$0x1FED0]  }
0x90: {  	v58 =	vshll.u32 v46, $0x9;
	v46 =	vld.idx.msk [tilespmem:v63+s16+$0x0], $0xffff  }
0x91: {  	v59 =	vshll.u32 v47, $0x9;
	v47 =	vld.idx.msk [tilespmem:v4+s16+$0x0], $0xffff  }
0x92: {  	v63 =	vand.u32 $0x3000, v0;
	v0 =	vld [tilespmem:$0x1FF00]  }
0x93: {  	v62 =	vor.u32 v17, v40;
	v4 =	vld [tilespmem:$0x1FF20]  }
0x94: {  	v40 =	vor.u32 v17, v56;
	v34 =	vor.u32 v23, v57;
	v57 =	vshll.u32 v39, $0x9  }
0x95: {  	v3 =	vshll.u32 v3, $0x9;
	v56 =	vshll.u32 v48, $0x9;
	v48 =	vshll.u32 v50, $0x9  }
0x96: {  	v43 =	vor.u32 v5, v53;
	v53 =	vshll.u32 v31, $0x9;
	v1 =	vor.u32 v18, v51;
	v39 =	vld.idx.msk [tilespmem:v61+s16+$0x0], $0xffff  }
0x97: {  	v61 =	vand.u32 $0x3000, v53;
	v50 =	vor.u32 s29, v26;
	v26 =	vld [tilespmem:$0x1FEE0];
	v53 =	vor.u32 s29, v0  }
0x98: {  	v0 =	vand.u32 $0x3000, v54;
	v54 =	vor.u32 s29, v4;
	v4 =	vand.u32 $0x3000, v3;
	v3 =	vld [tilespmem:$0x1FEB0];
	_ =	sdelay $0x2  }
0x99: {  	v51 =	vshll.u32 v29, $0x9;
	v29 =	vshll.u32 v44, $0x9;
	v44 =	vld.idx.msk [tilespmem:v1+s16+$0x0], $0xffff  }
0x9a: {  	v1 =	vld [tilespmem:$0x1FF10]  }
0x9b: {  	v7 =	vor.u32 v32, v52;
	v52 =	vor.u32 s29, v26;
	v26 =	vld [tilespmem:$0x1FEF0];
	[tilespmem:v27+s19+$0x0] =	vst.idx.msk $0xffff, v3  }
0x9c: {  	v3 =	vld [tilespmem:$0x1FEC0];
	_ =	sdelay $0x3  }
0x9d: {  	v9 =	vshll.u32 v41, $0x9  }
0x9e: {  	v49 =	vor.u32 v11, v55;
	v9 =	vand.u32 $0x3000, v9;
	v6 =	vshll.u32 v42, $0x9;
	v41 =	vld.idx.msk [tilespmem:v62+s16+$0x0], $0xffff  }
0x9f: {  	v62 =	vand.u32 $0x3000, v51;
	v42 =	vld.idx.msk [tilespmem:v7+s16+$0x0], $0xffff;
	v7 =	vand.u32 $0x3000, v6;
	v6 =	vand.u32 $0x3000, v45  }
0xa0: {  	v31 =	vmovc v13;
	v43 =	vld.idx.msk [tilespmem:v43+s16+$0x0], $0xffff;
	v55 =	vor.u32 s29, v1;
	v1 =	vand.u32 $0x3000, v57;
	v57 =	vor.u32 s29, v10  }
0xa1: {  	v51 =	vor.u32 s29, v26;
	v26 =	vmovc v2;
	v2 =	vmovc v15;
	v45 =	vld.idx.msk [tilespmem:v3+s16+$0x0], $0xffff;
	v3 =	vand.u32 $0x3000, v29;
	v29 =	vmov v12  }
.LBB2_3:
0xa2: {  	v60 =	vor.u32 v60, v50  }
0xa3: {  	v62 =	vor.u32 v62, v52  }
0xa4: {  	v61 =	vor.u32 v61, v51  }
0xa5: {  	v58 =	vand.u32 $0x3000, v58;
	v63 =	vor.u32 v63, v53  }
0xa6: {  	s13 =	sadd.s32 $0x10, s13;
	v59 =	vand.u32 $0x3000, v59;
	v0 =	vor.u32 v0, v55;
	v1 =	vor.u32 v1, v54  }
0xa7: {  	v56 =	vand.u32 $0x3000, v56;
	s8 =	sadd.s32 $0x8, s8;
	v4 =	vor.u32 v4, v57;
	v7 =	vor.u32 v7, v33;
	v12 =	vld [tilespmem:$0x1FFB0];
	s29 =	sshrl.u32 s13, $0x8;
	[tilespmem:v60+s19+$0x0] =	vst.idx.msk $0xffff, v36  }
0xa8: {  	v10 =	vand.u32 $0x3000, v48;
	v9 =	vor.u32 v9, v50;
	v6 =	vor.u32 v6, v52;
	s31 =	sand.u32 $0x70, s8;
	s20 =	sshll.u32 s29, $0x7;
	[tilespmem:v62+s19+$0x0] =	vst.idx.msk $0xffff, v37  }
0xa9: {  	v48 =	vld.idx.msk [tilespmem:v35+s16+$0x0], $0xffff;
	v3 =	vor.u32 v3, v51;
	v35 =	vor.u32 v58, v53;
	s20 =	sor.u32 s31, s20;
	[tilespmem:v61+s19+$0x0] =	vst.idx.msk $0xffff, v38  }
0xaa: {  	v50 =	vor.u32 v59, v55;
	v51 =	vor.u32 v56, v54;
	v33 =	vmov s20;
	s20 =	sand.u32 $0x10, s13;
	[tilespmem:v63+s19+$0x0] =	vst.idx.msk $0xffff, v39  }
0xab: {  	v10 =	vor.u32 v10, v57;
	v33 =	vmul.u32 $0x28, v33;
	v36 =	vor.u32 s20, v21;
	[tilespmem:v0+s19+$0x0] =	vst.idx.msk $0xffff, v41  }
0xac: {  	v52 =	vor.u32 s20, v25;
	v53 =	vor.u32 s20, v12;
	v54 =	vor.u32 s20, v28;
	[tilespmem:v1+s19+$0x0] =	vst.idx.msk $0xffff, v46  }
0xad: {  	v49 =	vld.idx.msk [tilespmem:v49+s16+$0x0], $0xffff;
	v38 =	vor.u32 s20, v30;
	v55 =	vor.u32 s20, v14;
	v39 =	vor.u32 s20, v20;
	[tilespmem:v4+s19+$0x0] =	vst.idx.msk $0xffff, v47  }
0xae: {  	v40 =	vld.idx.msk [tilespmem:v40+s16+$0x0], $0xffff;
	v56 =	vor.u32 s20, v19;
	v0 =	vor.u32 s20, v16;
	v58 =	vor.u32 s20, v26;
	[tilespmem:v7+s19+$0x0] =	vst.idx.msk $0xffff, v44  }
0xaf: {  	v47 =	vor.u32 s20, v31;
	v60 =	vor.u32 s20, v2;
	[tilespmem:v9+s19+$0x0] =	vst.idx.msk $0xffff, v42;
	v62 =	vand.u32 $0x18, v53  }
0xb0: {  	v12 =	vld [tilespmem:$0x1FF50];
	[tilespmem:v6+s19+$0x0] =	vst.idx.msk $0xffff, v43;
	v4 =	vand.u32 $0x18, v36;
	v7 =	vand.u32 $0x18, v52;
	v44 =	vand.u32 $0x18, v54  }
0xb1: {  	v1 =	vld [tilespmem:$0x1FFD0];
	[tilespmem:v3+s19+$0x0] =	vst.idx.msk $0xffff, v45;
	v53 =	vshll.u32 v53, $0x9;
	v9 =	vand.u32 $0x18, v38;
	v6 =	vand.u32 $0x18, v55  }
0xb2: {  	v43 =	vand.u32 $0x18, v39;
	v3 =	vand.u32 $0x18, v56;
	v45 =	vand.u32 $0x18, v0;
	[tilespmem:v35+s19+$0x0] =	vst.idx.msk $0xffff, v49  }
0xb3: {  	v35 =	vand.u32 $0x18, v58;
	[tilespmem:v50+s19+$0x0] =	vst.idx.msk $0xffff, v40;
	v50 =	vand.u32 $0x18, v47;
	v33 =	vbroadcast v33, $0x0  }
0xb4: {  	v54 =	vshll.u32 v54, $0x9;
	v13 =	vshll.u32 v56, $0x9;
	v15 =	vshll.u32 v0, $0x9  }
0xb5: {  	v34 =	vld.idx.msk [tilespmem:v34+s16+$0x0], $0xffff;
	v56 =	vshll.u32 v47, $0x9;
	v53 =	vand.u32 $0x3000, v53;
	v37 =	vadd.s32 v22, v33  }
0xb6: {  	v0 =	vld [tilespmem:$0x1FED0];
	v33 =	vadd.s32 v62, v37;
	v41 =	vor.u32 s20, v12;
	v1 =	vor.u32 s20, v1  }
0xb7: {  	v62 =	vand.u32 $0x18, v60;
	v4 =	vadd.s32 v4, v37;
	v57 =	vor.u32 v18, v33  }
0xb8: {  	s29 =	sshll.u32 s29, $0xA;
	v12 =	vld [tilespmem:$0x1FF70];
	v7 =	vadd.s32 v7, v37;
	v63 =	vadd.s32 v44, v37;
	v3 =	vadd.s32 v3, v37  }
0xb9: {  	s29 =	sor.u32 s31, s29;
	v44 =	vshll.u32 v36, $0x9;
	v9 =	vadd.s32 v9, v37;
	v3 =	vor.u32 v24, v3  }
0xba: {  	v6 =	vadd.s32 v6, v37;
	v50 =	vadd.s32 v50, v37;
	v33 =	vor.u32 s29, v29  }
0xbb: {  	[tilespmem:v51+s19+$0x0] =	vst.idx.msk $0xffff, v34;
	v6 =	vor.u32 v17, v6;
	v34 =	vor.u32 v23, v50;
	v50 =	vor.u32 s29, v0;
	v0 =	vld [tilespmem:$0x1FEE0]  }
0xbc: {  	v36 =	vadd.s32 v43, v37;
	v4 =	vor.u32 v32, v4;
	v53 =	vor.u32 v53, v33;
	v42 =	vld.idx.msk [tilespmem:v57+s16+$0x0], $0xffff  }
0xbd: {  	v35 =	vadd.s32 v35, v37;
	v9 =	vor.u32 v11, v9;
	v46 =	vor.u32 s20, v12;
	v12 =	vld [tilespmem:$0x1FF80]  }
0xbe: {  	v49 =	vand.u32 $0x18, v1;
	v7 =	vor.u32 v5, v7;
	v63 =	vor.u32 v8, v63;
	v47 =	vld.idx.msk [tilespmem:v3+s16+$0x0], $0xffff  }
0xbf: {  	v16 =	vshll.u32 v41, $0x9;
	v57 =	vand.u32 $0x18, v41;
	v61 =	vand.u32 $0x18, v46;
	v3 =	vld [tilespmem:$0x1FF20]  }
0xc0: {  	v41 =	vld.idx.msk [tilespmem:v6+s16+$0x0], $0xffff;
	v43 =	vadd.s32 v57, v37;
	v57 =	vadd.s32 v49, v37;
	v61 =	vadd.s32 v61, v37  }
0xc1: {  	v49 =	vor.u32 v11, v61;
	[tilespmem:v53+s19+$0x0] =	vst.idx.msk $0xffff, v42;
	v53 =	vor.u32 v23, v36;
	v36 =	vld.idx.msk [tilespmem:v4+s16+$0x0], $0xffff  }
0xc2: {  	v42 =	vadd.s32 v45, v37;
	v45 =	vor.u32 v8, v57;
	v57 =	vshll.u32 v39, $0x9;
	v39 =	vld.idx.msk [tilespmem:v9+s16+$0x0], $0xffff  }
0xc3: {  	v59 =	vor.u32 s20, v12;
	v4 =	vshll.u32 v52, $0x9;
	v52 =	vor.u32 s29, v0;
	v0 =	vld [tilespmem:$0x1FEF0]  }
0xc4: {  	v61 =	vand.u32 $0x3000, v54;
	v40 =	vand.u32 $0x18, v59;
	v54 =	vor.u32 s29, v3;
	v3 =	vld [tilespmem:$0x1FFC0]  }
0xc5: {  	v9 =	vand.u32 $0x3000, v16;
	v16 =	vld [tilespmem:$0x1FF30];
	v40 =	vadd.s32 v40, v37;
	v37 =	vadd.s32 v62, v37  }
0xc6: {  	v12 =	vor.u32 v5, v35;
	v35 =	vor.u32 v24, v37;
	v37 =	vld.idx.msk [tilespmem:v7+s16+$0x0], $0xffff  }
0xc7: {  	v7 =	vshll.u32 v38, $0x9;
	v38 =	vld.idx.msk [tilespmem:v63+s16+$0x0], $0xffff  }
0xc8: {  	v27 =	vmovc v24;
	v42 =	vor.u32 v18, v42;
	v18 =	vshll.u32 v58, $0x9;
	v24 =	vmovc v19;
	v19 =	vshll.u32 v1, $0x9;
	v1 =	vld [tilespmem:$0x1FF10]  }
0xc9: {  	v43 =	vor.u32 v32, v43;
	v6 =	vand.u32 $0x3000, v18;
	v18 =	vld [tilespmem:$0x1FF40]  }
0xca: {  	p0 =	slt.u32 s13, $0x3F0;
	[tilespmem:v10+s19+$0x0] =	vst.idx.msk $0xffff, v48;
	v10 =	vshll.u32 v55, $0x9;
	v51 =	vor.u32 s29, v0;
	v0 =	vld [tilespmem:$0x1FF00]  }
.Ltmp0:
0xcb: {  	v48 =	vshll.u32 v60, $0x9;
	v60 =	vand.u32 $0x3000, v44;
	v58 =	vshll.u32 v46, $0x9;
	v46 =	vld.idx.msk [tilespmem:v53+s16+$0x0], $0xffff;
	(pc) =	sbr.rel @p0 .LBB2_3-.Ltmp0, $4  }
0xcc: {  	v59 =	vshll.u32 v59, $0x9;
	v62 =	vand.u32 $0x3000, v4;
	v4 =	vand.u32 $0x3000, v13;
	v45 =	vld.idx.msk [tilespmem:v45+s16+$0x0], $0xffff  }
0xcd: {  	v40 =	vor.u32 v17, v40;
	v63 =	vand.u32 $0x3000, v7;
	v7 =	vand.u32 $0x3000, v15;
	v44 =	vld.idx.msk [tilespmem:v42+s16+$0x0], $0xffff  }
0xce: {  	v42 =	vld.idx.msk [tilespmem:v43+s16+$0x0], $0xffff;
	v55 =	vor.u32 s29, v1;
	v1 =	vand.u32 $0x3000, v57;
	v57 =	vor.u32 s29, v3  }
0xcf: {  	v43 =	vld.idx.msk [tilespmem:v12+s16+$0x0], $0xffff;
	v3 =	vand.u32 $0x3000, v19;
	v19 =	vmovc v24;
	v24 =	vmovc v27;
	v53 =	vor.u32 s29, v0;
	v0 =	vand.u32 $0x3000, v10  }
0xd0: {  	v10 =	vor.u32 v60, v50  }
0xd1: {  	v12 =	vor.u32 v62, v52  }
0xd2: {  	v13 =	vor.u32 v61, v51  }
0xd3: {  	v15 =	vor.u32 v63, v53  }
0xd4: {  	v0 =	vor.u32 v0, v55  }
0xd5: {  	v31 =	vld [tilespmem:$0x1FFD0];
	v1 =	vor.u32 v1, v54;
	[tilespmem:v10+s19+$0x0] =	vst.idx.msk $0xffff, v36  }
0xd6: {  	v4 =	vor.u32 v4, v57;
	[tilespmem:v12+s19+$0x0] =	vst.idx.msk $0xffff, v37  }
0xd7: {  	v7 =	vor.u32 v7, v33;
	[tilespmem:v13+s19+$0x0] =	vst.idx.msk $0xffff, v38  }
0xd8: {  	v9 =	vor.u32 v9, v50;
	[tilespmem:v15+s19+$0x0] =	vst.idx.msk $0xffff, v39  }
0xd9: {  	v6 =	vor.u32 v6, v52;
	[tilespmem:v0+s19+$0x0] =	vst.idx.msk $0xffff, v41  }
0xda: {  	v3 =	vor.u32 v3, v51;
	v0 =	vand.u32 $0x3000, v58;
	[tilespmem:v1+s19+$0x0] =	vst.idx.msk $0xffff, v46  }
0xdb: {  	v1 =	vld.idx.msk [tilespmem:v49+s16+$0x0], $0xffff;
	v10 =	vand.u32 $0x3000, v59;
	[tilespmem:v4+s19+$0x0] =	vst.idx.msk $0xffff, v47;
	v0 =	vor.u32 v0, v53  }
0xdc: {  	v4 =	vand.u32 $0x3000, v56;
	v12 =	vld.idx.msk [tilespmem:v40+s16+$0x0], $0xffff;
	[tilespmem:v7+s19+$0x0] =	vst.idx.msk $0xffff, v44;
	v10 =	vor.u32 v10, v55  }
0xdd: {  	v7 =	vand.u32 $0x3000, v48;
	v13 =	vld.idx.msk [tilespmem:v34+s16+$0x0], $0xffff;
	[tilespmem:v9+s19+$0x0] =	vst.idx.msk $0xffff, v42;
	v4 =	vor.u32 v4, v54  }
0xde: {  	s8 =	sshll.u32 s0, $0x3;
	v9 =	vld.idx.msk [tilespmem:v35+s16+$0x0], $0xffff;
	[tilespmem:v6+s19+$0x0] =	vst.idx.msk $0xffff, v43;
	v7 =	vor.u32 v7, v57  }
0xdf: {  	s8 =	sadd.s32 s7, s8;
	[tilespmem:v3+s19+$0x0] =	vst.idx.msk $0xffff, v45  }
0xe0: {  	s13 =	sshll.u32 s8, $0x7;
	s8 =	sshll.u32 s8, $0x9;
	[tilespmem:v0+s19+$0x0] =	vst.idx.msk $0xffff, v1  }
0xe1: {  	s13 =	sand.u32 $0xC00, s13;
	s8 =	sand.u32 $0xFFFC000, s8;
	[tilespmem:v10+s19+$0x0] =	vst.idx.msk $0xffff, v12  }
0xe2: {  	s8 =	sor.u32 s13, s8;
	[tilespmem:v4+s19+$0x0] =	vst.idx.msk $0xffff, v13  }
0xe3: {  	s13 =	sadd.s32 s1, s8;
	[tilespmem:v7+s19+$0x0] =	vst.idx.msk $0xffff, v9  }
0xe4: {  	[hbm4b:s13+s3] =	stream.linear.scatter [tilespmem:s19], [sflag:$0x3], $0x1000, $0x38;
	[tilespmem:$0x12400] =	vst v63  }
0xe5: {  	s20 =	simm.s32 $0xB400;
	s31 =	sadd.s32 s8, s9  }
0xe6: {  	[hbm4b:s31+s3] =	stream.linear.scatter [tilespmem:s20], [sflag:$0x3], $0x1000, $0x38;
	[tilespmem:$0x12400] =	vst v63  }
0xe7: {  	s20 =	sadd.s32 s8, s10  }
0xe8: {  	[hbm4b:s20+s3] =	stream.linear.scatter [tilespmem:s21], [sflag:$0x3], $0x1000, $0x38;
	[tilespmem:$0x12400] =	vst v63  }
0xe9: {  	p0 =	seq.s32 s0, $0x18;
	s8 =	sadd.s32 s8, s11  }
0xea: {  	[hbm4b:s8+s3] =	stream.linear.scatter [tilespmem:s22], [sflag:$0x3], $0x1000, $0x38;
	[tilespmem:$0x12400] =	vst v63  }
0xeb: {  	s8 =	sshll.u32 @!p0 s0, $0xA  }
0xec: {  	_ =	swait.ge [sflag:s23], $0x5000;
	s8 =	sadd.s32 @!p0 s8, s12  }
0xed: {  	[sflag:s23] =	ssyncset.done $0x0;
	s8 =	sshrl.u32 @!p0 s8, $0x3  }
0xee: {  	s13 =	simm.s32 @!p0 $0x0;
	[sflag:s23] =	ssyncadd.s32 $0xFFFFB000;
	s8 =	sadd.s32 @!p0 s5, s8  }
0xef: {  	[tilespmem:s13], [sflag:$0x5] =	stream.linear.gather @!p0 [hbm4b:s8+s13], $0x200, $0x38;
	[tilespmem:$0x12400] =	vst v63  }
0xf0: {  	s8 =	simm.s32 @!p0 $0x5  }
0xf1: {  	_ =	swait.ge @!p0 [sflag:s8], $0x200  }
0xf2: {  	p1 =	seq.s32 @!p0 s0, $0x0;
	[sflag:s8] =	ssyncset.done @!p0 $0x0  }
0xf3: {  	s20 =	simm.s32 @!p0 $0x400;
	[sflag:s8] =	ssyncadd.s32 @!p0 $0xFFFFFE00;
	s8 =	simm.s32 @!p0 $0x200  }
0xf4: {  	[tilespmem:s20], [sflag:$0x1] =	stream.indirect.gather @!p0 [hbm4b:s4+s8], $0x28, s13, s8, $0xb8;
	[tilespmem:$0x12400] =	vst v63  }
0xf5: {  	p0 =	por p0, !p1  }
0xf6: {  	_ =	swait.ge @p0 [sflag:s30], $0x1000  }
0xf7: {  	[sflag:s30] =	ssyncset.done @p0 $0x0  }
0xf8: {  	[sflag:s30] =	ssyncadd.s32 @p0 $0xFFFFF000  }
0xf9: {  	_ =	swait.ge @p0 [sflag:s30], $0x1000  }
0xfa: {  	[sflag:s30] =	ssyncset.done @p0 $0x0  }
0xfb: {  	[sflag:s30] =	ssyncadd.s32 @p0 $0xFFFFF000  }
0xfc: {  	_ =	swait.ge @p0 [sflag:s30], $0x1000  }
0xfd: {  	[sflag:s30] =	ssyncset.done @p0 $0x0  }
0xfe: {  	s8 =	simm.s32 $0x0;
	[sflag:s30] =	ssyncadd.s32 @p0 $0xFFFFF000  }
0xff: {  	s29 =	simm.s32 $0x0;
	s20 =	sand.u32 $0x70, s8;
	_ =	swait.ge @p0 [sflag:s30], $0x1000  }
0x100: {  	s13 =	sor.u32 s20, s29;
	v2 =	vld [tilespmem:$0x1FFB0]  }
0x101: {  	v0 =	vmov s13  }
0x102: {  	v0 =	vmul.u32 $0x28, v0  }
0x103: {  	s13 =	simm.s32 $0x0  }
0x104: {  	s29 =	sand.u32 $0x10, s13;
	v0 =	vbroadcast v0, $0x0  }
0x105: {  	v4 =	vor.u32 s29, v2  }
0x106: {  	v0 =	vadd.s32 v22, v0;
	v7 =	vand.u32 $0x18, v4  }
0x107: {  	v2 =	vld [tilespmem:$0x1FF50];
	v7 =	vadd.s32 v7, v0  }
0x108: {  	v58 =	vor.u32 v18, v7;
	v7 =	vld [tilespmem:$0x1FF60];
	_ =	sdelay $0x4  }
0x109: {  	v15 =	vor.u32 s29, v16;
	v16 =	vor.u32 s29, v2;
	v2 =	vmovc v18;
	v18 =	vor.u32 s29, v7;
	v7 =	vld [tilespmem:$0x1FF70];
	_ =	sdelay $0x1  }
0x10a: {  	s31 =	simm.s32 $0x0  }
0x10b: {  	s31 =	sor.u32 s20, s31;
	v13 =	vor.u32 s29, v19;
	v19 =	vor.u32 s29, v31;
	v61 =	vand.u32 $0x18, v18  }
0x10c: {  	v33 =	vor.u32 s31, v29;
	v62 =	vand.u32 $0x18, v19;
	v47 =	vadd.s32 v61, v0  }
0x10d: {  	v48 =	vadd.s32 v62, v0;
	v29 =	vor.u32 v5, v47;
	v41 =	vor.u32 s29, v7;
	v7 =	vld [tilespmem:$0x1FF80]  }
0x10e: {  	v3 =	vor.u32 s29, v25;
	[sflag:s30] =	ssyncset.done @p0 $0x0;
	[tilespmem:$0x1FE60] =	vst v29;
	v29 =	vor.u32 v8, v48  }
0x10f: {  	v35 =	vand.u32 $0x18, v3;
	[sflag:s30] =	ssyncadd.s32 @p0 $0xFFFFF000;
	[tilespmem:$0x1FE80] =	vst v29  }
0x110: {  	v35 =	vadd.s32 v35, v0;
	v60 =	vand.u32 $0x18, v16;
	v29 =	vld.idx.msk [tilespmem:v58+s18+$0x0], $0xffff  }
0x111: {  	v46 =	vadd.s32 v60, v0;
	v60 =	vor.u32 v5, v35  }
0x112: {  	v42 =	vor.u32 s29, v7;
	v7 =	vld [tilespmem:$0x1FF90]  }
0x113: {  	v9 =	vor.u32 s29, v30  }
0x114: {  	v37 =	vand.u32 $0x18, v9  }
0x115: {  	v37 =	vadd.s32 v37, v0;
	[tilespmem:$0x1FE70] =	vst v29  }
0x116: {  	v1 =	vor.u32 s29, v21;
	v62 =	vor.u32 v11, v37;
	v37 =	vld.idx.msk [tilespmem:v60+s18+$0x0], $0xffff  }
0x117: {  	v34 =	vand.u32 $0x18, v1;
	v1 =	vshll.u32 v1, $0x9;
	v26 =	vor.u32 s29, v7;
	v7 =	vld [tilespmem:$0x1FFA0]  }
0x118: {  	v60 =	vand.u32 $0x3000, v1;
	v1 =	vld [tilespmem:$0x1FED0];
	_ =	sdelay $0x2  }
0x119: {  	v40 =	vand.u32 $0x18, v15;
	v56 =	vand.u32 $0x18, v42  }
0x11a: {  	v40 =	vadd.s32 v40, v0;
	v50 =	vadd.s32 v56, v0;
	v44 =	vor.u32 s29, v7  }
0x11b: {  	v7 =	vor.u32 v2, v40;
	v40 =	vor.u32 v17, v50;
	v50 =	vor.u32 s31, v1;
	v1 =	vld [tilespmem:$0x1FEE0];
	_ =	sdelay $0x4  }
0x11c: {  	v12 =	vor.u32 s29, v20;
	v52 =	vor.u32 s31, v1;
	v1 =	vld [tilespmem:$0x1FEF0]  }
0x11d: {  	v39 =	vand.u32 $0x18, v12  }
0x11e: {  	v39 =	vadd.s32 v39, v0;
	v57 =	vand.u32 $0x18, v26  }
0x11f: {  	v3 =	vshll.u32 v3, $0x9;
	v51 =	vadd.s32 v57, v0;
	v57 =	vor.u32 v23, v39;
	v39 =	vld.idx.msk [tilespmem:v62+s18+$0x0], $0xffff  }
0x120: {  	v34 =	vadd.s32 v34, v0;
	v62 =	vand.u32 $0x3000, v3;
	v3 =	vld [tilespmem:$0x1FF20]  }
0x121: {  	v53 =	vor.u32 v32, v34;
	v34 =	vor.u32 v23, v51;
	v51 =	vor.u32 s31, v1;
	v1 =	vld [tilespmem:$0x1FF10];
	_ =	sdelay $0x3  }
0x122: {  	v54 =	vshll.u32 v12, $0x9  }
0x123: {  	v55 =	vor.u32 s31, v1;
	v1 =	vand.u32 $0x3000, v54;
	v54 =	vor.u32 s31, v3;
	v3 =	vld [tilespmem:$0x1FFC0];
	_ =	sdelay $0x2  }
0x124: {  	v4 =	vshll.u32 v4, $0x9  }
0x125: {  	v4 =	vand.u32 $0x3000, v4;
	v45 =	vor.u32 v32, v46;
	v46 =	vld.idx.msk [tilespmem:v57+s18+$0x0], $0xffff  }
0x126: {  	v31 =	vor.u32 v4, v33;
	v4 =	vand.u32 $0x18, v13;
	v57 =	vor.u32 s31, v3;
	v3 =	vld [tilespmem:$0x1FE60]  }
0x127: {  	v4 =	vadd.s32 v4, v0  }
0x128: {  	v4 =	vor.u32 v24, v4;
	_ =	sdelay $0x4  }
0x129: {  	v43 =	vshll.u32 v13, $0x9;
	v47 =	vld.idx.msk [tilespmem:v4+s18+$0x0], $0xffff  }
0x12a: {  	v4 =	vand.u32 $0x3000, v43;
	v43 =	vld.idx.msk [tilespmem:v3+s18+$0x0], $0xffff  }
0x12b: {  	v3 =	vld [tilespmem:$0x1FE70]  }
0x12c: {  	v6 =	vor.u32 s29, v28  }
0x12d: {  	v36 =	vand.u32 $0x18, v6  }
0x12e: {  	v10 =	vor.u32 s29, v14;
	v36 =	vadd.s32 v36, v0  }
0x12f: {  	v38 =	vand.u32 $0x18, v10;
	v61 =	vor.u32 v8, v36  }
0x130: {  	v38 =	vadd.s32 v38, v0;
	v63 =	vand.u32 $0x18, v41;
	v29 =	vld [tilespmem:$0x1FF00];
	[tilespmem:v31+s24+$0x0] =	vst.idx.msk $0xffff, v3  }
0x131: {  	v49 =	vadd.s32 v63, v0;
	v63 =	vor.u32 v17, v38;
	v3 =	vld [tilespmem:$0x1FE80]  }
0x132: {  	v6 =	vshll.u32 v6, $0x9;
	v13 =	vshll.u32 v15, $0x9  }
0x133: {  	v15 =	vshll.u32 v16, $0x9;
	v16 =	vshll.u32 v18, $0x9;
	v18 =	vshll.u32 v19, $0x9  }
0x134: {  	v58 =	vshll.u32 v41, $0x9;
	v49 =	vor.u32 v11, v49;
	v38 =	vld.idx.msk [tilespmem:v61+s18+$0x0], $0xffff;
	v61 =	vand.u32 $0x3000, v6  }
0x135: {  	v36 =	vld.idx.msk [tilespmem:v53+s18+$0x0], $0xffff;
	v6 =	vand.u32 $0x3000, v16;
	v56 =	vshll.u32 v26, $0x9;
	v59 =	vand.u32 $0x18, v44  }
0x136: {  	v41 =	vld.idx.msk [tilespmem:v63+s18+$0x0], $0xffff;
	v53 =	vor.u32 s31, v29;
	v0 =	vadd.s32 v59, v0;
	v59 =	vshll.u32 v42, $0x9  }
0x137: {  	v42 =	vld.idx.msk [tilespmem:v45+s18+$0x0], $0xffff;
	v35 =	vor.u32 v24, v0;
	v0 =	vshll.u32 v9, $0x9;
	v9 =	vshll.u32 v10, $0x9  }
0x138: {  	v48 =	vshll.u32 v44, $0x9;
	v63 =	vand.u32 $0x3000, v0;
	v0 =	vand.u32 $0x3000, v9;
	v44 =	vld.idx.msk [tilespmem:v7+s18+$0x0], $0xffff  }
0x139: {  	v9 =	vand.u32 $0x3000, v15;
	v7 =	vand.u32 $0x3000, v13;
	v45 =	vld.idx.msk [tilespmem:v3+s18+$0x0], $0xffff;
	v3 =	vand.u32 $0x3000, v18  }
.LBB2_5:
0x13a: {  	s13 =	sadd.s32 $0x10, s13;
	v16 =	vor.u32 v60, v50  }
0x13b: {  	s8 =	sadd.s32 $0x8, s8;
	s29 =	sshrl.u32 s13, $0x8  }
0x13c: {  	s31 =	sand.u32 $0x70, s8;
	s20 =	sshll.u32 s29, $0x7  }
0x13d: {  	s20 =	sor.u32 s31, s20  }
0x13e: {  	v18 =	vor.u32 v62, v52;
	v62 =	vor.u32 v63, v53;
	v63 =	vmov s20;
	s20 =	sand.u32 $0x10, s13  }
0x13f: {  	[tilespmem:v16+s24+$0x0] =	vst.idx.msk $0xffff, v36;
	v16 =	vor.u32 s20, v21;
	v21 =	vld [tilespmem:$0x1FFB0];
	_ =	sdelay $0x3  }
0x140: {  	v60 =	vand.u32 $0x3000, v48;
	v4 =	vor.u32 v4, v57  }
0x141: {  	v9 =	vor.u32 v9, v50;
	v50 =	vor.u32 v60, v57;
	v57 =	vor.u32 s20, v21;
	v21 =	vld [tilespmem:$0x1FFE0];
	_ =	sdelay $0x4  }
0x142: {  	v0 =	vor.u32 v0, v55;
	v6 =	vor.u32 v6, v52;
	v52 =	vor.u32 s20, v21;
	v21 =	vld [tilespmem:$0x1FF50];
	_ =	sdelay $0x4  }
0x143: {  	[tilespmem:v0+s24+$0x0] =	vst.idx.msk $0xffff, v41;
	v41 =	vor.u32 s20, v21;
	v21 =	vld [tilespmem:$0x1FF60];
	_ =	sdelay $0x3  }
0x144: {  	v12 =	vand.u32 $0x3000, v58;
	v61 =	vor.u32 v61, v51  }
0x145: {  	v1 =	vor.u32 v1, v54;
	v12 =	vor.u32 v12, v53;
	v53 =	vor.u32 s20, v21;
	v21 =	vld [tilespmem:$0x1FF70];
	_ =	sdelay $0x2  }
0x146: {  	v34 =	vld.idx.msk [tilespmem:v34+s18+$0x0], $0xffff;
	v7 =	vor.u32 v7, v33;
	[tilespmem:v18+s24+$0x0] =	vst.idx.msk $0xffff, v37  }
0x147: {  	v13 =	vand.u32 $0x3000, v59;
	v15 =	vand.u32 $0x3000, v56;
	v48 =	vld.idx.msk [tilespmem:v35+s18+$0x0], $0xffff;
	[tilespmem:v61+s24+$0x0] =	vst.idx.msk $0xffff, v38  }
0x148: {  	v3 =	vor.u32 v3, v51;
	v13 =	vor.u32 v13, v55;
	[tilespmem:v1+s24+$0x0] =	vst.idx.msk $0xffff, v46;
	v46 =	vor.u32 s20, v21;
	v21 =	vld [tilespmem:$0x1FF80]  }
0x149: {  	v15 =	vor.u32 v15, v54;
	v33 =	vmul.u32 $0x28, v63;
	v35 =	vor.u32 s20, v25;
	[tilespmem:v62+s24+$0x0] =	vst.idx.msk $0xffff, v39;
	v0 =	vld [tilespmem:$0x1FF30]  }
0x14a: {  	v37 =	vor.u32 s20, v28;
	v38 =	vor.u32 s20, v30;
	v51 =	vor.u32 s20, v14;
	v1 =	vld [tilespmem:$0x1FFD0];
	[tilespmem:v4+s24+$0x0] =	vst.idx.msk $0xffff, v47  }
0x14b: {  	v39 =	vor.u32 s20, v20;
	[tilespmem:v7+s24+$0x0] =	vst.idx.msk $0xffff, v44;
	v4 =	vand.u32 $0x18, v16;
	v7 =	vand.u32 $0x18, v35  }
0x14c: {  	v10 =	vld.idx.msk [tilespmem:v49+s18+$0x0], $0xffff;
	[tilespmem:v9+s24+$0x0] =	vst.idx.msk $0xffff, v42;
	v44 =	vand.u32 $0x18, v37;
	v9 =	vand.u32 $0x18, v38;
	v33 =	vbroadcast v33, $0x0  }
0x14d: {  	[tilespmem:v6+s24+$0x0] =	vst.idx.msk $0xffff, v43;
	v6 =	vand.u32 $0x18, v51;
	v60 =	vand.u32 $0x18, v39;
	v54 =	vor.u32 s20, v21;
	v21 =	vld [tilespmem:$0x1FF90]  }
0x14e: {  	v16 =	vshll.u32 v16, $0x9;
	v18 =	vadd.s32 v22, v33;
	v0 =	vor.u32 s20, v0  }
0x14f: {  	[tilespmem:v15+s24+$0x0] =	vst.idx.msk $0xffff, v34;
	v1 =	vor.u32 s20, v1;
	v4 =	vadd.s32 v4, v18;
	v7 =	vadd.s32 v7, v18  }
0x150: {  	v15 =	vadd.s32 v44, v18;
	v9 =	vadd.s32 v9, v18;
	v6 =	vadd.s32 v6, v18  }
0x151: {  	v19 =	vld.idx.msk [tilespmem:v40+s18+$0x0], $0xffff;
	v60 =	vadd.s32 v60, v18;
	v58 =	vand.u32 $0x18, v57;
	v36 =	vshll.u32 v57, $0x9  }
0x152: {  	[tilespmem:v12+s24+$0x0] =	vst.idx.msk $0xffff, v10;
	v61 =	vand.u32 $0x18, v0;
	v12 =	vand.u32 $0x18, v1;
	v47 =	vor.u32 s20, v21;
	v21 =	vld [tilespmem:$0x1FFA0]  }
0x153: {  	[tilespmem:v3+s24+$0x0] =	vst.idx.msk $0xffff, v45;
	v4 =	vor.u32 v32, v4;
	v7 =	vor.u32 v5, v7;
	v3 =	vand.u32 $0x18, v52  }
0x154: {  	v9 =	vor.u32 v11, v9;
	v33 =	vadd.s32 v58, v18;
	v3 =	vadd.s32 v3, v18  }
0x155: {  	v61 =	vadd.s32 v61, v18;
	v3 =	vor.u32 v24, v3;
	v62 =	vand.u32 $0x18, v41  }
0x156: {  	v12 =	vadd.s32 v12, v18;
	v59 =	vor.u32 v2, v33;
	v62 =	vadd.s32 v62, v18  }
0x157: {  	v10 =	vand.u32 $0x18, v53;
	v63 =	vand.u32 $0x18, v46;
	v55 =	vor.u32 s20, v21;
	v21 =	vld [tilespmem:$0x1FFF0]  }
0x158: {  	[tilespmem:v13+s24+$0x0] =	vst.idx.msk $0xffff, v19;
	v10 =	vadd.s32 v10, v18;
	v63 =	vadd.s32 v63, v18;
	v13 =	vand.u32 $0x18, v54  }
0x159: {  	v13 =	vadd.s32 v13, v18;
	v19 =	vand.u32 $0x18, v47;
	v56 =	vand.u32 $0x18, v55  }
0x15a: {  	s29 =	sshll.u32 s29, $0xA;
	v19 =	vadd.s32 v19, v18;
	v18 =	vadd.s32 v56, v18;
	v56 =	vshll.u32 v47, $0x9;
	v47 =	vld.idx.msk [tilespmem:v3+s18+$0x0], $0xffff  }
0x15b: {  	s29 =	sor.u32 s31, s29;
	v15 =	vor.u32 v8, v15;
	v6 =	vor.u32 v17, v6;
	v43 =	vor.u32 v23, v60;
	v3 =	vld [tilespmem:$0x1FF20]  }
0x15c: {  	v36 =	vand.u32 $0x3000, v36;
	v33 =	vor.u32 s29, v21;
	v21 =	vshll.u32 v0, $0x9;
	v0 =	vld [tilespmem:$0x1FED0]  }
0x15d: {  	v60 =	vand.u32 $0x3000, v16;
	v44 =	vor.u32 v2, v61;
	v40 =	vld.idx.msk [tilespmem:v59+s18+$0x0], $0xffff;
	v36 =	vor.u32 v36, v33  }
0x15e: {  	v26 =	vmovc v22;
	v12 =	vor.u32 v8, v12;
	v22 =	vshll.u32 v41, $0x9;
	v45 =	vor.u32 v32, v62  }
0x15f: {  	v10 =	vor.u32 v5, v10;
	v34 =	vor.u32 v23, v19;
	v19 =	vshll.u32 v39, $0x9;
	v39 =	vld.idx.msk [tilespmem:v9+s18+$0x0], $0xffff  }
0x160: {  	v58 =	vshll.u32 v46, $0x9;
	v59 =	vshll.u32 v54, $0x9;
	v54 =	vor.u32 s29, v3;
	v3 =	vld [tilespmem:$0x1FFC0]  }
0x161: {  	[tilespmem:v50+s24+$0x0] =	vst.idx.msk $0xffff, v48;
	v49 =	vor.u32 v11, v63;
	v9 =	vand.u32 $0x3000, v22;
	v50 =	vor.u32 s29, v0;
	v0 =	vld [tilespmem:$0x1FEE0]  }
0x162: {  	v48 =	vshll.u32 v55, $0x9;
	[tilespmem:v36+s24+$0x0] =	vst.idx.msk $0xffff, v40;
	v40 =	vor.u32 v17, v13;
	v36 =	vld.idx.msk [tilespmem:v4+s18+$0x0], $0xffff;
	v4 =	vshll.u32 v35, $0x9  }
0x163: {  	v31 =	vmovc v23;
	v23 =	vmovc v20;
	v13 =	vshll.u32 v37, $0x9;
	v35 =	vor.u32 v24, v18;
	v37 =	vld.idx.msk [tilespmem:v7+s18+$0x0], $0xffff;
	v7 =	vshll.u32 v38, $0x9  }
0x164: {  	v20 =	vmovc v17;
	v18 =	vshll.u32 v51, $0x9;
	v38 =	vld.idx.msk [tilespmem:v15+s18+$0x0], $0xffff;
	v15 =	vshll.u32 v52, $0x9;
	v24 =	vshll.u32 v53, $0x9;
	v17 =	vmovc v14  }
0x165: {  	v44 =	vld.idx.msk [tilespmem:v44+s18+$0x0], $0xffff;
	v14 =	vmovc v11;
	v11 =	vmovc v8;
	v8 =	vmov v5;
	v5 =	vmov v32;
	v32 =	vmov v30  }
0x166: {  	v30 =	vmovc v28;
	v28 =	vmovc v25;
	v25 =	vshll.u32 v1, $0x9;
	v53 =	vor.u32 s29, v29;
	v1 =	vld [tilespmem:$0x1FF10];
	v62 =	vand.u32 $0x3000, v4  }
0x167: {  	p0 =	slt.u32 s13, $0x3F0;
	v61 =	vand.u32 $0x3000, v13;
	v63 =	vand.u32 $0x3000, v7;
	v52 =	vor.u32 s29, v0;
	v0 =	vld [tilespmem:$0x1FEF0]  }
.Ltmp1:
0x168: {  	v41 =	vld.idx.msk [tilespmem:v6+s18+$0x0], $0xffff;
	v4 =	vand.u32 $0x3000, v15;
	v57 =	vor.u32 s29, v3;
	v7 =	vand.u32 $0x3000, v21;
	(pc) =	sbr.rel @p0 .LBB2_5-.Ltmp1, $4  }
0x169: {  	v42 =	vld.idx.msk [tilespmem:v45+s18+$0x0], $0xffff;
	v22 =	vmovc v26;
	v21 =	vlaneseq.u32;
	v6 =	vand.u32 $0x3000, v24;
	v3 =	vand.u32 $0x3000, v25;
	v24 =	vmovc v27  }
0x16a: {  	v45 =	vld.idx.msk [tilespmem:v12+s18+$0x0], $0xffff;
	v25 =	vmovc v28;
	v28 =	vmovc v30;
	v30 =	vmov v32;
	v32 =	vmov v5;
	v5 =	vmov v8  }
0x16b: {  	v46 =	vld.idx.msk [tilespmem:v43+s18+$0x0], $0xffff;
	v8 =	vmovc v11;
	v11 =	vmovc v14;
	v14 =	vmov v17;
	v17 =	vmov v20;
	v55 =	vor.u32 s29, v1  }
0x16c: {  	v43 =	vld.idx.msk [tilespmem:v10+s18+$0x0], $0xffff;
	v20 =	vmovc v23;
	v23 =	vmovc v31;
	v1 =	vand.u32 $0x3000, v19;
	v51 =	vor.u32 s29, v0;
	v0 =	vand.u32 $0x3000, v18  }
0x16d: {  	v10 =	vor.u32 v60, v50  }
0x16e: {  	v12 =	vor.u32 v62, v52  }
0x16f: {  	v13 =	vor.u32 v61, v51  }
0x170: {  	v15 =	vor.u32 v63, v53  }
0x171: {  	v0 =	vor.u32 v0, v55  }
0x172: {  	v1 =	vor.u32 v1, v54;
	[tilespmem:v10+s24+$0x0] =	vst.idx.msk $0xffff, v36  }
0x173: {  	v4 =	vor.u32 v4, v57;
	[tilespmem:v12+s24+$0x0] =	vst.idx.msk $0xffff, v37  }
0x174: {  	v7 =	vor.u32 v7, v33;
	[tilespmem:v13+s24+$0x0] =	vst.idx.msk $0xffff, v38  }
0x175: {  	v9 =	vor.u32 v9, v50;
	[tilespmem:v15+s24+$0x0] =	vst.idx.msk $0xffff, v39  }
0x176: {  	v6 =	vor.u32 v6, v52;
	[tilespmem:v0+s24+$0x0] =	vst.idx.msk $0xffff, v41  }
0x177: {  	v3 =	vor.u32 v3, v51;
	v0 =	vand.u32 $0x3000, v58;
	[tilespmem:v1+s24+$0x0] =	vst.idx.msk $0xffff, v46  }
0x178: {  	v1 =	vld.idx.msk [tilespmem:v49+s18+$0x0], $0xffff;
	v10 =	vand.u32 $0x3000, v59;
	[tilespmem:v4+s24+$0x0] =	vst.idx.msk $0xffff, v47;
	v0 =	vor.u32 v0, v53  }
0x179: {  	v4 =	vand.u32 $0x3000, v56;
	v12 =	vld.idx.msk [tilespmem:v40+s18+$0x0], $0xffff;
	[tilespmem:v7+s24+$0x0] =	vst.idx.msk $0xffff, v44;
	v10 =	vor.u32 v10, v55  }
0x17a: {  	v7 =	vand.u32 $0x3000, v48;
	v13 =	vld.idx.msk [tilespmem:v34+s18+$0x0], $0xffff;
	[tilespmem:v9+s24+$0x0] =	vst.idx.msk $0xffff, v42;
	v4 =	vor.u32 v4, v54  }
0x17b: {  	v9 =	vld.idx.msk [tilespmem:v35+s18+$0x0], $0xffff;
	[tilespmem:v6+s24+$0x0] =	vst.idx.msk $0xffff, v43;
	v7 =	vor.u32 v7, v57  }
0x17c: {  	[tilespmem:v3+s24+$0x0] =	vst.idx.msk $0xffff, v45  }
0x17d: {  	s2 =	sshll.u32 s2, $0x2;
	[tilespmem:v0+s24+$0x0] =	vst.idx.msk $0xffff, v1  }
0x17e: {  	s2 =	sadd.s32 s7, s2;
	[tilespmem:v10+s24+$0x0] =	vst.idx.msk $0xffff, v12  }
0x17f: {  	s8 =	sshll.u32 s2, $0x7;
	s2 =	sshll.u32 s2, $0x9;
	[tilespmem:v4+s24+$0x0] =	vst.idx.msk $0xffff, v13  }
0x180: {  	s8 =	sand.u32 $0xE00, s8;
	s2 =	sand.u32 $0xFFFC000, s2;
	[tilespmem:v7+s24+$0x0] =	vst.idx.msk $0xffff, v9  }
0x181: {  	s2 =	sor.u32 s8, s2;
	v19 =	vld [tilespmem:$0x1FFE0]  }
0x182: {  	s0 =	sadd.s32 $0x1, s0;
	s8 =	sadd.s32 s1, s2;
	v10 =	vld [tilespmem:$0x1FFC0]  }
0x183: {  	[hbm4b:s8+s3] =	stream.linear.scatter [tilespmem:s24], [sflag:$0x4], $0x1000, $0x38;
	v12 =	vld [tilespmem:$0x1FFF0]  }
0x184: {  	p0 =	sne.s32 s0, $0x19;
	s29 =	sadd.s32 s2, s9;
	v2 =	vld [tilespmem:$0x1FF60]  }
0x185: {  	v26 =	vld [tilespmem:$0x1FFD0];
	[hbm4b:s29+s3] =	stream.linear.scatter [tilespmem:s25], [sflag:$0x4], $0x1000, $0x38  }
.Ltmp2:
0x186: {  	v6 =	vld [tilespmem:$0x1FF70];
	(pc) =	sbr.rel @p0 .LBB2_2-.Ltmp2, $4  }
0x187: {  	s31 =	sadd.s32 s2, s10;
	v9 =	vld [tilespmem:$0x1FF80]  }
0x188: {  	v13 =	vld [tilespmem:$0x1FF90];
	[hbm4b:s31+s3] =	stream.linear.scatter [tilespmem:s26], [sflag:$0x4], $0x1000, $0x38  }
0x189: {  	s2 =	sadd.s32 s2, s11;
	v15 =	vld [tilespmem:$0x1FFA0]  }
0x18a: {  	v3 =	vld [tilespmem:$0x1FFB0];
	[hbm4b:s2+s3] =	stream.linear.scatter [tilespmem:s28], [sflag:$0x4], $0x1000, $0x38  }
0x18b: {  	s0 =	simm.s32 $0x3  }
0x18c: {  	_ =	swait.ge [sflag:s0], $0x1000  }
0x18d: {  	[sflag:s0] =	ssyncset.done $0x0  }
0x18e: {  	[sflag:s0] =	ssyncadd.s32 $0xFFFFF000  }
0x18f: {  	_ =	swait.ge [sflag:s0], $0x1000  }
0x190: {  	[sflag:s0] =	ssyncset.done $0x0  }
0x191: {  	[sflag:s0] =	ssyncadd.s32 $0xFFFFF000  }
0x192: {  	_ =	swait.ge [sflag:s0], $0x1000  }
0x193: {  	[sflag:s0] =	ssyncset.done $0x0  }
0x194: {  	[sflag:s0] =	ssyncadd.s32 $0xFFFFF000  }
0x195: {  	_ =	swait.ge [sflag:s0], $0x1000  }
0x196: {  	[sflag:s0] =	ssyncset.done $0x0  }
0x197: {  	[sflag:s0] =	ssyncadd.s32 $0xFFFFF000  }
0x198: {  	_ =	swait.ge [sflag:s30], $0x1000  }
0x199: {  	[sflag:s30] =	ssyncset.done $0x0  }
0x19a: {  	[sflag:s30] =	ssyncadd.s32 $0xFFFFF000  }
0x19b: {  	_ =	swait.ge [sflag:s30], $0x1000  }
0x19c: {  	[sflag:s30] =	ssyncset.done $0x0  }
0x19d: {  	[sflag:s30] =	ssyncadd.s32 $0xFFFFF000  }
0x19e: {  	_ =	swait.ge [sflag:s30], $0x1000  }
0x19f: {  	[sflag:s30] =	ssyncset.done $0x0  }
0x1a0: {  	[sflag:s30] =	ssyncadd.s32 $0xFFFFF000  }
0x1a1: {  	_ =	swait.ge [sflag:s30], $0x1000  }
0x1a2: {  	s2 =	rddreg [dreg:$0x5]  }
0x1a3: {  	s31 =	rddreg [dreg:$0x4];
	s2 =	sadd.s32 $0x1, s2  }
0x1a4: {  	p0 =	sne.s32 s2, s31  }
.Ltmp3:
0x1a5: {  	_ = 	snop;
	(pc) =	sbr.rel @p0 .LBB2_1-.Ltmp3, $3  }
0x1a6: {  	_ =	sdelay $0x1  }
0x1a7: {  	[sflag:s30] =	ssyncset.done $0x0  }
0x1a8: {  	[sflag:s30] =	ssyncadd.s32 $0xFFFFF000  }
0x1a9: {  	_ =	sfence.sel $0x180000  }
0x1aa: {  	[bflag:$0x0] =	sbarrier.arrive $0xFFFF  }
0x1ab: {  	_ =	strace $0x9000004A  }
0x1ac: {  	s0 =	stileid.u32;
	[bflag:$0x2] =	sbarrier.arrive $0xFFFF  }
0x1ad: {  	p0 =	sne.s32 s0, $0x0;
	s0 =	rddreg [dreg:$0x2]  }
0x1ae: {  	s0 =	sadd.s32 @!p0 $0x100000, s0  }
0x1af: {  	[sflag:s0] =	ssyncadd.tile.s32 @!p0 $0x1;
	_ =	shalt  }
.Lfunc_end2:
_tile_overlayer_lowered:
.L_overlay_start_2:
0x1b0: {  	(tag) =	ssettag $0x2  }
0x1b1: {  	s0 =	rddreg [dreg:$0x0];
	s2 =	stileid.u32  }
0x1b2: {  	s1 =	rddreg [dreg:$0x1];
	p0 =	sne.s32 s2, $0x0  }
0x1b3: {  	s3 =	rddreg [dreg:$0x2];
	[bflag:$0x3] =	sbarrier.arrive $0xFFFF;
	s2 =	simm.s32 @!p0 $0x1C05  }
0x1b4: {  	[timem:s3], [sflag:s2] =	dma.local @!p0 [hbm:s0], s1  }
0x1b5: {  	s0 =	simm.s32 @!p0 $0x5  }
0x1b6: {  	_ =	swait.ge @!p0 [sflag:s0], s1  }
0x1b7: {  	s1 =	ssub.s32 @!p0 $0x0, s1;
	[sflag:s0] =	ssyncset.done @!p0 $0x0  }
0x1b8: {  	[sflag:s0] =	ssyncadd.s32 @!p0 s1  }
0x1b9: {  	[bflag:$0x3] =	sbarrier.arrive $0xFFFF  }
0x1ba: {  	_ =	shalt  }

</sc_bundles>
